<compile_context>
chip_gen: v7x
topology: tpu7x:2x2x1
jax: 0.10.2.dev20260603
libtpu: 0.0.44.dev20260713+nightly
codegen_flags: <defaults>
</compile_context>

<pallas_src>
import functools

import jax
import jax.numpy as jnp
from jax import lax
from jax.experimental import pallas as pl
from jax.experimental.pallas import tpu as pltpu
from jax.experimental.pallas import tpu_sc as plsc

B, S, C, P, N, D, M = 64, 336, 7, 96, 100000, 64, 16
ALPHA = 0.7
VROW = P * C
NPAD = 102400
KBA = 10240
NBLKA = NPAD // KBA
TROWS = NPAD // 128
KBD = 4096
NBLKD = NPAD // KBD
NEG = -3.0e38


def _sim_body(xf_ref, wq_ref, keys_ref, sim_ref, qn_ref):
    j = pl.program_id(0)

    @pl.when(j == 0)
    def _():
        q = jnp.dot(xf_ref[...], wq_ref[...], preferred_element_type=jnp.float32)
        qn = jnp.sqrt(jnp.sum(q * q, axis=1, keepdims=True))
        qn_ref[...] = q / (qn + 1e-6)

    kbt = keys_ref[...]
    kn = jnp.sqrt(jnp.sum(kbt * kbt, axis=0, keepdims=True))
    kbn = kbt * (1.0 / (kn + 1e-6))
    sim = lax.dot_general(qn_ref[...], kbn, (((1,), (0,)), ((), ())),
                          preferred_element_type=jnp.float32)
    col = j * KBA + lax.broadcasted_iota(jnp.int32, (B, KBA), 1)
    sim = jnp.where(col < N, sim, NEG)
    sim_ref[...] = sim.reshape(B, KBA // 128, 128)


def _compute_sim(xf, W_q, keys):
    return pl.pallas_call(
        _sim_body,
        grid=(NBLKA,),
        in_specs=[
            pl.BlockSpec((B, S * C), lambda j: (0, 0)),
            pl.BlockSpec((S * C, D), lambda j: (0, 0)),
            pl.BlockSpec((D, KBA), lambda j: (0, j)),
        ],
        out_specs=pl.BlockSpec((B, KBA // 128, 128), lambda j: (0, j, 0)),
        out_shape=jax.ShapeDtypeStruct((B, TROWS, 128), jnp.float32),
        scratch_shapes=[pltpu.VMEM((B, D), jnp.float32)],
    )(xf, W_q, keys)


def _topk_body(sim_hbm, w_hbm, row_v):
    wid = lax.axis_index("s") * 2 + lax.axis_index("c")
    for r in range(2):
        b = wid * 2 + r
        pltpu.sync_copy(sim_hbm.at[b], row_v)

        def scan_step(t, carry):
            tv, ti, thr_v = carry
            vs = [row_v[t, pl.ds(k * 16, 16)] for k in range(8)]
            mx = vs[0]
            for k in range(1, 8):
                mx = jnp.maximum(mx, vs[k])
            nhit = plsc.all_reduce_population_count(mx > thr_v)

            def merge_path(c):
                tv, ti, thr_v = c
                for k in range(8):
                    v = vs[k]
                    nh = plsc.all_reduce_population_count(v > thr_v)

                    def do(c2, _v=v, _k=k):
                        tv, ti, _ = c2
                        iv = lax.iota(jnp.int32, 16) + (t * 128 + _k * 16)
                        sv, si = plsc.sort_key_val(_v, iv, descending=False)
                        sel = tv >= sv
                        z = jnp.where(sel, tv, sv)
                        zi = jnp.where(sel, ti, si)
                        tv2, ti2 = plsc.sort_key_val(z, zi, descending=True)
                        return (tv2, ti2, jnp.broadcast_to(tv2[15], (16,)))

                    tv, ti, thr_v = lax.cond(nh[0] > 0, do,
                                             lambda c2: c2, (tv, ti, thr_v))
                return (tv, ti, thr_v)

            return lax.cond(nhit[0] > 0, merge_path, lambda c: c,
                            (tv, ti, thr_v))

        tv0 = jnp.full((16,), NEG, jnp.float32)
        ti0 = jnp.zeros((16,), jnp.int32)
        thr0 = jnp.full((16,), NEG, jnp.float32)
        tv, ti, _ = lax.fori_loop(0, TROWS, scan_step, (tv0, ti0, thr0))

        s = tv / jnp.float32(1.0 - ALPHA + 1e-6)
        s = s - jnp.broadcast_to(s[0], (16,))
        e = jnp.exp(s)
        tot = plsc.cumsum(e)[15]
        w = e / jnp.broadcast_to(tot, (16,))

        zv = jnp.zeros((16,), jnp.float32)

        def zero_step(t, _):
            for k in range(8):
                row_v[t, pl.ds(k * 16, 16)] = zv
            return 0

        lax.fori_loop(0, TROWS, zero_step, 0)

        lane = lax.iota(jnp.int32, 16)
        for m in range(M):
            i_m = ti[m]
            t_m = i_m // 128
            l_m = i_m % 128
            base = (l_m // 16) * 16
            cur = row_v[t_m, pl.ds(base, 16)]
            row_v[t_m, pl.ds(base, 16)] = jnp.where(
                lane == (l_m - base), jnp.broadcast_to(w[m], (16,)), cur)

        pltpu.sync_copy(row_v, w_hbm.at[b])


def _topk_weights(sim3):
    mesh = plsc.VectorSubcoreMesh(core_axis_name="c", subcore_axis_name="s")
    kern = functools.partial(
        pl.kernel,
        mesh=mesh,
        out_type=jax.ShapeDtypeStruct((B, TROWS, 128), jnp.float32),
        scratch_types=[
            pltpu.VMEM((TROWS, 128), jnp.float32),
        ],
        compiler_params=pltpu.CompilerParams(needs_layout_passes=False),
    )(_topk_body)
    return kern(sim3)


def _agg_body(vt_ref, w_ref, out_ref, acc_ref):
    j = pl.program_id(0)

    @pl.when(j == 0)
    def _():
        acc_ref[...] = jnp.zeros_like(acc_ref)

    wblk = w_ref[...].reshape(B, KBD)

    @pl.when(j < NBLKD - 1)
    def _():
        acc_ref[...] += lax.dot_general(vt_ref[...], wblk,
                                        (((1,), (1,)), ((), ())),
                                        preferred_element_type=jnp.float32)

    @pl.when(j == NBLKD - 1)
    def _():
        col = j * KBD + lax.broadcasted_iota(jnp.int32, (VROW, KBD), 1)
        vblk = jnp.where(col < N, vt_ref[...], 0.0)
        acc = acc_ref[...] + lax.dot_general(vblk, wblk,
                                             (((1,), (1,)), ((), ())),
                                             preferred_element_type=jnp.float32)
        out_ref[...] = acc


def _aggregate(vt2, w3):
    return pl.pallas_call(
        _agg_body,
        grid=(NBLKD,),
        in_specs=[
            pl.BlockSpec((VROW, KBD), lambda j: (0, j)),
            pl.BlockSpec((B, KBD // 128, 128), lambda j: (0, j, 0)),
        ],
        out_specs=pl.BlockSpec((VROW, B), lambda j: (0, 0)),
        out_shape=jax.ShapeDtypeStruct((VROW, B), jnp.float32),
        scratch_shapes=[pltpu.VMEM((VROW, B), jnp.float32)],
    )(vt2, w3)


def _fuse_body(xnT_ref, wx_ref, bx_ref, rt_ref, off_ref, wp1_ref, wp2_ref,
               bp_ref, out_ref):
    t1 = jnp.dot(xnT_ref[...], wx_ref[...], preferred_element_type=jnp.float32)
    t1 = t1 + bx_ref[...] + off_ref[...]
    t2 = rt_ref[...] + off_ref[...]
    out_ref[...] = (jnp.dot(t1, wp1_ref[...], preferred_element_type=jnp.float32)
                    + jnp.dot(t2, wp2_ref[...], preferred_element_type=jnp.float32)
                    + bp_ref[...])


def _fuse(xnT, W_x, b_x, rt448, off, Wp1, Wp2, b_pred):
    return pl.pallas_call(
        _fuse_body,
        out_shape=jax.ShapeDtypeStruct((B * C, P), jnp.float32),
    )(xnT, W_x, b_x.reshape(1, P), rt448, off, Wp1, Wp2, b_pred.reshape(1, P))


def kernel(x, keys, values, W_q, W_x, b_x, W_pred, b_pred):
    x_offset = x[:, -1:, :]
    x_norm = x - x_offset
    xf = x_norm.reshape(B, S * C)

    sim3 = _compute_sim(xf, W_q, keys.T)
    w3 = _topk_weights(sim3)

    vt2 = values.transpose(2, 1, 0).reshape(C * P, N)

    rt_t = _aggregate(vt2, w3)

    rt448 = rt_t.reshape(C, P, B).transpose(2, 0, 1).reshape(B * C, P)
    xnT = x_norm.transpose(0, 2, 1).reshape(B * C, S)
    off = x_offset.reshape(B * C, 1)
    out448 = _fuse(xnT, W_x, b_x, rt448, off, W_pred[:P], W_pred[P:], b_pred)
    return out448.reshape(B, C, P).transpose(0, 2, 1)

# --- scband reference (transcript-rebuilt; emitter-appended) ---
"""Pipeline reference for scband-model-26895085207944 (READ-ONLY COPY).

The authoritative reference and input builder live on the scoring server;
editing this copy changes nothing except your own understanding.
"""

import jax, jax.numpy as jnp
import numpy as np

B, S, C, P, N, D, M = 64, 336, 7, 96, 100000, 64, 16
ALPHA = 0.7

def setup_inputs(seed: int = 0) -> dict:
    key = jax.random.key(seed)
    ks = jax.random.split(key, 8)
    x = jax.random.normal(ks[0], (B, S, C), dtype=jnp.float32)
    keys = jax.random.normal(ks[1], (N, D), dtype=jnp.float32)
    values = jax.random.normal(ks[2], (N, P, C), dtype=jnp.float32)
    W_q = jax.random.normal(ks[3], (S * C, D), dtype=jnp.float32) * 0.02
    W_x = jax.random.normal(ks[4], (S, P), dtype=jnp.float32) * 0.02
    b_x = jnp.zeros((P,), dtype=jnp.float32)
    W_pred = jax.random.normal(ks[5], (2 * P, P), dtype=jnp.float32) * 0.02
    b_pred = jnp.zeros((P,), dtype=jnp.float32)
    return {"x": x, "keys": keys, "values": values, "W_q": W_q, "W_x": W_x, "b_x": b_x, "W_pred": W_pred, "b_pred": b_pred}

def reference(x, keys, values, W_q, W_x, b_x, W_pred, b_pred):
    bsz, seq_len, channels = x.shape
    # last-value offset normalization (as in encoder)
    x_offset = x[:, -1:, :]
    x_norm = x - x_offset
    # direct prediction branch: linear over the time dimension (self.linear_x)
    x_pred = jnp.einsum('bsc,sp->bpc', x_norm, W_x) + b_x[None, :, None]
    # context encoding of the query window (RetrievalTool context encoder)
    q = x_norm.reshape(bsz, seq_len * channels) @ W_q
    qn = q / (jnp.linalg.norm(q, axis=-1, keepdims=True) + 1e-6)
    kn = keys / (jnp.linalg.norm(keys, axis=-1, keepdims=True) + 1e-6)
    # cosine similarity against the retrieval bank, top-m neighbors
    sim = qn @ kn.T  # [B, N]
    top_vals, top_idx = jax.lax.top_k(sim, M)
    # similarity-weighted aggregation of retrieved future segments
    w = jax.nn.softmax(top_vals / (1.0 - ALPHA + 1e-6), axis=-1)  # [B, M]
    retrieved = jnp.take(values, top_idx, axis=0)  # [B, M, P, C]
    pred_rt = jnp.einsum('bm,bmpc->bpc', w, retrieved)
    # de-normalize both branches and fuse with self.linear_pred over 2*pred_len
    pred_rt = pred_rt + x_offset
    x_pred_full = x_pred + x_offset
    cat = jnp.concatenate([x_pred_full, pred_rt], axis=1)  # [B, 2P, C]
    out = jnp.einsum('bqc,qp->bpc', cat, W_pred) + b_pred[None, :, None]
    return out

if __name__ == "__main__":
    import jax
    _d = setup_inputs()
    print(jax.jit(kernel)(*tuple(_d.values())))

</pallas_src>

<mosaic_0001>
#map = affine_map<(d0, d1) -> (0, 0, 0)>
module attributes {stable_mosaic.version = 14 : i64} {
  func.func @_topk_body(%arg0: i32, %arg1: i32, %arg2: memref<64x800x128xf32, #tpu.memory_space<hbm>>, %arg3: memref<64x800x128xf32, #tpu.memory_space<hbm>>, %arg4: memref<800x128xf32, #tpu.memory_space<vmem>>) attributes {dimension_semantics = [#tpu.dimension_semantics<core_parallel>, #tpu.dimension_semantics<subcore_parallel>], iteration_bounds = array<i64: 2, 16>, scalar_prefetch = 0 : i64, scratch_operands = 1 : i64, tpu.core_type = #tpu.core_type<sc_vector_subcore>, window_params = [{transform_indices = #map}, {transform_indices = #map}]} {
    %mul3A = arith.constant 2 : i32
    %mul3A_0 = arith.muli %arg1, %mul3A : i32
    %add3A = arith.addi %mul3A_0, %arg0 : i32
    %mul3A_1 = arith.constant 2 : i32
    %mul3A_2 = arith.muli %add3A, %mul3A_1 : i32
    %add3A_3 = arith.constant 0 : i32
    %add3A_4 = arith.addi %mul3A_2, %add3A_3 : i32
    "tpu.region"() ({
      %run_scoped3A = tpu.sem_alloc : memref<!tpu.dma_semaphore, #tpu.memory_space<semaphore_mem>>
      %dma_start3A = arith.constant 0 : i32
      %dma_start3A_2656 = arith.constant 0 : i32
      %dma_start3A_2657 = tpu.memref_slice %arg2[%add3A_4, %dma_start3A, %dma_start3A_2656] : memref<64x800x128xf32, #tpu.memory_space<hbm>> -> memref<1x800x128xf32, #tpu.memory_space<hbm>>
      %dma_start3A_2658 = tpu.memref_squeeze %dma_start3A_2657 : memref<1x800x128xf32, #tpu.memory_space<hbm>> -> memref<800x128xf32, #tpu.memory_space<hbm>>
      %dma_start3A_2659 = arith.constant 0 : i32
      %dma_start3A_2660 = arith.constant 0 : i32
      %dma_start3A_2661 = tpu.memref_slice %arg2[%add3A_4, %dma_start3A_2659, %dma_start3A_2660] : memref<64x800x128xf32, #tpu.memory_space<hbm>> -> memref<1x800x128xf32, #tpu.memory_space<hbm>>
      %dma_start3A_2662 = tpu.memref_squeeze %dma_start3A_2661 : memref<1x800x128xf32, #tpu.memory_space<hbm>> -> memref<800x128xf32, #tpu.memory_space<hbm>>
      tpu.enqueue_dma source(%dma_start3A_2662 : memref<800x128xf32, #tpu.memory_space<hbm>>) target(%arg4 : memref<800x128xf32, #tpu.memory_space<vmem>>) target_semaphore(%run_scoped3A : memref<!tpu.dma_semaphore, #tpu.memory_space<semaphore_mem>>)
      %dma_wait3A = arith.constant 0 : i32
      %dma_wait3A_2663 = arith.constant 0 : i32
      %dma_wait3A_2664 = tpu.memref_slice %arg2[%add3A_4, %dma_wait3A, %dma_wait3A_2663] : memref<64x800x128xf32, #tpu.memory_space<hbm>> -> memref<1x800x128xf32, #tpu.memory_space<hbm>>
      %dma_wait3A_2665 = tpu.memref_squeeze %dma_wait3A_2664 : memref<1x800x128xf32, #tpu.memory_space<hbm>> -> memref<800x128xf32, #tpu.memory_space<hbm>>
      %dma_wait3A_2666 = arith.constant 0 : i32
      %dma_wait3A_2667 = arith.constant 0 : i32
      %dma_wait3A_2668 = tpu.memref_slice %arg2[%add3A_4, %dma_wait3A_2666, %dma_wait3A_2667] : memref<64x800x128xf32, #tpu.memory_space<hbm>> -> memref<1x800x128xf32, #tpu.memory_space<hbm>>
      %dma_wait3A_2669 = tpu.memref_squeeze %dma_wait3A_2668 : memref<1x800x128xf32, #tpu.memory_space<hbm>> -> memref<800x128xf32, #tpu.memory_space<hbm>>
      tpu.wait_dma2 semaphore(%run_scoped3A : memref<!tpu.dma_semaphore, #tpu.memory_space<semaphore_mem>>) src(%dma_wait3A_2669 : memref<800x128xf32, #tpu.memory_space<hbm>>) dst(%arg4 : memref<800x128xf32, #tpu.memory_space<vmem>>)
      tpu.yield
    }) : () -> ()
    %broadcast_in_dim3A = arith.constant -3.000000e+38 : f32
    %broadcast_in_dim3A_5 = vector.broadcast %broadcast_in_dim3A : f32 to vector<16xf32>
    %broadcast_in_dim3A_6 = arith.constant 0 : i32
    %broadcast_in_dim3A_7 = vector.broadcast %broadcast_in_dim3A_6 : i32 to vector<16xi32>
    %broadcast_in_dim3A_8 = arith.constant -3.000000e+38 : f32
    %broadcast_in_dim3A_9 = vector.broadcast %broadcast_in_dim3A_8 : f32 to vector<16xf32>
    %scan3A = arith.constant 0 : i32
    %scan3A_10 = arith.constant 800 : i32
    %scan3A_11 = arith.addi %scan3A, %scan3A_10 : i32
    %scan3A_12 = arith.constant 1 : i32
    %scan3A_13:3 = scf.for %scan3A_2656 = %scan3A to %scan3A_11 step %scan3A_12 iter_args(%scan3A_2657 = %broadcast_in_dim3A_5, %scan3A_2658 = %broadcast_in_dim3A_7, %scan3A_2659 = %broadcast_in_dim3A_9) -> (vector<16xf32>, vector<16xi32>, vector<16xf32>)  : i32 {
      %get3A_2660 = arith.index_cast %scan3A_2656 : i32 to index
      %get3A_2661 = arith.constant 0 : index
      %get3A_2662 = tpu.vector_load %arg4[%get3A_2660, %get3A_2661] {strides = array<i32>} : memref<800x128xf32, #tpu.memory_space<vmem>>, vector<16xf32>,
      %get3A_2663 = arith.index_cast %scan3A_2656 : i32 to index
      %get3A_2664 = arith.constant 16 : index
      %get3A_2665 = tpu.vector_load %arg4[%get3A_2663, %get3A_2664] {strides = array<i32>} : memref<800x128xf32, #tpu.memory_space<vmem>>, vector<16xf32>,
      %get3A_2666 = arith.index_cast %scan3A_2656 : i32 to index
      %get3A_2667 = arith.constant 32 : index
      %get3A_2668 = tpu.vector_load %arg4[%get3A_2666, %get3A_2667] {strides = array<i32>} : memref<800x128xf32, #tpu.memory_space<vmem>>, vector<16xf32>,
      %get3A_2669 = arith.index_cast %scan3A_2656 : i32 to index
      %get3A_2670 = arith.constant 48 : index
      %get3A_2671 = tpu.vector_load %arg4[%get3A_2669, %get3A_2670] {strides = array<i32>} : memref<800x128xf32, #tpu.memory_space<vmem>>, vector<16xf32>,
      %get3A_2672 = arith.index_cast %scan3A_2656 : i32 to index
      %get3A_2673 = arith.constant 64 : index
      %get3A_2674 = tpu.vector_load %arg4[%get3A_2672, %get3A_2673] {strides = array<i32>} : memref<800x128xf32, #tpu.memory_space<vmem>>, vector<16xf32>,
      %get3A_2675 = arith.index_cast %scan3A_2656 : i32 to index
      %get3A_2676 = arith.constant 80 : index
      %get3A_2677 = tpu.vector_load %arg4[%get3A_2675, %get3A_2676] {strides = array<i32>} : memref<800x128xf32, #tpu.memory_space<vmem>>, vector<16xf32>,
      %get3A_2678 = arith.index_cast %scan3A_2656 : i32 to index
      %get3A_2679 = arith.constant 96 : index
      %get3A_2680 = tpu.vector_load %arg4[%get3A_2678, %get3A_2679] {strides = array<i32>} : memref<800x128xf32, #tpu.memory_space<vmem>>, vector<16xf32>,
      %get3A_2681 = arith.index_cast %scan3A_2656 : i32 to index
      %get3A_2682 = arith.constant 112 : index
      %get3A_2683 = tpu.vector_load %arg4[%get3A_2681, %get3A_2682] {strides = array<i32>} : memref<800x128xf32, #tpu.memory_space<vmem>>, vector<16xf32>,
      %max3A = arith.maximumf %get3A_2662, %get3A_2665 : vector<16xf32>
      %max3A_2684 = arith.maximumf %max3A, %get3A_2668 : vector<16xf32>
      %max3A_2685 = arith.maximumf %max3A_2684, %get3A_2671 : vector<16xf32>
      %max3A_2686 = arith.maximumf %max3A_2685, %get3A_2674 : vector<16xf32>
      %max3A_2687 = arith.maximumf %max3A_2686, %get3A_2677 : vector<16xf32>
      %max3A_2688 = arith.maximumf %max3A_2687, %get3A_2680 : vector<16xf32>
      %max3A_2689 = arith.maximumf %max3A_2688, %get3A_2683 : vector<16xf32>
      %gt3A = arith.cmpf ogt, %max3A_2689, %scan3A_2659 : vector<16xf32>
      %all_reduce_population_count3A = tpu.all_reduce %gt3A {dim = 0 : i64, kind = #tpu.reduction_kind<sum>} : vector<16xi1> -> vector<16xi32>
      %slice3A_2690 = vector.extract_strided_slice %all_reduce_population_count3A {offsets = [0], sizes = [1], strides = [1]} : vector<16xi32> to vector<1xi32>
      %squeeze3A_2691 = vector.extract %slice3A_2690[0] : i32 from vector<1xi32>
      %gt3A_2692 = arith.constant 0 : i32
      %gt3A_2693 = arith.cmpi sgt, %squeeze3A_2691, %gt3A_2692 : i32
      %convert_element_type3A = arith.extui %gt3A_2693 : i1 to i32
      %cond3A = arith.constant 0 : i32
      %cond3A_2694 = arith.cmpi ne, %convert_element_type3A, %cond3A : i32
      %cond3A_2695:3 = scf.if %cond3A_2694 -> (vector<16xf32>, vector<16xi32>, vector<16xf32>) {
        %gt3A_2696 = arith.cmpf ogt, %get3A_2662, %scan3A_2659 : vector<16xf32>
        %all_reduce_population_count3A_2697 = tpu.all_reduce %gt3A_2696 {dim = 0 : i64, kind = #tpu.reduction_kind<sum>} : vector<16xi1> -> vector<16xi32>
        %slice3A_2698 = vector.extract_strided_slice %all_reduce_population_count3A_2697 {offsets = [0], sizes = [1], strides = [1]} : vector<16xi32> to vector<1xi32>
        %squeeze3A_2699 = vector.extract %slice3A_2698[0] : i32 from vector<1xi32>
        %gt3A_2700 = arith.constant 0 : i32
        %gt3A_2701 = arith.cmpi sgt, %squeeze3A_2699, %gt3A_2700 : i32
        %convert_element_type3A_2702 = arith.extui %gt3A_2701 : i1 to i32
        %cond3A_2703 = arith.constant 0 : i32
        %cond3A_2704 = arith.cmpi ne, %convert_element_type3A_2702, %cond3A_2703 : i32
        %cond3A_2705:3 = scf.if %cond3A_2704 -> (vector<16xf32>, vector<16xi32>, vector<16xf32>) {
          %iota3A_2776 = tpu.iota {dimensions = array<i32: 0>} : vector<16xi32>
          %mul3A_2777 = arith.constant 128 : i32
          %mul3A_2778 = arith.muli %scan3A_2656, %mul3A_2777 : i32
          %add3A_2779 = arith.constant 0 : i32
          %add3A_2780 = arith.addi %mul3A_2778, %add3A_2779 : i32
          %add3A_2781 = vector.broadcast %add3A_2780 : i32 to vector<16xi32>
          %add3A_2782 = arith.addi %iota3A_2776, %add3A_2781 : vector<16xi32>
          %masked_sort3A = arith.constant dense<true> : vector<16xi1>
          %masked_sort3A_2783, %masked_sort3A_2784, %masked_sort3A_2785 = tpu.sort %get3A_2662, %add3A_2782 masked %masked_sort3A : (vector<16xf32>, vector<16xi32>, vector<16xi1>) -> (vector<16xi1>, vector<16xf32>, vector<16xi32>)
          %ge3A = arith.cmpf oge, %scan3A_2657, %masked_sort3A_2784 : vector<16xf32>
          %select_n3A_2786 = arith.select %ge3A, %scan3A_2657, %masked_sort3A_2784 : vector<16xi1>, vector<16xf32>
          %select_n3A_2787 = arith.select %ge3A, %scan3A_2658, %masked_sort3A_2785 : vector<16xi1>, vector<16xi32>
          %masked_sort3A_2788 = arith.constant dense<true> : vector<16xi1>
          %masked_sort3A_2789, %masked_sort3A_2790, %masked_sort3A_2791 = tpu.sort %select_n3A_2786, %select_n3A_2787 masked %masked_sort3A_2788 {descending = true} : (vector<16xf32>, vector<16xi32>, vector<16xi1>) -> (vector<16xi1>, vector<16xf32>, vector<16xi32>)
          %slice3A_2792 = vector.extract_strided_slice %masked_sort3A_2790 {offsets = [15], sizes = [1], strides = [1]} : vector<16xf32> to vector<1xf32>
          %squeeze3A_2793 = vector.extract %slice3A_2792[0] : f32 from vector<1xf32>
          %broadcast_in_dim3A_2794 = vector.broadcast %squeeze3A_2793 : f32 to vector<16xf32>
          scf.yield %masked_sort3A_2790, %masked_sort3A_2791, %broadcast_in_dim3A_2794 : vector<16xf32>, vector<16xi32>, vector<16xf32>
        } else {
          scf.yield %scan3A_2657, %scan3A_2658, %scan3A_2659 : vector<16xf32>, vector<16xi32>, vector<16xf32>
        }
        %gt3A_2706 = arith.cmpf ogt, %get3A_2665, %cond3A_2705#2 : vector<16xf32>
        %all_reduce_population_count3A_2707 = tpu.all_reduce %gt3A_2706 {dim = 0 : i64, kind = #tpu.reduction_kind<sum>} : vector<16xi1> -> vector<16xi32>
        %slice3A_2708 = vector.extract_strided_slice %all_reduce_population_count3A_2707 {offsets = [0], sizes = [1], strides = [1]} : vector<16xi32> to vector<1xi32>
        %squeeze3A_2709 = vector.extract %slice3A_2708[0] : i32 from vector<1xi32>
        %gt3A_2710 = arith.constant 0 : i32
        %gt3A_2711 = arith.cmpi sgt, %squeeze3A_2709, %gt3A_2710 : i32
        %convert_element_type3A_2712 = arith.extui %gt3A_2711 : i1 to i32
        %cond3A_2713 = arith.constant 0 : i32
        %cond3A_2714 = arith.cmpi ne, %convert_element_type3A_2712, %cond3A_2713 : i32
        %cond3A_2715:3 = scf.if %cond3A_2714 -> (vector<16xf32>, vector<16xi32>, vector<16xf32>) {
          %iota3A_2776 = tpu.iota {dimensions = array<i32: 0>} : vector<16xi32>
          %mul3A_2777 = arith.constant 128 : i32
          %mul3A_2778 = arith.muli %scan3A_2656, %mul3A_2777 : i32
          %add3A_2779 = arith.constant 16 : i32
          %add3A_2780 = arith.addi %mul3A_2778, %add3A_2779 : i32
          %add3A_2781 = vector.broadcast %add3A_2780 : i32 to vector<16xi32>
          %add3A_2782 = arith.addi %iota3A_2776, %add3A_2781 : vector<16xi32>
          %masked_sort3A = arith.constant dense<true> : vector<16xi1>
          %masked_sort3A_2783, %masked_sort3A_2784, %masked_sort3A_2785 = tpu.sort %get3A_2665, %add3A_2782 masked %masked_sort3A : (vector<16xf32>, vector<16xi32>, vector<16xi1>) -> (vector<16xi1>, vector<16xf32>, vector<16xi32>)
          %ge3A = arith.cmpf oge, %cond3A_2705#0, %masked_sort3A_2784 : vector<16xf32>
          %select_n3A_2786 = arith.select %ge3A, %cond3A_2705#0, %masked_sort3A_2784 : vector<16xi1>, vector<16xf32>
          %select_n3A_2787 = arith.select %ge3A, %cond3A_2705#1, %masked_sort3A_2785 : vector<16xi1>, vector<16xi32>
          %masked_sort3A_2788 = arith.constant dense<true> : vector<16xi1>
          %masked_sort3A_2789, %masked_sort3A_2790, %masked_sort3A_2791 = tpu.sort %select_n3A_2786, %select_n3A_2787 masked %masked_sort3A_2788 {descending = true} : (vector<16xf32>, vector<16xi32>, vector<16xi1>) -> (vector<16xi1>, vector<16xf32>, vector<16xi32>)
          %slice3A_2792 = vector.extract_strided_slice %masked_sort3A_2790 {offsets = [15], sizes = [1], strides = [1]} : vector<16xf32> to vector<1xf32>
          %squeeze3A_2793 = vector.extract %slice3A_2792[0] : f32 from vector<1xf32>
          %broadcast_in_dim3A_2794 = vector.broadcast %squeeze3A_2793 : f32 to vector<16xf32>
          scf.yield %masked_sort3A_2790, %masked_sort3A_2791, %broadcast_in_dim3A_2794 : vector<16xf32>, vector<16xi32>, vector<16xf32>
        } else {
          scf.yield %cond3A_2705#0, %cond3A_2705#1, %cond3A_2705#2 : vector<16xf32>, vector<16xi32>, vector<16xf32>
        }
        %gt3A_2716 = arith.cmpf ogt, %get3A_2668, %cond3A_2715#2 : vector<16xf32>
        %all_reduce_population_count3A_2717 = tpu.all_reduce %gt3A_2716 {dim = 0 : i64, kind = #tpu.reduction_kind<sum>} : vector<16xi1> -> vector<16xi32>
        %slice3A_2718 = vector.extract_strided_slice %all_reduce_population_count3A_2717 {offsets = [0], sizes = [1], strides = [1]} : vector<16xi32> to vector<1xi32>
        %squeeze3A_2719 = vector.extract %slice3A_2718[0] : i32 from vector<1xi32>
        %gt3A_2720 = arith.constant 0 : i32
        %gt3A_2721 = arith.cmpi sgt, %squeeze3A_2719, %gt3A_2720 : i32
        %convert_element_type3A_2722 = arith.extui %gt3A_2721 : i1 to i32
        %cond3A_2723 = arith.constant 0 : i32
        %cond3A_2724 = arith.cmpi ne, %convert_element_type3A_2722, %cond3A_2723 : i32
        %cond3A_2725:3 = scf.if %cond3A_2724 -> (vector<16xf32>, vector<16xi32>, vector<16xf32>) {
          %iota3A_2776 = tpu.iota {dimensions = array<i32: 0>} : vector<16xi32>
          %mul3A_2777 = arith.constant 128 : i32
          %mul3A_2778 = arith.muli %scan3A_2656, %mul3A_2777 : i32
          %add3A_2779 = arith.constant 32 : i32
          %add3A_2780 = arith.addi %mul3A_2778, %add3A_2779 : i32
          %add3A_2781 = vector.broadcast %add3A_2780 : i32 to vector<16xi32>
          %add3A_2782 = arith.addi %iota3A_2776, %add3A_2781 : vector<16xi32>
          %masked_sort3A = arith.constant dense<true> : vector<16xi1>
          %masked_sort3A_2783, %masked_sort3A_2784, %masked_sort3A_2785 = tpu.sort %get3A_2668, %add3A_2782 masked %masked_sort3A : (vector<16xf32>, vector<16xi32>, vector<16xi1>) -> (vector<16xi1>, vector<16xf32>, vector<16xi32>)
          %ge3A = arith.cmpf oge, %cond3A_2715#0, %masked_sort3A_2784 : vector<16xf32>
          %select_n3A_2786 = arith.select %ge3A, %cond3A_2715#0, %masked_sort3A_2784 : vector<16xi1>, vector<16xf32>
          %select_n3A_2787 = arith.select %ge3A, %cond3A_2715#1, %masked_sort3A_2785 : vector<16xi1>, vector<16xi32>
          %masked_sort3A_2788 = arith.constant dense<true> : vector<16xi1>
          %masked_sort3A_2789, %masked_sort3A_2790, %masked_sort3A_2791 = tpu.sort %select_n3A_2786, %select_n3A_2787 masked %masked_sort3A_2788 {descending = true} : (vector<16xf32>, vector<16xi32>, vector<16xi1>) -> (vector<16xi1>, vector<16xf32>, vector<16xi32>)
          %slice3A_2792 = vector.extract_strided_slice %masked_sort3A_2790 {offsets = [15], sizes = [1], strides = [1]} : vector<16xf32> to vector<1xf32>
          %squeeze3A_2793 = vector.extract %slice3A_2792[0] : f32 from vector<1xf32>
          %broadcast_in_dim3A_2794 = vector.broadcast %squeeze3A_2793 : f32 to vector<16xf32>
          scf.yield %masked_sort3A_2790, %masked_sort3A_2791, %broadcast_in_dim3A_2794 : vector<16xf32>, vector<16xi32>, vector<16xf32>
        } else {
          scf.yield %cond3A_2715#0, %cond3A_2715#1, %cond3A_2715#2 : vector<16xf32>, vector<16xi32>, vector<16xf32>
        }
        %gt3A_2726 = arith.cmpf ogt, %get3A_2671, %cond3A_2725#2 : vector<16xf32>
        %all_reduce_population_count3A_2727 = tpu.all_reduce %gt3A_2726 {dim = 0 : i64, kind = #tpu.reduction_kind<sum>} : vector<16xi1> -> vector<16xi32>
        %slice3A_2728 = vector.extract_strided_slice %all_reduce_population_count3A_2727 {offsets = [0], sizes = [1], strides = [1]} : vector<16xi32> to vector<1xi32>
        %squeeze3A_2729 = vector.extract %slice3A_2728[0] : i32 from vector<1xi32>
        %gt3A_2730 = arith.constant 0 : i32
        %gt3A_2731 = arith.cmpi sgt, %squeeze3A_2729, %gt3A_2730 : i32
        %convert_element_type3A_2732 = arith.extui %gt3A_2731 : i1 to i32
        %cond3A_2733 = arith.constant 0 : i32
        %cond3A_2734 = arith.cmpi ne, %convert_element_type3A_2732, %cond3A_2733 : i32
        %cond3A_2735:3 = scf.if %cond3A_2734 -> (vector<16xf32>, vector<16xi32>, vector<16xf32>) {
          %iota3A_2776 = tpu.iota {dimensions = array<i32: 0>} : vector<16xi32>
          %mul3A_2777 = arith.constant 128 : i32
          %mul3A_2778 = arith.muli %scan3A_2656, %mul3A_2777 : i32
          %add3A_2779 = arith.constant 48 : i32
          %add3A_2780 = arith.addi %mul3A_2778, %add3A_2779 : i32
          %add3A_2781 = vector.broadcast %add3A_2780 : i32 to vector<16xi32>
          %add3A_2782 = arith.addi %iota3A_2776, %add3A_2781 : vector<16xi32>
          %masked_sort3A = arith.constant dense<true> : vector<16xi1>
          %masked_sort3A_2783, %masked_sort3A_2784, %masked_sort3A_2785 = tpu.sort %get3A_2671, %add3A_2782 masked %masked_sort3A : (vector<16xf32>, vector<16xi32>, vector<16xi1>) -> (vector<16xi1>, vector<16xf32>, vector<16xi32>)
          %ge3A = arith.cmpf oge, %cond3A_2725#0, %masked_sort3A_2784 : vector<16xf32>
          %select_n3A_2786 = arith.select %ge3A, %cond3A_2725#0, %masked_sort3A_2784 : vector<16xi1>, vector<16xf32>
          %select_n3A_2787 = arith.select %ge3A, %cond3A_2725#1, %masked_sort3A_2785 : vector<16xi1>, vector<16xi32>
          %masked_sort3A_2788 = arith.constant dense<true> : vector<16xi1>
          %masked_sort3A_2789, %masked_sort3A_2790, %masked_sort3A_2791 = tpu.sort %select_n3A_2786, %select_n3A_2787 masked %masked_sort3A_2788 {descending = true} : (vector<16xf32>, vector<16xi32>, vector<16xi1>) -> (vector<16xi1>, vector<16xf32>, vector<16xi32>)
          %slice3A_2792 = vector.extract_strided_slice %masked_sort3A_2790 {offsets = [15], sizes = [1], strides = [1]} : vector<16xf32> to vector<1xf32>
          %squeeze3A_2793 = vector.extract %slice3A_2792[0] : f32 from vector<1xf32>
          %broadcast_in_dim3A_2794 = vector.broadcast %squeeze3A_2793 : f32 to vector<16xf32>
          scf.yield %masked_sort3A_2790, %masked_sort3A_2791, %broadcast_in_dim3A_2794 : vector<16xf32>, vector<16xi32>, vector<16xf32>
        } else {
          scf.yield %cond3A_2725#0, %cond3A_2725#1, %cond3A_2725#2 : vector<16xf32>, vector<16xi32>, vector<16xf32>
        }
        %gt3A_2736 = arith.cmpf ogt, %get3A_2674, %cond3A_2735#2 : vector<16xf32>
        %all_reduce_population_count3A_2737 = tpu.all_reduce %gt3A_2736 {dim = 0 : i64, kind = #tpu.reduction_kind<sum>} : vector<16xi1> -> vector<16xi32>
        %slice3A_2738 = vector.extract_strided_slice %all_reduce_population_count3A_2737 {offsets = [0], sizes = [1], strides = [1]} : vector<16xi32> to vector<1xi32>
        %squeeze3A_2739 = vector.extract %slice3A_2738[0] : i32 from vector<1xi32>
        %gt3A_2740 = arith.constant 0 : i32
        %gt3A_2741 = arith.cmpi sgt, %squeeze3A_2739, %gt3A_2740 : i32
        %convert_element_type3A_2742 = arith.extui %gt3A_2741 : i1 to i32
        %cond3A_2743 = arith.constant 0 : i32
        %cond3A_2744 = arith.cmpi ne, %convert_element_type3A_2742, %cond3A_2743 : i32
        %cond3A_2745:3 = scf.if %cond3A_2744 -> (vector<16xf32>, vector<16xi32>, vector<16xf32>) {
          %iota3A_2776 = tpu.iota {dimensions = array<i32: 0>} : vector<16xi32>
          %mul3A_2777 = arith.constant 128 : i32
          %mul3A_2778 = arith.muli %scan3A_2656, %mul3A_2777 : i32
          %add3A_2779 = arith.constant 64 : i32
          %add3A_2780 = arith.addi %mul3A_2778, %add3A_2779 : i32
          %add3A_2781 = vector.broadcast %add3A_2780 : i32 to vector<16xi32>
          %add3A_2782 = arith.addi %iota3A_2776, %add3A_2781 : vector<16xi32>
          %masked_sort3A = arith.constant dense<true> : vector<16xi1>
          %masked_sort3A_2783, %masked_sort3A_2784, %masked_sort3A_2785 = tpu.sort %get3A_2674, %add3A_2782 masked %masked_sort3A : (vector<16xf32>, vector<16xi32>, vector<16xi1>) -> (vector<16xi1>, vector<16xf32>, vector<16xi32>)
          %ge3A = arith.cmpf oge, %cond3A_2735#0, %masked_sort3A_2784 : vector<16xf32>
          %select_n3A_2786 = arith.select %ge3A, %cond3A_2735#0, %masked_sort3A_2784 : vector<16xi1>, vector<16xf32>
          %select_n3A_2787 = arith.select %ge3A, %cond3A_2735#1, %masked_sort3A_2785 : vector<16xi1>, vector<16xi32>
          %masked_sort3A_2788 = arith.constant dense<true> : vector<16xi1>
          %masked_sort3A_2789, %masked_sort3A_2790, %masked_sort3A_2791 = tpu.sort %select_n3A_2786, %select_n3A_2787 masked %masked_sort3A_2788 {descending = true} : (vector<16xf32>, vector<16xi32>, vector<16xi1>) -> (vector<16xi1>, vector<16xf32>, vector<16xi32>)
          %slice3A_2792 = vector.extract_strided_slice %masked_sort3A_2790 {offsets = [15], sizes = [1], strides = [1]} : vector<16xf32> to vector<1xf32>
          %squeeze3A_2793 = vector.extract %slice3A_2792[0] : f32 from vector<1xf32>
          %broadcast_in_dim3A_2794 = vector.broadcast %squeeze3A_2793 : f32 to vector<16xf32>
          scf.yield %masked_sort3A_2790, %masked_sort3A_2791, %broadcast_in_dim3A_2794 : vector<16xf32>, vector<16xi32>, vector<16xf32>
        } else {
          scf.yield %cond3A_2735#0, %cond3A_2735#1, %cond3A_2735#2 : vector<16xf32>, vector<16xi32>, vector<16xf32>
        }
        %gt3A_2746 = arith.cmpf ogt, %get3A_2677, %cond3A_2745#2 : vector<16xf32>
        %all_reduce_population_count3A_2747 = tpu.all_reduce %gt3A_2746 {dim = 0 : i64, kind = #tpu.reduction_kind<sum>} : vector<16xi1> -> vector<16xi32>
        %slice3A_2748 = vector.extract_strided_slice %all_reduce_population_count3A_2747 {offsets = [0], sizes = [1], strides = [1]} : vector<16xi32> to vector<1xi32>
        %squeeze3A_2749 = vector.extract %slice3A_2748[0] : i32 from vector<1xi32>
        %gt3A_2750 = arith.constant 0 : i32
        %gt3A_2751 = arith.cmpi sgt, %squeeze3A_2749, %gt3A_2750 : i32
        %convert_element_type3A_2752 = arith.extui %gt3A_2751 : i1 to i32
        %cond3A_2753 = arith.constant 0 : i32
        %cond3A_2754 = arith.cmpi ne, %convert_element_type3A_2752, %cond3A_2753 : i32
        %cond3A_2755:3 = scf.if %cond3A_2754 -> (vector<16xf32>, vector<16xi32>, vector<16xf32>) {
          %iota3A_2776 = tpu.iota {dimensions = array<i32: 0>} : vector<16xi32>
          %mul3A_2777 = arith.constant 128 : i32
          %mul3A_2778 = arith.muli %scan3A_2656, %mul3A_2777 : i32
          %add3A_2779 = arith.constant 80 : i32
          %add3A_2780 = arith.addi %mul3A_2778, %add3A_2779 : i32
          %add3A_2781 = vector.broadcast %add3A_2780 : i32 to vector<16xi32>
          %add3A_2782 = arith.addi %iota3A_2776, %add3A_2781 : vector<16xi32>
          %masked_sort3A = arith.constant dense<true> : vector<16xi1>
          %masked_sort3A_2783, %masked_sort3A_2784, %masked_sort3A_2785 = tpu.sort %get3A_2677, %add3A_2782 masked %masked_sort3A : (vector<16xf32>, vector<16xi32>, vector<16xi1>) -> (vector<16xi1>, vector<16xf32>, vector<16xi32>)
          %ge3A = arith.cmpf oge, %cond3A_2745#0, %masked_sort3A_2784 : vector<16xf32>
          %select_n3A_2786 = arith.select %ge3A, %cond3A_2745#0, %masked_sort3A_2784 : vector<16xi1>, vector<16xf32>
          %select_n3A_2787 = arith.select %ge3A, %cond3A_2745#1, %masked_sort3A_2785 : vector<16xi1>, vector<16xi32>
          %masked_sort3A_2788 = arith.constant dense<true> : vector<16xi1>
          %masked_sort3A_2789, %masked_sort3A_2790, %masked_sort3A_2791 = tpu.sort %select_n3A_2786, %select_n3A_2787 masked %masked_sort3A_2788 {descending = true} : (vector<16xf32>, vector<16xi32>, vector<16xi1>) -> (vector<16xi1>, vector<16xf32>, vector<16xi32>)
          %slice3A_2792 = vector.extract_strided_slice %masked_sort3A_2790 {offsets = [15], sizes = [1], strides = [1]} : vector<16xf32> to vector<1xf32>
          %squeeze3A_2793 = vector.extract %slice3A_2792[0] : f32 from vector<1xf32>
          %broadcast_in_dim3A_2794 = vector.broadcast %squeeze3A_2793 : f32 to vector<16xf32>
          scf.yield %masked_sort3A_2790, %masked_sort3A_2791, %broadcast_in_dim3A_2794 : vector<16xf32>, vector<16xi32>, vector<16xf32>
        } else {
          scf.yield %cond3A_2745#0, %cond3A_2745#1, %cond3A_2745#2 : vector<16xf32>, vector<16xi32>, vector<16xf32>
        }
        %gt3A_2756 = arith.cmpf ogt, %get3A_2680, %cond3A_2755#2 : vector<16xf32>
        %all_reduce_population_count3A_2757 = tpu.all_reduce %gt3A_2756 {dim = 0 : i64, kind = #tpu.reduction_kind<sum>} : vector<16xi1> -> vector<16xi32>
        %slice3A_2758 = vector.extract_strided_slice %all_reduce_population_count3A_2757 {offsets = [0], sizes = [1], strides = [1]} : vector<16xi32> to vector<1xi32>
        %squeeze3A_2759 = vector.extract %slice3A_2758[0] : i32 from vector<1xi32>
        %gt3A_2760 = arith.constant 0 : i32
        %gt3A_2761 = arith.cmpi sgt, %squeeze3A_2759, %gt3A_2760 : i32
        %convert_element_type3A_2762 = arith.extui %gt3A_2761 : i1 to i32
        %cond3A_2763 = arith.constant 0 : i32
        %cond3A_2764 = arith.cmpi ne, %convert_element_type3A_2762, %cond3A_2763 : i32
        %cond3A_2765:3 = scf.if %cond3A_2764 -> (vector<16xf32>, vector<16xi32>, vector<16xf32>) {
          %iota3A_2776 = tpu.iota {dimensions = array<i32: 0>} : vector<16xi32>
          %mul3A_2777 = arith.constant 128 : i32
          %mul3A_2778 = arith.muli %scan3A_2656, %mul3A_2777 : i32
          %add3A_2779 = arith.constant 96 : i32
          %add3A_2780 = arith.addi %mul3A_2778, %add3A_2779 : i32
          %add3A_2781 = vector.broadcast %add3A_2780 : i32 to vector<16xi32>
          %add3A_2782 = arith.addi %iota3A_2776, %add3A_2781 : vector<16xi32>
          %masked_sort3A = arith.constant dense<true> : vector<16xi1>
          %masked_sort3A_2783, %masked_sort3A_2784, %masked_sort3A_2785 = tpu.sort %get3A_2680, %add3A_2782 masked %masked_sort3A : (vector<16xf32>, vector<16xi32>, vector<16xi1>) -> (vector<16xi1>, vector<16xf32>, vector<16xi32>)
          %ge3A = arith.cmpf oge, %cond3A_2755#0, %masked_sort3A_2784 : vector<16xf32>
          %select_n3A_2786 = arith.select %ge3A, %cond3A_2755#0, %masked_sort3A_2784 : vector<16xi1>, vector<16xf32>
          %select_n3A_2787 = arith.select %ge3A, %cond3A_2755#1, %masked_sort3A_2785 : vector<16xi1>, vector<16xi32>
          %masked_sort3A_2788 = arith.constant dense<true> : vector<16xi1>
          %masked_sort3A_2789, %masked_sort3A_2790, %masked_sort3A_2791 = tpu.sort %select_n3A_2786, %select_n3A_2787 masked %masked_sort3A_2788 {descending = true} : (vector<16xf32>, vector<16xi32>, vector<16xi1>) -> (vector<16xi1>, vector<16xf32>, vector<16xi32>)
          %slice3A_2792 = vector.extract_strided_slice %masked_sort3A_2790 {offsets = [15], sizes = [1], strides = [1]} : vector<16xf32> to vector<1xf32>
          %squeeze3A_2793 = vector.extract %slice3A_2792[0] : f32 from vector<1xf32>
          %broadcast_in_dim3A_2794 = vector.broadcast %squeeze3A_2793 : f32 to vector<16xf32>
          scf.yield %masked_sort3A_2790, %masked_sort3A_2791, %broadcast_in_dim3A_2794 : vector<16xf32>, vector<16xi32>, vector<16xf32>
        } else {
          scf.yield %cond3A_2755#0, %cond3A_2755#1, %cond3A_2755#2 : vector<16xf32>, vector<16xi32>, vector<16xf32>
        }
        %gt3A_2766 = arith.cmpf ogt, %get3A_2683, %cond3A_2765#2 : vector<16xf32>
        %all_reduce_population_count3A_2767 = tpu.all_reduce %gt3A_2766 {dim = 0 : i64, kind = #tpu.reduction_kind<sum>} : vector<16xi1> -> vector<16xi32>
        %slice3A_2768 = vector.extract_strided_slice %all_reduce_population_count3A_2767 {offsets = [0], sizes = [1], strides = [1]} : vector<16xi32> to vector<1xi32>
        %squeeze3A_2769 = vector.extract %slice3A_2768[0] : i32 from vector<1xi32>
        %gt3A_2770 = arith.constant 0 : i32
        %gt3A_2771 = arith.cmpi sgt, %squeeze3A_2769, %gt3A_2770 : i32
        %convert_element_type3A_2772 = arith.extui %gt3A_2771 : i1 to i32
        %cond3A_2773 = arith.constant 0 : i32
        %cond3A_2774 = arith.cmpi ne, %convert_element_type3A_2772, %cond3A_2773 : i32
        %cond3A_2775:3 = scf.if %cond3A_2774 -> (vector<16xf32>, vector<16xi32>, vector<16xf32>) {
          %iota3A_2776 = tpu.iota {dimensions = array<i32: 0>} : vector<16xi32>
          %mul3A_2777 = arith.constant 128 : i32
          %mul3A_2778 = arith.muli %scan3A_2656, %mul3A_2777 : i32
          %add3A_2779 = arith.constant 112 : i32
          %add3A_2780 = arith.addi %mul3A_2778, %add3A_2779 : i32
          %add3A_2781 = vector.broadcast %add3A_2780 : i32 to vector<16xi32>
          %add3A_2782 = arith.addi %iota3A_2776, %add3A_2781 : vector<16xi32>
          %masked_sort3A = arith.constant dense<true> : vector<16xi1>
          %masked_sort3A_2783, %masked_sort3A_2784, %masked_sort3A_2785 = tpu.sort %get3A_2683, %add3A_2782 masked %masked_sort3A : (vector<16xf32>, vector<16xi32>, vector<16xi1>) -> (vector<16xi1>, vector<16xf32>, vector<16xi32>)
          %ge3A = arith.cmpf oge, %cond3A_2765#0, %masked_sort3A_2784 : vector<16xf32>
          %select_n3A_2786 = arith.select %ge3A, %cond3A_2765#0, %masked_sort3A_2784 : vector<16xi1>, vector<16xf32>
          %select_n3A_2787 = arith.select %ge3A, %cond3A_2765#1, %masked_sort3A_2785 : vector<16xi1>, vector<16xi32>
          %masked_sort3A_2788 = arith.constant dense<true> : vector<16xi1>
          %masked_sort3A_2789, %masked_sort3A_2790, %masked_sort3A_2791 = tpu.sort %select_n3A_2786, %select_n3A_2787 masked %masked_sort3A_2788 {descending = true} : (vector<16xf32>, vector<16xi32>, vector<16xi1>) -> (vector<16xi1>, vector<16xf32>, vector<16xi32>)
          %slice3A_2792 = vector.extract_strided_slice %masked_sort3A_2790 {offsets = [15], sizes = [1], strides = [1]} : vector<16xf32> to vector<1xf32>
          %squeeze3A_2793 = vector.extract %slice3A_2792[0] : f32 from vector<1xf32>
          %broadcast_in_dim3A_2794 = vector.broadcast %squeeze3A_2793 : f32 to vector<16xf32>
          scf.yield %masked_sort3A_2790, %masked_sort3A_2791, %broadcast_in_dim3A_2794 : vector<16xf32>, vector<16xi32>, vector<16xf32>
        } else {
          scf.yield %cond3A_2765#0, %cond3A_2765#1, %cond3A_2765#2 : vector<16xf32>, vector<16xi32>, vector<16xf32>
        }
        scf.yield %cond3A_2775#0, %cond3A_2775#1, %cond3A_2775#2 : vector<16xf32>, vector<16xi32>, vector<16xf32>
      } else {
        scf.yield %scan3A_2657, %scan3A_2658, %scan3A_2659 : vector<16xf32>, vector<16xi32>, vector<16xf32>
      }
      scf.yield %cond3A_2695#0, %cond3A_2695#1, %cond3A_2695#2 : vector<16xf32>, vector<16xi32>, vector<16xf32>
    }
    %scan3A_14 = arith.constant 800 : i32
    %div3A = arith.constant 3.000010e-01 : f32
    %div3A_15 = vector.broadcast %div3A : f32 to vector<16xf32>
    %div3A_16 = arith.divf %scan3A_13#0, %div3A_15 : vector<16xf32>
    %slice3A = vector.extract_strided_slice %div3A_16 {offsets = [0], sizes = [1], strides = [1]} : vector<16xf32> to vector<1xf32>
    %squeeze3A = vector.extract %slice3A[0] : f32 from vector<1xf32>
    %broadcast_in_dim3A_17 = vector.broadcast %squeeze3A : f32 to vector<16xf32>
    %sub3A = arith.subf %div3A_16, %broadcast_in_dim3A_17 : vector<16xf32>
    %exp3A = math.exp %sub3A : vector<16xf32>
    %broadcast_in_dim3A_18 = arith.constant true
    %broadcast_in_dim3A_19 = vector.broadcast %broadcast_in_dim3A_18 : i1 to vector<16xi1>
    %masked_cumsum3A = tpu.scan <sum>, %exp3A masked %broadcast_in_dim3A_19 : vector<16xf32>, vector<16xi1> -> vector<16xf32>
    %slice3A_20 = vector.extract_strided_slice %masked_cumsum3A {offsets = [15], sizes = [1], strides = [1]} : vector<16xf32> to vector<1xf32>
    %squeeze3A_21 = vector.extract %slice3A_20[0] : f32 from vector<1xf32>
    %broadcast_in_dim3A_22 = vector.broadcast %squeeze3A_21 : f32 to vector<16xf32>
    %div3A_23 = arith.divf %exp3A, %broadcast_in_dim3A_22 : vector<16xf32>
    %broadcast_in_dim3A_24 = arith.constant 0.000000e+00 : f32
    %broadcast_in_dim3A_25 = vector.broadcast %broadcast_in_dim3A_24 : f32 to vector<16xf32>
    %scan3A_26 = arith.constant 0 : i32
    %scan3A_27 = arith.constant 0 : i32
    %scan3A_28 = arith.constant 800 : i32
    %scan3A_29 = arith.addi %scan3A_27, %scan3A_28 : i32
    %scan3A_30 = arith.constant 1 : i32
    %scan3A_31 = scf.for %scan3A_2656 = %scan3A_27 to %scan3A_29 step %scan3A_30 iter_args(%scan3A_2657 = %scan3A_26) -> (i32)  : i32 {
      %swap3A_2658 = arith.index_cast %scan3A_2656 : i32 to index
      %swap3A_2659 = arith.constant 0 : index
      %swap3A_2660 = tpu.vector_load %arg4[%swap3A_2658, %swap3A_2659] {strides = array<i32>} : memref<800x128xf32, #tpu.memory_space<vmem>>, vector<16xf32>,
      tpu.vector_store %arg4[%swap3A_2658, %swap3A_2659], %broadcast_in_dim3A_25 {strides = array<i32>} : memref<800x128xf32, #tpu.memory_space<vmem>>, vector<16xf32>,
      %swap3A_2661 = arith.index_cast %scan3A_2656 : i32 to index
      %swap3A_2662 = arith.constant 16 : index
      %swap3A_2663 = tpu.vector_load %arg4[%swap3A_2661, %swap3A_2662] {strides = array<i32>} : memref<800x128xf32, #tpu.memory_space<vmem>>, vector<16xf32>,
      tpu.vector_store %arg4[%swap3A_2661, %swap3A_2662], %broadcast_in_dim3A_25 {strides = array<i32>} : memref<800x128xf32, #tpu.memory_space<vmem>>, vector<16xf32>,
      %swap3A_2664 = arith.index_cast %scan3A_2656 : i32 to index
      %swap3A_2665 = arith.constant 32 : index
      %swap3A_2666 = tpu.vector_load %arg4[%swap3A_2664, %swap3A_2665] {strides = array<i32>} : memref<800x128xf32, #tpu.memory_space<vmem>>, vector<16xf32>,
      tpu.vector_store %arg4[%swap3A_2664, %swap3A_2665], %broadcast_in_dim3A_25 {strides = array<i32>} : memref<800x128xf32, #tpu.memory_space<vmem>>, vector<16xf32>,
      %swap3A_2667 = arith.index_cast %scan3A_2656 : i32 to index
      %swap3A_2668 = arith.constant 48 : index
      %swap3A_2669 = tpu.vector_load %arg4[%swap3A_2667, %swap3A_2668] {strides = array<i32>} : memref<800x128xf32, #tpu.memory_space<vmem>>, vector<16xf32>,
      tpu.vector_store %arg4[%swap3A_2667, %swap3A_2668], %broadcast_in_dim3A_25 {strides = array<i32>} : memref<800x128xf32, #tpu.memory_space<vmem>>, vector<16xf32>,
      %swap3A_2670 = arith.index_cast %scan3A_2656 : i32 to index
      %swap3A_2671 = arith.constant 64 : index
      %swap3A_2672 = tpu.vector_load %arg4[%swap3A_2670, %swap3A_2671] {strides = array<i32>} : memref<800x128xf32, #tpu.memory_space<vmem>>, vector<16xf32>,
      tpu.vector_store %arg4[%swap3A_2670, %swap3A_2671], %broadcast_in_dim3A_25 {strides = array<i32>} : memref<800x128xf32, #tpu.memory_space<vmem>>, vector<16xf32>,
      %swap3A_2673 = arith.index_cast %scan3A_2656 : i32 to index
      %swap3A_2674 = arith.constant 80 : index
      %swap3A_2675 = tpu.vector_load %arg4[%swap3A_2673, %swap3A_2674] {strides = array<i32>} : memref<800x128xf32, #tpu.memory_space<vmem>>, vector<16xf32>,
      tpu.vector_store %arg4[%swap3A_2673, %swap3A_2674], %broadcast_in_dim3A_25 {strides = array<i32>} : memref<800x128xf32, #tpu.memory_space<vmem>>, vector<16xf32>,
      %swap3A_2676 = arith.index_cast %scan3A_2656 : i32 to index
      %swap3A_2677 = arith.constant 96 : index
      %swap3A_2678 = tpu.vector_load %arg4[%swap3A_2676, %swap3A_2677] {strides = array<i32>} : memref<800x128xf32, #tpu.memory_space<vmem>>, vector<16xf32>,
      tpu.vector_store %arg4[%swap3A_2676, %swap3A_2677], %broadcast_in_dim3A_25 {strides = array<i32>} : memref<800x128xf32, #tpu.memory_space<vmem>>, vector<16xf32>,
      %swap3A_2679 = arith.index_cast %scan3A_2656 : i32 to index
      %swap3A_2680 = arith.constant 112 : index
      %swap3A_2681 = tpu.vector_load %arg4[%swap3A_2679, %swap3A_2680] {strides = array<i32>} : memref<800x128xf32, #tpu.memory_space<vmem>>, vector<16xf32>,
      tpu.vector_store %arg4[%swap3A_2679, %swap3A_2680], %broadcast_in_dim3A_25 {strides = array<i32>} : memref<800x128xf32, #tpu.memory_space<vmem>>, vector<16xf32>,
      %scan3A_2682 = arith.constant 0 : i32
      scf.yield %scan3A_2682 : i32
    }
    %scan3A_32 = arith.constant 800 : i32
    %iota3A = tpu.iota {dimensions = array<i32: 0>} : vector<16xi32>
    %slice3A_33 = vector.extract_strided_slice %scan3A_13#1 {offsets = [0], sizes = [1], strides = [1]} : vector<16xi32> to vector<1xi32>
    %squeeze3A_34 = vector.extract %slice3A_33[0] : i32 from vector<1xi32>
    %jit3A = arith.constant 128 : i32
    %div3A_35 = arith.divsi %squeeze3A_34, %jit3A : i32
    %sign3A = arith.constant 0 : i32
    %sign3A_36 = arith.cmpi sgt, %squeeze3A_34, %sign3A : i32
    %sign3A_37 = arith.extui %sign3A_36 : i1 to i32
    %sign3A_38 = arith.constant 0 : i32
    %sign3A_39 = arith.cmpi slt, %squeeze3A_34, %sign3A_38 : i32
    %sign3A_40 = arith.extui %sign3A_39 : i1 to i32
    %sign3A_41 = arith.subi %sign3A_37, %sign3A_40 : i32
    %sign3A_42 = arith.constant 0 : i32
    %sign3A_43 = arith.cmpi sgt, %jit3A, %sign3A_42 : i32
    %sign3A_44 = arith.extui %sign3A_43 : i1 to i32
    %sign3A_45 = arith.constant 0 : i32
    %sign3A_46 = arith.cmpi slt, %jit3A, %sign3A_45 : i32
    %sign3A_47 = arith.extui %sign3A_46 : i1 to i32
    %sign3A_48 = arith.subi %sign3A_44, %sign3A_47 : i32
    %ne3A = arith.cmpi ne, %sign3A_41, %sign3A_48 : i32
    %rem3A = arith.remsi %squeeze3A_34, %jit3A : i32
    %ne3A_49 = arith.constant 0 : i32
    %ne3A_50 = arith.cmpi ne, %rem3A, %ne3A_49 : i32
    %and3A = arith.andi %ne3A, %ne3A_50 : i1
    %sub3A_51 = arith.constant 1 : i32
    %sub3A_52 = arith.subi %div3A_35, %sub3A_51 : i32
    %select_n3A = arith.select %and3A, %sub3A_52, %div3A_35 : i32
    %jit3A_53 = arith.constant 128 : i32
    %eq3A = arith.constant 0 : i32
    %eq3A_54 = arith.cmpi eq, %jit3A_53, %eq3A : i32
    %jit3A_55 = arith.constant 1 : i32
    %select_n3A_56 = arith.select %eq3A_54, %jit3A_55, %jit3A_53 : i32
    %rem3A_57 = arith.remsi %squeeze3A_34, %select_n3A_56 : i32
    %ne3A_58 = arith.constant 0 : i32
    %ne3A_59 = arith.cmpi ne, %rem3A_57, %ne3A_58 : i32
    %lt3A = arith.constant 0 : i32
    %lt3A_60 = arith.cmpi slt, %rem3A_57, %lt3A : i32
    %lt3A_61 = arith.constant 0 : i32
    %lt3A_62 = arith.cmpi slt, %select_n3A_56, %lt3A_61 : i32
    %ne3A_63 = arith.xori %lt3A_60, %lt3A_62 : i1
    %and3A_64 = arith.andi %ne3A_63, %ne3A_59 : i1
    %add3A_65 = arith.addi %rem3A_57, %select_n3A_56 : i32
    %select_n3A_66 = arith.select %and3A_64, %add3A_65, %rem3A_57 : i32
    %jit3A_67 = arith.constant 16 : i32
    %div3A_68 = arith.divsi %select_n3A_66, %jit3A_67 : i32
    %sign3A_69 = arith.constant 0 : i32
    %sign3A_70 = arith.cmpi sgt, %select_n3A_66, %sign3A_69 : i32
    %sign3A_71 = arith.extui %sign3A_70 : i1 to i32
    %sign3A_72 = arith.constant 0 : i32
    %sign3A_73 = arith.cmpi slt, %select_n3A_66, %sign3A_72 : i32
    %sign3A_74 = arith.extui %sign3A_73 : i1 to i32
    %sign3A_75 = arith.subi %sign3A_71, %sign3A_74 : i32
    %sign3A_76 = arith.constant 0 : i32
    %sign3A_77 = arith.cmpi sgt, %jit3A_67, %sign3A_76 : i32
    %sign3A_78 = arith.extui %sign3A_77 : i1 to i32
    %sign3A_79 = arith.constant 0 : i32
    %sign3A_80 = arith.cmpi slt, %jit3A_67, %sign3A_79 : i32
    %sign3A_81 = arith.extui %sign3A_80 : i1 to i32
    %sign3A_82 = arith.subi %sign3A_78, %sign3A_81 : i32
    %ne3A_83 = arith.cmpi ne, %sign3A_75, %sign3A_82 : i32
    %rem3A_84 = arith.remsi %select_n3A_66, %jit3A_67 : i32
    %ne3A_85 = arith.constant 0 : i32
    %ne3A_86 = arith.cmpi ne, %rem3A_84, %ne3A_85 : i32
    %and3A_87 = arith.andi %ne3A_83, %ne3A_86 : i1
    %sub3A_88 = arith.constant 1 : i32
    %sub3A_89 = arith.subi %div3A_68, %sub3A_88 : i32
    %select_n3A_90 = arith.select %and3A_87, %sub3A_89, %div3A_68 : i32
    %mul3A_91 = arith.constant 16 : i32
    %mul3A_92 = arith.muli %select_n3A_90, %mul3A_91 : i32
    %get3A = arith.index_cast %select_n3A : i32 to index
    %get3A_93 = arith.index_cast %mul3A_92 : i32 to index
    %get3A_94 = tpu.vector_load %arg4[%get3A, %get3A_93] {strides = array<i32>} : memref<800x128xf32, #tpu.memory_space<vmem>>, vector<16xf32>,
    %sub3A_95 = arith.subi %select_n3A_66, %mul3A_92 : i32
    %eq3A_96 = vector.broadcast %sub3A_95 : i32 to vector<16xi32>
    %eq3A_97 = arith.cmpi eq, %iota3A, %eq3A_96 : vector<16xi32>
    %slice3A_98 = vector.extract_strided_slice %div3A_23 {offsets = [0], sizes = [1], strides = [1]} : vector<16xf32> to vector<1xf32>
    %squeeze3A_99 = vector.extract %slice3A_98[0] : f32 from vector<1xf32>
    %broadcast_in_dim3A_100 = vector.broadcast %squeeze3A_99 : f32 to vector<16xf32>
    %select_n3A_101 = arith.select %eq3A_97, %broadcast_in_dim3A_100, %get3A_94 : vector<16xi1>, vector<16xf32>
    %swap3A = arith.index_cast %select_n3A : i32 to index
    %swap3A_102 = arith.index_cast %mul3A_92 : i32 to index
    %swap3A_103 = tpu.vector_load %arg4[%swap3A, %swap3A_102] {strides = array<i32>} : memref<800x128xf32, #tpu.memory_space<vmem>>, vector<16xf32>,
    tpu.vector_store %arg4[%swap3A, %swap3A_102], %select_n3A_101 {strides = array<i32>} : memref<800x128xf32, #tpu.memory_space<vmem>>, vector<16xf32>,
    %slice3A_104 = vector.extract_strided_slice %scan3A_13#1 {offsets = [1], sizes = [1], strides = [1]} : vector<16xi32> to vector<1xi32>
    %squeeze3A_105 = vector.extract %slice3A_104[0] : i32 from vector<1xi32>
    %jit3A_106 = arith.constant 128 : i32
    %div3A_107 = arith.divsi %squeeze3A_105, %jit3A_106 : i32
    %sign3A_108 = arith.constant 0 : i32
    %sign3A_109 = arith.cmpi sgt, %squeeze3A_105, %sign3A_108 : i32
    %sign3A_110 = arith.extui %sign3A_109 : i1 to i32
    %sign3A_111 = arith.constant 0 : i32
    %sign3A_112 = arith.cmpi slt, %squeeze3A_105, %sign3A_111 : i32
    %sign3A_113 = arith.extui %sign3A_112 : i1 to i32
    %sign3A_114 = arith.subi %sign3A_110, %sign3A_113 : i32
    %sign3A_115 = arith.constant 0 : i32
    %sign3A_116 = arith.cmpi sgt, %jit3A_106, %sign3A_115 : i32
    %sign3A_117 = arith.extui %sign3A_116 : i1 to i32
    %sign3A_118 = arith.constant 0 : i32
    %sign3A_119 = arith.cmpi slt, %jit3A_106, %sign3A_118 : i32
    %sign3A_120 = arith.extui %sign3A_119 : i1 to i32
    %sign3A_121 = arith.subi %sign3A_117, %sign3A_120 : i32
    %ne3A_122 = arith.cmpi ne, %sign3A_114, %sign3A_121 : i32
    %rem3A_123 = arith.remsi %squeeze3A_105, %jit3A_106 : i32
    %ne3A_124 = arith.constant 0 : i32
    %ne3A_125 = arith.cmpi ne, %rem3A_123, %ne3A_124 : i32
    %and3A_126 = arith.andi %ne3A_122, %ne3A_125 : i1
    %sub3A_127 = arith.constant 1 : i32
    %sub3A_128 = arith.subi %div3A_107, %sub3A_127 : i32
    %select_n3A_129 = arith.select %and3A_126, %sub3A_128, %div3A_107 : i32
    %jit3A_130 = arith.constant 128 : i32
    %eq3A_131 = arith.constant 0 : i32
    %eq3A_132 = arith.cmpi eq, %jit3A_130, %eq3A_131 : i32
    %jit3A_133 = arith.constant 1 : i32
    %select_n3A_134 = arith.select %eq3A_132, %jit3A_133, %jit3A_130 : i32
    %rem3A_135 = arith.remsi %squeeze3A_105, %select_n3A_134 : i32
    %ne3A_136 = arith.constant 0 : i32
    %ne3A_137 = arith.cmpi ne, %rem3A_135, %ne3A_136 : i32
    %lt3A_138 = arith.constant 0 : i32
    %lt3A_139 = arith.cmpi slt, %rem3A_135, %lt3A_138 : i32
    %lt3A_140 = arith.constant 0 : i32
    %lt3A_141 = arith.cmpi slt, %select_n3A_134, %lt3A_140 : i32
    %ne3A_142 = arith.xori %lt3A_139, %lt3A_141 : i1
    %and3A_143 = arith.andi %ne3A_142, %ne3A_137 : i1
    %add3A_144 = arith.addi %rem3A_135, %select_n3A_134 : i32
    %select_n3A_145 = arith.select %and3A_143, %add3A_144, %rem3A_135 : i32
    %jit3A_146 = arith.constant 16 : i32
    %div3A_147 = arith.divsi %select_n3A_145, %jit3A_146 : i32
    %sign3A_148 = arith.constant 0 : i32
    %sign3A_149 = arith.cmpi sgt, %select_n3A_145, %sign3A_148 : i32
    %sign3A_150 = arith.extui %sign3A_149 : i1 to i32
    %sign3A_151 = arith.constant 0 : i32
    %sign3A_152 = arith.cmpi slt, %select_n3A_145, %sign3A_151 : i32
    %sign3A_153 = arith.extui %sign3A_152 : i1 to i32
    %sign3A_154 = arith.subi %sign3A_150, %sign3A_153 : i32
    %sign3A_155 = arith.constant 0 : i32
    %sign3A_156 = arith.cmpi sgt, %jit3A_146, %sign3A_155 : i32
    %sign3A_157 = arith.extui %sign3A_156 : i1 to i32
    %sign3A_158 = arith.constant 0 : i32
    %sign3A_159 = arith.cmpi slt, %jit3A_146, %sign3A_158 : i32
    %sign3A_160 = arith.extui %sign3A_159 : i1 to i32
    %sign3A_161 = arith.subi %sign3A_157, %sign3A_160 : i32
    %ne3A_162 = arith.cmpi ne, %sign3A_154, %sign3A_161 : i32
    %rem3A_163 = arith.remsi %select_n3A_145, %jit3A_146 : i32
    %ne3A_164 = arith.constant 0 : i32
    %ne3A_165 = arith.cmpi ne, %rem3A_163, %ne3A_164 : i32
    %and3A_166 = arith.andi %ne3A_162, %ne3A_165 : i1
    %sub3A_167 = arith.constant 1 : i32
    %sub3A_168 = arith.subi %div3A_147, %sub3A_167 : i32
    %select_n3A_169 = arith.select %and3A_166, %sub3A_168, %div3A_147 : i32
    %mul3A_170 = arith.constant 16 : i32
    %mul3A_171 = arith.muli %select_n3A_169, %mul3A_170 : i32
    %get3A_172 = arith.index_cast %select_n3A_129 : i32 to index
    %get3A_173 = arith.index_cast %mul3A_171 : i32 to index
    %get3A_174 = tpu.vector_load %arg4[%get3A_172, %get3A_173] {strides = array<i32>} : memref<800x128xf32, #tpu.memory_space<vmem>>, vector<16xf32>,
    %sub3A_175 = arith.subi %select_n3A_145, %mul3A_171 : i32
    %eq3A_176 = vector.broadcast %sub3A_175 : i32 to vector<16xi32>
    %eq3A_177 = arith.cmpi eq, %iota3A, %eq3A_176 : vector<16xi32>
    %slice3A_178 = vector.extract_strided_slice %div3A_23 {offsets = [1], sizes = [1], strides = [1]} : vector<16xf32> to vector<1xf32>
    %squeeze3A_179 = vector.extract %slice3A_178[0] : f32 from vector<1xf32>
    %broadcast_in_dim3A_180 = vector.broadcast %squeeze3A_179 : f32 to vector<16xf32>
    %select_n3A_181 = arith.select %eq3A_177, %broadcast_in_dim3A_180, %get3A_174 : vector<16xi1>, vector<16xf32>
    %swap3A_182 = arith.index_cast %select_n3A_129 : i32 to index
    %swap3A_183 = arith.index_cast %mul3A_171 : i32 to index
    %swap3A_184 = tpu.vector_load %arg4[%swap3A_182, %swap3A_183] {strides = array<i32>} : memref<800x128xf32, #tpu.memory_space<vmem>>, vector<16xf32>,
    tpu.vector_store %arg4[%swap3A_182, %swap3A_183], %select_n3A_181 {strides = array<i32>} : memref<800x128xf32, #tpu.memory_space<vmem>>, vector<16xf32>,
    %slice3A_185 = vector.extract_strided_slice %scan3A_13#1 {offsets = [2], sizes = [1], strides = [1]} : vector<16xi32> to vector<1xi32>
    %squeeze3A_186 = vector.extract %slice3A_185[0] : i32 from vector<1xi32>
    %jit3A_187 = arith.constant 128 : i32
    %div3A_188 = arith.divsi %squeeze3A_186, %jit3A_187 : i32
    %sign3A_189 = arith.constant 0 : i32
    %sign3A_190 = arith.cmpi sgt, %squeeze3A_186, %sign3A_189 : i32
    %sign3A_191 = arith.extui %sign3A_190 : i1 to i32
    %sign3A_192 = arith.constant 0 : i32
    %sign3A_193 = arith.cmpi slt, %squeeze3A_186, %sign3A_192 : i32
    %sign3A_194 = arith.extui %sign3A_193 : i1 to i32
    %sign3A_195 = arith.subi %sign3A_191, %sign3A_194 : i32
    %sign3A_196 = arith.constant 0 : i32
    %sign3A_197 = arith.cmpi sgt, %jit3A_187, %sign3A_196 : i32
    %sign3A_198 = arith.extui %sign3A_197 : i1 to i32
    %sign3A_199 = arith.constant 0 : i32
    %sign3A_200 = arith.cmpi slt, %jit3A_187, %sign3A_199 : i32
    %sign3A_201 = arith.extui %sign3A_200 : i1 to i32
    %sign3A_202 = arith.subi %sign3A_198, %sign3A_201 : i32
    %ne3A_203 = arith.cmpi ne, %sign3A_195, %sign3A_202 : i32
    %rem3A_204 = arith.remsi %squeeze3A_186, %jit3A_187 : i32
    %ne3A_205 = arith.constant 0 : i32
    %ne3A_206 = arith.cmpi ne, %rem3A_204, %ne3A_205 : i32
    %and3A_207 = arith.andi %ne3A_203, %ne3A_206 : i1
    %sub3A_208 = arith.constant 1 : i32
    %sub3A_209 = arith.subi %div3A_188, %sub3A_208 : i32
    %select_n3A_210 = arith.select %and3A_207, %sub3A_209, %div3A_188 : i32
    %jit3A_211 = arith.constant 128 : i32
    %eq3A_212 = arith.constant 0 : i32
    %eq3A_213 = arith.cmpi eq, %jit3A_211, %eq3A_212 : i32
    %jit3A_214 = arith.constant 1 : i32
    %select_n3A_215 = arith.select %eq3A_213, %jit3A_214, %jit3A_211 : i32
    %rem3A_216 = arith.remsi %squeeze3A_186, %select_n3A_215 : i32
    %ne3A_217 = arith.constant 0 : i32
    %ne3A_218 = arith.cmpi ne, %rem3A_216, %ne3A_217 : i32
    %lt3A_219 = arith.constant 0 : i32
    %lt3A_220 = arith.cmpi slt, %rem3A_216, %lt3A_219 : i32
    %lt3A_221 = arith.constant 0 : i32
    %lt3A_222 = arith.cmpi slt, %select_n3A_215, %lt3A_221 : i32
    %ne3A_223 = arith.xori %lt3A_220, %lt3A_222 : i1
    %and3A_224 = arith.andi %ne3A_223, %ne3A_218 : i1
    %add3A_225 = arith.addi %rem3A_216, %select_n3A_215 : i32
    %select_n3A_226 = arith.select %and3A_224, %add3A_225, %rem3A_216 : i32
    %jit3A_227 = arith.constant 16 : i32
    %div3A_228 = arith.divsi %select_n3A_226, %jit3A_227 : i32
    %sign3A_229 = arith.constant 0 : i32
    %sign3A_230 = arith.cmpi sgt, %select_n3A_226, %sign3A_229 : i32
    %sign3A_231 = arith.extui %sign3A_230 : i1 to i32
    %sign3A_232 = arith.constant 0 : i32
    %sign3A_233 = arith.cmpi slt, %select_n3A_226, %sign3A_232 : i32
    %sign3A_234 = arith.extui %sign3A_233 : i1 to i32
    %sign3A_235 = arith.subi %sign3A_231, %sign3A_234 : i32
    %sign3A_236 = arith.constant 0 : i32
    %sign3A_237 = arith.cmpi sgt, %jit3A_227, %sign3A_236 : i32
    %sign3A_238 = arith.extui %sign3A_237 : i1 to i32
    %sign3A_239 = arith.constant 0 : i32
    %sign3A_240 = arith.cmpi slt, %jit3A_227, %sign3A_239 : i32
    %sign3A_241 = arith.extui %sign3A_240 : i1 to i32
    %sign3A_242 = arith.subi %sign3A_238, %sign3A_241 : i32
    %ne3A_243 = arith.cmpi ne, %sign3A_235, %sign3A_242 : i32
    %rem3A_244 = arith.remsi %select_n3A_226, %jit3A_227 : i32
    %ne3A_245 = arith.constant 0 : i32
    %ne3A_246 = arith.cmpi ne, %rem3A_244, %ne3A_245 : i32
    %and3A_247 = arith.andi %ne3A_243, %ne3A_246 : i1
    %sub3A_248 = arith.constant 1 : i32
    %sub3A_249 = arith.subi %div3A_228, %sub3A_248 : i32
    %select_n3A_250 = arith.select %and3A_247, %sub3A_249, %div3A_228 : i32
    %mul3A_251 = arith.constant 16 : i32
    %mul3A_252 = arith.muli %select_n3A_250, %mul3A_251 : i32
    %get3A_253 = arith.index_cast %select_n3A_210 : i32 to index
    %get3A_254 = arith.index_cast %mul3A_252 : i32 to index
    %get3A_255 = tpu.vector_load %arg4[%get3A_253, %get3A_254] {strides = array<i32>} : memref<800x128xf32, #tpu.memory_space<vmem>>, vector<16xf32>,
    %sub3A_256 = arith.subi %select_n3A_226, %mul3A_252 : i32
    %eq3A_257 = vector.broadcast %sub3A_256 : i32 to vector<16xi32>
    %eq3A_258 = arith.cmpi eq, %iota3A, %eq3A_257 : vector<16xi32>
    %slice3A_259 = vector.extract_strided_slice %div3A_23 {offsets = [2], sizes = [1], strides = [1]} : vector<16xf32> to vector<1xf32>
    %squeeze3A_260 = vector.extract %slice3A_259[0] : f32 from vector<1xf32>
    %broadcast_in_dim3A_261 = vector.broadcast %squeeze3A_260 : f32 to vector<16xf32>
    %select_n3A_262 = arith.select %eq3A_258, %broadcast_in_dim3A_261, %get3A_255 : vector<16xi1>, vector<16xf32>
    %swap3A_263 = arith.index_cast %select_n3A_210 : i32 to index
    %swap3A_264 = arith.index_cast %mul3A_252 : i32 to index
    %swap3A_265 = tpu.vector_load %arg4[%swap3A_263, %swap3A_264] {strides = array<i32>} : memref<800x128xf32, #tpu.memory_space<vmem>>, vector<16xf32>,
    tpu.vector_store %arg4[%swap3A_263, %swap3A_264], %select_n3A_262 {strides = array<i32>} : memref<800x128xf32, #tpu.memory_space<vmem>>, vector<16xf32>,
    %slice3A_266 = vector.extract_strided_slice %scan3A_13#1 {offsets = [3], sizes = [1], strides = [1]} : vector<16xi32> to vector<1xi32>
    %squeeze3A_267 = vector.extract %slice3A_266[0] : i32 from vector<1xi32>
    %jit3A_268 = arith.constant 128 : i32
    %div3A_269 = arith.divsi %squeeze3A_267, %jit3A_268 : i32
    %sign3A_270 = arith.constant 0 : i32
    %sign3A_271 = arith.cmpi sgt, %squeeze3A_267, %sign3A_270 : i32
    %sign3A_272 = arith.extui %sign3A_271 : i1 to i32
    %sign3A_273 = arith.constant 0 : i32
    %sign3A_274 = arith.cmpi slt, %squeeze3A_267, %sign3A_273 : i32
    %sign3A_275 = arith.extui %sign3A_274 : i1 to i32
    %sign3A_276 = arith.subi %sign3A_272, %sign3A_275 : i32
    %sign3A_277 = arith.constant 0 : i32
    %sign3A_278 = arith.cmpi sgt, %jit3A_268, %sign3A_277 : i32
    %sign3A_279 = arith.extui %sign3A_278 : i1 to i32
    %sign3A_280 = arith.constant 0 : i32
    %sign3A_281 = arith.cmpi slt, %jit3A_268, %sign3A_280 : i32
    %sign3A_282 = arith.extui %sign3A_281 : i1 to i32
    %sign3A_283 = arith.subi %sign3A_279, %sign3A_282 : i32
    %ne3A_284 = arith.cmpi ne, %sign3A_276, %sign3A_283 : i32
    %rem3A_285 = arith.remsi %squeeze3A_267, %jit3A_268 : i32
    %ne3A_286 = arith.constant 0 : i32
    %ne3A_287 = arith.cmpi ne, %rem3A_285, %ne3A_286 : i32
    %and3A_288 = arith.andi %ne3A_284, %ne3A_287 : i1
    %sub3A_289 = arith.constant 1 : i32
    %sub3A_290 = arith.subi %div3A_269, %sub3A_289 : i32
    %select_n3A_291 = arith.select %and3A_288, %sub3A_290, %div3A_269 : i32
    %jit3A_292 = arith.constant 128 : i32
    %eq3A_293 = arith.constant 0 : i32
    %eq3A_294 = arith.cmpi eq, %jit3A_292, %eq3A_293 : i32
    %jit3A_295 = arith.constant 1 : i32
    %select_n3A_296 = arith.select %eq3A_294, %jit3A_295, %jit3A_292 : i32
    %rem3A_297 = arith.remsi %squeeze3A_267, %select_n3A_296 : i32
    %ne3A_298 = arith.constant 0 : i32
    %ne3A_299 = arith.cmpi ne, %rem3A_297, %ne3A_298 : i32
    %lt3A_300 = arith.constant 0 : i32
    %lt3A_301 = arith.cmpi slt, %rem3A_297, %lt3A_300 : i32
    %lt3A_302 = arith.constant 0 : i32
    %lt3A_303 = arith.cmpi slt, %select_n3A_296, %lt3A_302 : i32
    %ne3A_304 = arith.xori %lt3A_301, %lt3A_303 : i1
    %and3A_305 = arith.andi %ne3A_304, %ne3A_299 : i1
    %add3A_306 = arith.addi %rem3A_297, %select_n3A_296 : i32
    %select_n3A_307 = arith.select %and3A_305, %add3A_306, %rem3A_297 : i32
    %jit3A_308 = arith.constant 16 : i32
    %div3A_309 = arith.divsi %select_n3A_307, %jit3A_308 : i32
    %sign3A_310 = arith.constant 0 : i32
    %sign3A_311 = arith.cmpi sgt, %select_n3A_307, %sign3A_310 : i32
    %sign3A_312 = arith.extui %sign3A_311 : i1 to i32
    %sign3A_313 = arith.constant 0 : i32
    %sign3A_314 = arith.cmpi slt, %select_n3A_307, %sign3A_313 : i32
    %sign3A_315 = arith.extui %sign3A_314 : i1 to i32
    %sign3A_316 = arith.subi %sign3A_312, %sign3A_315 : i32
    %sign3A_317 = arith.constant 0 : i32
    %sign3A_318 = arith.cmpi sgt, %jit3A_308, %sign3A_317 : i32
    %sign3A_319 = arith.extui %sign3A_318 : i1 to i32
    %sign3A_320 = arith.constant 0 : i32
    %sign3A_321 = arith.cmpi slt, %jit3A_308, %sign3A_320 : i32
    %sign3A_322 = arith.extui %sign3A_321 : i1 to i32
    %sign3A_323 = arith.subi %sign3A_319, %sign3A_322 : i32
    %ne3A_324 = arith.cmpi ne, %sign3A_316, %sign3A_323 : i32
    %rem3A_325 = arith.remsi %select_n3A_307, %jit3A_308 : i32
    %ne3A_326 = arith.constant 0 : i32
    %ne3A_327 = arith.cmpi ne, %rem3A_325, %ne3A_326 : i32
    %and3A_328 = arith.andi %ne3A_324, %ne3A_327 : i1
    %sub3A_329 = arith.constant 1 : i32
    %sub3A_330 = arith.subi %div3A_309, %sub3A_329 : i32
    %select_n3A_331 = arith.select %and3A_328, %sub3A_330, %div3A_309 : i32
    %mul3A_332 = arith.constant 16 : i32
    %mul3A_333 = arith.muli %select_n3A_331, %mul3A_332 : i32
    %get3A_334 = arith.index_cast %select_n3A_291 : i32 to index
    %get3A_335 = arith.index_cast %mul3A_333 : i32 to index
    %get3A_336 = tpu.vector_load %arg4[%get3A_334, %get3A_335] {strides = array<i32>} : memref<800x128xf32, #tpu.memory_space<vmem>>, vector<16xf32>,
    %sub3A_337 = arith.subi %select_n3A_307, %mul3A_333 : i32
    %eq3A_338 = vector.broadcast %sub3A_337 : i32 to vector<16xi32>
    %eq3A_339 = arith.cmpi eq, %iota3A, %eq3A_338 : vector<16xi32>
    %slice3A_340 = vector.extract_strided_slice %div3A_23 {offsets = [3], sizes = [1], strides = [1]} : vector<16xf32> to vector<1xf32>
    %squeeze3A_341 = vector.extract %slice3A_340[0] : f32 from vector<1xf32>
    %broadcast_in_dim3A_342 = vector.broadcast %squeeze3A_341 : f32 to vector<16xf32>
    %select_n3A_343 = arith.select %eq3A_339, %broadcast_in_dim3A_342, %get3A_336 : vector<16xi1>, vector<16xf32>
    %swap3A_344 = arith.index_cast %select_n3A_291 : i32 to index
    %swap3A_345 = arith.index_cast %mul3A_333 : i32 to index
    %swap3A_346 = tpu.vector_load %arg4[%swap3A_344, %swap3A_345] {strides = array<i32>} : memref<800x128xf32, #tpu.memory_space<vmem>>, vector<16xf32>,
    tpu.vector_store %arg4[%swap3A_344, %swap3A_345], %select_n3A_343 {strides = array<i32>} : memref<800x128xf32, #tpu.memory_space<vmem>>, vector<16xf32>,
    %slice3A_347 = vector.extract_strided_slice %scan3A_13#1 {offsets = [4], sizes = [1], strides = [1]} : vector<16xi32> to vector<1xi32>
    %squeeze3A_348 = vector.extract %slice3A_347[0] : i32 from vector<1xi32>
    %jit3A_349 = arith.constant 128 : i32
    %div3A_350 = arith.divsi %squeeze3A_348, %jit3A_349 : i32
    %sign3A_351 = arith.constant 0 : i32
    %sign3A_352 = arith.cmpi sgt, %squeeze3A_348, %sign3A_351 : i32
    %sign3A_353 = arith.extui %sign3A_352 : i1 to i32
    %sign3A_354 = arith.constant 0 : i32
    %sign3A_355 = arith.cmpi slt, %squeeze3A_348, %sign3A_354 : i32
    %sign3A_356 = arith.extui %sign3A_355 : i1 to i32
    %sign3A_357 = arith.subi %sign3A_353, %sign3A_356 : i32
    %sign3A_358 = arith.constant 0 : i32
    %sign3A_359 = arith.cmpi sgt, %jit3A_349, %sign3A_358 : i32
    %sign3A_360 = arith.extui %sign3A_359 : i1 to i32
    %sign3A_361 = arith.constant 0 : i32
    %sign3A_362 = arith.cmpi slt, %jit3A_349, %sign3A_361 : i32
    %sign3A_363 = arith.extui %sign3A_362 : i1 to i32
    %sign3A_364 = arith.subi %sign3A_360, %sign3A_363 : i32
    %ne3A_365 = arith.cmpi ne, %sign3A_357, %sign3A_364 : i32
    %rem3A_366 = arith.remsi %squeeze3A_348, %jit3A_349 : i32
    %ne3A_367 = arith.constant 0 : i32
    %ne3A_368 = arith.cmpi ne, %rem3A_366, %ne3A_367 : i32
    %and3A_369 = arith.andi %ne3A_365, %ne3A_368 : i1
    %sub3A_370 = arith.constant 1 : i32
    %sub3A_371 = arith.subi %div3A_350, %sub3A_370 : i32
    %select_n3A_372 = arith.select %and3A_369, %sub3A_371, %div3A_350 : i32
    %jit3A_373 = arith.constant 128 : i32
    %eq3A_374 = arith.constant 0 : i32
    %eq3A_375 = arith.cmpi eq, %jit3A_373, %eq3A_374 : i32
    %jit3A_376 = arith.constant 1 : i32
    %select_n3A_377 = arith.select %eq3A_375, %jit3A_376, %jit3A_373 : i32
    %rem3A_378 = arith.remsi %squeeze3A_348, %select_n3A_377 : i32
    %ne3A_379 = arith.constant 0 : i32
    %ne3A_380 = arith.cmpi ne, %rem3A_378, %ne3A_379 : i32
    %lt3A_381 = arith.constant 0 : i32
    %lt3A_382 = arith.cmpi slt, %rem3A_378, %lt3A_381 : i32
    %lt3A_383 = arith.constant 0 : i32
    %lt3A_384 = arith.cmpi slt, %select_n3A_377, %lt3A_383 : i32
    %ne3A_385 = arith.xori %lt3A_382, %lt3A_384 : i1
    %and3A_386 = arith.andi %ne3A_385, %ne3A_380 : i1
    %add3A_387 = arith.addi %rem3A_378, %select_n3A_377 : i32
    %select_n3A_388 = arith.select %and3A_386, %add3A_387, %rem3A_378 : i32
    %jit3A_389 = arith.constant 16 : i32
    %div3A_390 = arith.divsi %select_n3A_388, %jit3A_389 : i32
    %sign3A_391 = arith.constant 0 : i32
    %sign3A_392 = arith.cmpi sgt, %select_n3A_388, %sign3A_391 : i32
    %sign3A_393 = arith.extui %sign3A_392 : i1 to i32
    %sign3A_394 = arith.constant 0 : i32
    %sign3A_395 = arith.cmpi slt, %select_n3A_388, %sign3A_394 : i32
    %sign3A_396 = arith.extui %sign3A_395 : i1 to i32
    %sign3A_397 = arith.subi %sign3A_393, %sign3A_396 : i32
    %sign3A_398 = arith.constant 0 : i32
    %sign3A_399 = arith.cmpi sgt, %jit3A_389, %sign3A_398 : i32
    %sign3A_400 = arith.extui %sign3A_399 : i1 to i32
    %sign3A_401 = arith.constant 0 : i32
    %sign3A_402 = arith.cmpi slt, %jit3A_389, %sign3A_401 : i32
    %sign3A_403 = arith.extui %sign3A_402 : i1 to i32
    %sign3A_404 = arith.subi %sign3A_400, %sign3A_403 : i32
    %ne3A_405 = arith.cmpi ne, %sign3A_397, %sign3A_404 : i32
    %rem3A_406 = arith.remsi %select_n3A_388, %jit3A_389 : i32
    %ne3A_407 = arith.constant 0 : i32
    %ne3A_408 = arith.cmpi ne, %rem3A_406, %ne3A_407 : i32
    %and3A_409 = arith.andi %ne3A_405, %ne3A_408 : i1
    %sub3A_410 = arith.constant 1 : i32
    %sub3A_411 = arith.subi %div3A_390, %sub3A_410 : i32
    %select_n3A_412 = arith.select %and3A_409, %sub3A_411, %div3A_390 : i32
    %mul3A_413 = arith.constant 16 : i32
    %mul3A_414 = arith.muli %select_n3A_412, %mul3A_413 : i32
    %get3A_415 = arith.index_cast %select_n3A_372 : i32 to index
    %get3A_416 = arith.index_cast %mul3A_414 : i32 to index
    %get3A_417 = tpu.vector_load %arg4[%get3A_415, %get3A_416] {strides = array<i32>} : memref<800x128xf32, #tpu.memory_space<vmem>>, vector<16xf32>,
    %sub3A_418 = arith.subi %select_n3A_388, %mul3A_414 : i32
    %eq3A_419 = vector.broadcast %sub3A_418 : i32 to vector<16xi32>
    %eq3A_420 = arith.cmpi eq, %iota3A, %eq3A_419 : vector<16xi32>
    %slice3A_421 = vector.extract_strided_slice %div3A_23 {offsets = [4], sizes = [1], strides = [1]} : vector<16xf32> to vector<1xf32>
    %squeeze3A_422 = vector.extract %slice3A_421[0] : f32 from vector<1xf32>
    %broadcast_in_dim3A_423 = vector.broadcast %squeeze3A_422 : f32 to vector<16xf32>
    %select_n3A_424 = arith.select %eq3A_420, %broadcast_in_dim3A_423, %get3A_417 : vector<16xi1>, vector<16xf32>
    %swap3A_425 = arith.index_cast %select_n3A_372 : i32 to index
    %swap3A_426 = arith.index_cast %mul3A_414 : i32 to index
    %swap3A_427 = tpu.vector_load %arg4[%swap3A_425, %swap3A_426] {strides = array<i32>} : memref<800x128xf32, #tpu.memory_space<vmem>>, vector<16xf32>,
    tpu.vector_store %arg4[%swap3A_425, %swap3A_426], %select_n3A_424 {strides = array<i32>} : memref<800x128xf32, #tpu.memory_space<vmem>>, vector<16xf32>,
    %slice3A_428 = vector.extract_strided_slice %scan3A_13#1 {offsets = [5], sizes = [1], strides = [1]} : vector<16xi32> to vector<1xi32>
    %squeeze3A_429 = vector.extract %slice3A_428[0] : i32 from vector<1xi32>
    %jit3A_430 = arith.constant 128 : i32
    %div3A_431 = arith.divsi %squeeze3A_429, %jit3A_430 : i32
    %sign3A_432 = arith.constant 0 : i32
    %sign3A_433 = arith.cmpi sgt, %squeeze3A_429, %sign3A_432 : i32
    %sign3A_434 = arith.extui %sign3A_433 : i1 to i32
    %sign3A_435 = arith.constant 0 : i32
    %sign3A_436 = arith.cmpi slt, %squeeze3A_429, %sign3A_435 : i32
    %sign3A_437 = arith.extui %sign3A_436 : i1 to i32
    %sign3A_438 = arith.subi %sign3A_434, %sign3A_437 : i32
    %sign3A_439 = arith.constant 0 : i32
    %sign3A_440 = arith.cmpi sgt, %jit3A_430, %sign3A_439 : i32
    %sign3A_441 = arith.extui %sign3A_440 : i1 to i32
    %sign3A_442 = arith.constant 0 : i32
    %sign3A_443 = arith.cmpi slt, %jit3A_430, %sign3A_442 : i32
    %sign3A_444 = arith.extui %sign3A_443 : i1 to i32
    %sign3A_445 = arith.subi %sign3A_441, %sign3A_444 : i32
    %ne3A_446 = arith.cmpi ne, %sign3A_438, %sign3A_445 : i32
    %rem3A_447 = arith.remsi %squeeze3A_429, %jit3A_430 : i32
    %ne3A_448 = arith.constant 0 : i32
    %ne3A_449 = arith.cmpi ne, %rem3A_447, %ne3A_448 : i32
    %and3A_450 = arith.andi %ne3A_446, %ne3A_449 : i1
    %sub3A_451 = arith.constant 1 : i32
    %sub3A_452 = arith.subi %div3A_431, %sub3A_451 : i32
    %select_n3A_453 = arith.select %and3A_450, %sub3A_452, %div3A_431 : i32
    %jit3A_454 = arith.constant 128 : i32
    %eq3A_455 = arith.constant 0 : i32
    %eq3A_456 = arith.cmpi eq, %jit3A_454, %eq3A_455 : i32
    %jit3A_457 = arith.constant 1 : i32
    %select_n3A_458 = arith.select %eq3A_456, %jit3A_457, %jit3A_454 : i32
    %rem3A_459 = arith.remsi %squeeze3A_429, %select_n3A_458 : i32
    %ne3A_460 = arith.constant 0 : i32
    %ne3A_461 = arith.cmpi ne, %rem3A_459, %ne3A_460 : i32
    %lt3A_462 = arith.constant 0 : i32
    %lt3A_463 = arith.cmpi slt, %rem3A_459, %lt3A_462 : i32
    %lt3A_464 = arith.constant 0 : i32
    %lt3A_465 = arith.cmpi slt, %select_n3A_458, %lt3A_464 : i32
    %ne3A_466 = arith.xori %lt3A_463, %lt3A_465 : i1
    %and3A_467 = arith.andi %ne3A_466, %ne3A_461 : i1
    %add3A_468 = arith.addi %rem3A_459, %select_n3A_458 : i32
    %select_n3A_469 = arith.select %and3A_467, %add3A_468, %rem3A_459 : i32
    %jit3A_470 = arith.constant 16 : i32
    %div3A_471 = arith.divsi %select_n3A_469, %jit3A_470 : i32
    %sign3A_472 = arith.constant 0 : i32
    %sign3A_473 = arith.cmpi sgt, %select_n3A_469, %sign3A_472 : i32
    %sign3A_474 = arith.extui %sign3A_473 : i1 to i32
    %sign3A_475 = arith.constant 0 : i32
    %sign3A_476 = arith.cmpi slt, %select_n3A_469, %sign3A_475 : i32
    %sign3A_477 = arith.extui %sign3A_476 : i1 to i32
    %sign3A_478 = arith.subi %sign3A_474, %sign3A_477 : i32
    %sign3A_479 = arith.constant 0 : i32
    %sign3A_480 = arith.cmpi sgt, %jit3A_470, %sign3A_479 : i32
    %sign3A_481 = arith.extui %sign3A_480 : i1 to i32
    %sign3A_482 = arith.constant 0 : i32
    %sign3A_483 = arith.cmpi slt, %jit3A_470, %sign3A_482 : i32
    %sign3A_484 = arith.extui %sign3A_483 : i1 to i32
    %sign3A_485 = arith.subi %sign3A_481, %sign3A_484 : i32
    %ne3A_486 = arith.cmpi ne, %sign3A_478, %sign3A_485 : i32
    %rem3A_487 = arith.remsi %select_n3A_469, %jit3A_470 : i32
    %ne3A_488 = arith.constant 0 : i32
    %ne3A_489 = arith.cmpi ne, %rem3A_487, %ne3A_488 : i32
    %and3A_490 = arith.andi %ne3A_486, %ne3A_489 : i1
    %sub3A_491 = arith.constant 1 : i32
    %sub3A_492 = arith.subi %div3A_471, %sub3A_491 : i32
    %select_n3A_493 = arith.select %and3A_490, %sub3A_492, %div3A_471 : i32
    %mul3A_494 = arith.constant 16 : i32
    %mul3A_495 = arith.muli %select_n3A_493, %mul3A_494 : i32
    %get3A_496 = arith.index_cast %select_n3A_453 : i32 to index
    %get3A_497 = arith.index_cast %mul3A_495 : i32 to index
    %get3A_498 = tpu.vector_load %arg4[%get3A_496, %get3A_497] {strides = array<i32>} : memref<800x128xf32, #tpu.memory_space<vmem>>, vector<16xf32>,
    %sub3A_499 = arith.subi %select_n3A_469, %mul3A_495 : i32
    %eq3A_500 = vector.broadcast %sub3A_499 : i32 to vector<16xi32>
    %eq3A_501 = arith.cmpi eq, %iota3A, %eq3A_500 : vector<16xi32>
    %slice3A_502 = vector.extract_strided_slice %div3A_23 {offsets = [5], sizes = [1], strides = [1]} : vector<16xf32> to vector<1xf32>
    %squeeze3A_503 = vector.extract %slice3A_502[0] : f32 from vector<1xf32>
    %broadcast_in_dim3A_504 = vector.broadcast %squeeze3A_503 : f32 to vector<16xf32>
    %select_n3A_505 = arith.select %eq3A_501, %broadcast_in_dim3A_504, %get3A_498 : vector<16xi1>, vector<16xf32>
    %swap3A_506 = arith.index_cast %select_n3A_453 : i32 to index
    %swap3A_507 = arith.index_cast %mul3A_495 : i32 to index
    %swap3A_508 = tpu.vector_load %arg4[%swap3A_506, %swap3A_507] {strides = array<i32>} : memref<800x128xf32, #tpu.memory_space<vmem>>, vector<16xf32>,
    tpu.vector_store %arg4[%swap3A_506, %swap3A_507], %select_n3A_505 {strides = array<i32>} : memref<800x128xf32, #tpu.memory_space<vmem>>, vector<16xf32>,
    %slice3A_509 = vector.extract_strided_slice %scan3A_13#1 {offsets = [6], sizes = [1], strides = [1]} : vector<16xi32> to vector<1xi32>
    %squeeze3A_510 = vector.extract %slice3A_509[0] : i32 from vector<1xi32>
    %jit3A_511 = arith.constant 128 : i32
    %div3A_512 = arith.divsi %squeeze3A_510, %jit3A_511 : i32
    %sign3A_513 = arith.constant 0 : i32
    %sign3A_514 = arith.cmpi sgt, %squeeze3A_510, %sign3A_513 : i32
    %sign3A_515 = arith.extui %sign3A_514 : i1 to i32
    %sign3A_516 = arith.constant 0 : i32
    %sign3A_517 = arith.cmpi slt, %squeeze3A_510, %sign3A_516 : i32
    %sign3A_518 = arith.extui %sign3A_517 : i1 to i32
    %sign3A_519 = arith.subi %sign3A_515, %sign3A_518 : i32
    %sign3A_520 = arith.constant 0 : i32
    %sign3A_521 = arith.cmpi sgt, %jit3A_511, %sign3A_520 : i32
    %sign3A_522 = arith.extui %sign3A_521 : i1 to i32
    %sign3A_523 = arith.constant 0 : i32
    %sign3A_524 = arith.cmpi slt, %jit3A_511, %sign3A_523 : i32
    %sign3A_525 = arith.extui %sign3A_524 : i1 to i32
    %sign3A_526 = arith.subi %sign3A_522, %sign3A_525 : i32
    %ne3A_527 = arith.cmpi ne, %sign3A_519, %sign3A_526 : i32
    %rem3A_528 = arith.remsi %squeeze3A_510, %jit3A_511 : i32
    %ne3A_529 = arith.constant 0 : i32
    %ne3A_530 = arith.cmpi ne, %rem3A_528, %ne3A_529 : i32
    %and3A_531 = arith.andi %ne3A_527, %ne3A_530 : i1
    %sub3A_532 = arith.constant 1 : i32
    %sub3A_533 = arith.subi %div3A_512, %sub3A_532 : i32
    %select_n3A_534 = arith.select %and3A_531, %sub3A_533, %div3A_512 : i32
    %jit3A_535 = arith.constant 128 : i32
    %eq3A_536 = arith.constant 0 : i32
    %eq3A_537 = arith.cmpi eq, %jit3A_535, %eq3A_536 : i32
    %jit3A_538 = arith.constant 1 : i32
    %select_n3A_539 = arith.select %eq3A_537, %jit3A_538, %jit3A_535 : i32
    %rem3A_540 = arith.remsi %squeeze3A_510, %select_n3A_539 : i32
    %ne3A_541 = arith.constant 0 : i32
    %ne3A_542 = arith.cmpi ne, %rem3A_540, %ne3A_541 : i32
    %lt3A_543 = arith.constant 0 : i32
    %lt3A_544 = arith.cmpi slt, %rem3A_540, %lt3A_543 : i32
    %lt3A_545 = arith.constant 0 : i32
    %lt3A_546 = arith.cmpi slt, %select_n3A_539, %lt3A_545 : i32
    %ne3A_547 = arith.xori %lt3A_544, %lt3A_546 : i1
    %and3A_548 = arith.andi %ne3A_547, %ne3A_542 : i1
    %add3A_549 = arith.addi %rem3A_540, %select_n3A_539 : i32
    %select_n3A_550 = arith.select %and3A_548, %add3A_549, %rem3A_540 : i32
    %jit3A_551 = arith.constant 16 : i32
    %div3A_552 = arith.divsi %select_n3A_550, %jit3A_551 : i32
    %sign3A_553 = arith.constant 0 : i32
    %sign3A_554 = arith.cmpi sgt, %select_n3A_550, %sign3A_553 : i32
    %sign3A_555 = arith.extui %sign3A_554 : i1 to i32
    %sign3A_556 = arith.constant 0 : i32
    %sign3A_557 = arith.cmpi slt, %select_n3A_550, %sign3A_556 : i32
    %sign3A_558 = arith.extui %sign3A_557 : i1 to i32
    %sign3A_559 = arith.subi %sign3A_555, %sign3A_558 : i32
    %sign3A_560 = arith.constant 0 : i32
    %sign3A_561 = arith.cmpi sgt, %jit3A_551, %sign3A_560 : i32
    %sign3A_562 = arith.extui %sign3A_561 : i1 to i32
    %sign3A_563 = arith.constant 0 : i32
    %sign3A_564 = arith.cmpi slt, %jit3A_551, %sign3A_563 : i32
    %sign3A_565 = arith.extui %sign3A_564 : i1 to i32
    %sign3A_566 = arith.subi %sign3A_562, %sign3A_565 : i32
    %ne3A_567 = arith.cmpi ne, %sign3A_559, %sign3A_566 : i32
    %rem3A_568 = arith.remsi %select_n3A_550, %jit3A_551 : i32
    %ne3A_569 = arith.constant 0 : i32
    %ne3A_570 = arith.cmpi ne, %rem3A_568, %ne3A_569 : i32
    %and3A_571 = arith.andi %ne3A_567, %ne3A_570 : i1
    %sub3A_572 = arith.constant 1 : i32
    %sub3A_573 = arith.subi %div3A_552, %sub3A_572 : i32
    %select_n3A_574 = arith.select %and3A_571, %sub3A_573, %div3A_552 : i32
    %mul3A_575 = arith.constant 16 : i32
    %mul3A_576 = arith.muli %select_n3A_574, %mul3A_575 : i32
    %get3A_577 = arith.index_cast %select_n3A_534 : i32 to index
    %get3A_578 = arith.index_cast %mul3A_576 : i32 to index
    %get3A_579 = tpu.vector_load %arg4[%get3A_577, %get3A_578] {strides = array<i32>} : memref<800x128xf32, #tpu.memory_space<vmem>>, vector<16xf32>,
    %sub3A_580 = arith.subi %select_n3A_550, %mul3A_576 : i32
    %eq3A_581 = vector.broadcast %sub3A_580 : i32 to vector<16xi32>
    %eq3A_582 = arith.cmpi eq, %iota3A, %eq3A_581 : vector<16xi32>
    %slice3A_583 = vector.extract_strided_slice %div3A_23 {offsets = [6], sizes = [1], strides = [1]} : vector<16xf32> to vector<1xf32>
    %squeeze3A_584 = vector.extract %slice3A_583[0] : f32 from vector<1xf32>
    %broadcast_in_dim3A_585 = vector.broadcast %squeeze3A_584 : f32 to vector<16xf32>
    %select_n3A_586 = arith.select %eq3A_582, %broadcast_in_dim3A_585, %get3A_579 : vector<16xi1>, vector<16xf32>
    %swap3A_587 = arith.index_cast %select_n3A_534 : i32 to index
    %swap3A_588 = arith.index_cast %mul3A_576 : i32 to index
    %swap3A_589 = tpu.vector_load %arg4[%swap3A_587, %swap3A_588] {strides = array<i32>} : memref<800x128xf32, #tpu.memory_space<vmem>>, vector<16xf32>,
    tpu.vector_store %arg4[%swap3A_587, %swap3A_588], %select_n3A_586 {strides = array<i32>} : memref<800x128xf32, #tpu.memory_space<vmem>>, vector<16xf32>,
    %slice3A_590 = vector.extract_strided_slice %scan3A_13#1 {offsets = [7], sizes = [1], strides = [1]} : vector<16xi32> to vector<1xi32>
    %squeeze3A_591 = vector.extract %slice3A_590[0] : i32 from vector<1xi32>
    %jit3A_592 = arith.constant 128 : i32
    %div3A_593 = arith.divsi %squeeze3A_591, %jit3A_592 : i32
    %sign3A_594 = arith.constant 0 : i32
    %sign3A_595 = arith.cmpi sgt, %squeeze3A_591, %sign3A_594 : i32
    %sign3A_596 = arith.extui %sign3A_595 : i1 to i32
    %sign3A_597 = arith.constant 0 : i32
    %sign3A_598 = arith.cmpi slt, %squeeze3A_591, %sign3A_597 : i32
    %sign3A_599 = arith.extui %sign3A_598 : i1 to i32
    %sign3A_600 = arith.subi %sign3A_596, %sign3A_599 : i32
    %sign3A_601 = arith.constant 0 : i32
    %sign3A_602 = arith.cmpi sgt, %jit3A_592, %sign3A_601 : i32
    %sign3A_603 = arith.extui %sign3A_602 : i1 to i32
    %sign3A_604 = arith.constant 0 : i32
    %sign3A_605 = arith.cmpi slt, %jit3A_592, %sign3A_604 : i32
    %sign3A_606 = arith.extui %sign3A_605 : i1 to i32
    %sign3A_607 = arith.subi %sign3A_603, %sign3A_606 : i32
    %ne3A_608 = arith.cmpi ne, %sign3A_600, %sign3A_607 : i32
    %rem3A_609 = arith.remsi %squeeze3A_591, %jit3A_592 : i32
    %ne3A_610 = arith.constant 0 : i32
    %ne3A_611 = arith.cmpi ne, %rem3A_609, %ne3A_610 : i32
    %and3A_612 = arith.andi %ne3A_608, %ne3A_611 : i1
    %sub3A_613 = arith.constant 1 : i32
    %sub3A_614 = arith.subi %div3A_593, %sub3A_613 : i32
    %select_n3A_615 = arith.select %and3A_612, %sub3A_614, %div3A_593 : i32
    %jit3A_616 = arith.constant 128 : i32
    %eq3A_617 = arith.constant 0 : i32
    %eq3A_618 = arith.cmpi eq, %jit3A_616, %eq3A_617 : i32
    %jit3A_619 = arith.constant 1 : i32
    %select_n3A_620 = arith.select %eq3A_618, %jit3A_619, %jit3A_616 : i32
    %rem3A_621 = arith.remsi %squeeze3A_591, %select_n3A_620 : i32
    %ne3A_622 = arith.constant 0 : i32
    %ne3A_623 = arith.cmpi ne, %rem3A_621, %ne3A_622 : i32
    %lt3A_624 = arith.constant 0 : i32
    %lt3A_625 = arith.cmpi slt, %rem3A_621, %lt3A_624 : i32
    %lt3A_626 = arith.constant 0 : i32
    %lt3A_627 = arith.cmpi slt, %select_n3A_620, %lt3A_626 : i32
    %ne3A_628 = arith.xori %lt3A_625, %lt3A_627 : i1
    %and3A_629 = arith.andi %ne3A_628, %ne3A_623 : i1
    %add3A_630 = arith.addi %rem3A_621, %select_n3A_620 : i32
    %select_n3A_631 = arith.select %and3A_629, %add3A_630, %rem3A_621 : i32
    %jit3A_632 = arith.constant 16 : i32
    %div3A_633 = arith.divsi %select_n3A_631, %jit3A_632 : i32
    %sign3A_634 = arith.constant 0 : i32
    %sign3A_635 = arith.cmpi sgt, %select_n3A_631, %sign3A_634 : i32
    %sign3A_636 = arith.extui %sign3A_635 : i1 to i32
    %sign3A_637 = arith.constant 0 : i32
    %sign3A_638 = arith.cmpi slt, %select_n3A_631, %sign3A_637 : i32
    %sign3A_639 = arith.extui %sign3A_638 : i1 to i32
    %sign3A_640 = arith.subi %sign3A_636, %sign3A_639 : i32
    %sign3A_641 = arith.constant 0 : i32
    %sign3A_642 = arith.cmpi sgt, %jit3A_632, %sign3A_641 : i32
    %sign3A_643 = arith.extui %sign3A_642 : i1 to i32
    %sign3A_644 = arith.constant 0 : i32
    %sign3A_645 = arith.cmpi slt, %jit3A_632, %sign3A_644 : i32
    %sign3A_646 = arith.extui %sign3A_645 : i1 to i32
    %sign3A_647 = arith.subi %sign3A_643, %sign3A_646 : i32
    %ne3A_648 = arith.cmpi ne, %sign3A_640, %sign3A_647 : i32
    %rem3A_649 = arith.remsi %select_n3A_631, %jit3A_632 : i32
    %ne3A_650 = arith.constant 0 : i32
    %ne3A_651 = arith.cmpi ne, %rem3A_649, %ne3A_650 : i32
    %and3A_652 = arith.andi %ne3A_648, %ne3A_651 : i1
    %sub3A_653 = arith.constant 1 : i32
    %sub3A_654 = arith.subi %div3A_633, %sub3A_653 : i32
    %select_n3A_655 = arith.select %and3A_652, %sub3A_654, %div3A_633 : i32
    %mul3A_656 = arith.constant 16 : i32
    %mul3A_657 = arith.muli %select_n3A_655, %mul3A_656 : i32
    %get3A_658 = arith.index_cast %select_n3A_615 : i32 to index
    %get3A_659 = arith.index_cast %mul3A_657 : i32 to index
    %get3A_660 = tpu.vector_load %arg4[%get3A_658, %get3A_659] {strides = array<i32>} : memref<800x128xf32, #tpu.memory_space<vmem>>, vector<16xf32>,
    %sub3A_661 = arith.subi %select_n3A_631, %mul3A_657 : i32
    %eq3A_662 = vector.broadcast %sub3A_661 : i32 to vector<16xi32>
    %eq3A_663 = arith.cmpi eq, %iota3A, %eq3A_662 : vector<16xi32>
    %slice3A_664 = vector.extract_strided_slice %div3A_23 {offsets = [7], sizes = [1], strides = [1]} : vector<16xf32> to vector<1xf32>
    %squeeze3A_665 = vector.extract %slice3A_664[0] : f32 from vector<1xf32>
    %broadcast_in_dim3A_666 = vector.broadcast %squeeze3A_665 : f32 to vector<16xf32>
    %select_n3A_667 = arith.select %eq3A_663, %broadcast_in_dim3A_666, %get3A_660 : vector<16xi1>, vector<16xf32>
    %swap3A_668 = arith.index_cast %select_n3A_615 : i32 to index
    %swap3A_669 = arith.index_cast %mul3A_657 : i32 to index
    %swap3A_670 = tpu.vector_load %arg4[%swap3A_668, %swap3A_669] {strides = array<i32>} : memref<800x128xf32, #tpu.memory_space<vmem>>, vector<16xf32>,
    tpu.vector_store %arg4[%swap3A_668, %swap3A_669], %select_n3A_667 {strides = array<i32>} : memref<800x128xf32, #tpu.memory_space<vmem>>, vector<16xf32>,
    %slice3A_671 = vector.extract_strided_slice %scan3A_13#1 {offsets = [8], sizes = [1], strides = [1]} : vector<16xi32> to vector<1xi32>
    %squeeze3A_672 = vector.extract %slice3A_671[0] : i32 from vector<1xi32>
    %jit3A_673 = arith.constant 128 : i32
    %div3A_674 = arith.divsi %squeeze3A_672, %jit3A_673 : i32
    %sign3A_675 = arith.constant 0 : i32
    %sign3A_676 = arith.cmpi sgt, %squeeze3A_672, %sign3A_675 : i32
    %sign3A_677 = arith.extui %sign3A_676 : i1 to i32
    %sign3A_678 = arith.constant 0 : i32
    %sign3A_679 = arith.cmpi slt, %squeeze3A_672, %sign3A_678 : i32
    %sign3A_680 = arith.extui %sign3A_679 : i1 to i32
    %sign3A_681 = arith.subi %sign3A_677, %sign3A_680 : i32
    %sign3A_682 = arith.constant 0 : i32
    %sign3A_683 = arith.cmpi sgt, %jit3A_673, %sign3A_682 : i32
    %sign3A_684 = arith.extui %sign3A_683 : i1 to i32
    %sign3A_685 = arith.constant 0 : i32
    %sign3A_686 = arith.cmpi slt, %jit3A_673, %sign3A_685 : i32
    %sign3A_687 = arith.extui %sign3A_686 : i1 to i32
    %sign3A_688 = arith.subi %sign3A_684, %sign3A_687 : i32
    %ne3A_689 = arith.cmpi ne, %sign3A_681, %sign3A_688 : i32
    %rem3A_690 = arith.remsi %squeeze3A_672, %jit3A_673 : i32
    %ne3A_691 = arith.constant 0 : i32
    %ne3A_692 = arith.cmpi ne, %rem3A_690, %ne3A_691 : i32
    %and3A_693 = arith.andi %ne3A_689, %ne3A_692 : i1
    %sub3A_694 = arith.constant 1 : i32
    %sub3A_695 = arith.subi %div3A_674, %sub3A_694 : i32
    %select_n3A_696 = arith.select %and3A_693, %sub3A_695, %div3A_674 : i32
    %jit3A_697 = arith.constant 128 : i32
    %eq3A_698 = arith.constant 0 : i32
    %eq3A_699 = arith.cmpi eq, %jit3A_697, %eq3A_698 : i32
    %jit3A_700 = arith.constant 1 : i32
    %select_n3A_701 = arith.select %eq3A_699, %jit3A_700, %jit3A_697 : i32
    %rem3A_702 = arith.remsi %squeeze3A_672, %select_n3A_701 : i32
    %ne3A_703 = arith.constant 0 : i32
    %ne3A_704 = arith.cmpi ne, %rem3A_702, %ne3A_703 : i32
    %lt3A_705 = arith.constant 0 : i32
    %lt3A_706 = arith.cmpi slt, %rem3A_702, %lt3A_705 : i32
    %lt3A_707 = arith.constant 0 : i32
    %lt3A_708 = arith.cmpi slt, %select_n3A_701, %lt3A_707 : i32
    %ne3A_709 = arith.xori %lt3A_706, %lt3A_708 : i1
    %and3A_710 = arith.andi %ne3A_709, %ne3A_704 : i1
    %add3A_711 = arith.addi %rem3A_702, %select_n3A_701 : i32
    %select_n3A_712 = arith.select %and3A_710, %add3A_711, %rem3A_702 : i32
    %jit3A_713 = arith.constant 16 : i32
    %div3A_714 = arith.divsi %select_n3A_712, %jit3A_713 : i32
    %sign3A_715 = arith.constant 0 : i32
    %sign3A_716 = arith.cmpi sgt, %select_n3A_712, %sign3A_715 : i32
    %sign3A_717 = arith.extui %sign3A_716 : i1 to i32
    %sign3A_718 = arith.constant 0 : i32
    %sign3A_719 = arith.cmpi slt, %select_n3A_712, %sign3A_718 : i32
    %sign3A_720 = arith.extui %sign3A_719 : i1 to i32
    %sign3A_721 = arith.subi %sign3A_717, %sign3A_720 : i32
    %sign3A_722 = arith.constant 0 : i32
    %sign3A_723 = arith.cmpi sgt, %jit3A_713, %sign3A_722 : i32
    %sign3A_724 = arith.extui %sign3A_723 : i1 to i32
    %sign3A_725 = arith.constant 0 : i32
    %sign3A_726 = arith.cmpi slt, %jit3A_713, %sign3A_725 : i32
    %sign3A_727 = arith.extui %sign3A_726 : i1 to i32
    %sign3A_728 = arith.subi %sign3A_724, %sign3A_727 : i32
    %ne3A_729 = arith.cmpi ne, %sign3A_721, %sign3A_728 : i32
    %rem3A_730 = arith.remsi %select_n3A_712, %jit3A_713 : i32
    %ne3A_731 = arith.constant 0 : i32
    %ne3A_732 = arith.cmpi ne, %rem3A_730, %ne3A_731 : i32
    %and3A_733 = arith.andi %ne3A_729, %ne3A_732 : i1
    %sub3A_734 = arith.constant 1 : i32
    %sub3A_735 = arith.subi %div3A_714, %sub3A_734 : i32
    %select_n3A_736 = arith.select %and3A_733, %sub3A_735, %div3A_714 : i32
    %mul3A_737 = arith.constant 16 : i32
    %mul3A_738 = arith.muli %select_n3A_736, %mul3A_737 : i32
    %get3A_739 = arith.index_cast %select_n3A_696 : i32 to index
    %get3A_740 = arith.index_cast %mul3A_738 : i32 to index
    %get3A_741 = tpu.vector_load %arg4[%get3A_739, %get3A_740] {strides = array<i32>} : memref<800x128xf32, #tpu.memory_space<vmem>>, vector<16xf32>,
    %sub3A_742 = arith.subi %select_n3A_712, %mul3A_738 : i32
    %eq3A_743 = vector.broadcast %sub3A_742 : i32 to vector<16xi32>
    %eq3A_744 = arith.cmpi eq, %iota3A, %eq3A_743 : vector<16xi32>
    %slice3A_745 = vector.extract_strided_slice %div3A_23 {offsets = [8], sizes = [1], strides = [1]} : vector<16xf32> to vector<1xf32>
    %squeeze3A_746 = vector.extract %slice3A_745[0] : f32 from vector<1xf32>
    %broadcast_in_dim3A_747 = vector.broadcast %squeeze3A_746 : f32 to vector<16xf32>
    %select_n3A_748 = arith.select %eq3A_744, %broadcast_in_dim3A_747, %get3A_741 : vector<16xi1>, vector<16xf32>
    %swap3A_749 = arith.index_cast %select_n3A_696 : i32 to index
    %swap3A_750 = arith.index_cast %mul3A_738 : i32 to index
    %swap3A_751 = tpu.vector_load %arg4[%swap3A_749, %swap3A_750] {strides = array<i32>} : memref<800x128xf32, #tpu.memory_space<vmem>>, vector<16xf32>,
    tpu.vector_store %arg4[%swap3A_749, %swap3A_750], %select_n3A_748 {strides = array<i32>} : memref<800x128xf32, #tpu.memory_space<vmem>>, vector<16xf32>,
    %slice3A_752 = vector.extract_strided_slice %scan3A_13#1 {offsets = [9], sizes = [1], strides = [1]} : vector<16xi32> to vector<1xi32>
    %squeeze3A_753 = vector.extract %slice3A_752[0] : i32 from vector<1xi32>
    %jit3A_754 = arith.constant 128 : i32
    %div3A_755 = arith.divsi %squeeze3A_753, %jit3A_754 : i32
    %sign3A_756 = arith.constant 0 : i32
    %sign3A_757 = arith.cmpi sgt, %squeeze3A_753, %sign3A_756 : i32
    %sign3A_758 = arith.extui %sign3A_757 : i1 to i32
    %sign3A_759 = arith.constant 0 : i32
    %sign3A_760 = arith.cmpi slt, %squeeze3A_753, %sign3A_759 : i32
    %sign3A_761 = arith.extui %sign3A_760 : i1 to i32
    %sign3A_762 = arith.subi %sign3A_758, %sign3A_761 : i32
    %sign3A_763 = arith.constant 0 : i32
    %sign3A_764 = arith.cmpi sgt, %jit3A_754, %sign3A_763 : i32
    %sign3A_765 = arith.extui %sign3A_764 : i1 to i32
    %sign3A_766 = arith.constant 0 : i32
    %sign3A_767 = arith.cmpi slt, %jit3A_754, %sign3A_766 : i32
    %sign3A_768 = arith.extui %sign3A_767 : i1 to i32
    %sign3A_769 = arith.subi %sign3A_765, %sign3A_768 : i32
    %ne3A_770 = arith.cmpi ne, %sign3A_762, %sign3A_769 : i32
    %rem3A_771 = arith.remsi %squeeze3A_753, %jit3A_754 : i32
    %ne3A_772 = arith.constant 0 : i32
    %ne3A_773 = arith.cmpi ne, %rem3A_771, %ne3A_772 : i32
    %and3A_774 = arith.andi %ne3A_770, %ne3A_773 : i1
    %sub3A_775 = arith.constant 1 : i32
    %sub3A_776 = arith.subi %div3A_755, %sub3A_775 : i32
    %select_n3A_777 = arith.select %and3A_774, %sub3A_776, %div3A_755 : i32
    %jit3A_778 = arith.constant 128 : i32
    %eq3A_779 = arith.constant 0 : i32
    %eq3A_780 = arith.cmpi eq, %jit3A_778, %eq3A_779 : i32
    %jit3A_781 = arith.constant 1 : i32
    %select_n3A_782 = arith.select %eq3A_780, %jit3A_781, %jit3A_778 : i32
    %rem3A_783 = arith.remsi %squeeze3A_753, %select_n3A_782 : i32
    %ne3A_784 = arith.constant 0 : i32
    %ne3A_785 = arith.cmpi ne, %rem3A_783, %ne3A_784 : i32
    %lt3A_786 = arith.constant 0 : i32
    %lt3A_787 = arith.cmpi slt, %rem3A_783, %lt3A_786 : i32
    %lt3A_788 = arith.constant 0 : i32
    %lt3A_789 = arith.cmpi slt, %select_n3A_782, %lt3A_788 : i32
    %ne3A_790 = arith.xori %lt3A_787, %lt3A_789 : i1
    %and3A_791 = arith.andi %ne3A_790, %ne3A_785 : i1
    %add3A_792 = arith.addi %rem3A_783, %select_n3A_782 : i32
    %select_n3A_793 = arith.select %and3A_791, %add3A_792, %rem3A_783 : i32
    %jit3A_794 = arith.constant 16 : i32
    %div3A_795 = arith.divsi %select_n3A_793, %jit3A_794 : i32
    %sign3A_796 = arith.constant 0 : i32
    %sign3A_797 = arith.cmpi sgt, %select_n3A_793, %sign3A_796 : i32
    %sign3A_798 = arith.extui %sign3A_797 : i1 to i32
    %sign3A_799 = arith.constant 0 : i32
    %sign3A_800 = arith.cmpi slt, %select_n3A_793, %sign3A_799 : i32
    %sign3A_801 = arith.extui %sign3A_800 : i1 to i32
    %sign3A_802 = arith.subi %sign3A_798, %sign3A_801 : i32
    %sign3A_803 = arith.constant 0 : i32
    %sign3A_804 = arith.cmpi sgt, %jit3A_794, %sign3A_803 : i32
    %sign3A_805 = arith.extui %sign3A_804 : i1 to i32
    %sign3A_806 = arith.constant 0 : i32
    %sign3A_807 = arith.cmpi slt, %jit3A_794, %sign3A_806 : i32
    %sign3A_808 = arith.extui %sign3A_807 : i1 to i32
    %sign3A_809 = arith.subi %sign3A_805, %sign3A_808 : i32
    %ne3A_810 = arith.cmpi ne, %sign3A_802, %sign3A_809 : i32
    %rem3A_811 = arith.remsi %select_n3A_793, %jit3A_794 : i32
    %ne3A_812 = arith.constant 0 : i32
    %ne3A_813 = arith.cmpi ne, %rem3A_811, %ne3A_812 : i32
    %and3A_814 = arith.andi %ne3A_810, %ne3A_813 : i1
    %sub3A_815 = arith.constant 1 : i32
    %sub3A_816 = arith.subi %div3A_795, %sub3A_815 : i32
    %select_n3A_817 = arith.select %and3A_814, %sub3A_816, %div3A_795 : i32
    %mul3A_818 = arith.constant 16 : i32
    %mul3A_819 = arith.muli %select_n3A_817, %mul3A_818 : i32
    %get3A_820 = arith.index_cast %select_n3A_777 : i32 to index
    %get3A_821 = arith.index_cast %mul3A_819 : i32 to index
    %get3A_822 = tpu.vector_load %arg4[%get3A_820, %get3A_821] {strides = array<i32>} : memref<800x128xf32, #tpu.memory_space<vmem>>, vector<16xf32>,
    %sub3A_823 = arith.subi %select_n3A_793, %mul3A_819 : i32
    %eq3A_824 = vector.broadcast %sub3A_823 : i32 to vector<16xi32>
    %eq3A_825 = arith.cmpi eq, %iota3A, %eq3A_824 : vector<16xi32>
    %slice3A_826 = vector.extract_strided_slice %div3A_23 {offsets = [9], sizes = [1], strides = [1]} : vector<16xf32> to vector<1xf32>
    %squeeze3A_827 = vector.extract %slice3A_826[0] : f32 from vector<1xf32>
    %broadcast_in_dim3A_828 = vector.broadcast %squeeze3A_827 : f32 to vector<16xf32>
    %select_n3A_829 = arith.select %eq3A_825, %broadcast_in_dim3A_828, %get3A_822 : vector<16xi1>, vector<16xf32>
    %swap3A_830 = arith.index_cast %select_n3A_777 : i32 to index
    %swap3A_831 = arith.index_cast %mul3A_819 : i32 to index
    %swap3A_832 = tpu.vector_load %arg4[%swap3A_830, %swap3A_831] {strides = array<i32>} : memref<800x128xf32, #tpu.memory_space<vmem>>, vector<16xf32>,
    tpu.vector_store %arg4[%swap3A_830, %swap3A_831], %select_n3A_829 {strides = array<i32>} : memref<800x128xf32, #tpu.memory_space<vmem>>, vector<16xf32>,
    %slice3A_833 = vector.extract_strided_slice %scan3A_13#1 {offsets = [10], sizes = [1], strides = [1]} : vector<16xi32> to vector<1xi32>
    %squeeze3A_834 = vector.extract %slice3A_833[0] : i32 from vector<1xi32>
    %jit3A_835 = arith.constant 128 : i32
    %div3A_836 = arith.divsi %squeeze3A_834, %jit3A_835 : i32
    %sign3A_837 = arith.constant 0 : i32
    %sign3A_838 = arith.cmpi sgt, %squeeze3A_834, %sign3A_837 : i32
    %sign3A_839 = arith.extui %sign3A_838 : i1 to i32
    %sign3A_840 = arith.constant 0 : i32
    %sign3A_841 = arith.cmpi slt, %squeeze3A_834, %sign3A_840 : i32
    %sign3A_842 = arith.extui %sign3A_841 : i1 to i32
    %sign3A_843 = arith.subi %sign3A_839, %sign3A_842 : i32
    %sign3A_844 = arith.constant 0 : i32
    %sign3A_845 = arith.cmpi sgt, %jit3A_835, %sign3A_844 : i32
    %sign3A_846 = arith.extui %sign3A_845 : i1 to i32
    %sign3A_847 = arith.constant 0 : i32
    %sign3A_848 = arith.cmpi slt, %jit3A_835, %sign3A_847 : i32
    %sign3A_849 = arith.extui %sign3A_848 : i1 to i32
    %sign3A_850 = arith.subi %sign3A_846, %sign3A_849 : i32
    %ne3A_851 = arith.cmpi ne, %sign3A_843, %sign3A_850 : i32
    %rem3A_852 = arith.remsi %squeeze3A_834, %jit3A_835 : i32
    %ne3A_853 = arith.constant 0 : i32
    %ne3A_854 = arith.cmpi ne, %rem3A_852, %ne3A_853 : i32
    %and3A_855 = arith.andi %ne3A_851, %ne3A_854 : i1
    %sub3A_856 = arith.constant 1 : i32
    %sub3A_857 = arith.subi %div3A_836, %sub3A_856 : i32
    %select_n3A_858 = arith.select %and3A_855, %sub3A_857, %div3A_836 : i32
    %jit3A_859 = arith.constant 128 : i32
    %eq3A_860 = arith.constant 0 : i32
    %eq3A_861 = arith.cmpi eq, %jit3A_859, %eq3A_860 : i32
    %jit3A_862 = arith.constant 1 : i32
    %select_n3A_863 = arith.select %eq3A_861, %jit3A_862, %jit3A_859 : i32
    %rem3A_864 = arith.remsi %squeeze3A_834, %select_n3A_863 : i32
    %ne3A_865 = arith.constant 0 : i32
    %ne3A_866 = arith.cmpi ne, %rem3A_864, %ne3A_865 : i32
    %lt3A_867 = arith.constant 0 : i32
    %lt3A_868 = arith.cmpi slt, %rem3A_864, %lt3A_867 : i32
    %lt3A_869 = arith.constant 0 : i32
    %lt3A_870 = arith.cmpi slt, %select_n3A_863, %lt3A_869 : i32
    %ne3A_871 = arith.xori %lt3A_868, %lt3A_870 : i1
    %and3A_872 = arith.andi %ne3A_871, %ne3A_866 : i1
    %add3A_873 = arith.addi %rem3A_864, %select_n3A_863 : i32
    %select_n3A_874 = arith.select %and3A_872, %add3A_873, %rem3A_864 : i32
    %jit3A_875 = arith.constant 16 : i32
    %div3A_876 = arith.divsi %select_n3A_874, %jit3A_875 : i32
    %sign3A_877 = arith.constant 0 : i32
    %sign3A_878 = arith.cmpi sgt, %select_n3A_874, %sign3A_877 : i32
    %sign3A_879 = arith.extui %sign3A_878 : i1 to i32
    %sign3A_880 = arith.constant 0 : i32
    %sign3A_881 = arith.cmpi slt, %select_n3A_874, %sign3A_880 : i32
    %sign3A_882 = arith.extui %sign3A_881 : i1 to i32
    %sign3A_883 = arith.subi %sign3A_879, %sign3A_882 : i32
    %sign3A_884 = arith.constant 0 : i32
    %sign3A_885 = arith.cmpi sgt, %jit3A_875, %sign3A_884 : i32
    %sign3A_886 = arith.extui %sign3A_885 : i1 to i32
    %sign3A_887 = arith.constant 0 : i32
    %sign3A_888 = arith.cmpi slt, %jit3A_875, %sign3A_887 : i32
    %sign3A_889 = arith.extui %sign3A_888 : i1 to i32
    %sign3A_890 = arith.subi %sign3A_886, %sign3A_889 : i32
    %ne3A_891 = arith.cmpi ne, %sign3A_883, %sign3A_890 : i32
    %rem3A_892 = arith.remsi %select_n3A_874, %jit3A_875 : i32
    %ne3A_893 = arith.constant 0 : i32
    %ne3A_894 = arith.cmpi ne, %rem3A_892, %ne3A_893 : i32
    %and3A_895 = arith.andi %ne3A_891, %ne3A_894 : i1
    %sub3A_896 = arith.constant 1 : i32
    %sub3A_897 = arith.subi %div3A_876, %sub3A_896 : i32
    %select_n3A_898 = arith.select %and3A_895, %sub3A_897, %div3A_876 : i32
    %mul3A_899 = arith.constant 16 : i32
    %mul3A_900 = arith.muli %select_n3A_898, %mul3A_899 : i32
    %get3A_901 = arith.index_cast %select_n3A_858 : i32 to index
    %get3A_902 = arith.index_cast %mul3A_900 : i32 to index
    %get3A_903 = tpu.vector_load %arg4[%get3A_901, %get3A_902] {strides = array<i32>} : memref<800x128xf32, #tpu.memory_space<vmem>>, vector<16xf32>,
    %sub3A_904 = arith.subi %select_n3A_874, %mul3A_900 : i32
    %eq3A_905 = vector.broadcast %sub3A_904 : i32 to vector<16xi32>
    %eq3A_906 = arith.cmpi eq, %iota3A, %eq3A_905 : vector<16xi32>
    %slice3A_907 = vector.extract_strided_slice %div3A_23 {offsets = [10], sizes = [1], strides = [1]} : vector<16xf32> to vector<1xf32>
    %squeeze3A_908 = vector.extract %slice3A_907[0] : f32 from vector<1xf32>
    %broadcast_in_dim3A_909 = vector.broadcast %squeeze3A_908 : f32 to vector<16xf32>
    %select_n3A_910 = arith.select %eq3A_906, %broadcast_in_dim3A_909, %get3A_903 : vector<16xi1>, vector<16xf32>
    %swap3A_911 = arith.index_cast %select_n3A_858 : i32 to index
    %swap3A_912 = arith.index_cast %mul3A_900 : i32 to index
    %swap3A_913 = tpu.vector_load %arg4[%swap3A_911, %swap3A_912] {strides = array<i32>} : memref<800x128xf32, #tpu.memory_space<vmem>>, vector<16xf32>,
    tpu.vector_store %arg4[%swap3A_911, %swap3A_912], %select_n3A_910 {strides = array<i32>} : memref<800x128xf32, #tpu.memory_space<vmem>>, vector<16xf32>,
    %slice3A_914 = vector.extract_strided_slice %scan3A_13#1 {offsets = [11], sizes = [1], strides = [1]} : vector<16xi32> to vector<1xi32>
    %squeeze3A_915 = vector.extract %slice3A_914[0] : i32 from vector<1xi32>
    %jit3A_916 = arith.constant 128 : i32
    %div3A_917 = arith.divsi %squeeze3A_915, %jit3A_916 : i32
    %sign3A_918 = arith.constant 0 : i32
    %sign3A_919 = arith.cmpi sgt, %squeeze3A_915, %sign3A_918 : i32
    %sign3A_920 = arith.extui %sign3A_919 : i1 to i32
    %sign3A_921 = arith.constant 0 : i32
    %sign3A_922 = arith.cmpi slt, %squeeze3A_915, %sign3A_921 : i32
    %sign3A_923 = arith.extui %sign3A_922 : i1 to i32
    %sign3A_924 = arith.subi %sign3A_920, %sign3A_923 : i32
    %sign3A_925 = arith.constant 0 : i32
    %sign3A_926 = arith.cmpi sgt, %jit3A_916, %sign3A_925 : i32
    %sign3A_927 = arith.extui %sign3A_926 : i1 to i32
    %sign3A_928 = arith.constant 0 : i32
    %sign3A_929 = arith.cmpi slt, %jit3A_916, %sign3A_928 : i32
    %sign3A_930 = arith.extui %sign3A_929 : i1 to i32
    %sign3A_931 = arith.subi %sign3A_927, %sign3A_930 : i32
    %ne3A_932 = arith.cmpi ne, %sign3A_924, %sign3A_931 : i32
    %rem3A_933 = arith.remsi %squeeze3A_915, %jit3A_916 : i32
    %ne3A_934 = arith.constant 0 : i32
    %ne3A_935 = arith.cmpi ne, %rem3A_933, %ne3A_934 : i32
    %and3A_936 = arith.andi %ne3A_932, %ne3A_935 : i1
    %sub3A_937 = arith.constant 1 : i32
    %sub3A_938 = arith.subi %div3A_917, %sub3A_937 : i32
    %select_n3A_939 = arith.select %and3A_936, %sub3A_938, %div3A_917 : i32
    %jit3A_940 = arith.constant 128 : i32
    %eq3A_941 = arith.constant 0 : i32
    %eq3A_942 = arith.cmpi eq, %jit3A_940, %eq3A_941 : i32
    %jit3A_943 = arith.constant 1 : i32
    %select_n3A_944 = arith.select %eq3A_942, %jit3A_943, %jit3A_940 : i32
    %rem3A_945 = arith.remsi %squeeze3A_915, %select_n3A_944 : i32
    %ne3A_946 = arith.constant 0 : i32
    %ne3A_947 = arith.cmpi ne, %rem3A_945, %ne3A_946 : i32
    %lt3A_948 = arith.constant 0 : i32
    %lt3A_949 = arith.cmpi slt, %rem3A_945, %lt3A_948 : i32
    %lt3A_950 = arith.constant 0 : i32
    %lt3A_951 = arith.cmpi slt, %select_n3A_944, %lt3A_950 : i32
    %ne3A_952 = arith.xori %lt3A_949, %lt3A_951 : i1
    %and3A_953 = arith.andi %ne3A_952, %ne3A_947 : i1
    %add3A_954 = arith.addi %rem3A_945, %select_n3A_944 : i32
    %select_n3A_955 = arith.select %and3A_953, %add3A_954, %rem3A_945 : i32
    %jit3A_956 = arith.constant 16 : i32
    %div3A_957 = arith.divsi %select_n3A_955, %jit3A_956 : i32
    %sign3A_958 = arith.constant 0 : i32
    %sign3A_959 = arith.cmpi sgt, %select_n3A_955, %sign3A_958 : i32
    %sign3A_960 = arith.extui %sign3A_959 : i1 to i32
    %sign3A_961 = arith.constant 0 : i32
    %sign3A_962 = arith.cmpi slt, %select_n3A_955, %sign3A_961 : i32
    %sign3A_963 = arith.extui %sign3A_962 : i1 to i32
    %sign3A_964 = arith.subi %sign3A_960, %sign3A_963 : i32
    %sign3A_965 = arith.constant 0 : i32
    %sign3A_966 = arith.cmpi sgt, %jit3A_956, %sign3A_965 : i32
    %sign3A_967 = arith.extui %sign3A_966 : i1 to i32
    %sign3A_968 = arith.constant 0 : i32
    %sign3A_969 = arith.cmpi slt, %jit3A_956, %sign3A_968 : i32
    %sign3A_970 = arith.extui %sign3A_969 : i1 to i32
    %sign3A_971 = arith.subi %sign3A_967, %sign3A_970 : i32
    %ne3A_972 = arith.cmpi ne, %sign3A_964, %sign3A_971 : i32
    %rem3A_973 = arith.remsi %select_n3A_955, %jit3A_956 : i32
    %ne3A_974 = arith.constant 0 : i32
    %ne3A_975 = arith.cmpi ne, %rem3A_973, %ne3A_974 : i32
    %and3A_976 = arith.andi %ne3A_972, %ne3A_975 : i1
    %sub3A_977 = arith.constant 1 : i32
    %sub3A_978 = arith.subi %div3A_957, %sub3A_977 : i32
    %select_n3A_979 = arith.select %and3A_976, %sub3A_978, %div3A_957 : i32
    %mul3A_980 = arith.constant 16 : i32
    %mul3A_981 = arith.muli %select_n3A_979, %mul3A_980 : i32
    %get3A_982 = arith.index_cast %select_n3A_939 : i32 to index
    %get3A_983 = arith.index_cast %mul3A_981 : i32 to index
    %get3A_984 = tpu.vector_load %arg4[%get3A_982, %get3A_983] {strides = array<i32>} : memref<800x128xf32, #tpu.memory_space<vmem>>, vector<16xf32>,
    %sub3A_985 = arith.subi %select_n3A_955, %mul3A_981 : i32
    %eq3A_986 = vector.broadcast %sub3A_985 : i32 to vector<16xi32>
    %eq3A_987 = arith.cmpi eq, %iota3A, %eq3A_986 : vector<16xi32>
    %slice3A_988 = vector.extract_strided_slice %div3A_23 {offsets = [11], sizes = [1], strides = [1]} : vector<16xf32> to vector<1xf32>
    %squeeze3A_989 = vector.extract %slice3A_988[0] : f32 from vector<1xf32>
    %broadcast_in_dim3A_990 = vector.broadcast %squeeze3A_989 : f32 to vector<16xf32>
    %select_n3A_991 = arith.select %eq3A_987, %broadcast_in_dim3A_990, %get3A_984 : vector<16xi1>, vector<16xf32>
    %swap3A_992 = arith.index_cast %select_n3A_939 : i32 to index
    %swap3A_993 = arith.index_cast %mul3A_981 : i32 to index
    %swap3A_994 = tpu.vector_load %arg4[%swap3A_992, %swap3A_993] {strides = array<i32>} : memref<800x128xf32, #tpu.memory_space<vmem>>, vector<16xf32>,
    tpu.vector_store %arg4[%swap3A_992, %swap3A_993], %select_n3A_991 {strides = array<i32>} : memref<800x128xf32, #tpu.memory_space<vmem>>, vector<16xf32>,
    %slice3A_995 = vector.extract_strided_slice %scan3A_13#1 {offsets = [12], sizes = [1], strides = [1]} : vector<16xi32> to vector<1xi32>
    %squeeze3A_996 = vector.extract %slice3A_995[0] : i32 from vector<1xi32>
    %jit3A_997 = arith.constant 128 : i32
    %div3A_998 = arith.divsi %squeeze3A_996, %jit3A_997 : i32
    %sign3A_999 = arith.constant 0 : i32
    %sign3A_1000 = arith.cmpi sgt, %squeeze3A_996, %sign3A_999 : i32
    %sign3A_1001 = arith.extui %sign3A_1000 : i1 to i32
    %sign3A_1002 = arith.constant 0 : i32
    %sign3A_1003 = arith.cmpi slt, %squeeze3A_996, %sign3A_1002 : i32
    %sign3A_1004 = arith.extui %sign3A_1003 : i1 to i32
    %sign3A_1005 = arith.subi %sign3A_1001, %sign3A_1004 : i32
    %sign3A_1006 = arith.constant 0 : i32
    %sign3A_1007 = arith.cmpi sgt, %jit3A_997, %sign3A_1006 : i32
    %sign3A_1008 = arith.extui %sign3A_1007 : i1 to i32
    %sign3A_1009 = arith.constant 0 : i32
    %sign3A_1010 = arith.cmpi slt, %jit3A_997, %sign3A_1009 : i32
    %sign3A_1011 = arith.extui %sign3A_1010 : i1 to i32
    %sign3A_1012 = arith.subi %sign3A_1008, %sign3A_1011 : i32
    %ne3A_1013 = arith.cmpi ne, %sign3A_1005, %sign3A_1012 : i32
    %rem3A_1014 = arith.remsi %squeeze3A_996, %jit3A_997 : i32
    %ne3A_1015 = arith.constant 0 : i32
    %ne3A_1016 = arith.cmpi ne, %rem3A_1014, %ne3A_1015 : i32
    %and3A_1017 = arith.andi %ne3A_1013, %ne3A_1016 : i1
    %sub3A_1018 = arith.constant 1 : i32
    %sub3A_1019 = arith.subi %div3A_998, %sub3A_1018 : i32
    %select_n3A_1020 = arith.select %and3A_1017, %sub3A_1019, %div3A_998 : i32
    %jit3A_1021 = arith.constant 128 : i32
    %eq3A_1022 = arith.constant 0 : i32
    %eq3A_1023 = arith.cmpi eq, %jit3A_1021, %eq3A_1022 : i32
    %jit3A_1024 = arith.constant 1 : i32
    %select_n3A_1025 = arith.select %eq3A_1023, %jit3A_1024, %jit3A_1021 : i32
    %rem3A_1026 = arith.remsi %squeeze3A_996, %select_n3A_1025 : i32
    %ne3A_1027 = arith.constant 0 : i32
    %ne3A_1028 = arith.cmpi ne, %rem3A_1026, %ne3A_1027 : i32
    %lt3A_1029 = arith.constant 0 : i32
    %lt3A_1030 = arith.cmpi slt, %rem3A_1026, %lt3A_1029 : i32
    %lt3A_1031 = arith.constant 0 : i32
    %lt3A_1032 = arith.cmpi slt, %select_n3A_1025, %lt3A_1031 : i32
    %ne3A_1033 = arith.xori %lt3A_1030, %lt3A_1032 : i1
    %and3A_1034 = arith.andi %ne3A_1033, %ne3A_1028 : i1
    %add3A_1035 = arith.addi %rem3A_1026, %select_n3A_1025 : i32
    %select_n3A_1036 = arith.select %and3A_1034, %add3A_1035, %rem3A_1026 : i32
    %jit3A_1037 = arith.constant 16 : i32
    %div3A_1038 = arith.divsi %select_n3A_1036, %jit3A_1037 : i32
    %sign3A_1039 = arith.constant 0 : i32
    %sign3A_1040 = arith.cmpi sgt, %select_n3A_1036, %sign3A_1039 : i32
    %sign3A_1041 = arith.extui %sign3A_1040 : i1 to i32
    %sign3A_1042 = arith.constant 0 : i32
    %sign3A_1043 = arith.cmpi slt, %select_n3A_1036, %sign3A_1042 : i32
    %sign3A_1044 = arith.extui %sign3A_1043 : i1 to i32
    %sign3A_1045 = arith.subi %sign3A_1041, %sign3A_1044 : i32
    %sign3A_1046 = arith.constant 0 : i32
    %sign3A_1047 = arith.cmpi sgt, %jit3A_1037, %sign3A_1046 : i32
    %sign3A_1048 = arith.extui %sign3A_1047 : i1 to i32
    %sign3A_1049 = arith.constant 0 : i32
    %sign3A_1050 = arith.cmpi slt, %jit3A_1037, %sign3A_1049 : i32
    %sign3A_1051 = arith.extui %sign3A_1050 : i1 to i32
    %sign3A_1052 = arith.subi %sign3A_1048, %sign3A_1051 : i32
    %ne3A_1053 = arith.cmpi ne, %sign3A_1045, %sign3A_1052 : i32
    %rem3A_1054 = arith.remsi %select_n3A_1036, %jit3A_1037 : i32
    %ne3A_1055 = arith.constant 0 : i32
    %ne3A_1056 = arith.cmpi ne, %rem3A_1054, %ne3A_1055 : i32
    %and3A_1057 = arith.andi %ne3A_1053, %ne3A_1056 : i1
    %sub3A_1058 = arith.constant 1 : i32
    %sub3A_1059 = arith.subi %div3A_1038, %sub3A_1058 : i32
    %select_n3A_1060 = arith.select %and3A_1057, %sub3A_1059, %div3A_1038 : i32
    %mul3A_1061 = arith.constant 16 : i32
    %mul3A_1062 = arith.muli %select_n3A_1060, %mul3A_1061 : i32
    %get3A_1063 = arith.index_cast %select_n3A_1020 : i32 to index
    %get3A_1064 = arith.index_cast %mul3A_1062 : i32 to index
    %get3A_1065 = tpu.vector_load %arg4[%get3A_1063, %get3A_1064] {strides = array<i32>} : memref<800x128xf32, #tpu.memory_space<vmem>>, vector<16xf32>,
    %sub3A_1066 = arith.subi %select_n3A_1036, %mul3A_1062 : i32
    %eq3A_1067 = vector.broadcast %sub3A_1066 : i32 to vector<16xi32>
    %eq3A_1068 = arith.cmpi eq, %iota3A, %eq3A_1067 : vector<16xi32>
    %slice3A_1069 = vector.extract_strided_slice %div3A_23 {offsets = [12], sizes = [1], strides = [1]} : vector<16xf32> to vector<1xf32>
    %squeeze3A_1070 = vector.extract %slice3A_1069[0] : f32 from vector<1xf32>
    %broadcast_in_dim3A_1071 = vector.broadcast %squeeze3A_1070 : f32 to vector<16xf32>
    %select_n3A_1072 = arith.select %eq3A_1068, %broadcast_in_dim3A_1071, %get3A_1065 : vector<16xi1>, vector<16xf32>
    %swap3A_1073 = arith.index_cast %select_n3A_1020 : i32 to index
    %swap3A_1074 = arith.index_cast %mul3A_1062 : i32 to index
    %swap3A_1075 = tpu.vector_load %arg4[%swap3A_1073, %swap3A_1074] {strides = array<i32>} : memref<800x128xf32, #tpu.memory_space<vmem>>, vector<16xf32>,
    tpu.vector_store %arg4[%swap3A_1073, %swap3A_1074], %select_n3A_1072 {strides = array<i32>} : memref<800x128xf32, #tpu.memory_space<vmem>>, vector<16xf32>,
    %slice3A_1076 = vector.extract_strided_slice %scan3A_13#1 {offsets = [13], sizes = [1], strides = [1]} : vector<16xi32> to vector<1xi32>
    %squeeze3A_1077 = vector.extract %slice3A_1076[0] : i32 from vector<1xi32>
    %jit3A_1078 = arith.constant 128 : i32
    %div3A_1079 = arith.divsi %squeeze3A_1077, %jit3A_1078 : i32
    %sign3A_1080 = arith.constant 0 : i32
    %sign3A_1081 = arith.cmpi sgt, %squeeze3A_1077, %sign3A_1080 : i32
    %sign3A_1082 = arith.extui %sign3A_1081 : i1 to i32
    %sign3A_1083 = arith.constant 0 : i32
    %sign3A_1084 = arith.cmpi slt, %squeeze3A_1077, %sign3A_1083 : i32
    %sign3A_1085 = arith.extui %sign3A_1084 : i1 to i32
    %sign3A_1086 = arith.subi %sign3A_1082, %sign3A_1085 : i32
    %sign3A_1087 = arith.constant 0 : i32
    %sign3A_1088 = arith.cmpi sgt, %jit3A_1078, %sign3A_1087 : i32
    %sign3A_1089 = arith.extui %sign3A_1088 : i1 to i32
    %sign3A_1090 = arith.constant 0 : i32
    %sign3A_1091 = arith.cmpi slt, %jit3A_1078, %sign3A_1090 : i32
    %sign3A_1092 = arith.extui %sign3A_1091 : i1 to i32
    %sign3A_1093 = arith.subi %sign3A_1089, %sign3A_1092 : i32
    %ne3A_1094 = arith.cmpi ne, %sign3A_1086, %sign3A_1093 : i32
    %rem3A_1095 = arith.remsi %squeeze3A_1077, %jit3A_1078 : i32
    %ne3A_1096 = arith.constant 0 : i32
    %ne3A_1097 = arith.cmpi ne, %rem3A_1095, %ne3A_1096 : i32
    %and3A_1098 = arith.andi %ne3A_1094, %ne3A_1097 : i1
    %sub3A_1099 = arith.constant 1 : i32
    %sub3A_1100 = arith.subi %div3A_1079, %sub3A_1099 : i32
    %select_n3A_1101 = arith.select %and3A_1098, %sub3A_1100, %div3A_1079 : i32
    %jit3A_1102 = arith.constant 128 : i32
    %eq3A_1103 = arith.constant 0 : i32
    %eq3A_1104 = arith.cmpi eq, %jit3A_1102, %eq3A_1103 : i32
    %jit3A_1105 = arith.constant 1 : i32
    %select_n3A_1106 = arith.select %eq3A_1104, %jit3A_1105, %jit3A_1102 : i32
    %rem3A_1107 = arith.remsi %squeeze3A_1077, %select_n3A_1106 : i32
    %ne3A_1108 = arith.constant 0 : i32
    %ne3A_1109 = arith.cmpi ne, %rem3A_1107, %ne3A_1108 : i32
    %lt3A_1110 = arith.constant 0 : i32
    %lt3A_1111 = arith.cmpi slt, %rem3A_1107, %lt3A_1110 : i32
    %lt3A_1112 = arith.constant 0 : i32
    %lt3A_1113 = arith.cmpi slt, %select_n3A_1106, %lt3A_1112 : i32
    %ne3A_1114 = arith.xori %lt3A_1111, %lt3A_1113 : i1
    %and3A_1115 = arith.andi %ne3A_1114, %ne3A_1109 : i1
    %add3A_1116 = arith.addi %rem3A_1107, %select_n3A_1106 : i32
    %select_n3A_1117 = arith.select %and3A_1115, %add3A_1116, %rem3A_1107 : i32
    %jit3A_1118 = arith.constant 16 : i32
    %div3A_1119 = arith.divsi %select_n3A_1117, %jit3A_1118 : i32
    %sign3A_1120 = arith.constant 0 : i32
    %sign3A_1121 = arith.cmpi sgt, %select_n3A_1117, %sign3A_1120 : i32
    %sign3A_1122 = arith.extui %sign3A_1121 : i1 to i32
    %sign3A_1123 = arith.constant 0 : i32
    %sign3A_1124 = arith.cmpi slt, %select_n3A_1117, %sign3A_1123 : i32
    %sign3A_1125 = arith.extui %sign3A_1124 : i1 to i32
    %sign3A_1126 = arith.subi %sign3A_1122, %sign3A_1125 : i32
    %sign3A_1127 = arith.constant 0 : i32
    %sign3A_1128 = arith.cmpi sgt, %jit3A_1118, %sign3A_1127 : i32
    %sign3A_1129 = arith.extui %sign3A_1128 : i1 to i32
    %sign3A_1130 = arith.constant 0 : i32
    %sign3A_1131 = arith.cmpi slt, %jit3A_1118, %sign3A_1130 : i32
    %sign3A_1132 = arith.extui %sign3A_1131 : i1 to i32
    %sign3A_1133 = arith.subi %sign3A_1129, %sign3A_1132 : i32
    %ne3A_1134 = arith.cmpi ne, %sign3A_1126, %sign3A_1133 : i32
    %rem3A_1135 = arith.remsi %select_n3A_1117, %jit3A_1118 : i32
    %ne3A_1136 = arith.constant 0 : i32
    %ne3A_1137 = arith.cmpi ne, %rem3A_1135, %ne3A_1136 : i32
    %and3A_1138 = arith.andi %ne3A_1134, %ne3A_1137 : i1
    %sub3A_1139 = arith.constant 1 : i32
    %sub3A_1140 = arith.subi %div3A_1119, %sub3A_1139 : i32
    %select_n3A_1141 = arith.select %and3A_1138, %sub3A_1140, %div3A_1119 : i32
    %mul3A_1142 = arith.constant 16 : i32
    %mul3A_1143 = arith.muli %select_n3A_1141, %mul3A_1142 : i32
    %get3A_1144 = arith.index_cast %select_n3A_1101 : i32 to index
    %get3A_1145 = arith.index_cast %mul3A_1143 : i32 to index
    %get3A_1146 = tpu.vector_load %arg4[%get3A_1144, %get3A_1145] {strides = array<i32>} : memref<800x128xf32, #tpu.memory_space<vmem>>, vector<16xf32>,
    %sub3A_1147 = arith.subi %select_n3A_1117, %mul3A_1143 : i32
    %eq3A_1148 = vector.broadcast %sub3A_1147 : i32 to vector<16xi32>
    %eq3A_1149 = arith.cmpi eq, %iota3A, %eq3A_1148 : vector<16xi32>
    %slice3A_1150 = vector.extract_strided_slice %div3A_23 {offsets = [13], sizes = [1], strides = [1]} : vector<16xf32> to vector<1xf32>
    %squeeze3A_1151 = vector.extract %slice3A_1150[0] : f32 from vector<1xf32>
    %broadcast_in_dim3A_1152 = vector.broadcast %squeeze3A_1151 : f32 to vector<16xf32>
    %select_n3A_1153 = arith.select %eq3A_1149, %broadcast_in_dim3A_1152, %get3A_1146 : vector<16xi1>, vector<16xf32>
    %swap3A_1154 = arith.index_cast %select_n3A_1101 : i32 to index
    %swap3A_1155 = arith.index_cast %mul3A_1143 : i32 to index
    %swap3A_1156 = tpu.vector_load %arg4[%swap3A_1154, %swap3A_1155] {strides = array<i32>} : memref<800x128xf32, #tpu.memory_space<vmem>>, vector<16xf32>,
    tpu.vector_store %arg4[%swap3A_1154, %swap3A_1155], %select_n3A_1153 {strides = array<i32>} : memref<800x128xf32, #tpu.memory_space<vmem>>, vector<16xf32>,
    %slice3A_1157 = vector.extract_strided_slice %scan3A_13#1 {offsets = [14], sizes = [1], strides = [1]} : vector<16xi32> to vector<1xi32>
    %squeeze3A_1158 = vector.extract %slice3A_1157[0] : i32 from vector<1xi32>
    %jit3A_1159 = arith.constant 128 : i32
    %div3A_1160 = arith.divsi %squeeze3A_1158, %jit3A_1159 : i32
    %sign3A_1161 = arith.constant 0 : i32
    %sign3A_1162 = arith.cmpi sgt, %squeeze3A_1158, %sign3A_1161 : i32
    %sign3A_1163 = arith.extui %sign3A_1162 : i1 to i32
    %sign3A_1164 = arith.constant 0 : i32
    %sign3A_1165 = arith.cmpi slt, %squeeze3A_1158, %sign3A_1164 : i32
    %sign3A_1166 = arith.extui %sign3A_1165 : i1 to i32
    %sign3A_1167 = arith.subi %sign3A_1163, %sign3A_1166 : i32
    %sign3A_1168 = arith.constant 0 : i32
    %sign3A_1169 = arith.cmpi sgt, %jit3A_1159, %sign3A_1168 : i32
    %sign3A_1170 = arith.extui %sign3A_1169 : i1 to i32
    %sign3A_1171 = arith.constant 0 : i32
    %sign3A_1172 = arith.cmpi slt, %jit3A_1159, %sign3A_1171 : i32
    %sign3A_1173 = arith.extui %sign3A_1172 : i1 to i32
    %sign3A_1174 = arith.subi %sign3A_1170, %sign3A_1173 : i32
    %ne3A_1175 = arith.cmpi ne, %sign3A_1167, %sign3A_1174 : i32
    %rem3A_1176 = arith.remsi %squeeze3A_1158, %jit3A_1159 : i32
    %ne3A_1177 = arith.constant 0 : i32
    %ne3A_1178 = arith.cmpi ne, %rem3A_1176, %ne3A_1177 : i32
    %and3A_1179 = arith.andi %ne3A_1175, %ne3A_1178 : i1
    %sub3A_1180 = arith.constant 1 : i32
    %sub3A_1181 = arith.subi %div3A_1160, %sub3A_1180 : i32
    %select_n3A_1182 = arith.select %and3A_1179, %sub3A_1181, %div3A_1160 : i32
    %jit3A_1183 = arith.constant 128 : i32
    %eq3A_1184 = arith.constant 0 : i32
    %eq3A_1185 = arith.cmpi eq, %jit3A_1183, %eq3A_1184 : i32
    %jit3A_1186 = arith.constant 1 : i32
    %select_n3A_1187 = arith.select %eq3A_1185, %jit3A_1186, %jit3A_1183 : i32
    %rem3A_1188 = arith.remsi %squeeze3A_1158, %select_n3A_1187 : i32
    %ne3A_1189 = arith.constant 0 : i32
    %ne3A_1190 = arith.cmpi ne, %rem3A_1188, %ne3A_1189 : i32
    %lt3A_1191 = arith.constant 0 : i32
    %lt3A_1192 = arith.cmpi slt, %rem3A_1188, %lt3A_1191 : i32
    %lt3A_1193 = arith.constant 0 : i32
    %lt3A_1194 = arith.cmpi slt, %select_n3A_1187, %lt3A_1193 : i32
    %ne3A_1195 = arith.xori %lt3A_1192, %lt3A_1194 : i1
    %and3A_1196 = arith.andi %ne3A_1195, %ne3A_1190 : i1
    %add3A_1197 = arith.addi %rem3A_1188, %select_n3A_1187 : i32
    %select_n3A_1198 = arith.select %and3A_1196, %add3A_1197, %rem3A_1188 : i32
    %jit3A_1199 = arith.constant 16 : i32
    %div3A_1200 = arith.divsi %select_n3A_1198, %jit3A_1199 : i32
    %sign3A_1201 = arith.constant 0 : i32
    %sign3A_1202 = arith.cmpi sgt, %select_n3A_1198, %sign3A_1201 : i32
    %sign3A_1203 = arith.extui %sign3A_1202 : i1 to i32
    %sign3A_1204 = arith.constant 0 : i32
    %sign3A_1205 = arith.cmpi slt, %select_n3A_1198, %sign3A_1204 : i32
    %sign3A_1206 = arith.extui %sign3A_1205 : i1 to i32
    %sign3A_1207 = arith.subi %sign3A_1203, %sign3A_1206 : i32
    %sign3A_1208 = arith.constant 0 : i32
    %sign3A_1209 = arith.cmpi sgt, %jit3A_1199, %sign3A_1208 : i32
    %sign3A_1210 = arith.extui %sign3A_1209 : i1 to i32
    %sign3A_1211 = arith.constant 0 : i32
    %sign3A_1212 = arith.cmpi slt, %jit3A_1199, %sign3A_1211 : i32
    %sign3A_1213 = arith.extui %sign3A_1212 : i1 to i32
    %sign3A_1214 = arith.subi %sign3A_1210, %sign3A_1213 : i32
    %ne3A_1215 = arith.cmpi ne, %sign3A_1207, %sign3A_1214 : i32
    %rem3A_1216 = arith.remsi %select_n3A_1198, %jit3A_1199 : i32
    %ne3A_1217 = arith.constant 0 : i32
    %ne3A_1218 = arith.cmpi ne, %rem3A_1216, %ne3A_1217 : i32
    %and3A_1219 = arith.andi %ne3A_1215, %ne3A_1218 : i1
    %sub3A_1220 = arith.constant 1 : i32
    %sub3A_1221 = arith.subi %div3A_1200, %sub3A_1220 : i32
    %select_n3A_1222 = arith.select %and3A_1219, %sub3A_1221, %div3A_1200 : i32
    %mul3A_1223 = arith.constant 16 : i32
    %mul3A_1224 = arith.muli %select_n3A_1222, %mul3A_1223 : i32
    %get3A_1225 = arith.index_cast %select_n3A_1182 : i32 to index
    %get3A_1226 = arith.index_cast %mul3A_1224 : i32 to index
    %get3A_1227 = tpu.vector_load %arg4[%get3A_1225, %get3A_1226] {strides = array<i32>} : memref<800x128xf32, #tpu.memory_space<vmem>>, vector<16xf32>,
    %sub3A_1228 = arith.subi %select_n3A_1198, %mul3A_1224 : i32
    %eq3A_1229 = vector.broadcast %sub3A_1228 : i32 to vector<16xi32>
    %eq3A_1230 = arith.cmpi eq, %iota3A, %eq3A_1229 : vector<16xi32>
    %slice3A_1231 = vector.extract_strided_slice %div3A_23 {offsets = [14], sizes = [1], strides = [1]} : vector<16xf32> to vector<1xf32>
    %squeeze3A_1232 = vector.extract %slice3A_1231[0] : f32 from vector<1xf32>
    %broadcast_in_dim3A_1233 = vector.broadcast %squeeze3A_1232 : f32 to vector<16xf32>
    %select_n3A_1234 = arith.select %eq3A_1230, %broadcast_in_dim3A_1233, %get3A_1227 : vector<16xi1>, vector<16xf32>
    %swap3A_1235 = arith.index_cast %select_n3A_1182 : i32 to index
    %swap3A_1236 = arith.index_cast %mul3A_1224 : i32 to index
    %swap3A_1237 = tpu.vector_load %arg4[%swap3A_1235, %swap3A_1236] {strides = array<i32>} : memref<800x128xf32, #tpu.memory_space<vmem>>, vector<16xf32>,
    tpu.vector_store %arg4[%swap3A_1235, %swap3A_1236], %select_n3A_1234 {strides = array<i32>} : memref<800x128xf32, #tpu.memory_space<vmem>>, vector<16xf32>,
    %slice3A_1238 = vector.extract_strided_slice %scan3A_13#1 {offsets = [15], sizes = [1], strides = [1]} : vector<16xi32> to vector<1xi32>
    %squeeze3A_1239 = vector.extract %slice3A_1238[0] : i32 from vector<1xi32>
    %jit3A_1240 = arith.constant 128 : i32
    %div3A_1241 = arith.divsi %squeeze3A_1239, %jit3A_1240 : i32
    %sign3A_1242 = arith.constant 0 : i32
    %sign3A_1243 = arith.cmpi sgt, %squeeze3A_1239, %sign3A_1242 : i32
    %sign3A_1244 = arith.extui %sign3A_1243 : i1 to i32
    %sign3A_1245 = arith.constant 0 : i32
    %sign3A_1246 = arith.cmpi slt, %squeeze3A_1239, %sign3A_1245 : i32
    %sign3A_1247 = arith.extui %sign3A_1246 : i1 to i32
    %sign3A_1248 = arith.subi %sign3A_1244, %sign3A_1247 : i32
    %sign3A_1249 = arith.constant 0 : i32
    %sign3A_1250 = arith.cmpi sgt, %jit3A_1240, %sign3A_1249 : i32
    %sign3A_1251 = arith.extui %sign3A_1250 : i1 to i32
    %sign3A_1252 = arith.constant 0 : i32
    %sign3A_1253 = arith.cmpi slt, %jit3A_1240, %sign3A_1252 : i32
    %sign3A_1254 = arith.extui %sign3A_1253 : i1 to i32
    %sign3A_1255 = arith.subi %sign3A_1251, %sign3A_1254 : i32
    %ne3A_1256 = arith.cmpi ne, %sign3A_1248, %sign3A_1255 : i32
    %rem3A_1257 = arith.remsi %squeeze3A_1239, %jit3A_1240 : i32
    %ne3A_1258 = arith.constant 0 : i32
    %ne3A_1259 = arith.cmpi ne, %rem3A_1257, %ne3A_1258 : i32
    %and3A_1260 = arith.andi %ne3A_1256, %ne3A_1259 : i1
    %sub3A_1261 = arith.constant 1 : i32
    %sub3A_1262 = arith.subi %div3A_1241, %sub3A_1261 : i32
    %select_n3A_1263 = arith.select %and3A_1260, %sub3A_1262, %div3A_1241 : i32
    %jit3A_1264 = arith.constant 128 : i32
    %eq3A_1265 = arith.constant 0 : i32
    %eq3A_1266 = arith.cmpi eq, %jit3A_1264, %eq3A_1265 : i32
    %jit3A_1267 = arith.constant 1 : i32
    %select_n3A_1268 = arith.select %eq3A_1266, %jit3A_1267, %jit3A_1264 : i32
    %rem3A_1269 = arith.remsi %squeeze3A_1239, %select_n3A_1268 : i32
    %ne3A_1270 = arith.constant 0 : i32
    %ne3A_1271 = arith.cmpi ne, %rem3A_1269, %ne3A_1270 : i32
    %lt3A_1272 = arith.constant 0 : i32
    %lt3A_1273 = arith.cmpi slt, %rem3A_1269, %lt3A_1272 : i32
    %lt3A_1274 = arith.constant 0 : i32
    %lt3A_1275 = arith.cmpi slt, %select_n3A_1268, %lt3A_1274 : i32
    %ne3A_1276 = arith.xori %lt3A_1273, %lt3A_1275 : i1
    %and3A_1277 = arith.andi %ne3A_1276, %ne3A_1271 : i1
    %add3A_1278 = arith.addi %rem3A_1269, %select_n3A_1268 : i32
    %select_n3A_1279 = arith.select %and3A_1277, %add3A_1278, %rem3A_1269 : i32
    %jit3A_1280 = arith.constant 16 : i32
    %div3A_1281 = arith.divsi %select_n3A_1279, %jit3A_1280 : i32
    %sign3A_1282 = arith.constant 0 : i32
    %sign3A_1283 = arith.cmpi sgt, %select_n3A_1279, %sign3A_1282 : i32
    %sign3A_1284 = arith.extui %sign3A_1283 : i1 to i32
    %sign3A_1285 = arith.constant 0 : i32
    %sign3A_1286 = arith.cmpi slt, %select_n3A_1279, %sign3A_1285 : i32
    %sign3A_1287 = arith.extui %sign3A_1286 : i1 to i32
    %sign3A_1288 = arith.subi %sign3A_1284, %sign3A_1287 : i32
    %sign3A_1289 = arith.constant 0 : i32
    %sign3A_1290 = arith.cmpi sgt, %jit3A_1280, %sign3A_1289 : i32
    %sign3A_1291 = arith.extui %sign3A_1290 : i1 to i32
    %sign3A_1292 = arith.constant 0 : i32
    %sign3A_1293 = arith.cmpi slt, %jit3A_1280, %sign3A_1292 : i32
    %sign3A_1294 = arith.extui %sign3A_1293 : i1 to i32
    %sign3A_1295 = arith.subi %sign3A_1291, %sign3A_1294 : i32
    %ne3A_1296 = arith.cmpi ne, %sign3A_1288, %sign3A_1295 : i32
    %rem3A_1297 = arith.remsi %select_n3A_1279, %jit3A_1280 : i32
    %ne3A_1298 = arith.constant 0 : i32
    %ne3A_1299 = arith.cmpi ne, %rem3A_1297, %ne3A_1298 : i32
    %and3A_1300 = arith.andi %ne3A_1296, %ne3A_1299 : i1
    %sub3A_1301 = arith.constant 1 : i32
    %sub3A_1302 = arith.subi %div3A_1281, %sub3A_1301 : i32
    %select_n3A_1303 = arith.select %and3A_1300, %sub3A_1302, %div3A_1281 : i32
    %mul3A_1304 = arith.constant 16 : i32
    %mul3A_1305 = arith.muli %select_n3A_1303, %mul3A_1304 : i32
    %get3A_1306 = arith.index_cast %select_n3A_1263 : i32 to index
    %get3A_1307 = arith.index_cast %mul3A_1305 : i32 to index
    %get3A_1308 = tpu.vector_load %arg4[%get3A_1306, %get3A_1307] {strides = array<i32>} : memref<800x128xf32, #tpu.memory_space<vmem>>, vector<16xf32>,
    %sub3A_1309 = arith.subi %select_n3A_1279, %mul3A_1305 : i32
    %eq3A_1310 = vector.broadcast %sub3A_1309 : i32 to vector<16xi32>
    %eq3A_1311 = arith.cmpi eq, %iota3A, %eq3A_1310 : vector<16xi32>
    %slice3A_1312 = vector.extract_strided_slice %div3A_23 {offsets = [15], sizes = [1], strides = [1]} : vector<16xf32> to vector<1xf32>
    %squeeze3A_1313 = vector.extract %slice3A_1312[0] : f32 from vector<1xf32>
    %broadcast_in_dim3A_1314 = vector.broadcast %squeeze3A_1313 : f32 to vector<16xf32>
    %select_n3A_1315 = arith.select %eq3A_1311, %broadcast_in_dim3A_1314, %get3A_1308 : vector<16xi1>, vector<16xf32>
    %swap3A_1316 = arith.index_cast %select_n3A_1263 : i32 to index
    %swap3A_1317 = arith.index_cast %mul3A_1305 : i32 to index
    %swap3A_1318 = tpu.vector_load %arg4[%swap3A_1316, %swap3A_1317] {strides = array<i32>} : memref<800x128xf32, #tpu.memory_space<vmem>>, vector<16xf32>,
    tpu.vector_store %arg4[%swap3A_1316, %swap3A_1317], %select_n3A_1315 {strides = array<i32>} : memref<800x128xf32, #tpu.memory_space<vmem>>, vector<16xf32>,
    "tpu.region"() ({
      %run_scoped3A = tpu.sem_alloc : memref<!tpu.dma_semaphore, #tpu.memory_space<semaphore_mem>>
      %dma_start3A = arith.constant 0 : i32
      %dma_start3A_2656 = arith.constant 0 : i32
      %dma_start3A_2657 = tpu.memref_slice %arg3[%add3A_4, %dma_start3A, %dma_start3A_2656] : memref<64x800x128xf32, #tpu.memory_space<hbm>> -> memref<1x800x128xf32, #tpu.memory_space<hbm>>
      %dma_start3A_2658 = tpu.memref_squeeze %dma_start3A_2657 : memref<1x800x128xf32, #tpu.memory_space<hbm>> -> memref<800x128xf32, #tpu.memory_space<hbm>>
      %dma_start3A_2659 = arith.constant 0 : i32
      %dma_start3A_2660 = arith.constant 0 : i32
      %dma_start3A_2661 = tpu.memref_slice %arg3[%add3A_4, %dma_start3A_2659, %dma_start3A_2660] : memref<64x800x128xf32, #tpu.memory_space<hbm>> -> memref<1x800x128xf32, #tpu.memory_space<hbm>>
      %dma_start3A_2662 = tpu.memref_squeeze %dma_start3A_2661 : memref<1x800x128xf32, #tpu.memory_space<hbm>> -> memref<800x128xf32, #tpu.memory_space<hbm>>
      tpu.enqueue_dma source(%arg4 : memref<800x128xf32, #tpu.memory_space<vmem>>) target(%dma_start3A_2662 : memref<800x128xf32, #tpu.memory_space<hbm>>) target_semaphore(%run_scoped3A : memref<!tpu.dma_semaphore, #tpu.memory_space<semaphore_mem>>)
      %dma_wait3A = arith.constant 0 : i32
      %dma_wait3A_2663 = arith.constant 0 : i32
      %dma_wait3A_2664 = tpu.memref_slice %arg3[%add3A_4, %dma_wait3A, %dma_wait3A_2663] : memref<64x800x128xf32, #tpu.memory_space<hbm>> -> memref<1x800x128xf32, #tpu.memory_space<hbm>>
      %dma_wait3A_2665 = tpu.memref_squeeze %dma_wait3A_2664 : memref<1x800x128xf32, #tpu.memory_space<hbm>> -> memref<800x128xf32, #tpu.memory_space<hbm>>
      %dma_wait3A_2666 = arith.constant 0 : i32
      %dma_wait3A_2667 = arith.constant 0 : i32
      %dma_wait3A_2668 = tpu.memref_slice %arg3[%add3A_4, %dma_wait3A_2666, %dma_wait3A_2667] : memref<64x800x128xf32, #tpu.memory_space<hbm>> -> memref<1x800x128xf32, #tpu.memory_space<hbm>>
      %dma_wait3A_2669 = tpu.memref_squeeze %dma_wait3A_2668 : memref<1x800x128xf32, #tpu.memory_space<hbm>> -> memref<800x128xf32, #tpu.memory_space<hbm>>
      tpu.wait_dma2 semaphore(%run_scoped3A : memref<!tpu.dma_semaphore, #tpu.memory_space<semaphore_mem>>) src(%arg4 : memref<800x128xf32, #tpu.memory_space<vmem>>) dst(%dma_wait3A_2669 : memref<800x128xf32, #tpu.memory_space<hbm>>)
      tpu.yield
    }) : () -> ()
    %mul3A_1319 = arith.constant 2 : i32
    %mul3A_1320 = arith.muli %add3A, %mul3A_1319 : i32
    %add3A_1321 = arith.constant 1 : i32
    %add3A_1322 = arith.addi %mul3A_1320, %add3A_1321 : i32
    "tpu.region"() ({
      %run_scoped3A = tpu.sem_alloc : memref<!tpu.dma_semaphore, #tpu.memory_space<semaphore_mem>>
      %dma_start3A = arith.constant 0 : i32
      %dma_start3A_2656 = arith.constant 0 : i32
      %dma_start3A_2657 = tpu.memref_slice %arg2[%add3A_1322, %dma_start3A, %dma_start3A_2656] : memref<64x800x128xf32, #tpu.memory_space<hbm>> -> memref<1x800x128xf32, #tpu.memory_space<hbm>>
      %dma_start3A_2658 = tpu.memref_squeeze %dma_start3A_2657 : memref<1x800x128xf32, #tpu.memory_space<hbm>> -> memref<800x128xf32, #tpu.memory_space<hbm>>
      %dma_start3A_2659 = arith.constant 0 : i32
      %dma_start3A_2660 = arith.constant 0 : i32
      %dma_start3A_2661 = tpu.memref_slice %arg2[%add3A_1322, %dma_start3A_2659, %dma_start3A_2660] : memref<64x800x128xf32, #tpu.memory_space<hbm>> -> memref<1x800x128xf32, #tpu.memory_space<hbm>>
      %dma_start3A_2662 = tpu.memref_squeeze %dma_start3A_2661 : memref<1x800x128xf32, #tpu.memory_space<hbm>> -> memref<800x128xf32, #tpu.memory_space<hbm>>
      tpu.enqueue_dma source(%dma_start3A_2662 : memref<800x128xf32, #tpu.memory_space<hbm>>) target(%arg4 : memref<800x128xf32, #tpu.memory_space<vmem>>) target_semaphore(%run_scoped3A : memref<!tpu.dma_semaphore, #tpu.memory_space<semaphore_mem>>)
      %dma_wait3A = arith.constant 0 : i32
      %dma_wait3A_2663 = arith.constant 0 : i32
      %dma_wait3A_2664 = tpu.memref_slice %arg2[%add3A_1322, %dma_wait3A, %dma_wait3A_2663] : memref<64x800x128xf32, #tpu.memory_space<hbm>> -> memref<1x800x128xf32, #tpu.memory_space<hbm>>
      %dma_wait3A_2665 = tpu.memref_squeeze %dma_wait3A_2664 : memref<1x800x128xf32, #tpu.memory_space<hbm>> -> memref<800x128xf32, #tpu.memory_space<hbm>>
      %dma_wait3A_2666 = arith.constant 0 : i32
      %dma_wait3A_2667 = arith.constant 0 : i32
      %dma_wait3A_2668 = tpu.memref_slice %arg2[%add3A_1322, %dma_wait3A_2666, %dma_wait3A_2667] : memref<64x800x128xf32, #tpu.memory_space<hbm>> -> memref<1x800x128xf32, #tpu.memory_space<hbm>>
      %dma_wait3A_2669 = tpu.memref_squeeze %dma_wait3A_2668 : memref<1x800x128xf32, #tpu.memory_space<hbm>> -> memref<800x128xf32, #tpu.memory_space<hbm>>
      tpu.wait_dma2 semaphore(%run_scoped3A : memref<!tpu.dma_semaphore, #tpu.memory_space<semaphore_mem>>) src(%dma_wait3A_2669 : memref<800x128xf32, #tpu.memory_space<hbm>>) dst(%arg4 : memref<800x128xf32, #tpu.memory_space<vmem>>)
      tpu.yield
    }) : () -> ()
    %broadcast_in_dim3A_1323 = arith.constant -3.000000e+38 : f32
    %broadcast_in_dim3A_1324 = vector.broadcast %broadcast_in_dim3A_1323 : f32 to vector<16xf32>
    %broadcast_in_dim3A_1325 = arith.constant 0 : i32
    %broadcast_in_dim3A_1326 = vector.broadcast %broadcast_in_dim3A_1325 : i32 to vector<16xi32>
    %broadcast_in_dim3A_1327 = arith.constant -3.000000e+38 : f32
    %broadcast_in_dim3A_1328 = vector.broadcast %broadcast_in_dim3A_1327 : f32 to vector<16xf32>
    %scan3A_1329 = arith.constant 0 : i32
    %scan3A_1330 = arith.constant 800 : i32
    %scan3A_1331 = arith.addi %scan3A_1329, %scan3A_1330 : i32
    %scan3A_1332 = arith.constant 1 : i32
    %scan3A_1333:3 = scf.for %scan3A_2656 = %scan3A_1329 to %scan3A_1331 step %scan3A_1332 iter_args(%scan3A_2657 = %broadcast_in_dim3A_1324, %scan3A_2658 = %broadcast_in_dim3A_1326, %scan3A_2659 = %broadcast_in_dim3A_1328) -> (vector<16xf32>, vector<16xi32>, vector<16xf32>)  : i32 {
      %get3A_2660 = arith.index_cast %scan3A_2656 : i32 to index
      %get3A_2661 = arith.constant 0 : index
      %get3A_2662 = tpu.vector_load %arg4[%get3A_2660, %get3A_2661] {strides = array<i32>} : memref<800x128xf32, #tpu.memory_space<vmem>>, vector<16xf32>,
      %get3A_2663 = arith.index_cast %scan3A_2656 : i32 to index
      %get3A_2664 = arith.constant 16 : index
      %get3A_2665 = tpu.vector_load %arg4[%get3A_2663, %get3A_2664] {strides = array<i32>} : memref<800x128xf32, #tpu.memory_space<vmem>>, vector<16xf32>,
      %get3A_2666 = arith.index_cast %scan3A_2656 : i32 to index
      %get3A_2667 = arith.constant 32 : index
      %get3A_2668 = tpu.vector_load %arg4[%get3A_2666, %get3A_2667] {strides = array<i32>} : memref<800x128xf32, #tpu.memory_space<vmem>>, vector<16xf32>,
      %get3A_2669 = arith.index_cast %scan3A_2656 : i32 to index
      %get3A_2670 = arith.constant 48 : index
      %get3A_2671 = tpu.vector_load %arg4[%get3A_2669, %get3A_2670] {strides = array<i32>} : memref<800x128xf32, #tpu.memory_space<vmem>>, vector<16xf32>,
      %get3A_2672 = arith.index_cast %scan3A_2656 : i32 to index
      %get3A_2673 = arith.constant 64 : index
      %get3A_2674 = tpu.vector_load %arg4[%get3A_2672, %get3A_2673] {strides = array<i32>} : memref<800x128xf32, #tpu.memory_space<vmem>>, vector<16xf32>,
      %get3A_2675 = arith.index_cast %scan3A_2656 : i32 to index
      %get3A_2676 = arith.constant 80 : index
      %get3A_2677 = tpu.vector_load %arg4[%get3A_2675, %get3A_2676] {strides = array<i32>} : memref<800x128xf32, #tpu.memory_space<vmem>>, vector<16xf32>,
      %get3A_2678 = arith.index_cast %scan3A_2656 : i32 to index
      %get3A_2679 = arith.constant 96 : index
      %get3A_2680 = tpu.vector_load %arg4[%get3A_2678, %get3A_2679] {strides = array<i32>} : memref<800x128xf32, #tpu.memory_space<vmem>>, vector<16xf32>,
      %get3A_2681 = arith.index_cast %scan3A_2656 : i32 to index
      %get3A_2682 = arith.constant 112 : index
      %get3A_2683 = tpu.vector_load %arg4[%get3A_2681, %get3A_2682] {strides = array<i32>} : memref<800x128xf32, #tpu.memory_space<vmem>>, vector<16xf32>,
      %max3A = arith.maximumf %get3A_2662, %get3A_2665 : vector<16xf32>
      %max3A_2684 = arith.maximumf %max3A, %get3A_2668 : vector<16xf32>
      %max3A_2685 = arith.maximumf %max3A_2684, %get3A_2671 : vector<16xf32>
      %max3A_2686 = arith.maximumf %max3A_2685, %get3A_2674 : vector<16xf32>
      %max3A_2687 = arith.maximumf %max3A_2686, %get3A_2677 : vector<16xf32>
      %max3A_2688 = arith.maximumf %max3A_2687, %get3A_2680 : vector<16xf32>
      %max3A_2689 = arith.maximumf %max3A_2688, %get3A_2683 : vector<16xf32>
      %gt3A = arith.cmpf ogt, %max3A_2689, %scan3A_2659 : vector<16xf32>
      %all_reduce_population_count3A = tpu.all_reduce %gt3A {dim = 0 : i64, kind = #tpu.reduction_kind<sum>} : vector<16xi1> -> vector<16xi32>
      %slice3A_2690 = vector.extract_strided_slice %all_reduce_population_count3A {offsets = [0], sizes = [1], strides = [1]} : vector<16xi32> to vector<1xi32>
      %squeeze3A_2691 = vector.extract %slice3A_2690[0] : i32 from vector<1xi32>
      %gt3A_2692 = arith.constant 0 : i32
      %gt3A_2693 = arith.cmpi sgt, %squeeze3A_2691, %gt3A_2692 : i32
      %convert_element_type3A = arith.extui %gt3A_2693 : i1 to i32
      %cond3A = arith.constant 0 : i32
      %cond3A_2694 = arith.cmpi ne, %convert_element_type3A, %cond3A : i32
      %cond3A_2695:3 = scf.if %cond3A_2694 -> (vector<16xf32>, vector<16xi32>, vector<16xf32>) {
        %gt3A_2696 = arith.cmpf ogt, %get3A_2662, %scan3A_2659 : vector<16xf32>
        %all_reduce_population_count3A_2697 = tpu.all_reduce %gt3A_2696 {dim = 0 : i64, kind = #tpu.reduction_kind<sum>} : vector<16xi1> -> vector<16xi32>
        %slice3A_2698 = vector.extract_strided_slice %all_reduce_population_count3A_2697 {offsets = [0], sizes = [1], strides = [1]} : vector<16xi32> to vector<1xi32>
        %squeeze3A_2699 = vector.extract %slice3A_2698[0] : i32 from vector<1xi32>
        %gt3A_2700 = arith.constant 0 : i32
        %gt3A_2701 = arith.cmpi sgt, %squeeze3A_2699, %gt3A_2700 : i32
        %convert_element_type3A_2702 = arith.extui %gt3A_2701 : i1 to i32
        %cond3A_2703 = arith.constant 0 : i32
        %cond3A_2704 = arith.cmpi ne, %convert_element_type3A_2702, %cond3A_2703 : i32
        %cond3A_2705:3 = scf.if %cond3A_2704 -> (vector<16xf32>, vector<16xi32>, vector<16xf32>) {
          %iota3A_2776 = tpu.iota {dimensions = array<i32: 0>} : vector<16xi32>
          %mul3A_2777 = arith.constant 128 : i32
          %mul3A_2778 = arith.muli %scan3A_2656, %mul3A_2777 : i32
          %add3A_2779 = arith.constant 0 : i32
          %add3A_2780 = arith.addi %mul3A_2778, %add3A_2779 : i32
          %add3A_2781 = vector.broadcast %add3A_2780 : i32 to vector<16xi32>
          %add3A_2782 = arith.addi %iota3A_2776, %add3A_2781 : vector<16xi32>
          %masked_sort3A = arith.constant dense<true> : vector<16xi1>
          %masked_sort3A_2783, %masked_sort3A_2784, %masked_sort3A_2785 = tpu.sort %get3A_2662, %add3A_2782 masked %masked_sort3A : (vector<16xf32>, vector<16xi32>, vector<16xi1>) -> (vector<16xi1>, vector<16xf32>, vector<16xi32>)
          %ge3A = arith.cmpf oge, %scan3A_2657, %masked_sort3A_2784 : vector<16xf32>
          %select_n3A_2786 = arith.select %ge3A, %scan3A_2657, %masked_sort3A_2784 : vector<16xi1>, vector<16xf32>
          %select_n3A_2787 = arith.select %ge3A, %scan3A_2658, %masked_sort3A_2785 : vector<16xi1>, vector<16xi32>
          %masked_sort3A_2788 = arith.constant dense<true> : vector<16xi1>
          %masked_sort3A_2789, %masked_sort3A_2790, %masked_sort3A_2791 = tpu.sort %select_n3A_2786, %select_n3A_2787 masked %masked_sort3A_2788 {descending = true} : (vector<16xf32>, vector<16xi32>, vector<16xi1>) -> (vector<16xi1>, vector<16xf32>, vector<16xi32>)
          %slice3A_2792 = vector.extract_strided_slice %masked_sort3A_2790 {offsets = [15], sizes = [1], strides = [1]} : vector<16xf32> to vector<1xf32>
          %squeeze3A_2793 = vector.extract %slice3A_2792[0] : f32 from vector<1xf32>
          %broadcast_in_dim3A_2794 = vector.broadcast %squeeze3A_2793 : f32 to vector<16xf32>
          scf.yield %masked_sort3A_2790, %masked_sort3A_2791, %broadcast_in_dim3A_2794 : vector<16xf32>, vector<16xi32>, vector<16xf32>
        } else {
          scf.yield %scan3A_2657, %scan3A_2658, %scan3A_2659 : vector<16xf32>, vector<16xi32>, vector<16xf32>
        }
        %gt3A_2706 = arith.cmpf ogt, %get3A_2665, %cond3A_2705#2 : vector<16xf32>
        %all_reduce_population_count3A_2707 = tpu.all_reduce %gt3A_2706 {dim = 0 : i64, kind = #tpu.reduction_kind<sum>} : vector<16xi1> -> vector<16xi32>
        %slice3A_2708 = vector.extract_strided_slice %all_reduce_population_count3A_2707 {offsets = [0], sizes = [1], strides = [1]} : vector<16xi32> to vector<1xi32>
        %squeeze3A_2709 = vector.extract %slice3A_2708[0] : i32 from vector<1xi32>
        %gt3A_2710 = arith.constant 0 : i32
        %gt3A_2711 = arith.cmpi sgt, %squeeze3A_2709, %gt3A_2710 : i32
        %convert_element_type3A_2712 = arith.extui %gt3A_2711 : i1 to i32
        %cond3A_2713 = arith.constant 0 : i32
        %cond3A_2714 = arith.cmpi ne, %convert_element_type3A_2712, %cond3A_2713 : i32
        %cond3A_2715:3 = scf.if %cond3A_2714 -> (vector<16xf32>, vector<16xi32>, vector<16xf32>) {
          %iota3A_2776 = tpu.iota {dimensions = array<i32: 0>} : vector<16xi32>
          %mul3A_2777 = arith.constant 128 : i32
          %mul3A_2778 = arith.muli %scan3A_2656, %mul3A_2777 : i32
          %add3A_2779 = arith.constant 16 : i32
          %add3A_2780 = arith.addi %mul3A_2778, %add3A_2779 : i32
          %add3A_2781 = vector.broadcast %add3A_2780 : i32 to vector<16xi32>
          %add3A_2782 = arith.addi %iota3A_2776, %add3A_2781 : vector<16xi32>
          %masked_sort3A = arith.constant dense<true> : vector<16xi1>
          %masked_sort3A_2783, %masked_sort3A_2784, %masked_sort3A_2785 = tpu.sort %get3A_2665, %add3A_2782 masked %masked_sort3A : (vector<16xf32>, vector<16xi32>, vector<16xi1>) -> (vector<16xi1>, vector<16xf32>, vector<16xi32>)
          %ge3A = arith.cmpf oge, %cond3A_2705#0, %masked_sort3A_2784 : vector<16xf32>
          %select_n3A_2786 = arith.select %ge3A, %cond3A_2705#0, %masked_sort3A_2784 : vector<16xi1>, vector<16xf32>
          %select_n3A_2787 = arith.select %ge3A, %cond3A_2705#1, %masked_sort3A_2785 : vector<16xi1>, vector<16xi32>
          %masked_sort3A_2788 = arith.constant dense<true> : vector<16xi1>
          %masked_sort3A_2789, %masked_sort3A_2790, %masked_sort3A_2791 = tpu.sort %select_n3A_2786, %select_n3A_2787 masked %masked_sort3A_2788 {descending = true} : (vector<16xf32>, vector<16xi32>, vector<16xi1>) -> (vector<16xi1>, vector<16xf32>, vector<16xi32>)
          %slice3A_2792 = vector.extract_strided_slice %masked_sort3A_2790 {offsets = [15], sizes = [1], strides = [1]} : vector<16xf32> to vector<1xf32>
          %squeeze3A_2793 = vector.extract %slice3A_2792[0] : f32 from vector<1xf32>
          %broadcast_in_dim3A_2794 = vector.broadcast %squeeze3A_2793 : f32 to vector<16xf32>
          scf.yield %masked_sort3A_2790, %masked_sort3A_2791, %broadcast_in_dim3A_2794 : vector<16xf32>, vector<16xi32>, vector<16xf32>
        } else {
          scf.yield %cond3A_2705#0, %cond3A_2705#1, %cond3A_2705#2 : vector<16xf32>, vector<16xi32>, vector<16xf32>
        }
        %gt3A_2716 = arith.cmpf ogt, %get3A_2668, %cond3A_2715#2 : vector<16xf32>
        %all_reduce_population_count3A_2717 = tpu.all_reduce %gt3A_2716 {dim = 0 : i64, kind = #tpu.reduction_kind<sum>} : vector<16xi1> -> vector<16xi32>
        %slice3A_2718 = vector.extract_strided_slice %all_reduce_population_count3A_2717 {offsets = [0], sizes = [1], strides = [1]} : vector<16xi32> to vector<1xi32>
        %squeeze3A_2719 = vector.extract %slice3A_2718[0] : i32 from vector<1xi32>
        %gt3A_2720 = arith.constant 0 : i32
        %gt3A_2721 = arith.cmpi sgt, %squeeze3A_2719, %gt3A_2720 : i32
        %convert_element_type3A_2722 = arith.extui %gt3A_2721 : i1 to i32
        %cond3A_2723 = arith.constant 0 : i32
        %cond3A_2724 = arith.cmpi ne, %convert_element_type3A_2722, %cond3A_2723 : i32
        %cond3A_2725:3 = scf.if %cond3A_2724 -> (vector<16xf32>, vector<16xi32>, vector<16xf32>) {
          %iota3A_2776 = tpu.iota {dimensions = array<i32: 0>} : vector<16xi32>
          %mul3A_2777 = arith.constant 128 : i32
          %mul3A_2778 = arith.muli %scan3A_2656, %mul3A_2777 : i32
          %add3A_2779 = arith.constant 32 : i32
          %add3A_2780 = arith.addi %mul3A_2778, %add3A_2779 : i32
          %add3A_2781 = vector.broadcast %add3A_2780 : i32 to vector<16xi32>
          %add3A_2782 = arith.addi %iota3A_2776, %add3A_2781 : vector<16xi32>
          %masked_sort3A = arith.constant dense<true> : vector<16xi1>
          %masked_sort3A_2783, %masked_sort3A_2784, %masked_sort3A_2785 = tpu.sort %get3A_2668, %add3A_2782 masked %masked_sort3A : (vector<16xf32>, vector<16xi32>, vector<16xi1>) -> (vector<16xi1>, vector<16xf32>, vector<16xi32>)
          %ge3A = arith.cmpf oge, %cond3A_2715#0, %masked_sort3A_2784 : vector<16xf32>
          %select_n3A_2786 = arith.select %ge3A, %cond3A_2715#0, %masked_sort3A_2784 : vector<16xi1>, vector<16xf32>
          %select_n3A_2787 = arith.select %ge3A, %cond3A_2715#1, %masked_sort3A_2785 : vector<16xi1>, vector<16xi32>
          %masked_sort3A_2788 = arith.constant dense<true> : vector<16xi1>
          %masked_sort3A_2789, %masked_sort3A_2790, %masked_sort3A_2791 = tpu.sort %select_n3A_2786, %select_n3A_2787 masked %masked_sort3A_2788 {descending = true} : (vector<16xf32>, vector<16xi32>, vector<16xi1>) -> (vector<16xi1>, vector<16xf32>, vector<16xi32>)
          %slice3A_2792 = vector.extract_strided_slice %masked_sort3A_2790 {offsets = [15], sizes = [1], strides = [1]} : vector<16xf32> to vector<1xf32>
          %squeeze3A_2793 = vector.extract %slice3A_2792[0] : f32 from vector<1xf32>
          %broadcast_in_dim3A_2794 = vector.broadcast %squeeze3A_2793 : f32 to vector<16xf32>
          scf.yield %masked_sort3A_2790, %masked_sort3A_2791, %broadcast_in_dim3A_2794 : vector<16xf32>, vector<16xi32>, vector<16xf32>
        } else {
          scf.yield %cond3A_2715#0, %cond3A_2715#1, %cond3A_2715#2 : vector<16xf32>, vector<16xi32>, vector<16xf32>
        }
        %gt3A_2726 = arith.cmpf ogt, %get3A_2671, %cond3A_2725#2 : vector<16xf32>
        %all_reduce_population_count3A_2727 = tpu.all_reduce %gt3A_2726 {dim = 0 : i64, kind = #tpu.reduction_kind<sum>} : vector<16xi1> -> vector<16xi32>
        %slice3A_2728 = vector.extract_strided_slice %all_reduce_population_count3A_2727 {offsets = [0], sizes = [1], strides = [1]} : vector<16xi32> to vector<1xi32>
        %squeeze3A_2729 = vector.extract %slice3A_2728[0] : i32 from vector<1xi32>
        %gt3A_2730 = arith.constant 0 : i32
        %gt3A_2731 = arith.cmpi sgt, %squeeze3A_2729, %gt3A_2730 : i32
        %convert_element_type3A_2732 = arith.extui %gt3A_2731 : i1 to i32
        %cond3A_2733 = arith.constant 0 : i32
        %cond3A_2734 = arith.cmpi ne, %convert_element_type3A_2732, %cond3A_2733 : i32
        %cond3A_2735:3 = scf.if %cond3A_2734 -> (vector<16xf32>, vector<16xi32>, vector<16xf32>) {
          %iota3A_2776 = tpu.iota {dimensions = array<i32: 0>} : vector<16xi32>
          %mul3A_2777 = arith.constant 128 : i32
          %mul3A_2778 = arith.muli %scan3A_2656, %mul3A_2777 : i32
          %add3A_2779 = arith.constant 48 : i32
          %add3A_2780 = arith.addi %mul3A_2778, %add3A_2779 : i32
          %add3A_2781 = vector.broadcast %add3A_2780 : i32 to vector<16xi32>
          %add3A_2782 = arith.addi %iota3A_2776, %add3A_2781 : vector<16xi32>
          %masked_sort3A = arith.constant dense<true> : vector<16xi1>
          %masked_sort3A_2783, %masked_sort3A_2784, %masked_sort3A_2785 = tpu.sort %get3A_2671, %add3A_2782 masked %masked_sort3A : (vector<16xf32>, vector<16xi32>, vector<16xi1>) -> (vector<16xi1>, vector<16xf32>, vector<16xi32>)
          %ge3A = arith.cmpf oge, %cond3A_2725#0, %masked_sort3A_2784 : vector<16xf32>
          %select_n3A_2786 = arith.select %ge3A, %cond3A_2725#0, %masked_sort3A_2784 : vector<16xi1>, vector<16xf32>
          %select_n3A_2787 = arith.select %ge3A, %cond3A_2725#1, %masked_sort3A_2785 : vector<16xi1>, vector<16xi32>
          %masked_sort3A_2788 = arith.constant dense<true> : vector<16xi1>
          %masked_sort3A_2789, %masked_sort3A_2790, %masked_sort3A_2791 = tpu.sort %select_n3A_2786, %select_n3A_2787 masked %masked_sort3A_2788 {descending = true} : (vector<16xf32>, vector<16xi32>, vector<16xi1>) -> (vector<16xi1>, vector<16xf32>, vector<16xi32>)
          %slice3A_2792 = vector.extract_strided_slice %masked_sort3A_2790 {offsets = [15], sizes = [1], strides = [1]} : vector<16xf32> to vector<1xf32>
          %squeeze3A_2793 = vector.extract %slice3A_2792[0] : f32 from vector<1xf32>
          %broadcast_in_dim3A_2794 = vector.broadcast %squeeze3A_2793 : f32 to vector<16xf32>
          scf.yield %masked_sort3A_2790, %masked_sort3A_2791, %broadcast_in_dim3A_2794 : vector<16xf32>, vector<16xi32>, vector<16xf32>
        } else {
          scf.yield %cond3A_2725#0, %cond3A_2725#1, %cond3A_2725#2 : vector<16xf32>, vector<16xi32>, vector<16xf32>
        }
        %gt3A_2736 = arith.cmpf ogt, %get3A_2674, %cond3A_2735#2 : vector<16xf32>
        %all_reduce_population_count3A_2737 = tpu.all_reduce %gt3A_2736 {dim = 0 : i64, kind = #tpu.reduction_kind<sum>} : vector<16xi1> -> vector<16xi32>
        %slice3A_2738 = vector.extract_strided_slice %all_reduce_population_count3A_2737 {offsets = [0], sizes = [1], strides = [1]} : vector<16xi32> to vector<1xi32>
        %squeeze3A_2739 = vector.extract %slice3A_2738[0] : i32 from vector<1xi32>
        %gt3A_2740 = arith.constant 0 : i32
        %gt3A_2741 = arith.cmpi sgt, %squeeze3A_2739, %gt3A_2740 : i32
        %convert_element_type3A_2742 = arith.extui %gt3A_2741 : i1 to i32
        %cond3A_2743 = arith.constant 0 : i32
        %cond3A_2744 = arith.cmpi ne, %convert_element_type3A_2742, %cond3A_2743 : i32
        %cond3A_2745:3 = scf.if %cond3A_2744 -> (vector<16xf32>, vector<16xi32>, vector<16xf32>) {
          %iota3A_2776 = tpu.iota {dimensions = array<i32: 0>} : vector<16xi32>
          %mul3A_2777 = arith.constant 128 : i32
          %mul3A_2778 = arith.muli %scan3A_2656, %mul3A_2777 : i32
          %add3A_2779 = arith.constant 64 : i32
          %add3A_2780 = arith.addi %mul3A_2778, %add3A_2779 : i32
          %add3A_2781 = vector.broadcast %add3A_2780 : i32 to vector<16xi32>
          %add3A_2782 = arith.addi %iota3A_2776, %add3A_2781 : vector<16xi32>
          %masked_sort3A = arith.constant dense<true> : vector<16xi1>
          %masked_sort3A_2783, %masked_sort3A_2784, %masked_sort3A_2785 = tpu.sort %get3A_2674, %add3A_2782 masked %masked_sort3A : (vector<16xf32>, vector<16xi32>, vector<16xi1>) -> (vector<16xi1>, vector<16xf32>, vector<16xi32>)
          %ge3A = arith.cmpf oge, %cond3A_2735#0, %masked_sort3A_2784 : vector<16xf32>
          %select_n3A_2786 = arith.select %ge3A, %cond3A_2735#0, %masked_sort3A_2784 : vector<16xi1>, vector<16xf32>
          %select_n3A_2787 = arith.select %ge3A, %cond3A_2735#1, %masked_sort3A_2785 : vector<16xi1>, vector<16xi32>
          %masked_sort3A_2788 = arith.constant dense<true> : vector<16xi1>
          %masked_sort3A_2789, %masked_sort3A_2790, %masked_sort3A_2791 = tpu.sort %select_n3A_2786, %select_n3A_2787 masked %masked_sort3A_2788 {descending = true} : (vector<16xf32>, vector<16xi32>, vector<16xi1>) -> (vector<16xi1>, vector<16xf32>, vector<16xi32>)
          %slice3A_2792 = vector.extract_strided_slice %masked_sort3A_2790 {offsets = [15], sizes = [1], strides = [1]} : vector<16xf32> to vector<1xf32>
          %squeeze3A_2793 = vector.extract %slice3A_2792[0] : f32 from vector<1xf32>
          %broadcast_in_dim3A_2794 = vector.broadcast %squeeze3A_2793 : f32 to vector<16xf32>
          scf.yield %masked_sort3A_2790, %masked_sort3A_2791, %broadcast_in_dim3A_2794 : vector<16xf32>, vector<16xi32>, vector<16xf32>
        } else {
          scf.yield %cond3A_2735#0, %cond3A_2735#1, %cond3A_2735#2 : vector<16xf32>, vector<16xi32>, vector<16xf32>
        }
        %gt3A_2746 = arith.cmpf ogt, %get3A_2677, %cond3A_2745#2 : vector<16xf32>
        %all_reduce_population_count3A_2747 = tpu.all_reduce %gt3A_2746 {dim = 0 : i64, kind = #tpu.reduction_kind<sum>} : vector<16xi1> -> vector<16xi32>
        %slice3A_2748 = vector.extract_strided_slice %all_reduce_population_count3A_2747 {offsets = [0], sizes = [1], strides = [1]} : vector<16xi32> to vector<1xi32>
        %squeeze3A_2749 = vector.extract %slice3A_2748[0] : i32 from vector<1xi32>
        %gt3A_2750 = arith.constant 0 : i32
        %gt3A_2751 = arith.cmpi sgt, %squeeze3A_2749, %gt3A_2750 : i32
        %convert_element_type3A_2752 = arith.extui %gt3A_2751 : i1 to i32
        %cond3A_2753 = arith.constant 0 : i32
        %cond3A_2754 = arith.cmpi ne, %convert_element_type3A_2752, %cond3A_2753 : i32
        %cond3A_2755:3 = scf.if %cond3A_2754 -> (vector<16xf32>, vector<16xi32>, vector<16xf32>) {
          %iota3A_2776 = tpu.iota {dimensions = array<i32: 0>} : vector<16xi32>
          %mul3A_2777 = arith.constant 128 : i32
          %mul3A_2778 = arith.muli %scan3A_2656, %mul3A_2777 : i32
          %add3A_2779 = arith.constant 80 : i32
          %add3A_2780 = arith.addi %mul3A_2778, %add3A_2779 : i32
          %add3A_2781 = vector.broadcast %add3A_2780 : i32 to vector<16xi32>
          %add3A_2782 = arith.addi %iota3A_2776, %add3A_2781 : vector<16xi32>
          %masked_sort3A = arith.constant dense<true> : vector<16xi1>
          %masked_sort3A_2783, %masked_sort3A_2784, %masked_sort3A_2785 = tpu.sort %get3A_2677, %add3A_2782 masked %masked_sort3A : (vector<16xf32>, vector<16xi32>, vector<16xi1>) -> (vector<16xi1>, vector<16xf32>, vector<16xi32>)
          %ge3A = arith.cmpf oge, %cond3A_2745#0, %masked_sort3A_2784 : vector<16xf32>
          %select_n3A_2786 = arith.select %ge3A, %cond3A_2745#0, %masked_sort3A_2784 : vector<16xi1>, vector<16xf32>
          %select_n3A_2787 = arith.select %ge3A, %cond3A_2745#1, %masked_sort3A_2785 : vector<16xi1>, vector<16xi32>
          %masked_sort3A_2788 = arith.constant dense<true> : vector<16xi1>
          %masked_sort3A_2789, %masked_sort3A_2790, %masked_sort3A_2791 = tpu.sort %select_n3A_2786, %select_n3A_2787 masked %masked_sort3A_2788 {descending = true} : (vector<16xf32>, vector<16xi32>, vector<16xi1>) -> (vector<16xi1>, vector<16xf32>, vector<16xi32>)
          %slice3A_2792 = vector.extract_strided_slice %masked_sort3A_2790 {offsets = [15], sizes = [1], strides = [1]} : vector<16xf32> to vector<1xf32>
          %squeeze3A_2793 = vector.extract %slice3A_2792[0] : f32 from vector<1xf32>
          %broadcast_in_dim3A_2794 = vector.broadcast %squeeze3A_2793 : f32 to vector<16xf32>
          scf.yield %masked_sort3A_2790, %masked_sort3A_2791, %broadcast_in_dim3A_2794 : vector<16xf32>, vector<16xi32>, vector<16xf32>
        } else {
          scf.yield %cond3A_2745#0, %cond3A_2745#1, %cond3A_2745#2 : vector<16xf32>, vector<16xi32>, vector<16xf32>
        }
        %gt3A_2756 = arith.cmpf ogt, %get3A_2680, %cond3A_2755#2 : vector<16xf32>
        %all_reduce_population_count3A_2757 = tpu.all_reduce %gt3A_2756 {dim = 0 : i64, kind = #tpu.reduction_kind<sum>} : vector<16xi1> -> vector<16xi32>
        %slice3A_2758 = vector.extract_strided_slice %all_reduce_population_count3A_2757 {offsets = [0], sizes = [1], strides = [1]} : vector<16xi32> to vector<1xi32>
        %squeeze3A_2759 = vector.extract %slice3A_2758[0] : i32 from vector<1xi32>
        %gt3A_2760 = arith.constant 0 : i32
        %gt3A_2761 = arith.cmpi sgt, %squeeze3A_2759, %gt3A_2760 : i32
        %convert_element_type3A_2762 = arith.extui %gt3A_2761 : i1 to i32
        %cond3A_2763 = arith.constant 0 : i32
        %cond3A_2764 = arith.cmpi ne, %convert_element_type3A_2762, %cond3A_2763 : i32
        %cond3A_2765:3 = scf.if %cond3A_2764 -> (vector<16xf32>, vector<16xi32>, vector<16xf32>) {
          %iota3A_2776 = tpu.iota {dimensions = array<i32: 0>} : vector<16xi32>
          %mul3A_2777 = arith.constant 128 : i32
          %mul3A_2778 = arith.muli %scan3A_2656, %mul3A_2777 : i32
          %add3A_2779 = arith.constant 96 : i32
          %add3A_2780 = arith.addi %mul3A_2778, %add3A_2779 : i32
          %add3A_2781 = vector.broadcast %add3A_2780 : i32 to vector<16xi32>
          %add3A_2782 = arith.addi %iota3A_2776, %add3A_2781 : vector<16xi32>
          %masked_sort3A = arith.constant dense<true> : vector<16xi1>
          %masked_sort3A_2783, %masked_sort3A_2784, %masked_sort3A_2785 = tpu.sort %get3A_2680, %add3A_2782 masked %masked_sort3A : (vector<16xf32>, vector<16xi32>, vector<16xi1>) -> (vector<16xi1>, vector<16xf32>, vector<16xi32>)
          %ge3A = arith.cmpf oge, %cond3A_2755#0, %masked_sort3A_2784 : vector<16xf32>
          %select_n3A_2786 = arith.select %ge3A, %cond3A_2755#0, %masked_sort3A_2784 : vector<16xi1>, vector<16xf32>
          %select_n3A_2787 = arith.select %ge3A, %cond3A_2755#1, %masked_sort3A_2785 : vector<16xi1>, vector<16xi32>
          %masked_sort3A_2788 = arith.constant dense<true> : vector<16xi1>
          %masked_sort3A_2789, %masked_sort3A_2790, %masked_sort3A_2791 = tpu.sort %select_n3A_2786, %select_n3A_2787 masked %masked_sort3A_2788 {descending = true} : (vector<16xf32>, vector<16xi32>, vector<16xi1>) -> (vector<16xi1>, vector<16xf32>, vector<16xi32>)
          %slice3A_2792 = vector.extract_strided_slice %masked_sort3A_2790 {offsets = [15], sizes = [1], strides = [1]} : vector<16xf32> to vector<1xf32>
          %squeeze3A_2793 = vector.extract %slice3A_2792[0] : f32 from vector<1xf32>
          %broadcast_in_dim3A_2794 = vector.broadcast %squeeze3A_2793 : f32 to vector<16xf32>
          scf.yield %masked_sort3A_2790, %masked_sort3A_2791, %broadcast_in_dim3A_2794 : vector<16xf32>, vector<16xi32>, vector<16xf32>
        } else {
          scf.yield %cond3A_2755#0, %cond3A_2755#1, %cond3A_2755#2 : vector<16xf32>, vector<16xi32>, vector<16xf32>
        }
        %gt3A_2766 = arith.cmpf ogt, %get3A_2683, %cond3A_2765#2 : vector<16xf32>
        %all_reduce_population_count3A_2767 = tpu.all_reduce %gt3A_2766 {dim = 0 : i64, kind = #tpu.reduction_kind<sum>} : vector<16xi1> -> vector<16xi32>
        %slice3A_2768 = vector.extract_strided_slice %all_reduce_population_count3A_2767 {offsets = [0], sizes = [1], strides = [1]} : vector<16xi32> to vector<1xi32>
        %squeeze3A_2769 = vector.extract %slice3A_2768[0] : i32 from vector<1xi32>
        %gt3A_2770 = arith.constant 0 : i32
        %gt3A_2771 = arith.cmpi sgt, %squeeze3A_2769, %gt3A_2770 : i32
        %convert_element_type3A_2772 = arith.extui %gt3A_2771 : i1 to i32
        %cond3A_2773 = arith.constant 0 : i32
        %cond3A_2774 = arith.cmpi ne, %convert_element_type3A_2772, %cond3A_2773 : i32
        %cond3A_2775:3 = scf.if %cond3A_2774 -> (vector<16xf32>, vector<16xi32>, vector<16xf32>) {
          %iota3A_2776 = tpu.iota {dimensions = array<i32: 0>} : vector<16xi32>
          %mul3A_2777 = arith.constant 128 : i32
          %mul3A_2778 = arith.muli %scan3A_2656, %mul3A_2777 : i32
          %add3A_2779 = arith.constant 112 : i32
          %add3A_2780 = arith.addi %mul3A_2778, %add3A_2779 : i32
          %add3A_2781 = vector.broadcast %add3A_2780 : i32 to vector<16xi32>
          %add3A_2782 = arith.addi %iota3A_2776, %add3A_2781 : vector<16xi32>
          %masked_sort3A = arith.constant dense<true> : vector<16xi1>
          %masked_sort3A_2783, %masked_sort3A_2784, %masked_sort3A_2785 = tpu.sort %get3A_2683, %add3A_2782 masked %masked_sort3A : (vector<16xf32>, vector<16xi32>, vector<16xi1>) -> (vector<16xi1>, vector<16xf32>, vector<16xi32>)
          %ge3A = arith.cmpf oge, %cond3A_2765#0, %masked_sort3A_2784 : vector<16xf32>
          %select_n3A_2786 = arith.select %ge3A, %cond3A_2765#0, %masked_sort3A_2784 : vector<16xi1>, vector<16xf32>
          %select_n3A_2787 = arith.select %ge3A, %cond3A_2765#1, %masked_sort3A_2785 : vector<16xi1>, vector<16xi32>
          %masked_sort3A_2788 = arith.constant dense<true> : vector<16xi1>
          %masked_sort3A_2789, %masked_sort3A_2790, %masked_sort3A_2791 = tpu.sort %select_n3A_2786, %select_n3A_2787 masked %masked_sort3A_2788 {descending = true} : (vector<16xf32>, vector<16xi32>, vector<16xi1>) -> (vector<16xi1>, vector<16xf32>, vector<16xi32>)
          %slice3A_2792 = vector.extract_strided_slice %masked_sort3A_2790 {offsets = [15], sizes = [1], strides = [1]} : vector<16xf32> to vector<1xf32>
          %squeeze3A_2793 = vector.extract %slice3A_2792[0] : f32 from vector<1xf32>
          %broadcast_in_dim3A_2794 = vector.broadcast %squeeze3A_2793 : f32 to vector<16xf32>
          scf.yield %masked_sort3A_2790, %masked_sort3A_2791, %broadcast_in_dim3A_2794 : vector<16xf32>, vector<16xi32>, vector<16xf32>
        } else {
          scf.yield %cond3A_2765#0, %cond3A_2765#1, %cond3A_2765#2 : vector<16xf32>, vector<16xi32>, vector<16xf32>
        }
        scf.yield %cond3A_2775#0, %cond3A_2775#1, %cond3A_2775#2 : vector<16xf32>, vector<16xi32>, vector<16xf32>
      } else {
        scf.yield %scan3A_2657, %scan3A_2658, %scan3A_2659 : vector<16xf32>, vector<16xi32>, vector<16xf32>
      }
      scf.yield %cond3A_2695#0, %cond3A_2695#1, %cond3A_2695#2 : vector<16xf32>, vector<16xi32>, vector<16xf32>
    }
    %scan3A_1334 = arith.constant 800 : i32
    %div3A_1335 = arith.constant 3.000010e-01 : f32
    %div3A_1336 = vector.broadcast %div3A_1335 : f32 to vector<16xf32>
    %div3A_1337 = arith.divf %scan3A_1333#0, %div3A_1336 : vector<16xf32>
    %slice3A_1338 = vector.extract_strided_slice %div3A_1337 {offsets = [0], sizes = [1], strides = [1]} : vector<16xf32> to vector<1xf32>
    %squeeze3A_1339 = vector.extract %slice3A_1338[0] : f32 from vector<1xf32>
    %broadcast_in_dim3A_1340 = vector.broadcast %squeeze3A_1339 : f32 to vector<16xf32>
    %sub3A_1341 = arith.subf %div3A_1337, %broadcast_in_dim3A_1340 : vector<16xf32>
    %exp3A_1342 = math.exp %sub3A_1341 : vector<16xf32>
    %broadcast_in_dim3A_1343 = arith.constant true
    %broadcast_in_dim3A_1344 = vector.broadcast %broadcast_in_dim3A_1343 : i1 to vector<16xi1>
    %masked_cumsum3A_1345 = tpu.scan <sum>, %exp3A_1342 masked %broadcast_in_dim3A_1344 : vector<16xf32>, vector<16xi1> -> vector<16xf32>
    %slice3A_1346 = vector.extract_strided_slice %masked_cumsum3A_1345 {offsets = [15], sizes = [1], strides = [1]} : vector<16xf32> to vector<1xf32>
    %squeeze3A_1347 = vector.extract %slice3A_1346[0] : f32 from vector<1xf32>
    %broadcast_in_dim3A_1348 = vector.broadcast %squeeze3A_1347 : f32 to vector<16xf32>
    %div3A_1349 = arith.divf %exp3A_1342, %broadcast_in_dim3A_1348 : vector<16xf32>
    %broadcast_in_dim3A_1350 = arith.constant 0.000000e+00 : f32
    %broadcast_in_dim3A_1351 = vector.broadcast %broadcast_in_dim3A_1350 : f32 to vector<16xf32>
    %scan3A_1352 = arith.constant 0 : i32
    %scan3A_1353 = arith.constant 0 : i32
    %scan3A_1354 = arith.constant 800 : i32
    %scan3A_1355 = arith.addi %scan3A_1353, %scan3A_1354 : i32
    %scan3A_1356 = arith.constant 1 : i32
    %scan3A_1357 = scf.for %scan3A_2656 = %scan3A_1353 to %scan3A_1355 step %scan3A_1356 iter_args(%scan3A_2657 = %scan3A_1352) -> (i32)  : i32 {
      %swap3A_2658 = arith.index_cast %scan3A_2656 : i32 to index
      %swap3A_2659 = arith.constant 0 : index
      %swap3A_2660 = tpu.vector_load %arg4[%swap3A_2658, %swap3A_2659] {strides = array<i32>} : memref<800x128xf32, #tpu.memory_space<vmem>>, vector<16xf32>,
      tpu.vector_store %arg4[%swap3A_2658, %swap3A_2659], %broadcast_in_dim3A_1351 {strides = array<i32>} : memref<800x128xf32, #tpu.memory_space<vmem>>, vector<16xf32>,
      %swap3A_2661 = arith.index_cast %scan3A_2656 : i32 to index
      %swap3A_2662 = arith.constant 16 : index
      %swap3A_2663 = tpu.vector_load %arg4[%swap3A_2661, %swap3A_2662] {strides = array<i32>} : memref<800x128xf32, #tpu.memory_space<vmem>>, vector<16xf32>,
      tpu.vector_store %arg4[%swap3A_2661, %swap3A_2662], %broadcast_in_dim3A_1351 {strides = array<i32>} : memref<800x128xf32, #tpu.memory_space<vmem>>, vector<16xf32>,
      %swap3A_2664 = arith.index_cast %scan3A_2656 : i32 to index
      %swap3A_2665 = arith.constant 32 : index
      %swap3A_2666 = tpu.vector_load %arg4[%swap3A_2664, %swap3A_2665] {strides = array<i32>} : memref<800x128xf32, #tpu.memory_space<vmem>>, vector<16xf32>,
      tpu.vector_store %arg4[%swap3A_2664, %swap3A_2665], %broadcast_in_dim3A_1351 {strides = array<i32>} : memref<800x128xf32, #tpu.memory_space<vmem>>, vector<16xf32>,
      %swap3A_2667 = arith.index_cast %scan3A_2656 : i32 to index
      %swap3A_2668 = arith.constant 48 : index
      %swap3A_2669 = tpu.vector_load %arg4[%swap3A_2667, %swap3A_2668] {strides = array<i32>} : memref<800x128xf32, #tpu.memory_space<vmem>>, vector<16xf32>,
      tpu.vector_store %arg4[%swap3A_2667, %swap3A_2668], %broadcast_in_dim3A_1351 {strides = array<i32>} : memref<800x128xf32, #tpu.memory_space<vmem>>, vector<16xf32>,
      %swap3A_2670 = arith.index_cast %scan3A_2656 : i32 to index
      %swap3A_2671 = arith.constant 64 : index
      %swap3A_2672 = tpu.vector_load %arg4[%swap3A_2670, %swap3A_2671] {strides = array<i32>} : memref<800x128xf32, #tpu.memory_space<vmem>>, vector<16xf32>,
      tpu.vector_store %arg4[%swap3A_2670, %swap3A_2671], %broadcast_in_dim3A_1351 {strides = array<i32>} : memref<800x128xf32, #tpu.memory_space<vmem>>, vector<16xf32>,
      %swap3A_2673 = arith.index_cast %scan3A_2656 : i32 to index
      %swap3A_2674 = arith.constant 80 : index
      %swap3A_2675 = tpu.vector_load %arg4[%swap3A_2673, %swap3A_2674] {strides = array<i32>} : memref<800x128xf32, #tpu.memory_space<vmem>>, vector<16xf32>,
      tpu.vector_store %arg4[%swap3A_2673, %swap3A_2674], %broadcast_in_dim3A_1351 {strides = array<i32>} : memref<800x128xf32, #tpu.memory_space<vmem>>, vector<16xf32>,
      %swap3A_2676 = arith.index_cast %scan3A_2656 : i32 to index
      %swap3A_2677 = arith.constant 96 : index
      %swap3A_2678 = tpu.vector_load %arg4[%swap3A_2676, %swap3A_2677] {strides = array<i32>} : memref<800x128xf32, #tpu.memory_space<vmem>>, vector<16xf32>,
      tpu.vector_store %arg4[%swap3A_2676, %swap3A_2677], %broadcast_in_dim3A_1351 {strides = array<i32>} : memref<800x128xf32, #tpu.memory_space<vmem>>, vector<16xf32>,
      %swap3A_2679 = arith.index_cast %scan3A_2656 : i32 to index
      %swap3A_2680 = arith.constant 112 : index
      %swap3A_2681 = tpu.vector_load %arg4[%swap3A_2679, %swap3A_2680] {strides = array<i32>} : memref<800x128xf32, #tpu.memory_space<vmem>>, vector<16xf32>,
      tpu.vector_store %arg4[%swap3A_2679, %swap3A_2680], %broadcast_in_dim3A_1351 {strides = array<i32>} : memref<800x128xf32, #tpu.memory_space<vmem>>, vector<16xf32>,
      %scan3A_2682 = arith.constant 0 : i32
      scf.yield %scan3A_2682 : i32
    }
    %scan3A_1358 = arith.constant 800 : i32
    %iota3A_1359 = tpu.iota {dimensions = array<i32: 0>} : vector<16xi32>
    %slice3A_1360 = vector.extract_strided_slice %scan3A_1333#1 {offsets = [0], sizes = [1], strides = [1]} : vector<16xi32> to vector<1xi32>
    %squeeze3A_1361 = vector.extract %slice3A_1360[0] : i32 from vector<1xi32>
    %jit3A_1362 = arith.constant 128 : i32
    %div3A_1363 = arith.divsi %squeeze3A_1361, %jit3A_1362 : i32
    %sign3A_1364 = arith.constant 0 : i32
    %sign3A_1365 = arith.cmpi sgt, %squeeze3A_1361, %sign3A_1364 : i32
    %sign3A_1366 = arith.extui %sign3A_1365 : i1 to i32
    %sign3A_1367 = arith.constant 0 : i32
    %sign3A_1368 = arith.cmpi slt, %squeeze3A_1361, %sign3A_1367 : i32
    %sign3A_1369 = arith.extui %sign3A_1368 : i1 to i32
    %sign3A_1370 = arith.subi %sign3A_1366, %sign3A_1369 : i32
    %sign3A_1371 = arith.constant 0 : i32
    %sign3A_1372 = arith.cmpi sgt, %jit3A_1362, %sign3A_1371 : i32
    %sign3A_1373 = arith.extui %sign3A_1372 : i1 to i32
    %sign3A_1374 = arith.constant 0 : i32
    %sign3A_1375 = arith.cmpi slt, %jit3A_1362, %sign3A_1374 : i32
    %sign3A_1376 = arith.extui %sign3A_1375 : i1 to i32
    %sign3A_1377 = arith.subi %sign3A_1373, %sign3A_1376 : i32
    %ne3A_1378 = arith.cmpi ne, %sign3A_1370, %sign3A_1377 : i32
    %rem3A_1379 = arith.remsi %squeeze3A_1361, %jit3A_1362 : i32
    %ne3A_1380 = arith.constant 0 : i32
    %ne3A_1381 = arith.cmpi ne, %rem3A_1379, %ne3A_1380 : i32
    %and3A_1382 = arith.andi %ne3A_1378, %ne3A_1381 : i1
    %sub3A_1383 = arith.constant 1 : i32
    %sub3A_1384 = arith.subi %div3A_1363, %sub3A_1383 : i32
    %select_n3A_1385 = arith.select %and3A_1382, %sub3A_1384, %div3A_1363 : i32
    %jit3A_1386 = arith.constant 128 : i32
    %eq3A_1387 = arith.constant 0 : i32
    %eq3A_1388 = arith.cmpi eq, %jit3A_1386, %eq3A_1387 : i32
    %jit3A_1389 = arith.constant 1 : i32
    %select_n3A_1390 = arith.select %eq3A_1388, %jit3A_1389, %jit3A_1386 : i32
    %rem3A_1391 = arith.remsi %squeeze3A_1361, %select_n3A_1390 : i32
    %ne3A_1392 = arith.constant 0 : i32
    %ne3A_1393 = arith.cmpi ne, %rem3A_1391, %ne3A_1392 : i32
    %lt3A_1394 = arith.constant 0 : i32
    %lt3A_1395 = arith.cmpi slt, %rem3A_1391, %lt3A_1394 : i32
    %lt3A_1396 = arith.constant 0 : i32
    %lt3A_1397 = arith.cmpi slt, %select_n3A_1390, %lt3A_1396 : i32
    %ne3A_1398 = arith.xori %lt3A_1395, %lt3A_1397 : i1
    %and3A_1399 = arith.andi %ne3A_1398, %ne3A_1393 : i1
    %add3A_1400 = arith.addi %rem3A_1391, %select_n3A_1390 : i32
    %select_n3A_1401 = arith.select %and3A_1399, %add3A_1400, %rem3A_1391 : i32
    %jit3A_1402 = arith.constant 16 : i32
    %div3A_1403 = arith.divsi %select_n3A_1401, %jit3A_1402 : i32
    %sign3A_1404 = arith.constant 0 : i32
    %sign3A_1405 = arith.cmpi sgt, %select_n3A_1401, %sign3A_1404 : i32
    %sign3A_1406 = arith.extui %sign3A_1405 : i1 to i32
    %sign3A_1407 = arith.constant 0 : i32
    %sign3A_1408 = arith.cmpi slt, %select_n3A_1401, %sign3A_1407 : i32
    %sign3A_1409 = arith.extui %sign3A_1408 : i1 to i32
    %sign3A_1410 = arith.subi %sign3A_1406, %sign3A_1409 : i32
    %sign3A_1411 = arith.constant 0 : i32
    %sign3A_1412 = arith.cmpi sgt, %jit3A_1402, %sign3A_1411 : i32
    %sign3A_1413 = arith.extui %sign3A_1412 : i1 to i32
    %sign3A_1414 = arith.constant 0 : i32
    %sign3A_1415 = arith.cmpi slt, %jit3A_1402, %sign3A_1414 : i32
    %sign3A_1416 = arith.extui %sign3A_1415 : i1 to i32
    %sign3A_1417 = arith.subi %sign3A_1413, %sign3A_1416 : i32
    %ne3A_1418 = arith.cmpi ne, %sign3A_1410, %sign3A_1417 : i32
    %rem3A_1419 = arith.remsi %select_n3A_1401, %jit3A_1402 : i32
    %ne3A_1420 = arith.constant 0 : i32
    %ne3A_1421 = arith.cmpi ne, %rem3A_1419, %ne3A_1420 : i32
    %and3A_1422 = arith.andi %ne3A_1418, %ne3A_1421 : i1
    %sub3A_1423 = arith.constant 1 : i32
    %sub3A_1424 = arith.subi %div3A_1403, %sub3A_1423 : i32
    %select_n3A_1425 = arith.select %and3A_1422, %sub3A_1424, %div3A_1403 : i32
    %mul3A_1426 = arith.constant 16 : i32
    %mul3A_1427 = arith.muli %select_n3A_1425, %mul3A_1426 : i32
    %get3A_1428 = arith.index_cast %select_n3A_1385 : i32 to index
    %get3A_1429 = arith.index_cast %mul3A_1427 : i32 to index
    %get3A_1430 = tpu.vector_load %arg4[%get3A_1428, %get3A_1429] {strides = array<i32>} : memref<800x128xf32, #tpu.memory_space<vmem>>, vector<16xf32>,
    %sub3A_1431 = arith.subi %select_n3A_1401, %mul3A_1427 : i32
    %eq3A_1432 = vector.broadcast %sub3A_1431 : i32 to vector<16xi32>
    %eq3A_1433 = arith.cmpi eq, %iota3A_1359, %eq3A_1432 : vector<16xi32>
    %slice3A_1434 = vector.extract_strided_slice %div3A_1349 {offsets = [0], sizes = [1], strides = [1]} : vector<16xf32> to vector<1xf32>
    %squeeze3A_1435 = vector.extract %slice3A_1434[0] : f32 from vector<1xf32>
    %broadcast_in_dim3A_1436 = vector.broadcast %squeeze3A_1435 : f32 to vector<16xf32>
    %select_n3A_1437 = arith.select %eq3A_1433, %broadcast_in_dim3A_1436, %get3A_1430 : vector<16xi1>, vector<16xf32>
    %swap3A_1438 = arith.index_cast %select_n3A_1385 : i32 to index
    %swap3A_1439 = arith.index_cast %mul3A_1427 : i32 to index
    %swap3A_1440 = tpu.vector_load %arg4[%swap3A_1438, %swap3A_1439] {strides = array<i32>} : memref<800x128xf32, #tpu.memory_space<vmem>>, vector<16xf32>,
    tpu.vector_store %arg4[%swap3A_1438, %swap3A_1439], %select_n3A_1437 {strides = array<i32>} : memref<800x128xf32, #tpu.memory_space<vmem>>, vector<16xf32>,
    %slice3A_1441 = vector.extract_strided_slice %scan3A_1333#1 {offsets = [1], sizes = [1], strides = [1]} : vector<16xi32> to vector<1xi32>
    %squeeze3A_1442 = vector.extract %slice3A_1441[0] : i32 from vector<1xi32>
    %jit3A_1443 = arith.constant 128 : i32
    %div3A_1444 = arith.divsi %squeeze3A_1442, %jit3A_1443 : i32
    %sign3A_1445 = arith.constant 0 : i32
    %sign3A_1446 = arith.cmpi sgt, %squeeze3A_1442, %sign3A_1445 : i32
    %sign3A_1447 = arith.extui %sign3A_1446 : i1 to i32
    %sign3A_1448 = arith.constant 0 : i32
    %sign3A_1449 = arith.cmpi slt, %squeeze3A_1442, %sign3A_1448 : i32
    %sign3A_1450 = arith.extui %sign3A_1449 : i1 to i32
    %sign3A_1451 = arith.subi %sign3A_1447, %sign3A_1450 : i32
    %sign3A_1452 = arith.constant 0 : i32
    %sign3A_1453 = arith.cmpi sgt, %jit3A_1443, %sign3A_1452 : i32
    %sign3A_1454 = arith.extui %sign3A_1453 : i1 to i32
    %sign3A_1455 = arith.constant 0 : i32
    %sign3A_1456 = arith.cmpi slt, %jit3A_1443, %sign3A_1455 : i32
    %sign3A_1457 = arith.extui %sign3A_1456 : i1 to i32
    %sign3A_1458 = arith.subi %sign3A_1454, %sign3A_1457 : i32
    %ne3A_1459 = arith.cmpi ne, %sign3A_1451, %sign3A_1458 : i32
    %rem3A_1460 = arith.remsi %squeeze3A_1442, %jit3A_1443 : i32
    %ne3A_1461 = arith.constant 0 : i32
    %ne3A_1462 = arith.cmpi ne, %rem3A_1460, %ne3A_1461 : i32
    %and3A_1463 = arith.andi %ne3A_1459, %ne3A_1462 : i1
    %sub3A_1464 = arith.constant 1 : i32
    %sub3A_1465 = arith.subi %div3A_1444, %sub3A_1464 : i32
    %select_n3A_1466 = arith.select %and3A_1463, %sub3A_1465, %div3A_1444 : i32
    %jit3A_1467 = arith.constant 128 : i32
    %eq3A_1468 = arith.constant 0 : i32
    %eq3A_1469 = arith.cmpi eq, %jit3A_1467, %eq3A_1468 : i32
    %jit3A_1470 = arith.constant 1 : i32
    %select_n3A_1471 = arith.select %eq3A_1469, %jit3A_1470, %jit3A_1467 : i32
    %rem3A_1472 = arith.remsi %squeeze3A_1442, %select_n3A_1471 : i32
    %ne3A_1473 = arith.constant 0 : i32
    %ne3A_1474 = arith.cmpi ne, %rem3A_1472, %ne3A_1473 : i32
    %lt3A_1475 = arith.constant 0 : i32
    %lt3A_1476 = arith.cmpi slt, %rem3A_1472, %lt3A_1475 : i32
    %lt3A_1477 = arith.constant 0 : i32
    %lt3A_1478 = arith.cmpi slt, %select_n3A_1471, %lt3A_1477 : i32
    %ne3A_1479 = arith.xori %lt3A_1476, %lt3A_1478 : i1
    %and3A_1480 = arith.andi %ne3A_1479, %ne3A_1474 : i1
    %add3A_1481 = arith.addi %rem3A_1472, %select_n3A_1471 : i32
    %select_n3A_1482 = arith.select %and3A_1480, %add3A_1481, %rem3A_1472 : i32
    %jit3A_1483 = arith.constant 16 : i32
    %div3A_1484 = arith.divsi %select_n3A_1482, %jit3A_1483 : i32
    %sign3A_1485 = arith.constant 0 : i32
    %sign3A_1486 = arith.cmpi sgt, %select_n3A_1482, %sign3A_1485 : i32
    %sign3A_1487 = arith.extui %sign3A_1486 : i1 to i32
    %sign3A_1488 = arith.constant 0 : i32
    %sign3A_1489 = arith.cmpi slt, %select_n3A_1482, %sign3A_1488 : i32
    %sign3A_1490 = arith.extui %sign3A_1489 : i1 to i32
    %sign3A_1491 = arith.subi %sign3A_1487, %sign3A_1490 : i32
    %sign3A_1492 = arith.constant 0 : i32
    %sign3A_1493 = arith.cmpi sgt, %jit3A_1483, %sign3A_1492 : i32
    %sign3A_1494 = arith.extui %sign3A_1493 : i1 to i32
    %sign3A_1495 = arith.constant 0 : i32
    %sign3A_1496 = arith.cmpi slt, %jit3A_1483, %sign3A_1495 : i32
    %sign3A_1497 = arith.extui %sign3A_1496 : i1 to i32
    %sign3A_1498 = arith.subi %sign3A_1494, %sign3A_1497 : i32
    %ne3A_1499 = arith.cmpi ne, %sign3A_1491, %sign3A_1498 : i32
    %rem3A_1500 = arith.remsi %select_n3A_1482, %jit3A_1483 : i32
    %ne3A_1501 = arith.constant 0 : i32
    %ne3A_1502 = arith.cmpi ne, %rem3A_1500, %ne3A_1501 : i32
    %and3A_1503 = arith.andi %ne3A_1499, %ne3A_1502 : i1
    %sub3A_1504 = arith.constant 1 : i32
    %sub3A_1505 = arith.subi %div3A_1484, %sub3A_1504 : i32
    %select_n3A_1506 = arith.select %and3A_1503, %sub3A_1505, %div3A_1484 : i32
    %mul3A_1507 = arith.constant 16 : i32
    %mul3A_1508 = arith.muli %select_n3A_1506, %mul3A_1507 : i32
    %get3A_1509 = arith.index_cast %select_n3A_1466 : i32 to index
    %get3A_1510 = arith.index_cast %mul3A_1508 : i32 to index
    %get3A_1511 = tpu.vector_load %arg4[%get3A_1509, %get3A_1510] {strides = array<i32>} : memref<800x128xf32, #tpu.memory_space<vmem>>, vector<16xf32>,
    %sub3A_1512 = arith.subi %select_n3A_1482, %mul3A_1508 : i32
    %eq3A_1513 = vector.broadcast %sub3A_1512 : i32 to vector<16xi32>
    %eq3A_1514 = arith.cmpi eq, %iota3A_1359, %eq3A_1513 : vector<16xi32>
    %slice3A_1515 = vector.extract_strided_slice %div3A_1349 {offsets = [1], sizes = [1], strides = [1]} : vector<16xf32> to vector<1xf32>
    %squeeze3A_1516 = vector.extract %slice3A_1515[0] : f32 from vector<1xf32>
    %broadcast_in_dim3A_1517 = vector.broadcast %squeeze3A_1516 : f32 to vector<16xf32>
    %select_n3A_1518 = arith.select %eq3A_1514, %broadcast_in_dim3A_1517, %get3A_1511 : vector<16xi1>, vector<16xf32>
    %swap3A_1519 = arith.index_cast %select_n3A_1466 : i32 to index
    %swap3A_1520 = arith.index_cast %mul3A_1508 : i32 to index
    %swap3A_1521 = tpu.vector_load %arg4[%swap3A_1519, %swap3A_1520] {strides = array<i32>} : memref<800x128xf32, #tpu.memory_space<vmem>>, vector<16xf32>,
    tpu.vector_store %arg4[%swap3A_1519, %swap3A_1520], %select_n3A_1518 {strides = array<i32>} : memref<800x128xf32, #tpu.memory_space<vmem>>, vector<16xf32>,
    %slice3A_1522 = vector.extract_strided_slice %scan3A_1333#1 {offsets = [2], sizes = [1], strides = [1]} : vector<16xi32> to vector<1xi32>
    %squeeze3A_1523 = vector.extract %slice3A_1522[0] : i32 from vector<1xi32>
    %jit3A_1524 = arith.constant 128 : i32
    %div3A_1525 = arith.divsi %squeeze3A_1523, %jit3A_1524 : i32
    %sign3A_1526 = arith.constant 0 : i32
    %sign3A_1527 = arith.cmpi sgt, %squeeze3A_1523, %sign3A_1526 : i32
    %sign3A_1528 = arith.extui %sign3A_1527 : i1 to i32
    %sign3A_1529 = arith.constant 0 : i32
    %sign3A_1530 = arith.cmpi slt, %squeeze3A_1523, %sign3A_1529 : i32
    %sign3A_1531 = arith.extui %sign3A_1530 : i1 to i32
    %sign3A_1532 = arith.subi %sign3A_1528, %sign3A_1531 : i32
    %sign3A_1533 = arith.constant 0 : i32
    %sign3A_1534 = arith.cmpi sgt, %jit3A_1524, %sign3A_1533 : i32
    %sign3A_1535 = arith.extui %sign3A_1534 : i1 to i32
    %sign3A_1536 = arith.constant 0 : i32
    %sign3A_1537 = arith.cmpi slt, %jit3A_1524, %sign3A_1536 : i32
    %sign3A_1538 = arith.extui %sign3A_1537 : i1 to i32
    %sign3A_1539 = arith.subi %sign3A_1535, %sign3A_1538 : i32
    %ne3A_1540 = arith.cmpi ne, %sign3A_1532, %sign3A_1539 : i32
    %rem3A_1541 = arith.remsi %squeeze3A_1523, %jit3A_1524 : i32
    %ne3A_1542 = arith.constant 0 : i32
    %ne3A_1543 = arith.cmpi ne, %rem3A_1541, %ne3A_1542 : i32
    %and3A_1544 = arith.andi %ne3A_1540, %ne3A_1543 : i1
    %sub3A_1545 = arith.constant 1 : i32
    %sub3A_1546 = arith.subi %div3A_1525, %sub3A_1545 : i32
    %select_n3A_1547 = arith.select %and3A_1544, %sub3A_1546, %div3A_1525 : i32
    %jit3A_1548 = arith.constant 128 : i32
    %eq3A_1549 = arith.constant 0 : i32
    %eq3A_1550 = arith.cmpi eq, %jit3A_1548, %eq3A_1549 : i32
    %jit3A_1551 = arith.constant 1 : i32
    %select_n3A_1552 = arith.select %eq3A_1550, %jit3A_1551, %jit3A_1548 : i32
    %rem3A_1553 = arith.remsi %squeeze3A_1523, %select_n3A_1552 : i32
    %ne3A_1554 = arith.constant 0 : i32
    %ne3A_1555 = arith.cmpi ne, %rem3A_1553, %ne3A_1554 : i32
    %lt3A_1556 = arith.constant 0 : i32
    %lt3A_1557 = arith.cmpi slt, %rem3A_1553, %lt3A_1556 : i32
    %lt3A_1558 = arith.constant 0 : i32
    %lt3A_1559 = arith.cmpi slt, %select_n3A_1552, %lt3A_1558 : i32
    %ne3A_1560 = arith.xori %lt3A_1557, %lt3A_1559 : i1
    %and3A_1561 = arith.andi %ne3A_1560, %ne3A_1555 : i1
    %add3A_1562 = arith.addi %rem3A_1553, %select_n3A_1552 : i32
    %select_n3A_1563 = arith.select %and3A_1561, %add3A_1562, %rem3A_1553 : i32
    %jit3A_1564 = arith.constant 16 : i32
    %div3A_1565 = arith.divsi %select_n3A_1563, %jit3A_1564 : i32
    %sign3A_1566 = arith.constant 0 : i32
    %sign3A_1567 = arith.cmpi sgt, %select_n3A_1563, %sign3A_1566 : i32
    %sign3A_1568 = arith.extui %sign3A_1567 : i1 to i32
    %sign3A_1569 = arith.constant 0 : i32
    %sign3A_1570 = arith.cmpi slt, %select_n3A_1563, %sign3A_1569 : i32
    %sign3A_1571 = arith.extui %sign3A_1570 : i1 to i32
    %sign3A_1572 = arith.subi %sign3A_1568, %sign3A_1571 : i32
    %sign3A_1573 = arith.constant 0 : i32
    %sign3A_1574 = arith.cmpi sgt, %jit3A_1564, %sign3A_1573 : i32
    %sign3A_1575 = arith.extui %sign3A_1574 : i1 to i32
    %sign3A_1576 = arith.constant 0 : i32
    %sign3A_1577 = arith.cmpi slt, %jit3A_1564, %sign3A_1576 : i32
    %sign3A_1578 = arith.extui %sign3A_1577 : i1 to i32
    %sign3A_1579 = arith.subi %sign3A_1575, %sign3A_1578 : i32
    %ne3A_1580 = arith.cmpi ne, %sign3A_1572, %sign3A_1579 : i32
    %rem3A_1581 = arith.remsi %select_n3A_1563, %jit3A_1564 : i32
    %ne3A_1582 = arith.constant 0 : i32
    %ne3A_1583 = arith.cmpi ne, %rem3A_1581, %ne3A_1582 : i32
    %and3A_1584 = arith.andi %ne3A_1580, %ne3A_1583 : i1
    %sub3A_1585 = arith.constant 1 : i32
    %sub3A_1586 = arith.subi %div3A_1565, %sub3A_1585 : i32
    %select_n3A_1587 = arith.select %and3A_1584, %sub3A_1586, %div3A_1565 : i32
    %mul3A_1588 = arith.constant 16 : i32
    %mul3A_1589 = arith.muli %select_n3A_1587, %mul3A_1588 : i32
    %get3A_1590 = arith.index_cast %select_n3A_1547 : i32 to index
    %get3A_1591 = arith.index_cast %mul3A_1589 : i32 to index
    %get3A_1592 = tpu.vector_load %arg4[%get3A_1590, %get3A_1591] {strides = array<i32>} : memref<800x128xf32, #tpu.memory_space<vmem>>, vector<16xf32>,
    %sub3A_1593 = arith.subi %select_n3A_1563, %mul3A_1589 : i32
    %eq3A_1594 = vector.broadcast %sub3A_1593 : i32 to vector<16xi32>
    %eq3A_1595 = arith.cmpi eq, %iota3A_1359, %eq3A_1594 : vector<16xi32>
    %slice3A_1596 = vector.extract_strided_slice %div3A_1349 {offsets = [2], sizes = [1], strides = [1]} : vector<16xf32> to vector<1xf32>
    %squeeze3A_1597 = vector.extract %slice3A_1596[0] : f32 from vector<1xf32>
    %broadcast_in_dim3A_1598 = vector.broadcast %squeeze3A_1597 : f32 to vector<16xf32>
    %select_n3A_1599 = arith.select %eq3A_1595, %broadcast_in_dim3A_1598, %get3A_1592 : vector<16xi1>, vector<16xf32>
    %swap3A_1600 = arith.index_cast %select_n3A_1547 : i32 to index
    %swap3A_1601 = arith.index_cast %mul3A_1589 : i32 to index
    %swap3A_1602 = tpu.vector_load %arg4[%swap3A_1600, %swap3A_1601] {strides = array<i32>} : memref<800x128xf32, #tpu.memory_space<vmem>>, vector<16xf32>,
    tpu.vector_store %arg4[%swap3A_1600, %swap3A_1601], %select_n3A_1599 {strides = array<i32>} : memref<800x128xf32, #tpu.memory_space<vmem>>, vector<16xf32>,
    %slice3A_1603 = vector.extract_strided_slice %scan3A_1333#1 {offsets = [3], sizes = [1], strides = [1]} : vector<16xi32> to vector<1xi32>
    %squeeze3A_1604 = vector.extract %slice3A_1603[0] : i32 from vector<1xi32>
    %jit3A_1605 = arith.constant 128 : i32
    %div3A_1606 = arith.divsi %squeeze3A_1604, %jit3A_1605 : i32
    %sign3A_1607 = arith.constant 0 : i32
    %sign3A_1608 = arith.cmpi sgt, %squeeze3A_1604, %sign3A_1607 : i32
    %sign3A_1609 = arith.extui %sign3A_1608 : i1 to i32
    %sign3A_1610 = arith.constant 0 : i32
    %sign3A_1611 = arith.cmpi slt, %squeeze3A_1604, %sign3A_1610 : i32
    %sign3A_1612 = arith.extui %sign3A_1611 : i1 to i32
    %sign3A_1613 = arith.subi %sign3A_1609, %sign3A_1612 : i32
    %sign3A_1614 = arith.constant 0 : i32
    %sign3A_1615 = arith.cmpi sgt, %jit3A_1605, %sign3A_1614 : i32
    %sign3A_1616 = arith.extui %sign3A_1615 : i1 to i32
    %sign3A_1617 = arith.constant 0 : i32
    %sign3A_1618 = arith.cmpi slt, %jit3A_1605, %sign3A_1617 : i32
    %sign3A_1619 = arith.extui %sign3A_1618 : i1 to i32
    %sign3A_1620 = arith.subi %sign3A_1616, %sign3A_1619 : i32
    %ne3A_1621 = arith.cmpi ne, %sign3A_1613, %sign3A_1620 : i32
    %rem3A_1622 = arith.remsi %squeeze3A_1604, %jit3A_1605 : i32
    %ne3A_1623 = arith.constant 0 : i32
    %ne3A_1624 = arith.cmpi ne, %rem3A_1622, %ne3A_1623 : i32
    %and3A_1625 = arith.andi %ne3A_1621, %ne3A_1624 : i1
    %sub3A_1626 = arith.constant 1 : i32
    %sub3A_1627 = arith.subi %div3A_1606, %sub3A_1626 : i32
    %select_n3A_1628 = arith.select %and3A_1625, %sub3A_1627, %div3A_1606 : i32
    %jit3A_1629 = arith.constant 128 : i32
    %eq3A_1630 = arith.constant 0 : i32
    %eq3A_1631 = arith.cmpi eq, %jit3A_1629, %eq3A_1630 : i32
    %jit3A_1632 = arith.constant 1 : i32
    %select_n3A_1633 = arith.select %eq3A_1631, %jit3A_1632, %jit3A_1629 : i32
    %rem3A_1634 = arith.remsi %squeeze3A_1604, %select_n3A_1633 : i32
    %ne3A_1635 = arith.constant 0 : i32
    %ne3A_1636 = arith.cmpi ne, %rem3A_1634, %ne3A_1635 : i32
    %lt3A_1637 = arith.constant 0 : i32
    %lt3A_1638 = arith.cmpi slt, %rem3A_1634, %lt3A_1637 : i32
    %lt3A_1639 = arith.constant 0 : i32
    %lt3A_1640 = arith.cmpi slt, %select_n3A_1633, %lt3A_1639 : i32
    %ne3A_1641 = arith.xori %lt3A_1638, %lt3A_1640 : i1
    %and3A_1642 = arith.andi %ne3A_1641, %ne3A_1636 : i1
    %add3A_1643 = arith.addi %rem3A_1634, %select_n3A_1633 : i32
    %select_n3A_1644 = arith.select %and3A_1642, %add3A_1643, %rem3A_1634 : i32
    %jit3A_1645 = arith.constant 16 : i32
    %div3A_1646 = arith.divsi %select_n3A_1644, %jit3A_1645 : i32
    %sign3A_1647 = arith.constant 0 : i32
    %sign3A_1648 = arith.cmpi sgt, %select_n3A_1644, %sign3A_1647 : i32
    %sign3A_1649 = arith.extui %sign3A_1648 : i1 to i32
    %sign3A_1650 = arith.constant 0 : i32
    %sign3A_1651 = arith.cmpi slt, %select_n3A_1644, %sign3A_1650 : i32
    %sign3A_1652 = arith.extui %sign3A_1651 : i1 to i32
    %sign3A_1653 = arith.subi %sign3A_1649, %sign3A_1652 : i32
    %sign3A_1654 = arith.constant 0 : i32
    %sign3A_1655 = arith.cmpi sgt, %jit3A_1645, %sign3A_1654 : i32
    %sign3A_1656 = arith.extui %sign3A_1655 : i1 to i32
    %sign3A_1657 = arith.constant 0 : i32
    %sign3A_1658 = arith.cmpi slt, %jit3A_1645, %sign3A_1657 : i32
    %sign3A_1659 = arith.extui %sign3A_1658 : i1 to i32
    %sign3A_1660 = arith.subi %sign3A_1656, %sign3A_1659 : i32
    %ne3A_1661 = arith.cmpi ne, %sign3A_1653, %sign3A_1660 : i32
    %rem3A_1662 = arith.remsi %select_n3A_1644, %jit3A_1645 : i32
    %ne3A_1663 = arith.constant 0 : i32
    %ne3A_1664 = arith.cmpi ne, %rem3A_1662, %ne3A_1663 : i32
    %and3A_1665 = arith.andi %ne3A_1661, %ne3A_1664 : i1
    %sub3A_1666 = arith.constant 1 : i32
    %sub3A_1667 = arith.subi %div3A_1646, %sub3A_1666 : i32
    %select_n3A_1668 = arith.select %and3A_1665, %sub3A_1667, %div3A_1646 : i32
    %mul3A_1669 = arith.constant 16 : i32
    %mul3A_1670 = arith.muli %select_n3A_1668, %mul3A_1669 : i32
    %get3A_1671 = arith.index_cast %select_n3A_1628 : i32 to index
    %get3A_1672 = arith.index_cast %mul3A_1670 : i32 to index
    %get3A_1673 = tpu.vector_load %arg4[%get3A_1671, %get3A_1672] {strides = array<i32>} : memref<800x128xf32, #tpu.memory_space<vmem>>, vector<16xf32>,
    %sub3A_1674 = arith.subi %select_n3A_1644, %mul3A_1670 : i32
    %eq3A_1675 = vector.broadcast %sub3A_1674 : i32 to vector<16xi32>
    %eq3A_1676 = arith.cmpi eq, %iota3A_1359, %eq3A_1675 : vector<16xi32>
    %slice3A_1677 = vector.extract_strided_slice %div3A_1349 {offsets = [3], sizes = [1], strides = [1]} : vector<16xf32> to vector<1xf32>
    %squeeze3A_1678 = vector.extract %slice3A_1677[0] : f32 from vector<1xf32>
    %broadcast_in_dim3A_1679 = vector.broadcast %squeeze3A_1678 : f32 to vector<16xf32>
    %select_n3A_1680 = arith.select %eq3A_1676, %broadcast_in_dim3A_1679, %get3A_1673 : vector<16xi1>, vector<16xf32>
    %swap3A_1681 = arith.index_cast %select_n3A_1628 : i32 to index
    %swap3A_1682 = arith.index_cast %mul3A_1670 : i32 to index
    %swap3A_1683 = tpu.vector_load %arg4[%swap3A_1681, %swap3A_1682] {strides = array<i32>} : memref<800x128xf32, #tpu.memory_space<vmem>>, vector<16xf32>,
    tpu.vector_store %arg4[%swap3A_1681, %swap3A_1682], %select_n3A_1680 {strides = array<i32>} : memref<800x128xf32, #tpu.memory_space<vmem>>, vector<16xf32>,
    %slice3A_1684 = vector.extract_strided_slice %scan3A_1333#1 {offsets = [4], sizes = [1], strides = [1]} : vector<16xi32> to vector<1xi32>
    %squeeze3A_1685 = vector.extract %slice3A_1684[0] : i32 from vector<1xi32>
    %jit3A_1686 = arith.constant 128 : i32
    %div3A_1687 = arith.divsi %squeeze3A_1685, %jit3A_1686 : i32
    %sign3A_1688 = arith.constant 0 : i32
    %sign3A_1689 = arith.cmpi sgt, %squeeze3A_1685, %sign3A_1688 : i32
    %sign3A_1690 = arith.extui %sign3A_1689 : i1 to i32
    %sign3A_1691 = arith.constant 0 : i32
    %sign3A_1692 = arith.cmpi slt, %squeeze3A_1685, %sign3A_1691 : i32
    %sign3A_1693 = arith.extui %sign3A_1692 : i1 to i32
    %sign3A_1694 = arith.subi %sign3A_1690, %sign3A_1693 : i32
    %sign3A_1695 = arith.constant 0 : i32
    %sign3A_1696 = arith.cmpi sgt, %jit3A_1686, %sign3A_1695 : i32
    %sign3A_1697 = arith.extui %sign3A_1696 : i1 to i32
    %sign3A_1698 = arith.constant 0 : i32
    %sign3A_1699 = arith.cmpi slt, %jit3A_1686, %sign3A_1698 : i32
    %sign3A_1700 = arith.extui %sign3A_1699 : i1 to i32
    %sign3A_1701 = arith.subi %sign3A_1697, %sign3A_1700 : i32
    %ne3A_1702 = arith.cmpi ne, %sign3A_1694, %sign3A_1701 : i32
    %rem3A_1703 = arith.remsi %squeeze3A_1685, %jit3A_1686 : i32
    %ne3A_1704 = arith.constant 0 : i32
    %ne3A_1705 = arith.cmpi ne, %rem3A_1703, %ne3A_1704 : i32
    %and3A_1706 = arith.andi %ne3A_1702, %ne3A_1705 : i1
    %sub3A_1707 = arith.constant 1 : i32
    %sub3A_1708 = arith.subi %div3A_1687, %sub3A_1707 : i32
    %select_n3A_1709 = arith.select %and3A_1706, %sub3A_1708, %div3A_1687 : i32
    %jit3A_1710 = arith.constant 128 : i32
    %eq3A_1711 = arith.constant 0 : i32
    %eq3A_1712 = arith.cmpi eq, %jit3A_1710, %eq3A_1711 : i32
    %jit3A_1713 = arith.constant 1 : i32
    %select_n3A_1714 = arith.select %eq3A_1712, %jit3A_1713, %jit3A_1710 : i32
    %rem3A_1715 = arith.remsi %squeeze3A_1685, %select_n3A_1714 : i32
    %ne3A_1716 = arith.constant 0 : i32
    %ne3A_1717 = arith.cmpi ne, %rem3A_1715, %ne3A_1716 : i32
    %lt3A_1718 = arith.constant 0 : i32
    %lt3A_1719 = arith.cmpi slt, %rem3A_1715, %lt3A_1718 : i32
    %lt3A_1720 = arith.constant 0 : i32
    %lt3A_1721 = arith.cmpi slt, %select_n3A_1714, %lt3A_1720 : i32
    %ne3A_1722 = arith.xori %lt3A_1719, %lt3A_1721 : i1
    %and3A_1723 = arith.andi %ne3A_1722, %ne3A_1717 : i1
    %add3A_1724 = arith.addi %rem3A_1715, %select_n3A_1714 : i32
    %select_n3A_1725 = arith.select %and3A_1723, %add3A_1724, %rem3A_1715 : i32
    %jit3A_1726 = arith.constant 16 : i32
    %div3A_1727 = arith.divsi %select_n3A_1725, %jit3A_1726 : i32
    %sign3A_1728 = arith.constant 0 : i32
    %sign3A_1729 = arith.cmpi sgt, %select_n3A_1725, %sign3A_1728 : i32
    %sign3A_1730 = arith.extui %sign3A_1729 : i1 to i32
    %sign3A_1731 = arith.constant 0 : i32
    %sign3A_1732 = arith.cmpi slt, %select_n3A_1725, %sign3A_1731 : i32
    %sign3A_1733 = arith.extui %sign3A_1732 : i1 to i32
    %sign3A_1734 = arith.subi %sign3A_1730, %sign3A_1733 : i32
    %sign3A_1735 = arith.constant 0 : i32
    %sign3A_1736 = arith.cmpi sgt, %jit3A_1726, %sign3A_1735 : i32
    %sign3A_1737 = arith.extui %sign3A_1736 : i1 to i32
    %sign3A_1738 = arith.constant 0 : i32
    %sign3A_1739 = arith.cmpi slt, %jit3A_1726, %sign3A_1738 : i32
    %sign3A_1740 = arith.extui %sign3A_1739 : i1 to i32
    %sign3A_1741 = arith.subi %sign3A_1737, %sign3A_1740 : i32
    %ne3A_1742 = arith.cmpi ne, %sign3A_1734, %sign3A_1741 : i32
    %rem3A_1743 = arith.remsi %select_n3A_1725, %jit3A_1726 : i32
    %ne3A_1744 = arith.constant 0 : i32
    %ne3A_1745 = arith.cmpi ne, %rem3A_1743, %ne3A_1744 : i32
    %and3A_1746 = arith.andi %ne3A_1742, %ne3A_1745 : i1
    %sub3A_1747 = arith.constant 1 : i32
    %sub3A_1748 = arith.subi %div3A_1727, %sub3A_1747 : i32
    %select_n3A_1749 = arith.select %and3A_1746, %sub3A_1748, %div3A_1727 : i32
    %mul3A_1750 = arith.constant 16 : i32
    %mul3A_1751 = arith.muli %select_n3A_1749, %mul3A_1750 : i32
    %get3A_1752 = arith.index_cast %select_n3A_1709 : i32 to index
    %get3A_1753 = arith.index_cast %mul3A_1751 : i32 to index
    %get3A_1754 = tpu.vector_load %arg4[%get3A_1752, %get3A_1753] {strides = array<i32>} : memref<800x128xf32, #tpu.memory_space<vmem>>, vector<16xf32>,
    %sub3A_1755 = arith.subi %select_n3A_1725, %mul3A_1751 : i32
    %eq3A_1756 = vector.broadcast %sub3A_1755 : i32 to vector<16xi32>
    %eq3A_1757 = arith.cmpi eq, %iota3A_1359, %eq3A_1756 : vector<16xi32>
    %slice3A_1758 = vector.extract_strided_slice %div3A_1349 {offsets = [4], sizes = [1], strides = [1]} : vector<16xf32> to vector<1xf32>
    %squeeze3A_1759 = vector.extract %slice3A_1758[0] : f32 from vector<1xf32>
    %broadcast_in_dim3A_1760 = vector.broadcast %squeeze3A_1759 : f32 to vector<16xf32>
    %select_n3A_1761 = arith.select %eq3A_1757, %broadcast_in_dim3A_1760, %get3A_1754 : vector<16xi1>, vector<16xf32>
    %swap3A_1762 = arith.index_cast %select_n3A_1709 : i32 to index
    %swap3A_1763 = arith.index_cast %mul3A_1751 : i32 to index
    %swap3A_1764 = tpu.vector_load %arg4[%swap3A_1762, %swap3A_1763] {strides = array<i32>} : memref<800x128xf32, #tpu.memory_space<vmem>>, vector<16xf32>,
    tpu.vector_store %arg4[%swap3A_1762, %swap3A_1763], %select_n3A_1761 {strides = array<i32>} : memref<800x128xf32, #tpu.memory_space<vmem>>, vector<16xf32>,
    %slice3A_1765 = vector.extract_strided_slice %scan3A_1333#1 {offsets = [5], sizes = [1], strides = [1]} : vector<16xi32> to vector<1xi32>
    %squeeze3A_1766 = vector.extract %slice3A_1765[0] : i32 from vector<1xi32>
    %jit3A_1767 = arith.constant 128 : i32
    %div3A_1768 = arith.divsi %squeeze3A_1766, %jit3A_1767 : i32
    %sign3A_1769 = arith.constant 0 : i32
    %sign3A_1770 = arith.cmpi sgt, %squeeze3A_1766, %sign3A_1769 : i32
    %sign3A_1771 = arith.extui %sign3A_1770 : i1 to i32
    %sign3A_1772 = arith.constant 0 : i32
    %sign3A_1773 = arith.cmpi slt, %squeeze3A_1766, %sign3A_1772 : i32
    %sign3A_1774 = arith.extui %sign3A_1773 : i1 to i32
    %sign3A_1775 = arith.subi %sign3A_1771, %sign3A_1774 : i32
    %sign3A_1776 = arith.constant 0 : i32
    %sign3A_1777 = arith.cmpi sgt, %jit3A_1767, %sign3A_1776 : i32
    %sign3A_1778 = arith.extui %sign3A_1777 : i1 to i32
    %sign3A_1779 = arith.constant 0 : i32
    %sign3A_1780 = arith.cmpi slt, %jit3A_1767, %sign3A_1779 : i32
    %sign3A_1781 = arith.extui %sign3A_1780 : i1 to i32
    %sign3A_1782 = arith.subi %sign3A_1778, %sign3A_1781 : i32
    %ne3A_1783 = arith.cmpi ne, %sign3A_1775, %sign3A_1782 : i32
    %rem3A_1784 = arith.remsi %squeeze3A_1766, %jit3A_1767 : i32
    %ne3A_1785 = arith.constant 0 : i32
    %ne3A_1786 = arith.cmpi ne, %rem3A_1784, %ne3A_1785 : i32
    %and3A_1787 = arith.andi %ne3A_1783, %ne3A_1786 : i1
    %sub3A_1788 = arith.constant 1 : i32
    %sub3A_1789 = arith.subi %div3A_1768, %sub3A_1788 : i32
    %select_n3A_1790 = arith.select %and3A_1787, %sub3A_1789, %div3A_1768 : i32
    %jit3A_1791 = arith.constant 128 : i32
    %eq3A_1792 = arith.constant 0 : i32
    %eq3A_1793 = arith.cmpi eq, %jit3A_1791, %eq3A_1792 : i32
    %jit3A_1794 = arith.constant 1 : i32
    %select_n3A_1795 = arith.select %eq3A_1793, %jit3A_1794, %jit3A_1791 : i32
    %rem3A_1796 = arith.remsi %squeeze3A_1766, %select_n3A_1795 : i32
    %ne3A_1797 = arith.constant 0 : i32
    %ne3A_1798 = arith.cmpi ne, %rem3A_1796, %ne3A_1797 : i32
    %lt3A_1799 = arith.constant 0 : i32
    %lt3A_1800 = arith.cmpi slt, %rem3A_1796, %lt3A_1799 : i32
    %lt3A_1801 = arith.constant 0 : i32
    %lt3A_1802 = arith.cmpi slt, %select_n3A_1795, %lt3A_1801 : i32
    %ne3A_1803 = arith.xori %lt3A_1800, %lt3A_1802 : i1
    %and3A_1804 = arith.andi %ne3A_1803, %ne3A_1798 : i1
    %add3A_1805 = arith.addi %rem3A_1796, %select_n3A_1795 : i32
    %select_n3A_1806 = arith.select %and3A_1804, %add3A_1805, %rem3A_1796 : i32
    %jit3A_1807 = arith.constant 16 : i32
    %div3A_1808 = arith.divsi %select_n3A_1806, %jit3A_1807 : i32
    %sign3A_1809 = arith.constant 0 : i32
    %sign3A_1810 = arith.cmpi sgt, %select_n3A_1806, %sign3A_1809 : i32
    %sign3A_1811 = arith.extui %sign3A_1810 : i1 to i32
    %sign3A_1812 = arith.constant 0 : i32
    %sign3A_1813 = arith.cmpi slt, %select_n3A_1806, %sign3A_1812 : i32
    %sign3A_1814 = arith.extui %sign3A_1813 : i1 to i32
    %sign3A_1815 = arith.subi %sign3A_1811, %sign3A_1814 : i32
    %sign3A_1816 = arith.constant 0 : i32
    %sign3A_1817 = arith.cmpi sgt, %jit3A_1807, %sign3A_1816 : i32
    %sign3A_1818 = arith.extui %sign3A_1817 : i1 to i32
    %sign3A_1819 = arith.constant 0 : i32
    %sign3A_1820 = arith.cmpi slt, %jit3A_1807, %sign3A_1819 : i32
    %sign3A_1821 = arith.extui %sign3A_1820 : i1 to i32
    %sign3A_1822 = arith.subi %sign3A_1818, %sign3A_1821 : i32
    %ne3A_1823 = arith.cmpi ne, %sign3A_1815, %sign3A_1822 : i32
    %rem3A_1824 = arith.remsi %select_n3A_1806, %jit3A_1807 : i32
    %ne3A_1825 = arith.constant 0 : i32
    %ne3A_1826 = arith.cmpi ne, %rem3A_1824, %ne3A_1825 : i32
    %and3A_1827 = arith.andi %ne3A_1823, %ne3A_1826 : i1
    %sub3A_1828 = arith.constant 1 : i32
    %sub3A_1829 = arith.subi %div3A_1808, %sub3A_1828 : i32
    %select_n3A_1830 = arith.select %and3A_1827, %sub3A_1829, %div3A_1808 : i32
    %mul3A_1831 = arith.constant 16 : i32
    %mul3A_1832 = arith.muli %select_n3A_1830, %mul3A_1831 : i32
    %get3A_1833 = arith.index_cast %select_n3A_1790 : i32 to index
    %get3A_1834 = arith.index_cast %mul3A_1832 : i32 to index
    %get3A_1835 = tpu.vector_load %arg4[%get3A_1833, %get3A_1834] {strides = array<i32>} : memref<800x128xf32, #tpu.memory_space<vmem>>, vector<16xf32>,
    %sub3A_1836 = arith.subi %select_n3A_1806, %mul3A_1832 : i32
    %eq3A_1837 = vector.broadcast %sub3A_1836 : i32 to vector<16xi32>
    %eq3A_1838 = arith.cmpi eq, %iota3A_1359, %eq3A_1837 : vector<16xi32>
    %slice3A_1839 = vector.extract_strided_slice %div3A_1349 {offsets = [5], sizes = [1], strides = [1]} : vector<16xf32> to vector<1xf32>
    %squeeze3A_1840 = vector.extract %slice3A_1839[0] : f32 from vector<1xf32>
    %broadcast_in_dim3A_1841 = vector.broadcast %squeeze3A_1840 : f32 to vector<16xf32>
    %select_n3A_1842 = arith.select %eq3A_1838, %broadcast_in_dim3A_1841, %get3A_1835 : vector<16xi1>, vector<16xf32>
    %swap3A_1843 = arith.index_cast %select_n3A_1790 : i32 to index
    %swap3A_1844 = arith.index_cast %mul3A_1832 : i32 to index
    %swap3A_1845 = tpu.vector_load %arg4[%swap3A_1843, %swap3A_1844] {strides = array<i32>} : memref<800x128xf32, #tpu.memory_space<vmem>>, vector<16xf32>,
    tpu.vector_store %arg4[%swap3A_1843, %swap3A_1844], %select_n3A_1842 {strides = array<i32>} : memref<800x128xf32, #tpu.memory_space<vmem>>, vector<16xf32>,
    %slice3A_1846 = vector.extract_strided_slice %scan3A_1333#1 {offsets = [6], sizes = [1], strides = [1]} : vector<16xi32> to vector<1xi32>
    %squeeze3A_1847 = vector.extract %slice3A_1846[0] : i32 from vector<1xi32>
    %jit3A_1848 = arith.constant 128 : i32
    %div3A_1849 = arith.divsi %squeeze3A_1847, %jit3A_1848 : i32
    %sign3A_1850 = arith.constant 0 : i32
    %sign3A_1851 = arith.cmpi sgt, %squeeze3A_1847, %sign3A_1850 : i32
    %sign3A_1852 = arith.extui %sign3A_1851 : i1 to i32
    %sign3A_1853 = arith.constant 0 : i32
    %sign3A_1854 = arith.cmpi slt, %squeeze3A_1847, %sign3A_1853 : i32
    %sign3A_1855 = arith.extui %sign3A_1854 : i1 to i32
    %sign3A_1856 = arith.subi %sign3A_1852, %sign3A_1855 : i32
    %sign3A_1857 = arith.constant 0 : i32
    %sign3A_1858 = arith.cmpi sgt, %jit3A_1848, %sign3A_1857 : i32
    %sign3A_1859 = arith.extui %sign3A_1858 : i1 to i32
    %sign3A_1860 = arith.constant 0 : i32
    %sign3A_1861 = arith.cmpi slt, %jit3A_1848, %sign3A_1860 : i32
    %sign3A_1862 = arith.extui %sign3A_1861 : i1 to i32
    %sign3A_1863 = arith.subi %sign3A_1859, %sign3A_1862 : i32
    %ne3A_1864 = arith.cmpi ne, %sign3A_1856, %sign3A_1863 : i32
    %rem3A_1865 = arith.remsi %squeeze3A_1847, %jit3A_1848 : i32
    %ne3A_1866 = arith.constant 0 : i32
    %ne3A_1867 = arith.cmpi ne, %rem3A_1865, %ne3A_1866 : i32
    %and3A_1868 = arith.andi %ne3A_1864, %ne3A_1867 : i1
    %sub3A_1869 = arith.constant 1 : i32
    %sub3A_1870 = arith.subi %div3A_1849, %sub3A_1869 : i32
    %select_n3A_1871 = arith.select %and3A_1868, %sub3A_1870, %div3A_1849 : i32
    %jit3A_1872 = arith.constant 128 : i32
    %eq3A_1873 = arith.constant 0 : i32
    %eq3A_1874 = arith.cmpi eq, %jit3A_1872, %eq3A_1873 : i32
    %jit3A_1875 = arith.constant 1 : i32
    %select_n3A_1876 = arith.select %eq3A_1874, %jit3A_1875, %jit3A_1872 : i32
    %rem3A_1877 = arith.remsi %squeeze3A_1847, %select_n3A_1876 : i32
    %ne3A_1878 = arith.constant 0 : i32
    %ne3A_1879 = arith.cmpi ne, %rem3A_1877, %ne3A_1878 : i32
    %lt3A_1880 = arith.constant 0 : i32
    %lt3A_1881 = arith.cmpi slt, %rem3A_1877, %lt3A_1880 : i32
    %lt3A_1882 = arith.constant 0 : i32
    %lt3A_1883 = arith.cmpi slt, %select_n3A_1876, %lt3A_1882 : i32
    %ne3A_1884 = arith.xori %lt3A_1881, %lt3A_1883 : i1
    %and3A_1885 = arith.andi %ne3A_1884, %ne3A_1879 : i1
    %add3A_1886 = arith.addi %rem3A_1877, %select_n3A_1876 : i32
    %select_n3A_1887 = arith.select %and3A_1885, %add3A_1886, %rem3A_1877 : i32
    %jit3A_1888 = arith.constant 16 : i32
    %div3A_1889 = arith.divsi %select_n3A_1887, %jit3A_1888 : i32
    %sign3A_1890 = arith.constant 0 : i32
    %sign3A_1891 = arith.cmpi sgt, %select_n3A_1887, %sign3A_1890 : i32
    %sign3A_1892 = arith.extui %sign3A_1891 : i1 to i32
    %sign3A_1893 = arith.constant 0 : i32
    %sign3A_1894 = arith.cmpi slt, %select_n3A_1887, %sign3A_1893 : i32
    %sign3A_1895 = arith.extui %sign3A_1894 : i1 to i32
    %sign3A_1896 = arith.subi %sign3A_1892, %sign3A_1895 : i32
    %sign3A_1897 = arith.constant 0 : i32
    %sign3A_1898 = arith.cmpi sgt, %jit3A_1888, %sign3A_1897 : i32
    %sign3A_1899 = arith.extui %sign3A_1898 : i1 to i32
    %sign3A_1900 = arith.constant 0 : i32
    %sign3A_1901 = arith.cmpi slt, %jit3A_1888, %sign3A_1900 : i32
    %sign3A_1902 = arith.extui %sign3A_1901 : i1 to i32
    %sign3A_1903 = arith.subi %sign3A_1899, %sign3A_1902 : i32
    %ne3A_1904 = arith.cmpi ne, %sign3A_1896, %sign3A_1903 : i32
    %rem3A_1905 = arith.remsi %select_n3A_1887, %jit3A_1888 : i32
    %ne3A_1906 = arith.constant 0 : i32
    %ne3A_1907 = arith.cmpi ne, %rem3A_1905, %ne3A_1906 : i32
    %and3A_1908 = arith.andi %ne3A_1904, %ne3A_1907 : i1
    %sub3A_1909 = arith.constant 1 : i32
    %sub3A_1910 = arith.subi %div3A_1889, %sub3A_1909 : i32
    %select_n3A_1911 = arith.select %and3A_1908, %sub3A_1910, %div3A_1889 : i32
    %mul3A_1912 = arith.constant 16 : i32
    %mul3A_1913 = arith.muli %select_n3A_1911, %mul3A_1912 : i32
    %get3A_1914 = arith.index_cast %select_n3A_1871 : i32 to index
    %get3A_1915 = arith.index_cast %mul3A_1913 : i32 to index
    %get3A_1916 = tpu.vector_load %arg4[%get3A_1914, %get3A_1915] {strides = array<i32>} : memref<800x128xf32, #tpu.memory_space<vmem>>, vector<16xf32>,
    %sub3A_1917 = arith.subi %select_n3A_1887, %mul3A_1913 : i32
    %eq3A_1918 = vector.broadcast %sub3A_1917 : i32 to vector<16xi32>
    %eq3A_1919 = arith.cmpi eq, %iota3A_1359, %eq3A_1918 : vector<16xi32>
    %slice3A_1920 = vector.extract_strided_slice %div3A_1349 {offsets = [6], sizes = [1], strides = [1]} : vector<16xf32> to vector<1xf32>
    %squeeze3A_1921 = vector.extract %slice3A_1920[0] : f32 from vector<1xf32>
    %broadcast_in_dim3A_1922 = vector.broadcast %squeeze3A_1921 : f32 to vector<16xf32>
    %select_n3A_1923 = arith.select %eq3A_1919, %broadcast_in_dim3A_1922, %get3A_1916 : vector<16xi1>, vector<16xf32>
    %swap3A_1924 = arith.index_cast %select_n3A_1871 : i32 to index
    %swap3A_1925 = arith.index_cast %mul3A_1913 : i32 to index
    %swap3A_1926 = tpu.vector_load %arg4[%swap3A_1924, %swap3A_1925] {strides = array<i32>} : memref<800x128xf32, #tpu.memory_space<vmem>>, vector<16xf32>,
    tpu.vector_store %arg4[%swap3A_1924, %swap3A_1925], %select_n3A_1923 {strides = array<i32>} : memref<800x128xf32, #tpu.memory_space<vmem>>, vector<16xf32>,
    %slice3A_1927 = vector.extract_strided_slice %scan3A_1333#1 {offsets = [7], sizes = [1], strides = [1]} : vector<16xi32> to vector<1xi32>
    %squeeze3A_1928 = vector.extract %slice3A_1927[0] : i32 from vector<1xi32>
    %jit3A_1929 = arith.constant 128 : i32
    %div3A_1930 = arith.divsi %squeeze3A_1928, %jit3A_1929 : i32
    %sign3A_1931 = arith.constant 0 : i32
    %sign3A_1932 = arith.cmpi sgt, %squeeze3A_1928, %sign3A_1931 : i32
    %sign3A_1933 = arith.extui %sign3A_1932 : i1 to i32
    %sign3A_1934 = arith.constant 0 : i32
    %sign3A_1935 = arith.cmpi slt, %squeeze3A_1928, %sign3A_1934 : i32
    %sign3A_1936 = arith.extui %sign3A_1935 : i1 to i32
    %sign3A_1937 = arith.subi %sign3A_1933, %sign3A_1936 : i32
    %sign3A_1938 = arith.constant 0 : i32
    %sign3A_1939 = arith.cmpi sgt, %jit3A_1929, %sign3A_1938 : i32
    %sign3A_1940 = arith.extui %sign3A_1939 : i1 to i32
    %sign3A_1941 = arith.constant 0 : i32
    %sign3A_1942 = arith.cmpi slt, %jit3A_1929, %sign3A_1941 : i32
    %sign3A_1943 = arith.extui %sign3A_1942 : i1 to i32
    %sign3A_1944 = arith.subi %sign3A_1940, %sign3A_1943 : i32
    %ne3A_1945 = arith.cmpi ne, %sign3A_1937, %sign3A_1944 : i32
    %rem3A_1946 = arith.remsi %squeeze3A_1928, %jit3A_1929 : i32
    %ne3A_1947 = arith.constant 0 : i32
    %ne3A_1948 = arith.cmpi ne, %rem3A_1946, %ne3A_1947 : i32
    %and3A_1949 = arith.andi %ne3A_1945, %ne3A_1948 : i1
    %sub3A_1950 = arith.constant 1 : i32
    %sub3A_1951 = arith.subi %div3A_1930, %sub3A_1950 : i32
    %select_n3A_1952 = arith.select %and3A_1949, %sub3A_1951, %div3A_1930 : i32
    %jit3A_1953 = arith.constant 128 : i32
    %eq3A_1954 = arith.constant 0 : i32
    %eq3A_1955 = arith.cmpi eq, %jit3A_1953, %eq3A_1954 : i32
    %jit3A_1956 = arith.constant 1 : i32
    %select_n3A_1957 = arith.select %eq3A_1955, %jit3A_1956, %jit3A_1953 : i32
    %rem3A_1958 = arith.remsi %squeeze3A_1928, %select_n3A_1957 : i32
    %ne3A_1959 = arith.constant 0 : i32
    %ne3A_1960 = arith.cmpi ne, %rem3A_1958, %ne3A_1959 : i32
    %lt3A_1961 = arith.constant 0 : i32
    %lt3A_1962 = arith.cmpi slt, %rem3A_1958, %lt3A_1961 : i32
    %lt3A_1963 = arith.constant 0 : i32
    %lt3A_1964 = arith.cmpi slt, %select_n3A_1957, %lt3A_1963 : i32
    %ne3A_1965 = arith.xori %lt3A_1962, %lt3A_1964 : i1
    %and3A_1966 = arith.andi %ne3A_1965, %ne3A_1960 : i1
    %add3A_1967 = arith.addi %rem3A_1958, %select_n3A_1957 : i32
    %select_n3A_1968 = arith.select %and3A_1966, %add3A_1967, %rem3A_1958 : i32
    %jit3A_1969 = arith.constant 16 : i32
    %div3A_1970 = arith.divsi %select_n3A_1968, %jit3A_1969 : i32
    %sign3A_1971 = arith.constant 0 : i32
    %sign3A_1972 = arith.cmpi sgt, %select_n3A_1968, %sign3A_1971 : i32
    %sign3A_1973 = arith.extui %sign3A_1972 : i1 to i32
    %sign3A_1974 = arith.constant 0 : i32
    %sign3A_1975 = arith.cmpi slt, %select_n3A_1968, %sign3A_1974 : i32
    %sign3A_1976 = arith.extui %sign3A_1975 : i1 to i32
    %sign3A_1977 = arith.subi %sign3A_1973, %sign3A_1976 : i32
    %sign3A_1978 = arith.constant 0 : i32
    %sign3A_1979 = arith.cmpi sgt, %jit3A_1969, %sign3A_1978 : i32
    %sign3A_1980 = arith.extui %sign3A_1979 : i1 to i32
    %sign3A_1981 = arith.constant 0 : i32
    %sign3A_1982 = arith.cmpi slt, %jit3A_1969, %sign3A_1981 : i32
    %sign3A_1983 = arith.extui %sign3A_1982 : i1 to i32
    %sign3A_1984 = arith.subi %sign3A_1980, %sign3A_1983 : i32
    %ne3A_1985 = arith.cmpi ne, %sign3A_1977, %sign3A_1984 : i32
    %rem3A_1986 = arith.remsi %select_n3A_1968, %jit3A_1969 : i32
    %ne3A_1987 = arith.constant 0 : i32
    %ne3A_1988 = arith.cmpi ne, %rem3A_1986, %ne3A_1987 : i32
    %and3A_1989 = arith.andi %ne3A_1985, %ne3A_1988 : i1
    %sub3A_1990 = arith.constant 1 : i32
    %sub3A_1991 = arith.subi %div3A_1970, %sub3A_1990 : i32
    %select_n3A_1992 = arith.select %and3A_1989, %sub3A_1991, %div3A_1970 : i32
    %mul3A_1993 = arith.constant 16 : i32
    %mul3A_1994 = arith.muli %select_n3A_1992, %mul3A_1993 : i32
    %get3A_1995 = arith.index_cast %select_n3A_1952 : i32 to index
    %get3A_1996 = arith.index_cast %mul3A_1994 : i32 to index
    %get3A_1997 = tpu.vector_load %arg4[%get3A_1995, %get3A_1996] {strides = array<i32>} : memref<800x128xf32, #tpu.memory_space<vmem>>, vector<16xf32>,
    %sub3A_1998 = arith.subi %select_n3A_1968, %mul3A_1994 : i32
    %eq3A_1999 = vector.broadcast %sub3A_1998 : i32 to vector<16xi32>
    %eq3A_2000 = arith.cmpi eq, %iota3A_1359, %eq3A_1999 : vector<16xi32>
    %slice3A_2001 = vector.extract_strided_slice %div3A_1349 {offsets = [7], sizes = [1], strides = [1]} : vector<16xf32> to vector<1xf32>
    %squeeze3A_2002 = vector.extract %slice3A_2001[0] : f32 from vector<1xf32>
    %broadcast_in_dim3A_2003 = vector.broadcast %squeeze3A_2002 : f32 to vector<16xf32>
    %select_n3A_2004 = arith.select %eq3A_2000, %broadcast_in_dim3A_2003, %get3A_1997 : vector<16xi1>, vector<16xf32>
    %swap3A_2005 = arith.index_cast %select_n3A_1952 : i32 to index
    %swap3A_2006 = arith.index_cast %mul3A_1994 : i32 to index
    %swap3A_2007 = tpu.vector_load %arg4[%swap3A_2005, %swap3A_2006] {strides = array<i32>} : memref<800x128xf32, #tpu.memory_space<vmem>>, vector<16xf32>,
    tpu.vector_store %arg4[%swap3A_2005, %swap3A_2006], %select_n3A_2004 {strides = array<i32>} : memref<800x128xf32, #tpu.memory_space<vmem>>, vector<16xf32>,
    %slice3A_2008 = vector.extract_strided_slice %scan3A_1333#1 {offsets = [8], sizes = [1], strides = [1]} : vector<16xi32> to vector<1xi32>
    %squeeze3A_2009 = vector.extract %slice3A_2008[0] : i32 from vector<1xi32>
    %jit3A_2010 = arith.constant 128 : i32
    %div3A_2011 = arith.divsi %squeeze3A_2009, %jit3A_2010 : i32
    %sign3A_2012 = arith.constant 0 : i32
    %sign3A_2013 = arith.cmpi sgt, %squeeze3A_2009, %sign3A_2012 : i32
    %sign3A_2014 = arith.extui %sign3A_2013 : i1 to i32
    %sign3A_2015 = arith.constant 0 : i32
    %sign3A_2016 = arith.cmpi slt, %squeeze3A_2009, %sign3A_2015 : i32
    %sign3A_2017 = arith.extui %sign3A_2016 : i1 to i32
    %sign3A_2018 = arith.subi %sign3A_2014, %sign3A_2017 : i32
    %sign3A_2019 = arith.constant 0 : i32
    %sign3A_2020 = arith.cmpi sgt, %jit3A_2010, %sign3A_2019 : i32
    %sign3A_2021 = arith.extui %sign3A_2020 : i1 to i32
    %sign3A_2022 = arith.constant 0 : i32
    %sign3A_2023 = arith.cmpi slt, %jit3A_2010, %sign3A_2022 : i32
    %sign3A_2024 = arith.extui %sign3A_2023 : i1 to i32
    %sign3A_2025 = arith.subi %sign3A_2021, %sign3A_2024 : i32
    %ne3A_2026 = arith.cmpi ne, %sign3A_2018, %sign3A_2025 : i32
    %rem3A_2027 = arith.remsi %squeeze3A_2009, %jit3A_2010 : i32
    %ne3A_2028 = arith.constant 0 : i32
    %ne3A_2029 = arith.cmpi ne, %rem3A_2027, %ne3A_2028 : i32
    %and3A_2030 = arith.andi %ne3A_2026, %ne3A_2029 : i1
    %sub3A_2031 = arith.constant 1 : i32
    %sub3A_2032 = arith.subi %div3A_2011, %sub3A_2031 : i32
    %select_n3A_2033 = arith.select %and3A_2030, %sub3A_2032, %div3A_2011 : i32
    %jit3A_2034 = arith.constant 128 : i32
    %eq3A_2035 = arith.constant 0 : i32
    %eq3A_2036 = arith.cmpi eq, %jit3A_2034, %eq3A_2035 : i32
    %jit3A_2037 = arith.constant 1 : i32
    %select_n3A_2038 = arith.select %eq3A_2036, %jit3A_2037, %jit3A_2034 : i32
    %rem3A_2039 = arith.remsi %squeeze3A_2009, %select_n3A_2038 : i32
    %ne3A_2040 = arith.constant 0 : i32
    %ne3A_2041 = arith.cmpi ne, %rem3A_2039, %ne3A_2040 : i32
    %lt3A_2042 = arith.constant 0 : i32
    %lt3A_2043 = arith.cmpi slt, %rem3A_2039, %lt3A_2042 : i32
    %lt3A_2044 = arith.constant 0 : i32
    %lt3A_2045 = arith.cmpi slt, %select_n3A_2038, %lt3A_2044 : i32
    %ne3A_2046 = arith.xori %lt3A_2043, %lt3A_2045 : i1
    %and3A_2047 = arith.andi %ne3A_2046, %ne3A_2041 : i1
    %add3A_2048 = arith.addi %rem3A_2039, %select_n3A_2038 : i32
    %select_n3A_2049 = arith.select %and3A_2047, %add3A_2048, %rem3A_2039 : i32
    %jit3A_2050 = arith.constant 16 : i32
    %div3A_2051 = arith.divsi %select_n3A_2049, %jit3A_2050 : i32
    %sign3A_2052 = arith.constant 0 : i32
    %sign3A_2053 = arith.cmpi sgt, %select_n3A_2049, %sign3A_2052 : i32
    %sign3A_2054 = arith.extui %sign3A_2053 : i1 to i32
    %sign3A_2055 = arith.constant 0 : i32
    %sign3A_2056 = arith.cmpi slt, %select_n3A_2049, %sign3A_2055 : i32
    %sign3A_2057 = arith.extui %sign3A_2056 : i1 to i32
    %sign3A_2058 = arith.subi %sign3A_2054, %sign3A_2057 : i32
    %sign3A_2059 = arith.constant 0 : i32
    %sign3A_2060 = arith.cmpi sgt, %jit3A_2050, %sign3A_2059 : i32
    %sign3A_2061 = arith.extui %sign3A_2060 : i1 to i32
    %sign3A_2062 = arith.constant 0 : i32
    %sign3A_2063 = arith.cmpi slt, %jit3A_2050, %sign3A_2062 : i32
    %sign3A_2064 = arith.extui %sign3A_2063 : i1 to i32
    %sign3A_2065 = arith.subi %sign3A_2061, %sign3A_2064 : i32
    %ne3A_2066 = arith.cmpi ne, %sign3A_2058, %sign3A_2065 : i32
    %rem3A_2067 = arith.remsi %select_n3A_2049, %jit3A_2050 : i32
    %ne3A_2068 = arith.constant 0 : i32
    %ne3A_2069 = arith.cmpi ne, %rem3A_2067, %ne3A_2068 : i32
    %and3A_2070 = arith.andi %ne3A_2066, %ne3A_2069 : i1
    %sub3A_2071 = arith.constant 1 : i32
    %sub3A_2072 = arith.subi %div3A_2051, %sub3A_2071 : i32
    %select_n3A_2073 = arith.select %and3A_2070, %sub3A_2072, %div3A_2051 : i32
    %mul3A_2074 = arith.constant 16 : i32
    %mul3A_2075 = arith.muli %select_n3A_2073, %mul3A_2074 : i32
    %get3A_2076 = arith.index_cast %select_n3A_2033 : i32 to index
    %get3A_2077 = arith.index_cast %mul3A_2075 : i32 to index
    %get3A_2078 = tpu.vector_load %arg4[%get3A_2076, %get3A_2077] {strides = array<i32>} : memref<800x128xf32, #tpu.memory_space<vmem>>, vector<16xf32>,
    %sub3A_2079 = arith.subi %select_n3A_2049, %mul3A_2075 : i32
    %eq3A_2080 = vector.broadcast %sub3A_2079 : i32 to vector<16xi32>
    %eq3A_2081 = arith.cmpi eq, %iota3A_1359, %eq3A_2080 : vector<16xi32>
    %slice3A_2082 = vector.extract_strided_slice %div3A_1349 {offsets = [8], sizes = [1], strides = [1]} : vector<16xf32> to vector<1xf32>
    %squeeze3A_2083 = vector.extract %slice3A_2082[0] : f32 from vector<1xf32>
    %broadcast_in_dim3A_2084 = vector.broadcast %squeeze3A_2083 : f32 to vector<16xf32>
    %select_n3A_2085 = arith.select %eq3A_2081, %broadcast_in_dim3A_2084, %get3A_2078 : vector<16xi1>, vector<16xf32>
    %swap3A_2086 = arith.index_cast %select_n3A_2033 : i32 to index
    %swap3A_2087 = arith.index_cast %mul3A_2075 : i32 to index
    %swap3A_2088 = tpu.vector_load %arg4[%swap3A_2086, %swap3A_2087] {strides = array<i32>} : memref<800x128xf32, #tpu.memory_space<vmem>>, vector<16xf32>,
    tpu.vector_store %arg4[%swap3A_2086, %swap3A_2087], %select_n3A_2085 {strides = array<i32>} : memref<800x128xf32, #tpu.memory_space<vmem>>, vector<16xf32>,
    %slice3A_2089 = vector.extract_strided_slice %scan3A_1333#1 {offsets = [9], sizes = [1], strides = [1]} : vector<16xi32> to vector<1xi32>
    %squeeze3A_2090 = vector.extract %slice3A_2089[0] : i32 from vector<1xi32>
    %jit3A_2091 = arith.constant 128 : i32
    %div3A_2092 = arith.divsi %squeeze3A_2090, %jit3A_2091 : i32
    %sign3A_2093 = arith.constant 0 : i32
    %sign3A_2094 = arith.cmpi sgt, %squeeze3A_2090, %sign3A_2093 : i32
    %sign3A_2095 = arith.extui %sign3A_2094 : i1 to i32
    %sign3A_2096 = arith.constant 0 : i32
    %sign3A_2097 = arith.cmpi slt, %squeeze3A_2090, %sign3A_2096 : i32
    %sign3A_2098 = arith.extui %sign3A_2097 : i1 to i32
    %sign3A_2099 = arith.subi %sign3A_2095, %sign3A_2098 : i32
    %sign3A_2100 = arith.constant 0 : i32
    %sign3A_2101 = arith.cmpi sgt, %jit3A_2091, %sign3A_2100 : i32
    %sign3A_2102 = arith.extui %sign3A_2101 : i1 to i32
    %sign3A_2103 = arith.constant 0 : i32
    %sign3A_2104 = arith.cmpi slt, %jit3A_2091, %sign3A_2103 : i32
    %sign3A_2105 = arith.extui %sign3A_2104 : i1 to i32
    %sign3A_2106 = arith.subi %sign3A_2102, %sign3A_2105 : i32
    %ne3A_2107 = arith.cmpi ne, %sign3A_2099, %sign3A_2106 : i32
    %rem3A_2108 = arith.remsi %squeeze3A_2090, %jit3A_2091 : i32
    %ne3A_2109 = arith.constant 0 : i32
    %ne3A_2110 = arith.cmpi ne, %rem3A_2108, %ne3A_2109 : i32
    %and3A_2111 = arith.andi %ne3A_2107, %ne3A_2110 : i1
    %sub3A_2112 = arith.constant 1 : i32
    %sub3A_2113 = arith.subi %div3A_2092, %sub3A_2112 : i32
    %select_n3A_2114 = arith.select %and3A_2111, %sub3A_2113, %div3A_2092 : i32
    %jit3A_2115 = arith.constant 128 : i32
    %eq3A_2116 = arith.constant 0 : i32
    %eq3A_2117 = arith.cmpi eq, %jit3A_2115, %eq3A_2116 : i32
    %jit3A_2118 = arith.constant 1 : i32
    %select_n3A_2119 = arith.select %eq3A_2117, %jit3A_2118, %jit3A_2115 : i32
    %rem3A_2120 = arith.remsi %squeeze3A_2090, %select_n3A_2119 : i32
    %ne3A_2121 = arith.constant 0 : i32
    %ne3A_2122 = arith.cmpi ne, %rem3A_2120, %ne3A_2121 : i32
    %lt3A_2123 = arith.constant 0 : i32
    %lt3A_2124 = arith.cmpi slt, %rem3A_2120, %lt3A_2123 : i32
    %lt3A_2125 = arith.constant 0 : i32
    %lt3A_2126 = arith.cmpi slt, %select_n3A_2119, %lt3A_2125 : i32
    %ne3A_2127 = arith.xori %lt3A_2124, %lt3A_2126 : i1
    %and3A_2128 = arith.andi %ne3A_2127, %ne3A_2122 : i1
    %add3A_2129 = arith.addi %rem3A_2120, %select_n3A_2119 : i32
    %select_n3A_2130 = arith.select %and3A_2128, %add3A_2129, %rem3A_2120 : i32
    %jit3A_2131 = arith.constant 16 : i32
    %div3A_2132 = arith.divsi %select_n3A_2130, %jit3A_2131 : i32
    %sign3A_2133 = arith.constant 0 : i32
    %sign3A_2134 = arith.cmpi sgt, %select_n3A_2130, %sign3A_2133 : i32
    %sign3A_2135 = arith.extui %sign3A_2134 : i1 to i32
    %sign3A_2136 = arith.constant 0 : i32
    %sign3A_2137 = arith.cmpi slt, %select_n3A_2130, %sign3A_2136 : i32
    %sign3A_2138 = arith.extui %sign3A_2137 : i1 to i32
    %sign3A_2139 = arith.subi %sign3A_2135, %sign3A_2138 : i32
    %sign3A_2140 = arith.constant 0 : i32
    %sign3A_2141 = arith.cmpi sgt, %jit3A_2131, %sign3A_2140 : i32
    %sign3A_2142 = arith.extui %sign3A_2141 : i1 to i32
    %sign3A_2143 = arith.constant 0 : i32
    %sign3A_2144 = arith.cmpi slt, %jit3A_2131, %sign3A_2143 : i32
    %sign3A_2145 = arith.extui %sign3A_2144 : i1 to i32
    %sign3A_2146 = arith.subi %sign3A_2142, %sign3A_2145 : i32
    %ne3A_2147 = arith.cmpi ne, %sign3A_2139, %sign3A_2146 : i32
    %rem3A_2148 = arith.remsi %select_n3A_2130, %jit3A_2131 : i32
    %ne3A_2149 = arith.constant 0 : i32
    %ne3A_2150 = arith.cmpi ne, %rem3A_2148, %ne3A_2149 : i32
    %and3A_2151 = arith.andi %ne3A_2147, %ne3A_2150 : i1
    %sub3A_2152 = arith.constant 1 : i32
    %sub3A_2153 = arith.subi %div3A_2132, %sub3A_2152 : i32
    %select_n3A_2154 = arith.select %and3A_2151, %sub3A_2153, %div3A_2132 : i32
    %mul3A_2155 = arith.constant 16 : i32
    %mul3A_2156 = arith.muli %select_n3A_2154, %mul3A_2155 : i32
    %get3A_2157 = arith.index_cast %select_n3A_2114 : i32 to index
    %get3A_2158 = arith.index_cast %mul3A_2156 : i32 to index
    %get3A_2159 = tpu.vector_load %arg4[%get3A_2157, %get3A_2158] {strides = array<i32>} : memref<800x128xf32, #tpu.memory_space<vmem>>, vector<16xf32>,
    %sub3A_2160 = arith.subi %select_n3A_2130, %mul3A_2156 : i32
    %eq3A_2161 = vector.broadcast %sub3A_2160 : i32 to vector<16xi32>
    %eq3A_2162 = arith.cmpi eq, %iota3A_1359, %eq3A_2161 : vector<16xi32>
    %slice3A_2163 = vector.extract_strided_slice %div3A_1349 {offsets = [9], sizes = [1], strides = [1]} : vector<16xf32> to vector<1xf32>
    %squeeze3A_2164 = vector.extract %slice3A_2163[0] : f32 from vector<1xf32>
    %broadcast_in_dim3A_2165 = vector.broadcast %squeeze3A_2164 : f32 to vector<16xf32>
    %select_n3A_2166 = arith.select %eq3A_2162, %broadcast_in_dim3A_2165, %get3A_2159 : vector<16xi1>, vector<16xf32>
    %swap3A_2167 = arith.index_cast %select_n3A_2114 : i32 to index
    %swap3A_2168 = arith.index_cast %mul3A_2156 : i32 to index
    %swap3A_2169 = tpu.vector_load %arg4[%swap3A_2167, %swap3A_2168] {strides = array<i32>} : memref<800x128xf32, #tpu.memory_space<vmem>>, vector<16xf32>,
    tpu.vector_store %arg4[%swap3A_2167, %swap3A_2168], %select_n3A_2166 {strides = array<i32>} : memref<800x128xf32, #tpu.memory_space<vmem>>, vector<16xf32>,
    %slice3A_2170 = vector.extract_strided_slice %scan3A_1333#1 {offsets = [10], sizes = [1], strides = [1]} : vector<16xi32> to vector<1xi32>
    %squeeze3A_2171 = vector.extract %slice3A_2170[0] : i32 from vector<1xi32>
    %jit3A_2172 = arith.constant 128 : i32
    %div3A_2173 = arith.divsi %squeeze3A_2171, %jit3A_2172 : i32
    %sign3A_2174 = arith.constant 0 : i32
    %sign3A_2175 = arith.cmpi sgt, %squeeze3A_2171, %sign3A_2174 : i32
    %sign3A_2176 = arith.extui %sign3A_2175 : i1 to i32
    %sign3A_2177 = arith.constant 0 : i32
    %sign3A_2178 = arith.cmpi slt, %squeeze3A_2171, %sign3A_2177 : i32
    %sign3A_2179 = arith.extui %sign3A_2178 : i1 to i32
    %sign3A_2180 = arith.subi %sign3A_2176, %sign3A_2179 : i32
    %sign3A_2181 = arith.constant 0 : i32
    %sign3A_2182 = arith.cmpi sgt, %jit3A_2172, %sign3A_2181 : i32
    %sign3A_2183 = arith.extui %sign3A_2182 : i1 to i32
    %sign3A_2184 = arith.constant 0 : i32
    %sign3A_2185 = arith.cmpi slt, %jit3A_2172, %sign3A_2184 : i32
    %sign3A_2186 = arith.extui %sign3A_2185 : i1 to i32
    %sign3A_2187 = arith.subi %sign3A_2183, %sign3A_2186 : i32
    %ne3A_2188 = arith.cmpi ne, %sign3A_2180, %sign3A_2187 : i32
    %rem3A_2189 = arith.remsi %squeeze3A_2171, %jit3A_2172 : i32
    %ne3A_2190 = arith.constant 0 : i32
    %ne3A_2191 = arith.cmpi ne, %rem3A_2189, %ne3A_2190 : i32
    %and3A_2192 = arith.andi %ne3A_2188, %ne3A_2191 : i1
    %sub3A_2193 = arith.constant 1 : i32
    %sub3A_2194 = arith.subi %div3A_2173, %sub3A_2193 : i32
    %select_n3A_2195 = arith.select %and3A_2192, %sub3A_2194, %div3A_2173 : i32
    %jit3A_2196 = arith.constant 128 : i32
    %eq3A_2197 = arith.constant 0 : i32
    %eq3A_2198 = arith.cmpi eq, %jit3A_2196, %eq3A_2197 : i32
    %jit3A_2199 = arith.constant 1 : i32
    %select_n3A_2200 = arith.select %eq3A_2198, %jit3A_2199, %jit3A_2196 : i32
    %rem3A_2201 = arith.remsi %squeeze3A_2171, %select_n3A_2200 : i32
    %ne3A_2202 = arith.constant 0 : i32
    %ne3A_2203 = arith.cmpi ne, %rem3A_2201, %ne3A_2202 : i32
    %lt3A_2204 = arith.constant 0 : i32
    %lt3A_2205 = arith.cmpi slt, %rem3A_2201, %lt3A_2204 : i32
    %lt3A_2206 = arith.constant 0 : i32
    %lt3A_2207 = arith.cmpi slt, %select_n3A_2200, %lt3A_2206 : i32
    %ne3A_2208 = arith.xori %lt3A_2205, %lt3A_2207 : i1
    %and3A_2209 = arith.andi %ne3A_2208, %ne3A_2203 : i1
    %add3A_2210 = arith.addi %rem3A_2201, %select_n3A_2200 : i32
    %select_n3A_2211 = arith.select %and3A_2209, %add3A_2210, %rem3A_2201 : i32
    %jit3A_2212 = arith.constant 16 : i32
    %div3A_2213 = arith.divsi %select_n3A_2211, %jit3A_2212 : i32
    %sign3A_2214 = arith.constant 0 : i32
    %sign3A_2215 = arith.cmpi sgt, %select_n3A_2211, %sign3A_2214 : i32
    %sign3A_2216 = arith.extui %sign3A_2215 : i1 to i32
    %sign3A_2217 = arith.constant 0 : i32
    %sign3A_2218 = arith.cmpi slt, %select_n3A_2211, %sign3A_2217 : i32
    %sign3A_2219 = arith.extui %sign3A_2218 : i1 to i32
    %sign3A_2220 = arith.subi %sign3A_2216, %sign3A_2219 : i32
    %sign3A_2221 = arith.constant 0 : i32
    %sign3A_2222 = arith.cmpi sgt, %jit3A_2212, %sign3A_2221 : i32
    %sign3A_2223 = arith.extui %sign3A_2222 : i1 to i32
    %sign3A_2224 = arith.constant 0 : i32
    %sign3A_2225 = arith.cmpi slt, %jit3A_2212, %sign3A_2224 : i32
    %sign3A_2226 = arith.extui %sign3A_2225 : i1 to i32
    %sign3A_2227 = arith.subi %sign3A_2223, %sign3A_2226 : i32
    %ne3A_2228 = arith.cmpi ne, %sign3A_2220, %sign3A_2227 : i32
    %rem3A_2229 = arith.remsi %select_n3A_2211, %jit3A_2212 : i32
    %ne3A_2230 = arith.constant 0 : i32
    %ne3A_2231 = arith.cmpi ne, %rem3A_2229, %ne3A_2230 : i32
    %and3A_2232 = arith.andi %ne3A_2228, %ne3A_2231 : i1
    %sub3A_2233 = arith.constant 1 : i32
    %sub3A_2234 = arith.subi %div3A_2213, %sub3A_2233 : i32
    %select_n3A_2235 = arith.select %and3A_2232, %sub3A_2234, %div3A_2213 : i32
    %mul3A_2236 = arith.constant 16 : i32
    %mul3A_2237 = arith.muli %select_n3A_2235, %mul3A_2236 : i32
    %get3A_2238 = arith.index_cast %select_n3A_2195 : i32 to index
    %get3A_2239 = arith.index_cast %mul3A_2237 : i32 to index
    %get3A_2240 = tpu.vector_load %arg4[%get3A_2238, %get3A_2239] {strides = array<i32>} : memref<800x128xf32, #tpu.memory_space<vmem>>, vector<16xf32>,
    %sub3A_2241 = arith.subi %select_n3A_2211, %mul3A_2237 : i32
    %eq3A_2242 = vector.broadcast %sub3A_2241 : i32 to vector<16xi32>
    %eq3A_2243 = arith.cmpi eq, %iota3A_1359, %eq3A_2242 : vector<16xi32>
    %slice3A_2244 = vector.extract_strided_slice %div3A_1349 {offsets = [10], sizes = [1], strides = [1]} : vector<16xf32> to vector<1xf32>
    %squeeze3A_2245 = vector.extract %slice3A_2244[0] : f32 from vector<1xf32>
    %broadcast_in_dim3A_2246 = vector.broadcast %squeeze3A_2245 : f32 to vector<16xf32>
    %select_n3A_2247 = arith.select %eq3A_2243, %broadcast_in_dim3A_2246, %get3A_2240 : vector<16xi1>, vector<16xf32>
    %swap3A_2248 = arith.index_cast %select_n3A_2195 : i32 to index
    %swap3A_2249 = arith.index_cast %mul3A_2237 : i32 to index
    %swap3A_2250 = tpu.vector_load %arg4[%swap3A_2248, %swap3A_2249] {strides = array<i32>} : memref<800x128xf32, #tpu.memory_space<vmem>>, vector<16xf32>,
    tpu.vector_store %arg4[%swap3A_2248, %swap3A_2249], %select_n3A_2247 {strides = array<i32>} : memref<800x128xf32, #tpu.memory_space<vmem>>, vector<16xf32>,
    %slice3A_2251 = vector.extract_strided_slice %scan3A_1333#1 {offsets = [11], sizes = [1], strides = [1]} : vector<16xi32> to vector<1xi32>
    %squeeze3A_2252 = vector.extract %slice3A_2251[0] : i32 from vector<1xi32>
    %jit3A_2253 = arith.constant 128 : i32
    %div3A_2254 = arith.divsi %squeeze3A_2252, %jit3A_2253 : i32
    %sign3A_2255 = arith.constant 0 : i32
    %sign3A_2256 = arith.cmpi sgt, %squeeze3A_2252, %sign3A_2255 : i32
    %sign3A_2257 = arith.extui %sign3A_2256 : i1 to i32
    %sign3A_2258 = arith.constant 0 : i32
    %sign3A_2259 = arith.cmpi slt, %squeeze3A_2252, %sign3A_2258 : i32
    %sign3A_2260 = arith.extui %sign3A_2259 : i1 to i32
    %sign3A_2261 = arith.subi %sign3A_2257, %sign3A_2260 : i32
    %sign3A_2262 = arith.constant 0 : i32
    %sign3A_2263 = arith.cmpi sgt, %jit3A_2253, %sign3A_2262 : i32
    %sign3A_2264 = arith.extui %sign3A_2263 : i1 to i32
    %sign3A_2265 = arith.constant 0 : i32
    %sign3A_2266 = arith.cmpi slt, %jit3A_2253, %sign3A_2265 : i32
    %sign3A_2267 = arith.extui %sign3A_2266 : i1 to i32
    %sign3A_2268 = arith.subi %sign3A_2264, %sign3A_2267 : i32
    %ne3A_2269 = arith.cmpi ne, %sign3A_2261, %sign3A_2268 : i32
    %rem3A_2270 = arith.remsi %squeeze3A_2252, %jit3A_2253 : i32
    %ne3A_2271 = arith.constant 0 : i32
    %ne3A_2272 = arith.cmpi ne, %rem3A_2270, %ne3A_2271 : i32
    %and3A_2273 = arith.andi %ne3A_2269, %ne3A_2272 : i1
    %sub3A_2274 = arith.constant 1 : i32
    %sub3A_2275 = arith.subi %div3A_2254, %sub3A_2274 : i32
    %select_n3A_2276 = arith.select %and3A_2273, %sub3A_2275, %div3A_2254 : i32
    %jit3A_2277 = arith.constant 128 : i32
    %eq3A_2278 = arith.constant 0 : i32
    %eq3A_2279 = arith.cmpi eq, %jit3A_2277, %eq3A_2278 : i32
    %jit3A_2280 = arith.constant 1 : i32
    %select_n3A_2281 = arith.select %eq3A_2279, %jit3A_2280, %jit3A_2277 : i32
    %rem3A_2282 = arith.remsi %squeeze3A_2252, %select_n3A_2281 : i32
    %ne3A_2283 = arith.constant 0 : i32
    %ne3A_2284 = arith.cmpi ne, %rem3A_2282, %ne3A_2283 : i32
    %lt3A_2285 = arith.constant 0 : i32
    %lt3A_2286 = arith.cmpi slt, %rem3A_2282, %lt3A_2285 : i32
    %lt3A_2287 = arith.constant 0 : i32
    %lt3A_2288 = arith.cmpi slt, %select_n3A_2281, %lt3A_2287 : i32
    %ne3A_2289 = arith.xori %lt3A_2286, %lt3A_2288 : i1
    %and3A_2290 = arith.andi %ne3A_2289, %ne3A_2284 : i1
    %add3A_2291 = arith.addi %rem3A_2282, %select_n3A_2281 : i32
    %select_n3A_2292 = arith.select %and3A_2290, %add3A_2291, %rem3A_2282 : i32
    %jit3A_2293 = arith.constant 16 : i32
    %div3A_2294 = arith.divsi %select_n3A_2292, %jit3A_2293 : i32
    %sign3A_2295 = arith.constant 0 : i32
    %sign3A_2296 = arith.cmpi sgt, %select_n3A_2292, %sign3A_2295 : i32
    %sign3A_2297 = arith.extui %sign3A_2296 : i1 to i32
    %sign3A_2298 = arith.constant 0 : i32
    %sign3A_2299 = arith.cmpi slt, %select_n3A_2292, %sign3A_2298 : i32
    %sign3A_2300 = arith.extui %sign3A_2299 : i1 to i32
    %sign3A_2301 = arith.subi %sign3A_2297, %sign3A_2300 : i32
    %sign3A_2302 = arith.constant 0 : i32
    %sign3A_2303 = arith.cmpi sgt, %jit3A_2293, %sign3A_2302 : i32
    %sign3A_2304 = arith.extui %sign3A_2303 : i1 to i32
    %sign3A_2305 = arith.constant 0 : i32
    %sign3A_2306 = arith.cmpi slt, %jit3A_2293, %sign3A_2305 : i32
    %sign3A_2307 = arith.extui %sign3A_2306 : i1 to i32
    %sign3A_2308 = arith.subi %sign3A_2304, %sign3A_2307 : i32
    %ne3A_2309 = arith.cmpi ne, %sign3A_2301, %sign3A_2308 : i32
    %rem3A_2310 = arith.remsi %select_n3A_2292, %jit3A_2293 : i32
    %ne3A_2311 = arith.constant 0 : i32
    %ne3A_2312 = arith.cmpi ne, %rem3A_2310, %ne3A_2311 : i32
    %and3A_2313 = arith.andi %ne3A_2309, %ne3A_2312 : i1
    %sub3A_2314 = arith.constant 1 : i32
    %sub3A_2315 = arith.subi %div3A_2294, %sub3A_2314 : i32
    %select_n3A_2316 = arith.select %and3A_2313, %sub3A_2315, %div3A_2294 : i32
    %mul3A_2317 = arith.constant 16 : i32
    %mul3A_2318 = arith.muli %select_n3A_2316, %mul3A_2317 : i32
    %get3A_2319 = arith.index_cast %select_n3A_2276 : i32 to index
    %get3A_2320 = arith.index_cast %mul3A_2318 : i32 to index
    %get3A_2321 = tpu.vector_load %arg4[%get3A_2319, %get3A_2320] {strides = array<i32>} : memref<800x128xf32, #tpu.memory_space<vmem>>, vector<16xf32>,
    %sub3A_2322 = arith.subi %select_n3A_2292, %mul3A_2318 : i32
    %eq3A_2323 = vector.broadcast %sub3A_2322 : i32 to vector<16xi32>
    %eq3A_2324 = arith.cmpi eq, %iota3A_1359, %eq3A_2323 : vector<16xi32>
    %slice3A_2325 = vector.extract_strided_slice %div3A_1349 {offsets = [11], sizes = [1], strides = [1]} : vector<16xf32> to vector<1xf32>
    %squeeze3A_2326 = vector.extract %slice3A_2325[0] : f32 from vector<1xf32>
    %broadcast_in_dim3A_2327 = vector.broadcast %squeeze3A_2326 : f32 to vector<16xf32>
    %select_n3A_2328 = arith.select %eq3A_2324, %broadcast_in_dim3A_2327, %get3A_2321 : vector<16xi1>, vector<16xf32>
    %swap3A_2329 = arith.index_cast %select_n3A_2276 : i32 to index
    %swap3A_2330 = arith.index_cast %mul3A_2318 : i32 to index
    %swap3A_2331 = tpu.vector_load %arg4[%swap3A_2329, %swap3A_2330] {strides = array<i32>} : memref<800x128xf32, #tpu.memory_space<vmem>>, vector<16xf32>,
    tpu.vector_store %arg4[%swap3A_2329, %swap3A_2330], %select_n3A_2328 {strides = array<i32>} : memref<800x128xf32, #tpu.memory_space<vmem>>, vector<16xf32>,
    %slice3A_2332 = vector.extract_strided_slice %scan3A_1333#1 {offsets = [12], sizes = [1], strides = [1]} : vector<16xi32> to vector<1xi32>
    %squeeze3A_2333 = vector.extract %slice3A_2332[0] : i32 from vector<1xi32>
    %jit3A_2334 = arith.constant 128 : i32
    %div3A_2335 = arith.divsi %squeeze3A_2333, %jit3A_2334 : i32
    %sign3A_2336 = arith.constant 0 : i32
    %sign3A_2337 = arith.cmpi sgt, %squeeze3A_2333, %sign3A_2336 : i32
    %sign3A_2338 = arith.extui %sign3A_2337 : i1 to i32
    %sign3A_2339 = arith.constant 0 : i32
    %sign3A_2340 = arith.cmpi slt, %squeeze3A_2333, %sign3A_2339 : i32
    %sign3A_2341 = arith.extui %sign3A_2340 : i1 to i32
    %sign3A_2342 = arith.subi %sign3A_2338, %sign3A_2341 : i32
    %sign3A_2343 = arith.constant 0 : i32
    %sign3A_2344 = arith.cmpi sgt, %jit3A_2334, %sign3A_2343 : i32
    %sign3A_2345 = arith.extui %sign3A_2344 : i1 to i32
    %sign3A_2346 = arith.constant 0 : i32
    %sign3A_2347 = arith.cmpi slt, %jit3A_2334, %sign3A_2346 : i32
    %sign3A_2348 = arith.extui %sign3A_2347 : i1 to i32
    %sign3A_2349 = arith.subi %sign3A_2345, %sign3A_2348 : i32
    %ne3A_2350 = arith.cmpi ne, %sign3A_2342, %sign3A_2349 : i32
    %rem3A_2351 = arith.remsi %squeeze3A_2333, %jit3A_2334 : i32
    %ne3A_2352 = arith.constant 0 : i32
    %ne3A_2353 = arith.cmpi ne, %rem3A_2351, %ne3A_2352 : i32
    %and3A_2354 = arith.andi %ne3A_2350, %ne3A_2353 : i1
    %sub3A_2355 = arith.constant 1 : i32
    %sub3A_2356 = arith.subi %div3A_2335, %sub3A_2355 : i32
    %select_n3A_2357 = arith.select %and3A_2354, %sub3A_2356, %div3A_2335 : i32
    %jit3A_2358 = arith.constant 128 : i32
    %eq3A_2359 = arith.constant 0 : i32
    %eq3A_2360 = arith.cmpi eq, %jit3A_2358, %eq3A_2359 : i32
    %jit3A_2361 = arith.constant 1 : i32
    %select_n3A_2362 = arith.select %eq3A_2360, %jit3A_2361, %jit3A_2358 : i32
    %rem3A_2363 = arith.remsi %squeeze3A_2333, %select_n3A_2362 : i32
    %ne3A_2364 = arith.constant 0 : i32
    %ne3A_2365 = arith.cmpi ne, %rem3A_2363, %ne3A_2364 : i32
    %lt3A_2366 = arith.constant 0 : i32
    %lt3A_2367 = arith.cmpi slt, %rem3A_2363, %lt3A_2366 : i32
    %lt3A_2368 = arith.constant 0 : i32
    %lt3A_2369 = arith.cmpi slt, %select_n3A_2362, %lt3A_2368 : i32
    %ne3A_2370 = arith.xori %lt3A_2367, %lt3A_2369 : i1
    %and3A_2371 = arith.andi %ne3A_2370, %ne3A_2365 : i1
    %add3A_2372 = arith.addi %rem3A_2363, %select_n3A_2362 : i32
    %select_n3A_2373 = arith.select %and3A_2371, %add3A_2372, %rem3A_2363 : i32
    %jit3A_2374 = arith.constant 16 : i32
    %div3A_2375 = arith.divsi %select_n3A_2373, %jit3A_2374 : i32
    %sign3A_2376 = arith.constant 0 : i32
    %sign3A_2377 = arith.cmpi sgt, %select_n3A_2373, %sign3A_2376 : i32
    %sign3A_2378 = arith.extui %sign3A_2377 : i1 to i32
    %sign3A_2379 = arith.constant 0 : i32
    %sign3A_2380 = arith.cmpi slt, %select_n3A_2373, %sign3A_2379 : i32
    %sign3A_2381 = arith.extui %sign3A_2380 : i1 to i32
    %sign3A_2382 = arith.subi %sign3A_2378, %sign3A_2381 : i32
    %sign3A_2383 = arith.constant 0 : i32
    %sign3A_2384 = arith.cmpi sgt, %jit3A_2374, %sign3A_2383 : i32
    %sign3A_2385 = arith.extui %sign3A_2384 : i1 to i32
    %sign3A_2386 = arith.constant 0 : i32
    %sign3A_2387 = arith.cmpi slt, %jit3A_2374, %sign3A_2386 : i32
    %sign3A_2388 = arith.extui %sign3A_2387 : i1 to i32
    %sign3A_2389 = arith.subi %sign3A_2385, %sign3A_2388 : i32
    %ne3A_2390 = arith.cmpi ne, %sign3A_2382, %sign3A_2389 : i32
    %rem3A_2391 = arith.remsi %select_n3A_2373, %jit3A_2374 : i32
    %ne3A_2392 = arith.constant 0 : i32
    %ne3A_2393 = arith.cmpi ne, %rem3A_2391, %ne3A_2392 : i32
    %and3A_2394 = arith.andi %ne3A_2390, %ne3A_2393 : i1
    %sub3A_2395 = arith.constant 1 : i32
    %sub3A_2396 = arith.subi %div3A_2375, %sub3A_2395 : i32
    %select_n3A_2397 = arith.select %and3A_2394, %sub3A_2396, %div3A_2375 : i32
    %mul3A_2398 = arith.constant 16 : i32
    %mul3A_2399 = arith.muli %select_n3A_2397, %mul3A_2398 : i32
    %get3A_2400 = arith.index_cast %select_n3A_2357 : i32 to index
    %get3A_2401 = arith.index_cast %mul3A_2399 : i32 to index
    %get3A_2402 = tpu.vector_load %arg4[%get3A_2400, %get3A_2401] {strides = array<i32>} : memref<800x128xf32, #tpu.memory_space<vmem>>, vector<16xf32>,
    %sub3A_2403 = arith.subi %select_n3A_2373, %mul3A_2399 : i32
    %eq3A_2404 = vector.broadcast %sub3A_2403 : i32 to vector<16xi32>
    %eq3A_2405 = arith.cmpi eq, %iota3A_1359, %eq3A_2404 : vector<16xi32>
    %slice3A_2406 = vector.extract_strided_slice %div3A_1349 {offsets = [12], sizes = [1], strides = [1]} : vector<16xf32> to vector<1xf32>
    %squeeze3A_2407 = vector.extract %slice3A_2406[0] : f32 from vector<1xf32>
    %broadcast_in_dim3A_2408 = vector.broadcast %squeeze3A_2407 : f32 to vector<16xf32>
    %select_n3A_2409 = arith.select %eq3A_2405, %broadcast_in_dim3A_2408, %get3A_2402 : vector<16xi1>, vector<16xf32>
    %swap3A_2410 = arith.index_cast %select_n3A_2357 : i32 to index
    %swap3A_2411 = arith.index_cast %mul3A_2399 : i32 to index
    %swap3A_2412 = tpu.vector_load %arg4[%swap3A_2410, %swap3A_2411] {strides = array<i32>} : memref<800x128xf32, #tpu.memory_space<vmem>>, vector<16xf32>,
    tpu.vector_store %arg4[%swap3A_2410, %swap3A_2411], %select_n3A_2409 {strides = array<i32>} : memref<800x128xf32, #tpu.memory_space<vmem>>, vector<16xf32>,
    %slice3A_2413 = vector.extract_strided_slice %scan3A_1333#1 {offsets = [13], sizes = [1], strides = [1]} : vector<16xi32> to vector<1xi32>
    %squeeze3A_2414 = vector.extract %slice3A_2413[0] : i32 from vector<1xi32>
    %jit3A_2415 = arith.constant 128 : i32
    %div3A_2416 = arith.divsi %squeeze3A_2414, %jit3A_2415 : i32
    %sign3A_2417 = arith.constant 0 : i32
    %sign3A_2418 = arith.cmpi sgt, %squeeze3A_2414, %sign3A_2417 : i32
    %sign3A_2419 = arith.extui %sign3A_2418 : i1 to i32
    %sign3A_2420 = arith.constant 0 : i32
    %sign3A_2421 = arith.cmpi slt, %squeeze3A_2414, %sign3A_2420 : i32
    %sign3A_2422 = arith.extui %sign3A_2421 : i1 to i32
    %sign3A_2423 = arith.subi %sign3A_2419, %sign3A_2422 : i32
    %sign3A_2424 = arith.constant 0 : i32
    %sign3A_2425 = arith.cmpi sgt, %jit3A_2415, %sign3A_2424 : i32
    %sign3A_2426 = arith.extui %sign3A_2425 : i1 to i32
    %sign3A_2427 = arith.constant 0 : i32
    %sign3A_2428 = arith.cmpi slt, %jit3A_2415, %sign3A_2427 : i32
    %sign3A_2429 = arith.extui %sign3A_2428 : i1 to i32
    %sign3A_2430 = arith.subi %sign3A_2426, %sign3A_2429 : i32
    %ne3A_2431 = arith.cmpi ne, %sign3A_2423, %sign3A_2430 : i32
    %rem3A_2432 = arith.remsi %squeeze3A_2414, %jit3A_2415 : i32
    %ne3A_2433 = arith.constant 0 : i32
    %ne3A_2434 = arith.cmpi ne, %rem3A_2432, %ne3A_2433 : i32
    %and3A_2435 = arith.andi %ne3A_2431, %ne3A_2434 : i1
    %sub3A_2436 = arith.constant 1 : i32
    %sub3A_2437 = arith.subi %div3A_2416, %sub3A_2436 : i32
    %select_n3A_2438 = arith.select %and3A_2435, %sub3A_2437, %div3A_2416 : i32
    %jit3A_2439 = arith.constant 128 : i32
    %eq3A_2440 = arith.constant 0 : i32
    %eq3A_2441 = arith.cmpi eq, %jit3A_2439, %eq3A_2440 : i32
    %jit3A_2442 = arith.constant 1 : i32
    %select_n3A_2443 = arith.select %eq3A_2441, %jit3A_2442, %jit3A_2439 : i32
    %rem3A_2444 = arith.remsi %squeeze3A_2414, %select_n3A_2443 : i32
    %ne3A_2445 = arith.constant 0 : i32
    %ne3A_2446 = arith.cmpi ne, %rem3A_2444, %ne3A_2445 : i32
    %lt3A_2447 = arith.constant 0 : i32
    %lt3A_2448 = arith.cmpi slt, %rem3A_2444, %lt3A_2447 : i32
    %lt3A_2449 = arith.constant 0 : i32
    %lt3A_2450 = arith.cmpi slt, %select_n3A_2443, %lt3A_2449 : i32
    %ne3A_2451 = arith.xori %lt3A_2448, %lt3A_2450 : i1
    %and3A_2452 = arith.andi %ne3A_2451, %ne3A_2446 : i1
    %add3A_2453 = arith.addi %rem3A_2444, %select_n3A_2443 : i32
    %select_n3A_2454 = arith.select %and3A_2452, %add3A_2453, %rem3A_2444 : i32
    %jit3A_2455 = arith.constant 16 : i32
    %div3A_2456 = arith.divsi %select_n3A_2454, %jit3A_2455 : i32
    %sign3A_2457 = arith.constant 0 : i32
    %sign3A_2458 = arith.cmpi sgt, %select_n3A_2454, %sign3A_2457 : i32
    %sign3A_2459 = arith.extui %sign3A_2458 : i1 to i32
    %sign3A_2460 = arith.constant 0 : i32
    %sign3A_2461 = arith.cmpi slt, %select_n3A_2454, %sign3A_2460 : i32
    %sign3A_2462 = arith.extui %sign3A_2461 : i1 to i32
    %sign3A_2463 = arith.subi %sign3A_2459, %sign3A_2462 : i32
    %sign3A_2464 = arith.constant 0 : i32
    %sign3A_2465 = arith.cmpi sgt, %jit3A_2455, %sign3A_2464 : i32
    %sign3A_2466 = arith.extui %sign3A_2465 : i1 to i32
    %sign3A_2467 = arith.constant 0 : i32
    %sign3A_2468 = arith.cmpi slt, %jit3A_2455, %sign3A_2467 : i32
    %sign3A_2469 = arith.extui %sign3A_2468 : i1 to i32
    %sign3A_2470 = arith.subi %sign3A_2466, %sign3A_2469 : i32
    %ne3A_2471 = arith.cmpi ne, %sign3A_2463, %sign3A_2470 : i32
    %rem3A_2472 = arith.remsi %select_n3A_2454, %jit3A_2455 : i32
    %ne3A_2473 = arith.constant 0 : i32
    %ne3A_2474 = arith.cmpi ne, %rem3A_2472, %ne3A_2473 : i32
    %and3A_2475 = arith.andi %ne3A_2471, %ne3A_2474 : i1
    %sub3A_2476 = arith.constant 1 : i32
    %sub3A_2477 = arith.subi %div3A_2456, %sub3A_2476 : i32
    %select_n3A_2478 = arith.select %and3A_2475, %sub3A_2477, %div3A_2456 : i32
    %mul3A_2479 = arith.constant 16 : i32
    %mul3A_2480 = arith.muli %select_n3A_2478, %mul3A_2479 : i32
    %get3A_2481 = arith.index_cast %select_n3A_2438 : i32 to index
    %get3A_2482 = arith.index_cast %mul3A_2480 : i32 to index
    %get3A_2483 = tpu.vector_load %arg4[%get3A_2481, %get3A_2482] {strides = array<i32>} : memref<800x128xf32, #tpu.memory_space<vmem>>, vector<16xf32>,
    %sub3A_2484 = arith.subi %select_n3A_2454, %mul3A_2480 : i32
    %eq3A_2485 = vector.broadcast %sub3A_2484 : i32 to vector<16xi32>
    %eq3A_2486 = arith.cmpi eq, %iota3A_1359, %eq3A_2485 : vector<16xi32>
    %slice3A_2487 = vector.extract_strided_slice %div3A_1349 {offsets = [13], sizes = [1], strides = [1]} : vector<16xf32> to vector<1xf32>
    %squeeze3A_2488 = vector.extract %slice3A_2487[0] : f32 from vector<1xf32>
    %broadcast_in_dim3A_2489 = vector.broadcast %squeeze3A_2488 : f32 to vector<16xf32>
    %select_n3A_2490 = arith.select %eq3A_2486, %broadcast_in_dim3A_2489, %get3A_2483 : vector<16xi1>, vector<16xf32>
    %swap3A_2491 = arith.index_cast %select_n3A_2438 : i32 to index
    %swap3A_2492 = arith.index_cast %mul3A_2480 : i32 to index
    %swap3A_2493 = tpu.vector_load %arg4[%swap3A_2491, %swap3A_2492] {strides = array<i32>} : memref<800x128xf32, #tpu.memory_space<vmem>>, vector<16xf32>,
    tpu.vector_store %arg4[%swap3A_2491, %swap3A_2492], %select_n3A_2490 {strides = array<i32>} : memref<800x128xf32, #tpu.memory_space<vmem>>, vector<16xf32>,
    %slice3A_2494 = vector.extract_strided_slice %scan3A_1333#1 {offsets = [14], sizes = [1], strides = [1]} : vector<16xi32> to vector<1xi32>
    %squeeze3A_2495 = vector.extract %slice3A_2494[0] : i32 from vector<1xi32>
    %jit3A_2496 = arith.constant 128 : i32
    %div3A_2497 = arith.divsi %squeeze3A_2495, %jit3A_2496 : i32
    %sign3A_2498 = arith.constant 0 : i32
    %sign3A_2499 = arith.cmpi sgt, %squeeze3A_2495, %sign3A_2498 : i32
    %sign3A_2500 = arith.extui %sign3A_2499 : i1 to i32
    %sign3A_2501 = arith.constant 0 : i32
    %sign3A_2502 = arith.cmpi slt, %squeeze3A_2495, %sign3A_2501 : i32
    %sign3A_2503 = arith.extui %sign3A_2502 : i1 to i32
    %sign3A_2504 = arith.subi %sign3A_2500, %sign3A_2503 : i32
    %sign3A_2505 = arith.constant 0 : i32
    %sign3A_2506 = arith.cmpi sgt, %jit3A_2496, %sign3A_2505 : i32
    %sign3A_2507 = arith.extui %sign3A_2506 : i1 to i32
    %sign3A_2508 = arith.constant 0 : i32
    %sign3A_2509 = arith.cmpi slt, %jit3A_2496, %sign3A_2508 : i32
    %sign3A_2510 = arith.extui %sign3A_2509 : i1 to i32
    %sign3A_2511 = arith.subi %sign3A_2507, %sign3A_2510 : i32
    %ne3A_2512 = arith.cmpi ne, %sign3A_2504, %sign3A_2511 : i32
    %rem3A_2513 = arith.remsi %squeeze3A_2495, %jit3A_2496 : i32
    %ne3A_2514 = arith.constant 0 : i32
    %ne3A_2515 = arith.cmpi ne, %rem3A_2513, %ne3A_2514 : i32
    %and3A_2516 = arith.andi %ne3A_2512, %ne3A_2515 : i1
    %sub3A_2517 = arith.constant 1 : i32
    %sub3A_2518 = arith.subi %div3A_2497, %sub3A_2517 : i32
    %select_n3A_2519 = arith.select %and3A_2516, %sub3A_2518, %div3A_2497 : i32
    %jit3A_2520 = arith.constant 128 : i32
    %eq3A_2521 = arith.constant 0 : i32
    %eq3A_2522 = arith.cmpi eq, %jit3A_2520, %eq3A_2521 : i32
    %jit3A_2523 = arith.constant 1 : i32
    %select_n3A_2524 = arith.select %eq3A_2522, %jit3A_2523, %jit3A_2520 : i32
    %rem3A_2525 = arith.remsi %squeeze3A_2495, %select_n3A_2524 : i32
    %ne3A_2526 = arith.constant 0 : i32
    %ne3A_2527 = arith.cmpi ne, %rem3A_2525, %ne3A_2526 : i32
    %lt3A_2528 = arith.constant 0 : i32
    %lt3A_2529 = arith.cmpi slt, %rem3A_2525, %lt3A_2528 : i32
    %lt3A_2530 = arith.constant 0 : i32
    %lt3A_2531 = arith.cmpi slt, %select_n3A_2524, %lt3A_2530 : i32
    %ne3A_2532 = arith.xori %lt3A_2529, %lt3A_2531 : i1
    %and3A_2533 = arith.andi %ne3A_2532, %ne3A_2527 : i1
    %add3A_2534 = arith.addi %rem3A_2525, %select_n3A_2524 : i32
    %select_n3A_2535 = arith.select %and3A_2533, %add3A_2534, %rem3A_2525 : i32
    %jit3A_2536 = arith.constant 16 : i32
    %div3A_2537 = arith.divsi %select_n3A_2535, %jit3A_2536 : i32
    %sign3A_2538 = arith.constant 0 : i32
    %sign3A_2539 = arith.cmpi sgt, %select_n3A_2535, %sign3A_2538 : i32
    %sign3A_2540 = arith.extui %sign3A_2539 : i1 to i32
    %sign3A_2541 = arith.constant 0 : i32
    %sign3A_2542 = arith.cmpi slt, %select_n3A_2535, %sign3A_2541 : i32
    %sign3A_2543 = arith.extui %sign3A_2542 : i1 to i32
    %sign3A_2544 = arith.subi %sign3A_2540, %sign3A_2543 : i32
    %sign3A_2545 = arith.constant 0 : i32
    %sign3A_2546 = arith.cmpi sgt, %jit3A_2536, %sign3A_2545 : i32
    %sign3A_2547 = arith.extui %sign3A_2546 : i1 to i32
    %sign3A_2548 = arith.constant 0 : i32
    %sign3A_2549 = arith.cmpi slt, %jit3A_2536, %sign3A_2548 : i32
    %sign3A_2550 = arith.extui %sign3A_2549 : i1 to i32
    %sign3A_2551 = arith.subi %sign3A_2547, %sign3A_2550 : i32
    %ne3A_2552 = arith.cmpi ne, %sign3A_2544, %sign3A_2551 : i32
    %rem3A_2553 = arith.remsi %select_n3A_2535, %jit3A_2536 : i32
    %ne3A_2554 = arith.constant 0 : i32
    %ne3A_2555 = arith.cmpi ne, %rem3A_2553, %ne3A_2554 : i32
    %and3A_2556 = arith.andi %ne3A_2552, %ne3A_2555 : i1
    %sub3A_2557 = arith.constant 1 : i32
    %sub3A_2558 = arith.subi %div3A_2537, %sub3A_2557 : i32
    %select_n3A_2559 = arith.select %and3A_2556, %sub3A_2558, %div3A_2537 : i32
    %mul3A_2560 = arith.constant 16 : i32
    %mul3A_2561 = arith.muli %select_n3A_2559, %mul3A_2560 : i32
    %get3A_2562 = arith.index_cast %select_n3A_2519 : i32 to index
    %get3A_2563 = arith.index_cast %mul3A_2561 : i32 to index
    %get3A_2564 = tpu.vector_load %arg4[%get3A_2562, %get3A_2563] {strides = array<i32>} : memref<800x128xf32, #tpu.memory_space<vmem>>, vector<16xf32>,
    %sub3A_2565 = arith.subi %select_n3A_2535, %mul3A_2561 : i32
    %eq3A_2566 = vector.broadcast %sub3A_2565 : i32 to vector<16xi32>
    %eq3A_2567 = arith.cmpi eq, %iota3A_1359, %eq3A_2566 : vector<16xi32>
    %slice3A_2568 = vector.extract_strided_slice %div3A_1349 {offsets = [14], sizes = [1], strides = [1]} : vector<16xf32> to vector<1xf32>
    %squeeze3A_2569 = vector.extract %slice3A_2568[0] : f32 from vector<1xf32>
    %broadcast_in_dim3A_2570 = vector.broadcast %squeeze3A_2569 : f32 to vector<16xf32>
    %select_n3A_2571 = arith.select %eq3A_2567, %broadcast_in_dim3A_2570, %get3A_2564 : vector<16xi1>, vector<16xf32>
    %swap3A_2572 = arith.index_cast %select_n3A_2519 : i32 to index
    %swap3A_2573 = arith.index_cast %mul3A_2561 : i32 to index
    %swap3A_2574 = tpu.vector_load %arg4[%swap3A_2572, %swap3A_2573] {strides = array<i32>} : memref<800x128xf32, #tpu.memory_space<vmem>>, vector<16xf32>,
    tpu.vector_store %arg4[%swap3A_2572, %swap3A_2573], %select_n3A_2571 {strides = array<i32>} : memref<800x128xf32, #tpu.memory_space<vmem>>, vector<16xf32>,
    %slice3A_2575 = vector.extract_strided_slice %scan3A_1333#1 {offsets = [15], sizes = [1], strides = [1]} : vector<16xi32> to vector<1xi32>
    %squeeze3A_2576 = vector.extract %slice3A_2575[0] : i32 from vector<1xi32>
    %jit3A_2577 = arith.constant 128 : i32
    %div3A_2578 = arith.divsi %squeeze3A_2576, %jit3A_2577 : i32
    %sign3A_2579 = arith.constant 0 : i32
    %sign3A_2580 = arith.cmpi sgt, %squeeze3A_2576, %sign3A_2579 : i32
    %sign3A_2581 = arith.extui %sign3A_2580 : i1 to i32
    %sign3A_2582 = arith.constant 0 : i32
    %sign3A_2583 = arith.cmpi slt, %squeeze3A_2576, %sign3A_2582 : i32
    %sign3A_2584 = arith.extui %sign3A_2583 : i1 to i32
    %sign3A_2585 = arith.subi %sign3A_2581, %sign3A_2584 : i32
    %sign3A_2586 = arith.constant 0 : i32
    %sign3A_2587 = arith.cmpi sgt, %jit3A_2577, %sign3A_2586 : i32
    %sign3A_2588 = arith.extui %sign3A_2587 : i1 to i32
    %sign3A_2589 = arith.constant 0 : i32
    %sign3A_2590 = arith.cmpi slt, %jit3A_2577, %sign3A_2589 : i32
    %sign3A_2591 = arith.extui %sign3A_2590 : i1 to i32
    %sign3A_2592 = arith.subi %sign3A_2588, %sign3A_2591 : i32
    %ne3A_2593 = arith.cmpi ne, %sign3A_2585, %sign3A_2592 : i32
    %rem3A_2594 = arith.remsi %squeeze3A_2576, %jit3A_2577 : i32
    %ne3A_2595 = arith.constant 0 : i32
    %ne3A_2596 = arith.cmpi ne, %rem3A_2594, %ne3A_2595 : i32
    %and3A_2597 = arith.andi %ne3A_2593, %ne3A_2596 : i1
    %sub3A_2598 = arith.constant 1 : i32
    %sub3A_2599 = arith.subi %div3A_2578, %sub3A_2598 : i32
    %select_n3A_2600 = arith.select %and3A_2597, %sub3A_2599, %div3A_2578 : i32
    %jit3A_2601 = arith.constant 128 : i32
    %eq3A_2602 = arith.constant 0 : i32
    %eq3A_2603 = arith.cmpi eq, %jit3A_2601, %eq3A_2602 : i32
    %jit3A_2604 = arith.constant 1 : i32
    %select_n3A_2605 = arith.select %eq3A_2603, %jit3A_2604, %jit3A_2601 : i32
    %rem3A_2606 = arith.remsi %squeeze3A_2576, %select_n3A_2605 : i32
    %ne3A_2607 = arith.constant 0 : i32
    %ne3A_2608 = arith.cmpi ne, %rem3A_2606, %ne3A_2607 : i32
    %lt3A_2609 = arith.constant 0 : i32
    %lt3A_2610 = arith.cmpi slt, %rem3A_2606, %lt3A_2609 : i32
    %lt3A_2611 = arith.constant 0 : i32
    %lt3A_2612 = arith.cmpi slt, %select_n3A_2605, %lt3A_2611 : i32
    %ne3A_2613 = arith.xori %lt3A_2610, %lt3A_2612 : i1
    %and3A_2614 = arith.andi %ne3A_2613, %ne3A_2608 : i1
    %add3A_2615 = arith.addi %rem3A_2606, %select_n3A_2605 : i32
    %select_n3A_2616 = arith.select %and3A_2614, %add3A_2615, %rem3A_2606 : i32
    %jit3A_2617 = arith.constant 16 : i32
    %div3A_2618 = arith.divsi %select_n3A_2616, %jit3A_2617 : i32
    %sign3A_2619 = arith.constant 0 : i32
    %sign3A_2620 = arith.cmpi sgt, %select_n3A_2616, %sign3A_2619 : i32
    %sign3A_2621 = arith.extui %sign3A_2620 : i1 to i32
    %sign3A_2622 = arith.constant 0 : i32
    %sign3A_2623 = arith.cmpi slt, %select_n3A_2616, %sign3A_2622 : i32
    %sign3A_2624 = arith.extui %sign3A_2623 : i1 to i32
    %sign3A_2625 = arith.subi %sign3A_2621, %sign3A_2624 : i32
    %sign3A_2626 = arith.constant 0 : i32
    %sign3A_2627 = arith.cmpi sgt, %jit3A_2617, %sign3A_2626 : i32
    %sign3A_2628 = arith.extui %sign3A_2627 : i1 to i32
    %sign3A_2629 = arith.constant 0 : i32
    %sign3A_2630 = arith.cmpi slt, %jit3A_2617, %sign3A_2629 : i32
    %sign3A_2631 = arith.extui %sign3A_2630 : i1 to i32
    %sign3A_2632 = arith.subi %sign3A_2628, %sign3A_2631 : i32
    %ne3A_2633 = arith.cmpi ne, %sign3A_2625, %sign3A_2632 : i32
    %rem3A_2634 = arith.remsi %select_n3A_2616, %jit3A_2617 : i32
    %ne3A_2635 = arith.constant 0 : i32
    %ne3A_2636 = arith.cmpi ne, %rem3A_2634, %ne3A_2635 : i32
    %and3A_2637 = arith.andi %ne3A_2633, %ne3A_2636 : i1
    %sub3A_2638 = arith.constant 1 : i32
    %sub3A_2639 = arith.subi %div3A_2618, %sub3A_2638 : i32
    %select_n3A_2640 = arith.select %and3A_2637, %sub3A_2639, %div3A_2618 : i32
    %mul3A_2641 = arith.constant 16 : i32
    %mul3A_2642 = arith.muli %select_n3A_2640, %mul3A_2641 : i32
    %get3A_2643 = arith.index_cast %select_n3A_2600 : i32 to index
    %get3A_2644 = arith.index_cast %mul3A_2642 : i32 to index
    %get3A_2645 = tpu.vector_load %arg4[%get3A_2643, %get3A_2644] {strides = array<i32>} : memref<800x128xf32, #tpu.memory_space<vmem>>, vector<16xf32>,
    %sub3A_2646 = arith.subi %select_n3A_2616, %mul3A_2642 : i32
    %eq3A_2647 = vector.broadcast %sub3A_2646 : i32 to vector<16xi32>
    %eq3A_2648 = arith.cmpi eq, %iota3A_1359, %eq3A_2647 : vector<16xi32>
    %slice3A_2649 = vector.extract_strided_slice %div3A_1349 {offsets = [15], sizes = [1], strides = [1]} : vector<16xf32> to vector<1xf32>
    %squeeze3A_2650 = vector.extract %slice3A_2649[0] : f32 from vector<1xf32>
    %broadcast_in_dim3A_2651 = vector.broadcast %squeeze3A_2650 : f32 to vector<16xf32>
    %select_n3A_2652 = arith.select %eq3A_2648, %broadcast_in_dim3A_2651, %get3A_2645 : vector<16xi1>, vector<16xf32>
    %swap3A_2653 = arith.index_cast %select_n3A_2600 : i32 to index
    %swap3A_2654 = arith.index_cast %mul3A_2642 : i32 to index
    %swap3A_2655 = tpu.vector_load %arg4[%swap3A_2653, %swap3A_2654] {strides = array<i32>} : memref<800x128xf32, #tpu.memory_space<vmem>>, vector<16xf32>,
    tpu.vector_store %arg4[%swap3A_2653, %swap3A_2654], %select_n3A_2652 {strides = array<i32>} : memref<800x128xf32, #tpu.memory_space<vmem>>, vector<16xf32>,
    "tpu.region"() ({
      %run_scoped3A = tpu.sem_alloc : memref<!tpu.dma_semaphore, #tpu.memory_space<semaphore_mem>>
      %dma_start3A = arith.constant 0 : i32
      %dma_start3A_2656 = arith.constant 0 : i32
      %dma_start3A_2657 = tpu.memref_slice %arg3[%add3A_1322, %dma_start3A, %dma_start3A_2656] : memref<64x800x128xf32, #tpu.memory_space<hbm>> -> memref<1x800x128xf32, #tpu.memory_space<hbm>>
      %dma_start3A_2658 = tpu.memref_squeeze %dma_start3A_2657 : memref<1x800x128xf32, #tpu.memory_space<hbm>> -> memref<800x128xf32, #tpu.memory_space<hbm>>
      %dma_start3A_2659 = arith.constant 0 : i32
      %dma_start3A_2660 = arith.constant 0 : i32
      %dma_start3A_2661 = tpu.memref_slice %arg3[%add3A_1322, %dma_start3A_2659, %dma_start3A_2660] : memref<64x800x128xf32, #tpu.memory_space<hbm>> -> memref<1x800x128xf32, #tpu.memory_space<hbm>>
      %dma_start3A_2662 = tpu.memref_squeeze %dma_start3A_2661 : memref<1x800x128xf32, #tpu.memory_space<hbm>> -> memref<800x128xf32, #tpu.memory_space<hbm>>
      tpu.enqueue_dma source(%arg4 : memref<800x128xf32, #tpu.memory_space<vmem>>) target(%dma_start3A_2662 : memref<800x128xf32, #tpu.memory_space<hbm>>) target_semaphore(%run_scoped3A : memref<!tpu.dma_semaphore, #tpu.memory_space<semaphore_mem>>)
      %dma_wait3A = arith.constant 0 : i32
      %dma_wait3A_2663 = arith.constant 0 : i32
      %dma_wait3A_2664 = tpu.memref_slice %arg3[%add3A_1322, %dma_wait3A, %dma_wait3A_2663] : memref<64x800x128xf32, #tpu.memory_space<hbm>> -> memref<1x800x128xf32, #tpu.memory_space<hbm>>
      %dma_wait3A_2665 = tpu.memref_squeeze %dma_wait3A_2664 : memref<1x800x128xf32, #tpu.memory_space<hbm>> -> memref<800x128xf32, #tpu.memory_space<hbm>>
      %dma_wait3A_2666 = arith.constant 0 : i32
      %dma_wait3A_2667 = arith.constant 0 : i32
      %dma_wait3A_2668 = tpu.memref_slice %arg3[%add3A_1322, %dma_wait3A_2666, %dma_wait3A_2667] : memref<64x800x128xf32, #tpu.memory_space<hbm>> -> memref<1x800x128xf32, #tpu.memory_space<hbm>>
      %dma_wait3A_2669 = tpu.memref_squeeze %dma_wait3A_2668 : memref<1x800x128xf32, #tpu.memory_space<hbm>> -> memref<800x128xf32, #tpu.memory_space<hbm>>
      tpu.wait_dma2 semaphore(%run_scoped3A : memref<!tpu.dma_semaphore, #tpu.memory_space<semaphore_mem>>) src(%arg4 : memref<800x128xf32, #tpu.memory_space<vmem>>) dst(%dma_wait3A_2669 : memref<800x128xf32, #tpu.memory_space<hbm>>)
      tpu.yield
    }) : () -> ()
    return
  }
}

module attributes {stable_mosaic.version = 14 : i64} {
  func.func @_sim_body(%arg0: i32, %arg1: memref<64x2352xf32, #tpu.memory_space<vmem>>, %arg2: memref<2352x64xf32, #tpu.memory_space<vmem>>, %arg3: memref<64x10240xf32, #tpu.memory_space<vmem>>, %arg4: memref<64x80x128xf32, #tpu.memory_space<vmem>>, %arg5: memref<64x64xf32, #tpu.memory_space<vmem>>) attributes {dimension_semantics = [#tpu.dimension_semantics<arbitrary>], iteration_bounds = array<i64: 10>, scalar_prefetch = 0 : i64, scratch_operands = 1 : i64, tpu.core_type = #tpu.core_type<tc>, window_params = [{pipeline_mode = #tpu.pipeline_mode<synchronous>, transform_indices = @transform_0, window_bounds = array<i64: 64, 2352>}, {pipeline_mode = #tpu.pipeline_mode<synchronous>, transform_indices = @transform_1, window_bounds = array<i64: 2352, 64>}, {transform_indices = @transform_2, window_bounds = array<i64: 64, 10240>}, {transform_indices = @transform_3, window_bounds = array<i64: 64, 80, 128>}]} {
    %eq3A = arith.constant 0 : i32
    %eq3A_0 = arith.cmpi eq, %arg0, %eq3A : i32
    %convert_element_type3A = arith.extui %eq3A_0 : i1 to i32
    %cond3A = arith.constant 0 : i32
    %cond3A_1 = arith.cmpi ne, %convert_element_type3A, %cond3A : i32
    scf.if %cond3A_1 {
      %get3A_25 = arith.constant 0 : index
      %get3A_26 = arith.constant 0 : index
      %get3A_27 = vector.load %arg1[%get3A_25, %get3A_26] : memref<64x2352xf32, #tpu.memory_space<vmem>>, vector<64x2352xf32>
      %get3A_28 = arith.constant 0 : index
      %get3A_29 = arith.constant 0 : index
      %get3A_30 = vector.load %arg2[%get3A_28, %get3A_29] : memref<2352x64xf32, #tpu.memory_space<vmem>>, vector<2352x64xf32>
      %dot_general3A_31 = arith.constant dense<0.000000e+00> : vector<64x64xf32>
      %dot_general3A_32 = tpu.matmul %get3A_27, %get3A_30, %dot_general3A_31 {dimension_numbers = #tpu.dot_dimension_numbers<[1], [0], [0], [1], [0, 0, 1, 1], [], []>, transpose_lhs_hint = false} : vector<64x2352xf32>, vector<2352x64xf32>, vector<64x64xf32> -> vector<64x64xf32>
      %mul3A_33 = arith.mulf %dot_general3A_32, %dot_general3A_32 : vector<64x64xf32>
      %reduce_sum3A_34 = arith.constant dense<0.000000e+00> : vector<64xf32>
      %reduce_sum3A_35 = vector.multi_reduction <add>, %mul3A_33, %reduce_sum3A_34 [1] : vector<64x64xf32> to vector<64xf32>
      %broadcast_in_dim3A_36 = vector.shape_cast %reduce_sum3A_35 : vector<64xf32> to vector<64x1xf32>
      %sqrt3A_37 = math.sqrt %broadcast_in_dim3A_36 : vector<64x1xf32>
      %add3A_38 = arith.constant 9.99999997E-7 : f32
      %add3A_39 = vector.broadcast %add3A_38 : f32 to vector<64x1xf32>
      %add3A_40 = arith.addf %sqrt3A_37, %add3A_39 : vector<64x1xf32>
      %div3A_41 = vector.broadcast %add3A_40 : vector<64x1xf32> to vector<64x64xf32>
      %div3A_42 = arith.divf %dot_general3A_32, %div3A_41 : vector<64x64xf32>
      %swap3A_43 = arith.constant 0 : index
      %swap3A_44 = arith.constant 0 : index
      %swap3A_45 = vector.load %arg5[%swap3A_43, %swap3A_44] : memref<64x64xf32, #tpu.memory_space<vmem>>, vector<64x64xf32>
      tpu.vector_store %arg5[%swap3A_43, %swap3A_44], %div3A_42 {strides = array<i32>} : memref<64x64xf32, #tpu.memory_space<vmem>>, vector<64x64xf32>,
    } else {
    }
    %get3A = arith.constant 0 : index
    %get3A_2 = arith.constant 0 : index
    %get3A_3 = vector.load %arg3[%get3A, %get3A_2] : memref<64x10240xf32, #tpu.memory_space<vmem>>, vector<64x10240xf32>
    %mul3A = arith.mulf %get3A_3, %get3A_3 : vector<64x10240xf32>
    %reduce_sum3A = arith.constant dense<0.000000e+00> : vector<10240xf32>
    %reduce_sum3A_4 = vector.multi_reduction <add>, %mul3A, %reduce_sum3A [0] : vector<64x10240xf32> to vector<10240xf32>
    %broadcast_in_dim3A = vector.shape_cast %reduce_sum3A_4 : vector<10240xf32> to vector<1x10240xf32>
    %sqrt3A = math.sqrt %broadcast_in_dim3A : vector<1x10240xf32>
    %add3A = arith.constant 9.99999997E-7 : f32
    %add3A_5 = vector.broadcast %add3A : f32 to vector<1x10240xf32>
    %add3A_6 = arith.addf %sqrt3A, %add3A_5 : vector<1x10240xf32>
    %div3A = arith.constant 1.000000e+00 : f32
    %div3A_7 = vector.broadcast %div3A : f32 to vector<1x10240xf32>
    %div3A_8 = arith.divf %div3A_7, %add3A_6 : vector<1x10240xf32>
    %mul3A_9 = vector.broadcast %div3A_8 : vector<1x10240xf32> to vector<64x10240xf32>
    %mul3A_10 = arith.mulf %get3A_3, %mul3A_9 : vector<64x10240xf32>
    %get3A_11 = arith.constant 0 : index
    %get3A_12 = arith.constant 0 : index
    %get3A_13 = vector.load %arg5[%get3A_11, %get3A_12] : memref<64x64xf32, #tpu.memory_space<vmem>>, vector<64x64xf32>
    %dot_general3A = arith.constant dense<0.000000e+00> : vector<64x10240xf32>
    %dot_general3A_14 = tpu.matmul %get3A_13, %mul3A_10, %dot_general3A {dimension_numbers = #tpu.dot_dimension_numbers<[1], [0], [0], [1], [0, 0, 1, 1], [], []>, transpose_lhs_hint = false} : vector<64x64xf32>, vector<64x10240xf32>, vector<64x10240xf32> -> vector<64x10240xf32>
    %mul3A_15 = arith.constant 10240 : i32
    %mul3A_16 = arith.muli %arg0, %mul3A_15 : i32
    %iota3A = tpu.iota {dimensions = array<i32: 1>} : vector<64x10240xi32>
    %add3A_17 = vector.broadcast %mul3A_16 : i32 to vector<64x10240xi32>
    %add3A_18 = arith.addi %add3A_17, %iota3A : vector<64x10240xi32>
    %lt3A = arith.constant 100000 : i32
    %lt3A_19 = vector.broadcast %lt3A : i32 to vector<64x10240xi32>
    %lt3A_20 = arith.cmpi slt, %add3A_18, %lt3A_19 : vector<64x10240xi32>
    %jit3A = arith.constant -3.000000e+38 : f32
    %broadcast_in_dim3A_21 = vector.broadcast %jit3A : f32 to vector<64x10240xf32>
    %select_n3A = arith.select %lt3A_20, %dot_general3A_14, %broadcast_in_dim3A_21 : vector<64x10240xi1>, vector<64x10240xf32>
    %reshape3A = vector.shape_cast %select_n3A : vector<64x10240xf32> to vector<64x80x128xf32>
    %swap3A = arith.constant 0 : index
    %swap3A_22 = arith.constant 0 : index
    %swap3A_23 = arith.constant 0 : index
    %swap3A_24 = vector.load %arg4[%swap3A, %swap3A_22, %swap3A_23] : memref<64x80x128xf32, #tpu.memory_space<vmem>>, vector<64x80x128xf32>
    tpu.vector_store %arg4[%swap3A, %swap3A_22, %swap3A_23], %reshape3A {strides = array<i32>} : memref<64x80x128xf32, #tpu.memory_space<vmem>>, vector<64x80x128xf32>,
    return
  }
  func.func @transform_0(%arg0: i32) -> (i32, i32) {
    %c0_i32 = arith.constant 0 : i32
    %c0_i32_0 = arith.constant 0 : i32
    %c0_i32_1 = arith.constant 0 : i32
    return %c0_i32, %c0_i32_0 : i32, i32
  }
  func.func @transform_1(%arg0: i32) -> (i32, i32) {
    %c0_i32 = arith.constant 0 : i32
    %c0_i32_0 = arith.constant 0 : i32
    %c0_i32_1 = arith.constant 0 : i32
    return %c0_i32, %c0_i32_0 : i32, i32
  }
  func.func @transform_2(%arg0: i32) -> (i32, i32) {
    %c0_i32 = arith.constant 0 : i32
    %c0_i32_0 = arith.constant 0 : i32
    return %c0_i32, %arg0 : i32, i32
  }
  func.func @transform_3(%arg0: i32) -> (i32, i32, i32) {
    %c0_i32 = arith.constant 0 : i32
    %c0_i32_0 = arith.constant 0 : i32
    %c0_i32_1 = arith.constant 0 : i32
    return %c0_i32, %arg0, %c0_i32_0 : i32, i32, i32
  }
}

module attributes {stable_mosaic.version = 14 : i64} {
  func.func @_agg_body(%arg0: i32, %arg1: memref<672x4096xf32, #tpu.memory_space<vmem>>, %arg2: memref<64x32x128xf32, #tpu.memory_space<vmem>>, %arg3: memref<672x64xf32, #tpu.memory_space<vmem>>, %arg4: memref<672x64xf32, #tpu.memory_space<vmem>>) attributes {dimension_semantics = [#tpu.dimension_semantics<arbitrary>], iteration_bounds = array<i64: 25>, scalar_prefetch = 0 : i64, scratch_operands = 1 : i64, tpu.core_type = #tpu.core_type<tc>, window_params = [{transform_indices = @transform_0, window_bounds = array<i64: 672, 4096>}, {transform_indices = @transform_1, window_bounds = array<i64: 64, 32, 128>}, {pipeline_mode = #tpu.pipeline_mode<synchronous>, transform_indices = @transform_2, window_bounds = array<i64: 672, 64>}]} {
    %eq3A = arith.constant 0 : i32
    %eq3A_0 = arith.cmpi eq, %arg0, %eq3A : i32
    %convert_element_type3A = arith.extui %eq3A_0 : i1 to i32
    %cond3A = arith.constant 0 : i32
    %cond3A_1 = arith.cmpi ne, %convert_element_type3A, %cond3A : i32
    scf.if %cond3A_1 {
      %broadcast_in_dim3A = arith.constant 0.000000e+00 : f32
      %broadcast_in_dim3A_14 = vector.broadcast %broadcast_in_dim3A : f32 to vector<672x64xf32>
      %swap3A = arith.constant 0 : index
      %swap3A_15 = arith.constant 0 : index
      %swap3A_16 = vector.load %arg4[%swap3A, %swap3A_15] : memref<672x64xf32, #tpu.memory_space<vmem>>, vector<672x64xf32>
      tpu.vector_store %arg4[%swap3A, %swap3A_15], %broadcast_in_dim3A_14 {strides = array<i32>} : memref<672x64xf32, #tpu.memory_space<vmem>>, vector<672x64xf32>,
    } else {
    }
    %get3A = arith.constant 0 : index
    %get3A_2 = arith.constant 0 : index
    %get3A_3 = arith.constant 0 : index
    %get3A_4 = vector.load %arg2[%get3A, %get3A_2, %get3A_3] : memref<64x32x128xf32, #tpu.memory_space<vmem>>, vector<64x32x128xf32>
    %reshape3A = vector.shape_cast %get3A_4 : vector<64x32x128xf32> to vector<64x4096xf32>
    %lt3A = arith.constant 24 : i32
    %lt3A_5 = arith.cmpi slt, %arg0, %lt3A : i32
    %convert_element_type3A_6 = arith.extui %lt3A_5 : i1 to i32
    %cond3A_7 = arith.constant 0 : i32
    %cond3A_8 = arith.cmpi ne, %convert_element_type3A_6, %cond3A_7 : i32
    scf.if %cond3A_8 {
      %get3A_14 = arith.constant 0 : index
      %get3A_15 = arith.constant 0 : index
      %get3A_16 = vector.load %arg4[%get3A_14, %get3A_15] : memref<672x64xf32, #tpu.memory_space<vmem>>, vector<672x64xf32>
      %get3A_17 = arith.constant 0 : index
      %get3A_18 = arith.constant 0 : index
      %get3A_19 = vector.load %arg1[%get3A_17, %get3A_18] : memref<672x4096xf32, #tpu.memory_space<vmem>>, vector<672x4096xf32>
      %dot_general3A = arith.constant dense<0.000000e+00> : vector<672x64xf32>
      %dot_general3A_20 = tpu.matmul %get3A_19, %reshape3A, %dot_general3A {dimension_numbers = #tpu.dot_dimension_numbers<[1], [1], [0], [0], [0, 0, 1, 0], [], []>, transpose_lhs_hint = false} : vector<672x4096xf32>, vector<64x4096xf32>, vector<672x64xf32> -> vector<672x64xf32>
      %add3A = arith.addf %get3A_16, %dot_general3A_20 : vector<672x64xf32>
      %swap3A = arith.constant 0 : index
      %swap3A_21 = arith.constant 0 : index
      %swap3A_22 = vector.load %arg4[%swap3A, %swap3A_21] : memref<672x64xf32, #tpu.memory_space<vmem>>, vector<672x64xf32>
      tpu.vector_store %arg4[%swap3A, %swap3A_21], %add3A {strides = array<i32>} : memref<672x64xf32, #tpu.memory_space<vmem>>, vector<672x64xf32>,
    } else {
    }
    %eq3A_9 = arith.constant 24 : i32
    %eq3A_10 = arith.cmpi eq, %arg0, %eq3A_9 : i32
    %convert_element_type3A_11 = arith.extui %eq3A_10 : i1 to i32
    %cond3A_12 = arith.constant 0 : i32
    %cond3A_13 = arith.cmpi ne, %convert_element_type3A_11, %cond3A_12 : i32
    scf.if %cond3A_13 {
      %mul3A = arith.constant 4096 : i32
      %mul3A_14 = arith.muli %arg0, %mul3A : i32
      %iota3A = tpu.iota {dimensions = array<i32: 1>} : vector<672x4096xi32>
      %add3A = vector.broadcast %mul3A_14 : i32 to vector<672x4096xi32>
      %add3A_15 = arith.addi %add3A, %iota3A : vector<672x4096xi32>
      %lt3A_16 = arith.constant 100000 : i32
      %lt3A_17 = vector.broadcast %lt3A_16 : i32 to vector<672x4096xi32>
      %lt3A_18 = arith.cmpi slt, %add3A_15, %lt3A_17 : vector<672x4096xi32>
      %get3A_19 = arith.constant 0 : index
      %get3A_20 = arith.constant 0 : index
      %get3A_21 = vector.load %arg1[%get3A_19, %get3A_20] : memref<672x4096xf32, #tpu.memory_space<vmem>>, vector<672x4096xf32>
      %jit3A = arith.constant 0.000000e+00 : f32
      %broadcast_in_dim3A = vector.broadcast %jit3A : f32 to vector<672x4096xf32>
      %select_n3A = arith.select %lt3A_18, %get3A_21, %broadcast_in_dim3A : vector<672x4096xi1>, vector<672x4096xf32>
      %get3A_22 = arith.constant 0 : index
      %get3A_23 = arith.constant 0 : index
      %get3A_24 = vector.load %arg4[%get3A_22, %get3A_23] : memref<672x64xf32, #tpu.memory_space<vmem>>, vector<672x64xf32>
      %dot_general3A = arith.constant dense<0.000000e+00> : vector<672x64xf32>
      %dot_general3A_25 = tpu.matmul %select_n3A, %reshape3A, %dot_general3A {dimension_numbers = #tpu.dot_dimension_numbers<[1], [1], [0], [0], [0, 0, 1, 0], [], []>, transpose_lhs_hint = false} : vector<672x4096xf32>, vector<64x4096xf32>, vector<672x64xf32> -> vector<672x64xf32>
      %add3A_26 = arith.addf %get3A_24, %dot_general3A_25 : vector<672x64xf32>
      %swap3A = arith.constant 0 : index
      %swap3A_27 = arith.constant 0 : index
      %swap3A_28 = vector.load %arg3[%swap3A, %swap3A_27] : memref<672x64xf32, #tpu.memory_space<vmem>>, vector<672x64xf32>
      tpu.vector_store %arg3[%swap3A, %swap3A_27], %add3A_26 {strides = array<i32>} : memref<672x64xf32, #tpu.memory_space<vmem>>, vector<672x64xf32>,
    } else {
    }
    return
  }
  func.func @transform_0(%arg0: i32) -> (i32, i32) {
    %c0_i32 = arith.constant 0 : i32
    %c0_i32_0 = arith.constant 0 : i32
    return %c0_i32, %arg0 : i32, i32
  }
  func.func @transform_1(%arg0: i32) -> (i32, i32, i32) {
    %c0_i32 = arith.constant 0 : i32
    %c0_i32_0 = arith.constant 0 : i32
    %c0_i32_1 = arith.constant 0 : i32
    return %c0_i32, %arg0, %c0_i32_0 : i32, i32, i32
  }
  func.func @transform_2(%arg0: i32) -> (i32, i32) {
    %c0_i32 = arith.constant 0 : i32
    %c0_i32_0 = arith.constant 0 : i32
    %c0_i32_1 = arith.constant 0 : i32
    return %c0_i32, %c0_i32_0 : i32, i32
  }
}

module attributes {stable_mosaic.version = 14 : i64} {
  func.func @_fuse_body(%arg0: memref<448x336xf32, #tpu.memory_space<vmem>>, %arg1: memref<336x96xf32, #tpu.memory_space<vmem>>, %arg2: memref<1x96xf32, #tpu.memory_space<vmem>>, %arg3: memref<448x96xf32, #tpu.memory_space<vmem>>, %arg4: memref<448x1xf32, #tpu.memory_space<vmem>>, %arg5: memref<96x96xf32, #tpu.memory_space<vmem>>, %arg6: memref<96x96xf32, #tpu.memory_space<vmem>>, %arg7: memref<1x96xf32, #tpu.memory_space<vmem>>, %arg8: memref<448x96xf32, #tpu.memory_space<vmem>>) attributes {dimension_semantics = [], scalar_prefetch = 0 : i64, scratch_operands = 0 : i64, tpu.core_type = #tpu.core_type<tc>} {
    %get3A = arith.constant 0 : index
    %get3A_0 = arith.constant 0 : index
    %get3A_1 = vector.load %arg0[%get3A, %get3A_0] : memref<448x336xf32, #tpu.memory_space<vmem>>, vector<448x336xf32>
    %get3A_2 = arith.constant 0 : index
    %get3A_3 = arith.constant 0 : index
    %get3A_4 = vector.load %arg1[%get3A_2, %get3A_3] : memref<336x96xf32, #tpu.memory_space<vmem>>, vector<336x96xf32>
    %dot_general3A = arith.constant dense<0.000000e+00> : vector<448x96xf32>
    %dot_general3A_5 = tpu.matmul %get3A_1, %get3A_4, %dot_general3A {dimension_numbers = #tpu.dot_dimension_numbers<[1], [0], [0], [1], [0, 0, 1, 1], [], []>, transpose_lhs_hint = false} : vector<448x336xf32>, vector<336x96xf32>, vector<448x96xf32> -> vector<448x96xf32>
    %get3A_6 = arith.constant 0 : index
    %get3A_7 = arith.constant 0 : index
    %get3A_8 = vector.load %arg2[%get3A_6, %get3A_7] : memref<1x96xf32, #tpu.memory_space<vmem>>, vector<1x96xf32>
    %add3A = vector.broadcast %get3A_8 : vector<1x96xf32> to vector<448x96xf32>
    %add3A_9 = arith.addf %dot_general3A_5, %add3A : vector<448x96xf32>
    %get3A_10 = arith.constant 0 : index
    %get3A_11 = arith.constant 0 : index
    %get3A_12 = vector.load %arg4[%get3A_10, %get3A_11] : memref<448x1xf32, #tpu.memory_space<vmem>>, vector<448x1xf32>
    %add3A_13 = vector.broadcast %get3A_12 : vector<448x1xf32> to vector<448x96xf32>
    %add3A_14 = arith.addf %add3A_9, %add3A_13 : vector<448x96xf32>
    %get3A_15 = arith.constant 0 : index
    %get3A_16 = arith.constant 0 : index
    %get3A_17 = vector.load %arg3[%get3A_15, %get3A_16] : memref<448x96xf32, #tpu.memory_space<vmem>>, vector<448x96xf32>
    %get3A_18 = arith.constant 0 : index
    %get3A_19 = arith.constant 0 : index
    %get3A_20 = vector.load %arg4[%get3A_18, %get3A_19] : memref<448x1xf32, #tpu.memory_space<vmem>>, vector<448x1xf32>
    %add3A_21 = vector.broadcast %get3A_20 : vector<448x1xf32> to vector<448x96xf32>
    %add3A_22 = arith.addf %get3A_17, %add3A_21 : vector<448x96xf32>
    %get3A_23 = arith.constant 0 : index
    %get3A_24 = arith.constant 0 : index
    %get3A_25 = vector.load %arg5[%get3A_23, %get3A_24] : memref<96x96xf32, #tpu.memory_space<vmem>>, vector<96x96xf32>
    %dot_general3A_26 = arith.constant dense<0.000000e+00> : vector<448x96xf32>
    %dot_general3A_27 = tpu.matmul %add3A_14, %get3A_25, %dot_general3A_26 {dimension_numbers = #tpu.dot_dimension_numbers<[1], [0], [0], [1], [0, 0, 1, 1], [], []>, transpose_lhs_hint = false} : vector<448x96xf32>, vector<96x96xf32>, vector<448x96xf32> -> vector<448x96xf32>
    %get3A_28 = arith.constant 0 : index
    %get3A_29 = arith.constant 0 : index
    %get3A_30 = vector.load %arg6[%get3A_28, %get3A_29] : memref<96x96xf32, #tpu.memory_space<vmem>>, vector<96x96xf32>
    %dot_general3A_31 = arith.constant dense<0.000000e+00> : vector<448x96xf32>
    %dot_general3A_32 = tpu.matmul %add3A_22, %get3A_30, %dot_general3A_31 {dimension_numbers = #tpu.dot_dimension_numbers<[1], [0], [0], [1], [0, 0, 1, 1], [], []>, transpose_lhs_hint = false} : vector<448x96xf32>, vector<96x96xf32>, vector<448x96xf32> -> vector<448x96xf32>
    %add3A_33 = arith.addf %dot_general3A_27, %dot_general3A_32 : vector<448x96xf32>
    %get3A_34 = arith.constant 0 : index
    %get3A_35 = arith.constant 0 : index
    %get3A_36 = vector.load %arg7[%get3A_34, %get3A_35] : memref<1x96xf32, #tpu.memory_space<vmem>>, vector<1x96xf32>
    %add3A_37 = vector.broadcast %get3A_36 : vector<1x96xf32> to vector<448x96xf32>
    %add3A_38 = arith.addf %add3A_33, %add3A_37 : vector<448x96xf32>
    %swap3A = arith.constant 0 : index
    %swap3A_39 = arith.constant 0 : index
    %swap3A_40 = vector.load %arg8[%swap3A, %swap3A_39] : memref<448x96xf32, #tpu.memory_space<vmem>>, vector<448x96xf32>
    tpu.vector_store %arg8[%swap3A, %swap3A_39], %add3A_38 {strides = array<i32>} : memref<448x96xf32, #tpu.memory_space<vmem>>, vector<448x96xf32>,
    return
  }
}

</mosaic_0001>

<sc_bundles>
// kernel: kernel.6.cloned.1.call-start
scs
__scs_entry_jumppad:
0x0: {  	(pc) =	sbr.rel $0x88, $3  }
0x1: {  	(tag) =	ssettag $0x0;
	lr =	simm.s32 $0x1  }
0x2: {  	[smem:$0x3F99] =	sst lr;
	_ =	strace $0xD0000000  }
0x3: {  	_ = 	snop  }
0x4: {  	_ = 	snop  }
0x5: {  	_ = 	snop  }
0x6: {  	_ = 	snop  }
0x7: {  	_ = 	snop  }
__scs_overlays_trampoline_lowered:
0x8: {  	[smem:$0x3FA8] =	sst s0  }
0x9: {  	[smem:$0x3FA9] =	sst s1  }
0xa: {  	[smem:$0x3FAA] =	sst s2  }
0xb: {  	[smem:$0x3FAB] =	sst s3  }
0xc: {  	[smem:$0x3FAC] =	sst s4  }
0xd: {  	[smem:$0x3FAD] =	sst s5  }
0xe: {  	[smem:$0x3FAE] =	sst s6  }
0xf: {  	[smem:$0x3FAF] =	sst s7  }
0x10: {  	[smem:$0x3FB0] =	sst s8  }
0x11: {  	[smem:$0x3FB1] =	sst s9;
	s0 =	simm.s32 @!p0 $0x0  }
0x12: {  	s1 =	sld [smem:$0x3F97];
	s0 =	simm.s32 @p0 $0x1  }
0x13: {  	[smem:$0x3FB2] =	sst s0;
	s0 =	simm.s32 @!p1 $0x0  }
0x14: {  	s2 =	sld [smem:$0x3F96];
	s0 =	simm.s32 @p1 $0x1  }
0x15: {  	[smem:$0x3FB3] =	sst s0;
	s0 =	simm.s32 @!p2 $0x0  }
0x16: {  	s3 =	sld [smem:$0x3FDB];
	s0 =	simm.s32 @p2 $0x1  }
0x17: {  	s4 =	simm.s32 $0x1BF5;
	[smem:$0x3FB5] =	sst s0  }
0x18: {  	s0 =	sld [smem:$0x3F98];
	_ =	swait.ge [sflag:s4], $0x0  }
0x19: {  	s7 =	sld [smem:$0x3F99]  }
0x1a: {  	s8 =	sadd.s32 $0xFFFFE003, lr  }
0x1b: {  	s9 =	sadd.s32 $0xFFFFFEF7, lr;
	s5 =	simm.s32 $0xFFFFFFFF;
	p2 =	slt.u32 s8, $0xFFFFF086  }
0x1c: {  	p1 =	slt.u32 s9, $0xF7A;
	s5 =	simm.s32 @!p2 $0x0  }
0x1d: {  	s5 =	simm.s32 @p1 $0x1;
	p0 =	seq.s32 s7, s2  }
0x1e: {  	s7 =	smul.u32 @!p0 $0xF7A, s2;
	p2 =	seq.s32 @!p0 s5, $0x0  }
0x1f: {  	s9 =	smul.u32 $0xF7A, s1;
	s8 =	simm.s32 @!p0 $0x1BF5;
	p2 =	por !p2, p0  }
0x20: {  	[sflag:s8] =	ssyncset.s32 @!p0 $0xFFFFF086;
	s6 =	sadd.s32 @!p0 s3, s7;
	s7 =	simm.s32 @!p0 $0x108  }
0x21: {  	s3 =	sadd.s32 s3, s9;
	s6 =	sadd.s32 @!p0 $0x88, s6;
	s7 =	simm.s32 @p2 $0x1082  }
0x22: {  	[simem:s7], [sflag:s8] =	dma.local @!p0 [hbm:s6], $0xF7A  }
0x23: {  	s9 =	sor.u32 $0xD0000000, s2;
	s6 =	simm.s32 $0x108;
	_ =	swait.ge @!p0 [sflag:s8], $0x0  }
0x24: {  	s3 =	sadd.s32 $0x88, s3;
	s6 =	simm.s32 @!p1 $0x1082;
	[sflag:s4] =	ssyncset.s32 $0xFFFFF086  }
0x25: {  	[simem:s6], [sflag:s4] =	dma.local [hbm:s3], $0xF7A  }
0x26: {  	[smem:$0x3F99] =	sst s1;
	(tag) =	ssettag s2;
	_ =	strace s9  }
0x27: {  	s1 =	sld [smem:$0x3FA9]  }
0x28: {  	s2 =	sld [smem:$0x3FAA]  }
0x29: {  	s4 =	sld [smem:$0x3FAC]  }
0x2a: {  	p0 =	seq.s32 s5, $0x0;
	s5 =	sld [smem:$0x3FAD]  }
0x2b: {  	s6 =	sld [smem:$0x3FAE]  }
0x2c: {  	s7 =	sld [smem:$0x3FAF]  }
0x2d: {  	s3 =	simm.s32 $0x108;
	s8 =	sld [smem:$0x3FB0]  }
0x2e: {  	s3 =	simm.s32 @!p0 $0x1082;
	s9 =	sld [smem:$0x3FB1]  }
0x2f: {  	lr =	sadd.s32 s0, s3;
	s0 =	sld [smem:$0x3FA8]  }
0x30: {  	s3 =	sld [smem:$0x3FAB]  }
0x31: {  	[smem:$0x3FB4] =	sst s10  }
0x32: {  	s10 =	sld [smem:$0x3FB2];
	_ =	sdelay $0x3  }
0x33: {  	p0 =	seq.s32 s10, $0x1;
	s10 =	sld [smem:$0x3FB4];
	_ =	sdelay $0x3  }
0x34: {  	[smem:$0x3FB4] =	sst s10  }
0x35: {  	s10 =	sld [smem:$0x3FB3];
	_ =	sdelay $0x3  }
0x36: {  	p1 =	seq.s32 s10, $0x1;
	s10 =	sld [smem:$0x3FB4];
	_ =	sdelay $0x3  }
0x37: {  	[smem:$0x3FB4] =	sst s10  }
0x38: {  	s10 =	sld [smem:$0x3FB5]  }
0x39: {  	_ = 	snop;
	(pc) =	sbr.ind lr, $3  }
0x3a: {  	_ = 	snop  }
0x3b: {  	_ = 	snop  }
0x3c: {  	p2 =	seq.s32 s10, $0x1;
	s10 =	sld [smem:$0x3FB4]  }
0x3d: {  	_ =	shalt  }
0x3e: {  	_ =	shalt  }
0x3f: {  	_ =	shalt  }
0x40: {  	_ =	shalt  }
0x41: {  	_ =	shalt  }
0x42: {  	_ =	shalt  }
0x43: {  	_ =	shalt  }
0x44: {  	_ =	shalt  }
0x45: {  	_ =	shalt  }
0x46: {  	_ =	shalt  }
0x47: {  	_ =	shalt  }
0x48: {  	_ =	shalt  }
0x49: {  	_ =	shalt  }
0x4a: {  	_ =	shalt  }
0x4b: {  	_ =	shalt  }
0x4c: {  	_ =	shalt  }
0x4d: {  	_ =	shalt  }
0x4e: {  	_ =	shalt  }
0x4f: {  	_ =	shalt  }
0x50: {  	_ =	shalt  }
0x51: {  	_ =	shalt  }
0x52: {  	_ =	shalt  }
0x53: {  	_ =	shalt  }
0x54: {  	_ =	shalt  }
0x55: {  	_ =	shalt  }
0x56: {  	_ =	shalt  }
0x57: {  	_ =	shalt  }
0x58: {  	_ =	shalt  }
0x59: {  	_ =	shalt  }
0x5a: {  	_ =	shalt  }
0x5b: {  	_ =	shalt  }
0x5c: {  	_ =	shalt  }
0x5d: {  	_ =	shalt  }
0x5e: {  	_ =	shalt  }
0x5f: {  	_ =	shalt  }
0x60: {  	_ =	shalt  }
0x61: {  	_ =	shalt  }
0x62: {  	_ =	shalt  }
0x63: {  	_ =	shalt  }
0x64: {  	_ =	shalt  }
0x65: {  	_ =	shalt  }
0x66: {  	_ =	shalt  }
0x67: {  	_ =	shalt  }
0x68: {  	_ =	shalt  }
0x69: {  	_ =	shalt  }
0x6a: {  	_ =	shalt  }
0x6b: {  	_ =	shalt  }
0x6c: {  	_ =	shalt  }
0x6d: {  	_ =	shalt  }
0x6e: {  	_ =	shalt  }
0x6f: {  	_ =	shalt  }
0x70: {  	_ =	shalt  }
0x71: {  	_ =	shalt  }
0x72: {  	_ =	shalt  }
0x73: {  	_ =	shalt  }
0x74: {  	_ =	shalt  }
0x75: {  	_ =	shalt  }
0x76: {  	_ =	shalt  }
0x77: {  	_ =	shalt  }
0x78: {  	_ =	shalt  }
0x79: {  	_ =	shalt  }
0x7a: {  	_ =	shalt  }
0x7b: {  	_ =	shalt  }
0x7c: {  	_ =	shalt  }
0x7d: {  	_ =	shalt  }
0x7e: {  	_ =	shalt  }
0x7f: {  	_ =	shalt  }
0x80: {  	_ =	shalt  }
0x81: {  	_ =	shalt  }
0x82: {  	_ =	shalt  }
0x83: {  	_ =	shalt  }
0x84: {  	_ =	shalt  }
0x85: {  	_ =	shalt  }
0x86: {  	_ =	shalt  }
0x87: {  	_ =	shalt  }
.Lfunc_end0:
.L_simem_size_0:
called_computation_lowered:
.L_overlay_start_0:
0x88: {  	s2 =	sld [smem:$0x3FD9]  }
0x89: {  	s3 =	sld [smem:$0x3FFE];
	_ =	sdelay $0x1  }
0x8a: {  	s1 =	srdreg.scid  }
0x8b: {  	s0 =	sand.u32 $0x1, s1  }
0x8c: {  	s16 =	sshll.u32 s0, $0xA;
	s2 =	sadd.s32 s3, s2  }
0x8d: {  	s2 =	sadd.s32 s2, s16  }
0x8e: {  	[smem:$0x3FC0] =	sst s2  }
0x8f: {  	_ = 	snop  }
0x90: {  	(tm) =	ssettm $0x1  }
0x91: {  	s17 =	sld [smem:$0x3FFB];
	_ =	sdelay $0x3  }
0x92: {  	_ =	strace s17  }
0x93: {  	s2 =	sld [smem:$0x3FFC];
	_ =	sdelay $0x3  }
0x94: {  	_ =	strace s2  }
0x95: {  	s2 =	sld [smem:$0x3FFD];
	_ =	sdelay $0x3  }
0x96: {  	_ =	strace s2  }
0x97: {  	_ =	strace $0x8FFFFFFF  }
0x98: {  	s18 =	sld [smem:$0x3FDB];
	_ =	sdelay $0x1  }
0x99: {  	s19 =	simm.s32 $_scs_section_size  }
0x9a: {  	s4 =	simm.s32 $_size__tile_overlayer_lowered;
	s5 =	simm.s32 $_tile_overlayer_lowered  }
0x9b: {  	s22 =	simm.s32 $0x1BFF;
	s21 =	sshll.u32 s5, $0x1;
	s2 =	sadd.s32 s19, s18  }
0x9c: {  	s6 =	simm.s32 $0x0;
	s20 =	sshll.u32 s4, $0x1;
	s4 =	sadd.s32 s21, s2  }
0x9d: {  	[timem:s6], [sflag:s22] =	dma.local [hbm:s4], s20  }
0x9e: {  	_ =	swait.ge [sflag:s22], s20  }
0x9f: {  	s3 =	ssub.s32 $0x0, s20;
	[sflag:s22] =	ssyncset.done $0x0  }
0xa0: {  	[sflag:s22] =	ssyncadd.s32 s3;
	_ =	sdelay $0x1  }
0xa1: {  	s23 =	simm.s32 $0x1B8B  }
0xa2: {  	_ =	swait.ge [sflag:s23], $0x1  }
0xa3: {  	[sflag:s23] =	ssyncset.done $0x0  }
0xa4: {  	s25 =	simm.s32 $0x1B8E;
	s24 =	sld [smem:$0x3FFE];
	[sflag:s23] =	ssyncadd.s32 $0xFFFFFFFF  }
0xa5: {  	s26 =	simm.s32 $execute0_lowered;
	[smem:$0x3FD2] =	sst s25  }
0xa6: {  	s4 =	sshll.u32 s26, $0x1;
	_ =	strace $0x80000046;
	[dreg:$0x1] =	wrdreg $0xFFFFFFFF  }
0xa7: {  	s28 =	simm.s32 $_size_execute0_lowered;
	s2 =	sadd.s32 s2, s4;
	[dreg:$0x0] =	wrdreg $0x0  }
0xa8: {  	s4 =	sshll.u32 s28, $0x1;
	[dreg:$0x2] =	wrdreg s2  }
0xa9: {  	[dreg:$0x3] =	wrdreg s4  }
0xaa: {  	[dreg:$0x4] =	wrdreg $0xC0  }
0xab: {  	_ =	task [dreg:s6], $0x5FFFF  }
0xac: {  	[dreg:$0x1] =	wrdreg $0xFFFFFFFF  }
0xad: {  	[dreg:$0x0] =	wrdreg $0x60  }
0xae: {  	[dreg:$0x2] =	wrdreg s24  }
0xaf: {  	[dreg:$0x3] =	wrdreg $0x9  }
0xb0: {  	_ =	task.clear_ibuf [dreg:s6], $0x4FFFF;
	_ =	strace $0x90000046  }
0xb1: {  	s29 =	simm.s32 $0x9;
	_ =	strace $0x80000048  }
0xb2: {  	_ =	swait.ge [sflag:s29], $0x1  }
0xb3: {  	[sflag:s29] =	ssyncadd.s32 $0xFFFFFFFF  }
0xb4: {  	_ =	strace $0x90000048  }
0xb5: {  	_ =	sfence  }
0xb6: {  	s30 =	sld [smem:$0x0];
	_ =	sdelay $0x2  }
0xb7: {  	s31 =	sshll.u32 s1, $0xD;
	s1 =	sshrl.u32 s1, $0x2  }
0xb8: {  	s3 =	sand.u32 $0x4000, s31;
	s1 =	sadd.s32 s1, s30  }
0xb9: {  	s0 =	sor.u32 s3, s0;
	s1 =	sshll.u32 s1, $0x11  }
0xba: {  	s0 =	sor.u32 s1, s0  }
0xbb: {  	s0 =	sadd.s32 $0x8F2B, s0  }
0xbc: {  	[sflag:s0] =	ssyncadd.remote.s32 $0x1  }
0xbd: {  	_ =	sfence.sel $0xFFFF  }
0xbe: {  	[dreg:$0x0] =	wrdreg $0xFFFFFFFF;
	(pc) =	sbr.abs _section_cstart, $3  }
0xbf: {  	[dreg:$0x1] =	wrdreg $0xFFFFFFFF  }
0xc0: {  	_ =	task.clear_ibuf [dreg:s6], $0x2FFFF;
	_ =	strace $0x9FFFFFFF  }
0xc1: {  	(tm) =	ssettm $0x7FFFFFFF  }
tec
execute0_lowered:
.L_overlay_start_1:
0x0: {  	(tag) =	ssettag $0x1  }
0x1: {  	s3 =	rddreg [dreg:$0x0];
	s1 =	simm.s32 $0x0  }
0x2: {  	[smem:$0x7FF] =	sst s1  }
0x3: {  	s0 =	rddreg [dreg:$0x1];
	v0 =	vimm.f32 $3.000009950e-01;
	_ =	strace $0x80000047  }
0x4: {  	s4 =	srdreg.scid;
	(erf) = vrcp.f32 v0  }
0x5: {  	s2 =	stileid.u32;
	s4 =	sand.u32 $0x1, s4  }
0x6: {  	s5 =	sshll.u32 s2, $0x2;
	s6 =	sshll.u32 s4, $0x1  }
0x7: {  	s5 =	sor.u32 s6, s5  }
0x8: {  	s6 =	smul.u32 $0x19000, s5  }
0x9: {  	s7 =	sadd.s32 $0x1000, s3;
	s4 =	ssub.s32 $0x2, s4;
	s5 =	smul.u32 $0x3200, s5  }
0xa: {  	s8 =	sadd.s32 $0xC9000, s3;
	s31 =	sshrl.u32 s4, $0x1;
	s6 =	sshrl.u32 s6, $0x3  }
0xb: {  	s9 =	ssub.s32 s4, s31;
	s3 =	sadd.s32 s7, s5;
	s6 =	sadd.s32 $0x3200, s6  }
0xc: {  	s4 =	sadd.s32 s8, s5;
	s5 =	sadd.s32 s7, s6;
	s6 =	sadd.s32 s8, s6  }
0xd: {  	v1 =	vimm.f32 $0.0e+00;
	v2 =	vlaneseq.u32;
	s7 =	smax.u32 s9, $0x1;
	s8 =	simm.s32 $0x1;
	s9 =	simm.s32 $0x0;
	v0 =	vpop (erf)  }
.LBB2_1:
.Ltmp0:
0xe: {  	(pc) =	sbr.rel .LBB2_2-.Ltmp0, $4  }
0xf: {  	[tilespmem:s1], [sflag:$0x1] =	stream.linear.gather [hbm4b:s3+s1], $0x19000, $0x38;
	[tilespmem:$0x19000] =	vst v63  }
0x10: {  	_ =	swait.ge [sflag:s8], $0x19000  }
0x11: {  	[sflag:s8] =	ssyncset.done $0x0  }
0x12: {  	v3 =	vimm.s32 $0x0;
	v11 =	vimm.f32 $-3.000000010e+38;
	s10 =	simm.s32 $0x70;
	s11 =	simm.s32 $0x40;
	v8 =	vimm.f32 $-3.000000010e+38;
	[sflag:s8] =	ssyncadd.s32 $0xFFFE7000  }
.LBB2_4:
0x13: {  	s10 =	sadd.s32 $0x80, s10  }
0x14: {  	p0 =	sne.s32 s10, $0x19070  }
.Ltmp1:
0x15: {  	_ = 	snop;
	(pc) =	sbr.rel @!p0 .LBB2_5-.Ltmp1, $2  }
0x16: {  	_ =	sdelay $0x2  }
0x17: {  	s11 =	sadd.s32 $0x80, s11  }
.LBB2_2:
0x18: {  	v13 =	vld [tilespmem:s11+$0xFFFFFFC0]  }
0x19: {  	v12 =	vld [tilespmem:s11+$0xFFFFFFD0]  }
0x1a: {  	v10 =	vld [tilespmem:s11+$0xFFFFFFE0]  }
0x1b: {  	v9 =	vld [tilespmem:s11+$0xFFFFFFF0]  }
0x1c: {  	v7 =	vld [tilespmem:s11+$0x0]  }
0x1d: {  	v6 =	vld [tilespmem:s11+$0x10]  }
0x1e: {  	v5 =	vld [tilespmem:s11+$0x20];
	v14 =	vmax.f32 v13, v12  }
0x1f: {  	v4 =	vld [tilespmem:s11+$0x30];
	v14 =	vmax.f32 v14, v10  }
0x20: {  	v14 =	vmax.f32 v14, v9  }
0x21: {  	v14 =	vmax.f32 v14, v7  }
0x22: {  	v14 =	vmax.f32 v14, v6  }
0x23: {  	v14 =	vmax.f32 v14, v5  }
0x24: {  	v14 =	vmax.f32 v14, v4  }
0x25: {  	vm0 =	vgt.f32 v14, v11  }
0x26: {  	v14 =	vmpcnt.ones.xlane vm0;
	_ =	sdelay $0x1  }
0x27: {  	(v2sf) =	vpush v14, $0x0;
	_ =	sdelay $0xe  }
0x28: {  	s12 =	spop (v2sf)  }
0x29: {  	p0 =	slt.s32 s12, $0x1  }
.Ltmp2:
0x2a: {  	_ = 	snop;
	(pc) =	sbr.rel @p0 .LBB2_4-.Ltmp2, $1  }
0x2b: {  	_ =	sdelay $0x3  }
0x2c: {  	vm0 =	vgt.f32 v13, v11  }
0x2d: {  	v14 =	vmpcnt.ones.xlane vm0;
	_ =	sdelay $0x1  }
0x2e: {  	(v2sf) =	vpush v14, $0x0;
	_ =	sdelay $0xe  }
0x2f: {  	s12 =	spop (v2sf)  }
0x30: {  	p1 =	slt.s32 s12, $0x1  }
0x31: {  	s12 =	sadd.s32 $0xFFFFFF90, s10;
	v14 =	vlaneseq.u32 @!p1  }
0x32: {  	v14 =	vor.u32 @!p1 s12, v14  }
0x33: {  	(xrf1) =	vsort.ascd.msk.f32 @!p1 $0xffff, v13, v14;
	_ =	sdelay $0xd  }
0x34: {  	v13, v14, _ =	vpop @!p1 (xrf1)  }
0x35: {  	vm0 =	vge.f32 @!p1 v8, v13  }
0x36: {  	v13 =	vsel @!p1 vm0, v8, v13;
	v14 =	vsel @!p1 vm0, v3, v14  }
0x37: {  	(xrf1) =	vsort.dscd.msk.f32 @!p1 $0xffff, v13, v14;
	_ =	sdelay $0xd  }
0x38: {  	v13, v14, _ =	vpop @!p1 (xrf1)  }
0x39: {  	v15 =	vbroadcast @!p1 v13, $0xF;
	_ =	sdelay $0x1  }
0x3a: {  	v11 =	vpsel p1, v11, v15  }
0x3b: {  	vm9 =	vgt.f32 v12, v11  }
0x3c: {  	v60 =	vmpcnt.ones.xlane vm9;
	_ =	sdelay $0x1  }
0x3d: {  	(v2sf) =	vpush v60, $0x0;
	_ =	sdelay $0xe  }
0x3e: {  	s24 =	spop (v2sf)  }
0x3f: {  	p0 =	slt.s32 s24, $0x1  }
0x40: {  	s12 =	sadd.s32 $0xFFFFFFA0, s10;
	v15 =	vlaneseq.u32 @!p0  }
0x41: {  	v15 =	vor.u32 @!p0 s12, v15  }
0x42: {  	(xrf1) =	vsort.ascd.msk.f32 @!p0 $0xffff, v12, v15;
	_ =	sdelay $0xd  }
0x43: {  	v8 =	vpsel p1, v8, v13;
	v12, v13, _ =	vpop @!p0 (xrf1)  }
0x44: {  	v3 =	vpsel p1, v3, v14;
	vm0 =	vge.f32 @!p0 v8, v12  }
0x45: {  	v12 =	vsel @!p0 vm0, v8, v12;
	v13 =	vsel @!p0 vm0, v3, v13  }
0x46: {  	(xrf1) =	vsort.dscd.msk.f32 @!p0 $0xffff, v12, v13;
	_ =	sdelay $0xd  }
0x47: {  	v12, v13, _ =	vpop @!p0 (xrf1)  }
0x48: {  	v14 =	vbroadcast @!p0 v12, $0xF;
	_ =	sdelay $0x1  }
0x49: {  	v11 =	vpsel p0, v11, v14  }
0x4a: {  	vm10 =	vgt.f32 v10, v11  }
0x4b: {  	v61 =	vmpcnt.ones.xlane vm10;
	_ =	sdelay $0x1  }
0x4c: {  	(v2sf) =	vpush v61, $0x0;
	_ =	sdelay $0xe  }
0x4d: {  	s25 =	spop (v2sf)  }
0x4e: {  	p1 =	slt.s32 s25, $0x1  }
0x4f: {  	s12 =	sadd.s32 $0xFFFFFFB0, s10;
	v14 =	vlaneseq.u32 @!p1  }
0x50: {  	v14 =	vor.u32 @!p1 s12, v14  }
0x51: {  	(xrf1) =	vsort.ascd.msk.f32 @!p1 $0xffff, v10, v14;
	_ =	sdelay $0xd  }
0x52: {  	v8 =	vpsel p0, v8, v12;
	v10, v12, _ =	vpop @!p1 (xrf1)  }
0x53: {  	v3 =	vpsel p0, v3, v13;
	vm0 =	vge.f32 @!p1 v8, v10  }
0x54: {  	v10 =	vsel @!p1 vm0, v8, v10;
	v12 =	vsel @!p1 vm0, v3, v12  }
0x55: {  	(xrf1) =	vsort.dscd.msk.f32 @!p1 $0xffff, v10, v12;
	_ =	sdelay $0xd  }
0x56: {  	v10, v12, _ =	vpop @!p1 (xrf1)  }
0x57: {  	v13 =	vbroadcast @!p1 v10, $0xF;
	_ =	sdelay $0x1  }
0x58: {  	v11 =	vpsel p1, v11, v13  }
0x59: {  	vm11 =	vgt.f32 v9, v11  }
0x5a: {  	v62 =	vmpcnt.ones.xlane vm11;
	_ =	sdelay $0x1  }
0x5b: {  	(v2sf) =	vpush v62, $0x0;
	_ =	sdelay $0xe  }
0x5c: {  	s26 =	spop (v2sf)  }
0x5d: {  	p0 =	slt.s32 s26, $0x1  }
0x5e: {  	s12 =	sadd.s32 $0xFFFFFFC0, s10;
	v13 =	vlaneseq.u32 @!p0  }
0x5f: {  	v13 =	vor.u32 @!p0 s12, v13  }
0x60: {  	(xrf1) =	vsort.ascd.msk.f32 @!p0 $0xffff, v9, v13;
	_ =	sdelay $0xd  }
0x61: {  	v8 =	vpsel p1, v8, v10;
	v9, v10, _ =	vpop @!p0 (xrf1)  }
0x62: {  	v3 =	vpsel p1, v3, v12;
	vm0 =	vge.f32 @!p0 v8, v9  }
0x63: {  	v9 =	vsel @!p0 vm0, v8, v9;
	v10 =	vsel @!p0 vm0, v3, v10  }
0x64: {  	(xrf1) =	vsort.dscd.msk.f32 @!p0 $0xffff, v9, v10;
	_ =	sdelay $0xd  }
0x65: {  	v9, v10, _ =	vpop @!p0 (xrf1)  }
0x66: {  	v12 =	vbroadcast @!p0 v9, $0xF;
	_ =	sdelay $0x1  }
0x67: {  	v11 =	vpsel p0, v11, v12  }
0x68: {  	vm12 =	vgt.f32 v7, v11  }
0x69: {  	v63 =	vmpcnt.ones.xlane vm12;
	_ =	sdelay $0x1  }
0x6a: {  	(v2sf) =	vpush v63, $0x0;
	_ =	sdelay $0xe  }
0x6b: {  	s28 =	spop (v2sf)  }
0x6c: {  	p1 =	slt.s32 s28, $0x1  }
0x6d: {  	s12 =	sadd.s32 $0xFFFFFFD0, s10;
	v12 =	vlaneseq.u32 @!p1  }
0x6e: {  	v12 =	vor.u32 @!p1 s12, v12  }
0x6f: {  	(xrf1) =	vsort.ascd.msk.f32 @!p1 $0xffff, v7, v12;
	_ =	sdelay $0xd  }
0x70: {  	v7 =	vpsel p0, v8, v9;
	v8, v9, _ =	vpop @!p1 (xrf1)  }
0x71: {  	v3 =	vpsel p0, v3, v10;
	vm0 =	vge.f32 @!p1 v7, v8  }
0x72: {  	v8 =	vsel @!p1 vm0, v7, v8;
	v9 =	vsel @!p1 vm0, v3, v9  }
0x73: {  	(xrf1) =	vsort.dscd.msk.f32 @!p1 $0xffff, v8, v9;
	_ =	sdelay $0xd  }
0x74: {  	v8, v9, _ =	vpop @!p1 (xrf1)  }
0x75: {  	v10 =	vbroadcast @!p1 v8, $0xF;
	_ =	sdelay $0x1  }
0x76: {  	v10 =	vpsel p1, v11, v10  }
0x77: {  	vm13 =	vgt.f32 v6, v10  }
0x78: {  	v11 =	vmpcnt.ones.xlane vm13;
	_ =	sdelay $0x1  }
0x79: {  	(v2sf) =	vpush v11, $0x0;
	_ =	sdelay $0xe  }
0x7a: {  	s29 =	spop (v2sf)  }
0x7b: {  	p0 =	slt.s32 s29, $0x1  }
0x7c: {  	s12 =	sadd.s32 $0xFFFFFFE0, s10;
	v11 =	vlaneseq.u32 @!p0  }
0x7d: {  	v11 =	vor.u32 @!p0 s12, v11  }
0x7e: {  	(xrf1) =	vsort.ascd.msk.f32 @!p0 $0xffff, v6, v11;
	_ =	sdelay $0xd  }
0x7f: {  	v6 =	vpsel p1, v7, v8;
	v7, v8, _ =	vpop @!p0 (xrf1)  }
0x80: {  	v3 =	vpsel p1, v3, v9;
	vm0 =	vge.f32 @!p0 v6, v7  }
0x81: {  	v7 =	vsel @!p0 vm0, v6, v7;
	v8 =	vsel @!p0 vm0, v3, v8  }
0x82: {  	(xrf1) =	vsort.dscd.msk.f32 @!p0 $0xffff, v7, v8;
	_ =	sdelay $0xd  }
0x83: {  	v7, v8, _ =	vpop @!p0 (xrf1)  }
0x84: {  	v9 =	vbroadcast @!p0 v7, $0xF;
	_ =	sdelay $0x1  }
0x85: {  	v9 =	vpsel p0, v10, v9  }
0x86: {  	vm14 =	vgt.f32 v5, v9  }
0x87: {  	v10 =	vmpcnt.ones.xlane vm14;
	_ =	sdelay $0x1  }
0x88: {  	(v2sf) =	vpush v10, $0x0;
	_ =	sdelay $0xe  }
0x89: {  	s30 =	spop (v2sf)  }
0x8a: {  	p1 =	slt.s32 s30, $0x1  }
0x8b: {  	s12 =	sadd.s32 $0xFFFFFFF0, s10;
	v10 =	vlaneseq.u32 @!p1  }
0x8c: {  	v10 =	vor.u32 @!p1 s12, v10  }
0x8d: {  	(xrf1) =	vsort.ascd.msk.f32 @!p1 $0xffff, v5, v10;
	_ =	sdelay $0xd  }
0x8e: {  	v5 =	vpsel p0, v6, v7;
	v6, v7, _ =	vpop @!p1 (xrf1)  }
0x8f: {  	v3 =	vpsel p0, v3, v8;
	vm0 =	vge.f32 @!p1 v5, v6  }
0x90: {  	v6 =	vsel @!p1 vm0, v5, v6;
	v7 =	vsel @!p1 vm0, v3, v7  }
0x91: {  	(xrf1) =	vsort.dscd.msk.f32 @!p1 $0xffff, v6, v7;
	_ =	sdelay $0xd  }
0x92: {  	v6, v7, _ =	vpop @!p1 (xrf1)  }
0x93: {  	v8 =	vbroadcast @!p1 v6, $0xF;
	_ =	sdelay $0x1  }
0x94: {  	v9 =	vpsel p1, v9, v8  }
0x95: {  	vm15 =	vgt.f32 v4, v9  }
0x96: {  	v8 =	vmpcnt.ones.xlane vm15;
	_ =	sdelay $0x1  }
0x97: {  	(v2sf) =	vpush v8, $0x0;
	_ =	sdelay $0xe  }
0x98: {  	s31 =	spop (v2sf)  }
0x99: {  	p0 =	slt.s32 s31, $0x1  }
0x9a: {  	v8 =	vlaneseq.u32 @!p0  }
0x9b: {  	v8 =	vor.u32 @!p0 s10, v8  }
0x9c: {  	(xrf1) =	vsort.ascd.msk.f32 @!p0 $0xffff, v4, v8;
	_ =	sdelay $0xd  }
0x9d: {  	v4 =	vpsel p1, v5, v6;
	v5, v6, _ =	vpop @!p0 (xrf1)  }
0x9e: {  	v3 =	vpsel p1, v3, v7;
	vm0 =	vge.f32 @!p0 v4, v5  }
0x9f: {  	v5 =	vsel @!p0 vm0, v4, v5;
	v6 =	vsel @!p0 vm0, v3, v6  }
0xa0: {  	(xrf1) =	vsort.dscd.msk.f32 @!p0 $0xffff, v5, v6;
	_ =	sdelay $0xc  }
.Ltmp3:
0xa1: {  	_ = 	snop;
	(pc) =	sbr.rel .LBB2_4-.Ltmp3, $3  }
0xa2: {  	v5, v6, _ =	vpop @!p0 (xrf1)  }
0xa3: {  	v7 =	vbroadcast @!p0 v5, $0xF;
	_ =	sdelay $0x1  }
0xa4: {  	v8 =	vpsel p0, v4, v5;
	v3 =	vpsel p0, v3, v6;
	v11 =	vpsel p0, v9, v7  }
.LBB2_5:
0xa5: {  	s10 =	simm.s32 $0x0;
	s11 =	simm.s32 $0x200  }
.LBB2_6:
0xa6: {  	p0 =	sne.s32 s11, $0x63E00;
	[tilespmem:s10+$0x70] =	vst v1  }
0xa7: {  	[tilespmem:s10+$0x0] =	vst v1  }
0xa8: {  	[tilespmem:s10+$0x10] =	vst v1  }
.Ltmp4:
0xa9: {  	[tilespmem:s10+$0x20] =	vst v1;
	(pc) =	sbr.rel @p0 .LBB2_6-.Ltmp4, $4  }
0xaa: {  	[tilespmem:s10+$0x30] =	vst v1  }
0xab: {  	[tilespmem:s10+$0x40] =	vst v1  }
0xac: {  	[tilespmem:s10+$0x50] =	vst v1  }
0xad: {  	[tilespmem:s10+$0x60] =	vst v1;
	s10 =	sshra.s32 s11, $0x2;
	s11 =	sadd.s32 $0x200, s11  }
0xae: {  	v4 =	vmul.f32 v8, v0;
	_ =	sdelay $0x1  }
0xaf: {  	v5 =	vbroadcast v4, $0x0;
	_ =	sdelay $0x1  }
0xb0: {  	v4 =	vsub.f32 v4, v5;
	_ =	sdelay $0x1  }
0xb1: {  	v4 =	vmul.f32 $1.442695020e+00, v4;
	_ =	sdelay $0x1  }
0xb2: {  	(erf) = vpow2.f32 v4;
	_ =	sdelay $0x3  }
0xb3: {  	(v2sf) =	vpush v3, $0x0;
	_ =	sdelay $0x4  }
0xb4: {  	v4 =	vpop (erf)  }
0xb5: {  	(xrf2) =	vadd.scan.msk.f32 $0xffff, v4  }
0xb6: {  	(v2sf) =	vpush v3, $0x1;
	_ =	sdelay $0x5  }
0xb7: {  	(v2sf) =	vpush v3, $0x2;
	_ =	sdelay $0x1  }
0xb8: {  	s11 =	spop (v2sf)  }
0xb9: {  	s12 =	sshra.s32 s11, $0x1F;
	v5, _, _ =	vpop (xrf2)  }
0xba: {  	s12 =	sshrl.u32 s12, $0x19;
	v5 =	vbroadcast v5, $0xF  }
0xbb: {  	s12 =	sadd.s32 s12, s11  }
0xbc: {  	s13 =	sand.u32 $0xFFFFFF80, s12;
	(erf) = vrcp.f32 v5  }
0xbd: {  	[tilespmem:s10+$0x70] =	vst v1;
	p0 =	slt.s32 s11, $0x1;
	p1 =	sne.s32 s11, s13  }
0xbe: {  	[tilespmem:s10+$0x0] =	vst v1;
	(v2sf) =	vpush v3, $0x3;
	p0 =	por !p0, !p1  }
0xbf: {  	[tilespmem:s10+$0x10] =	vst v1;
	s14 =	spop (v2sf);
	s13 =	simm.s32 $0x1;
	p0 =	por !p0, !p0  }
0xc0: {  	[tilespmem:s10+$0x20] =	vst v1;
	s15 =	sshra.s32 s14, $0x1F;
	s12 =	sshrl.u32 s12, $0x7;
	s13 =	simm.s32 @!p0 $0x0  }
0xc1: {  	[tilespmem:s10+$0x30] =	vst v1;
	s29 =	sshrl.u32 s15, $0x19;
	s12 =	ssub.s32 s12, s13  }
0xc2: {  	[tilespmem:s10+$0x40] =	vst v1;
	s13 =	sadd.s32 s29, s14;
	s12 =	sshll.u32 s12, $0x9  }
0xc3: {  	[tilespmem:s10+$0x50] =	vst v1;
	s30 =	sand.u32 $0x70, s11;
	s16 =	sand.u32 $0xFFFFFF80, s13;
	s12 =	sshra.s32 s12, $0x2  }
0xc4: {  	[tilespmem:s10+$0x60] =	vst v1;
	p1 =	slt.s32 s14, $0x1;
	p2 =	sne.s32 s14, s16;
	s31 =	sor.u32 s30, s12  }
0xc5: {  	(v2sf) =	vpush v3, $0x4;
	s15 =	spop (v2sf);
	p0 =	por !p1, !p2;
	v6 =	vld [tilespmem:s31+$0x0];
	v5 =	vpop (erf)  }
0xc6: {  	s17 =	sshra.s32 s15, $0x1F;
	s12 =	simm.s32 $0x1;
	p0 =	por !p0, !p0;
	v4 =	vmul.f32 v5, v4  }
0xc7: {  	s11 =	sand.u32 $0xF, s11;
	s13 =	sshrl.u32 s13, $0x7;
	s12 =	simm.s32 @!p0 $0x0  }
0xc8: {  	s19 =	sshrl.u32 s17, $0x19;
	s18 =	ssub.s32 s13, s12;
	v5 =	vmov s11;
	v7 =	vbroadcast v4, $0x0  }
0xc9: {  	s12 =	sadd.s32 s19, s15;
	s11 =	sshll.u32 s18, $0x9;
	vm0 =	veq.s32 v5, v2  }
0xca: {  	s20 =	sand.u32 $0x70, s14;
	s21 =	sand.u32 $0xFFFFFF80, s12;
	s11 =	sshra.s32 s11, $0x2;
	v5 =	vsel vm0, v7, v6  }
0xcb: {  	p3 =	slt.s32 s15, $0x1;
	p4 =	sne.s32 s15, s21;
	s22 =	sor.u32 s20, s11;
	[tilespmem:s31+$0x0] =	vst v5  }
0xcc: {  	s23 =	sand.u32 $0xF, s14;
	(v2sf) =	vpush v3, $0x5;
	p0 =	por !p3, !p4;
	v5 =	vld [tilespmem:s22+$0x0]  }
0xcd: {  	s13 =	simm.s32 $0x1;
	s24 =	spop (v2sf);
	p0 =	por !p0, !p0  }
0xce: {  	s12 =	sshrl.u32 s12, $0x7;
	s25 =	sshra.s32 s24, $0x1F;
	s13 =	simm.s32 @!p0 $0x0  }
0xcf: {  	s28 =	sshrl.u32 s25, $0x19;
	s26 =	ssub.s32 s12, s13;
	v6 =	vmov s23;
	v7 =	vbroadcast v4, $0x1  }
0xd0: {  	s12 =	sadd.s32 s28, s24;
	s11 =	sshll.u32 s26, $0x9;
	vm13 =	veq.s32 v6, v2  }
0xd1: {  	s29 =	sand.u32 $0x70, s15;
	s30 =	sand.u32 $0xFFFFFF80, s12;
	s11 =	sshra.s32 s11, $0x2;
	v5 =	vsel vm13, v7, v5  }
0xd2: {  	p5 =	slt.s32 s24, $0x1;
	p6 =	sne.s32 s24, s30;
	s31 =	sor.u32 s29, s11;
	[tilespmem:s22+$0x0] =	vst v5  }
0xd3: {  	s16 =	sand.u32 $0xF, s15;
	(v2sf) =	vpush v3, $0x6;
	p0 =	por !p5, !p6;
	v5 =	vld [tilespmem:s31+$0x0]  }
0xd4: {  	s15 =	spop (v2sf);
	s13 =	simm.s32 $0x1;
	p0 =	por !p0, !p0  }
0xd5: {  	s17 =	sshra.s32 s15, $0x1F;
	s12 =	sshrl.u32 s12, $0x7;
	s13 =	simm.s32 @!p0 $0x0  }
0xd6: {  	s19 =	sshrl.u32 s17, $0x19;
	s18 =	ssub.s32 s12, s13;
	v6 =	vmov s16;
	v7 =	vbroadcast v4, $0x2  }
0xd7: {  	s12 =	sadd.s32 s19, s15;
	s11 =	sshll.u32 s18, $0x9;
	vm14 =	veq.s32 v6, v2  }
0xd8: {  	s20 =	sand.u32 $0x70, s24;
	s21 =	sand.u32 $0xFFFFFF80, s12;
	s11 =	sshra.s32 s11, $0x2;
	v5 =	vsel vm14, v7, v5  }
0xd9: {  	p1 =	slt.s32 s15, $0x1;
	p2 =	sne.s32 s15, s21;
	s22 =	sor.u32 s20, s11;
	[tilespmem:s31+$0x0] =	vst v5  }
0xda: {  	(v2sf) =	vpush v3, $0x7;
	s13 =	simm.s32 $0x1;
	p0 =	por !p1, !p2;
	v5 =	vld [tilespmem:s22+$0x0]  }
0xdb: {  	s23 =	sand.u32 $0xF, s24;
	s24 =	spop (v2sf);
	p0 =	por !p0, !p0  }
0xdc: {  	s12 =	sshrl.u32 s12, $0x7;
	s25 =	sshra.s32 s24, $0x1F;
	s13 =	simm.s32 @!p0 $0x0  }
0xdd: {  	v6 =	vmov s23;
	s28 =	sshrl.u32 s25, $0x19;
	s26 =	ssub.s32 s12, s13;
	v7 =	vbroadcast v4, $0x3  }
0xde: {  	vm15 =	veq.s32 v6, v2;
	s12 =	sadd.s32 s28, s24;
	s11 =	sshll.u32 s26, $0x9  }
0xdf: {  	s29 =	sand.u32 $0x70, s15;
	s30 =	sand.u32 $0xFFFFFF80, s12;
	s11 =	sshra.s32 s11, $0x2;
	v5 =	vsel vm15, v7, v5  }
0xe0: {  	p3 =	slt.s32 s24, $0x1;
	p4 =	sne.s32 s24, s30;
	s31 =	sor.u32 s29, s11;
	[tilespmem:s22+$0x0] =	vst v5  }
0xe1: {  	(v2sf) =	vpush v3, $0x8;
	s16 =	sand.u32 $0xF, s15;
	p0 =	por !p3, !p4;
	v5 =	vld [tilespmem:s31+$0x0]  }
0xe2: {  	s15 =	spop (v2sf);
	s13 =	simm.s32 $0x1;
	p0 =	por !p0, !p0  }
0xe3: {  	s17 =	sshra.s32 s15, $0x1F;
	s12 =	sshrl.u32 s12, $0x7;
	s13 =	simm.s32 @!p0 $0x0  }
0xe4: {  	v6 =	vmov s16;
	s19 =	sshrl.u32 s17, $0x19;
	s18 =	ssub.s32 s12, s13;
	v7 =	vbroadcast v4, $0x4  }
0xe5: {  	vm4 =	veq.s32 v6, v2;
	s12 =	sadd.s32 s19, s15;
	s11 =	sshll.u32 s18, $0x9  }
0xe6: {  	s20 =	sand.u32 $0x70, s24;
	s21 =	sand.u32 $0xFFFFFF80, s12;
	s11 =	sshra.s32 s11, $0x2;
	v5 =	vsel vm4, v7, v5  }
0xe7: {  	p5 =	slt.s32 s15, $0x1;
	p6 =	sne.s32 s15, s21;
	s22 =	sor.u32 s20, s11;
	[tilespmem:s31+$0x0] =	vst v5  }
0xe8: {  	(v2sf) =	vpush v3, $0x9;
	s23 =	sand.u32 $0xF, s24;
	p0 =	por !p5, !p6;
	v5 =	vld [tilespmem:s22+$0x0]  }
0xe9: {  	s24 =	spop (v2sf);
	s13 =	simm.s32 $0x1;
	p0 =	por !p0, !p0  }
0xea: {  	s25 =	sshra.s32 s24, $0x1F;
	s12 =	sshrl.u32 s12, $0x7;
	s13 =	simm.s32 @!p0 $0x0  }
0xeb: {  	v6 =	vmov s23;
	s28 =	sshrl.u32 s25, $0x19;
	s26 =	ssub.s32 s12, s13;
	v7 =	vbroadcast v4, $0x5  }
0xec: {  	vm5 =	veq.s32 v6, v2;
	s12 =	sadd.s32 s28, s24;
	s11 =	sshll.u32 s26, $0x9  }
0xed: {  	s29 =	sand.u32 $0x70, s15;
	s30 =	sand.u32 $0xFFFFFF80, s12;
	s11 =	sshra.s32 s11, $0x2;
	v5 =	vsel vm5, v7, v5  }
0xee: {  	p1 =	slt.s32 s24, $0x1;
	p2 =	sne.s32 s24, s30;
	s31 =	sor.u32 s29, s11;
	[tilespmem:s22+$0x0] =	vst v5  }
0xef: {  	s16 =	sand.u32 $0xF, s15;
	(v2sf) =	vpush v3, $0xA;
	p0 =	por !p1, !p2;
	v5 =	vld [tilespmem:s31+$0x0]  }
0xf0: {  	s13 =	simm.s32 $0x1;
	s15 =	spop (v2sf);
	p0 =	por !p0, !p0  }
0xf1: {  	s12 =	sshrl.u32 s12, $0x7;
	s17 =	sshra.s32 s15, $0x1F;
	s13 =	simm.s32 @!p0 $0x0  }
0xf2: {  	v6 =	vmov s16;
	s19 =	sshrl.u32 s17, $0x19;
	s18 =	ssub.s32 s12, s13;
	v7 =	vbroadcast v4, $0x6  }
0xf3: {  	vm6 =	veq.s32 v6, v2;
	s12 =	sadd.s32 s19, s15;
	s11 =	sshll.u32 s18, $0x9  }
0xf4: {  	s20 =	sand.u32 $0x70, s24;
	s21 =	sand.u32 $0xFFFFFF80, s12;
	s11 =	sshra.s32 s11, $0x2;
	v5 =	vsel vm6, v7, v5  }
0xf5: {  	p3 =	slt.s32 s15, $0x1;
	p4 =	sne.s32 s15, s21;
	s22 =	sor.u32 s20, s11;
	[tilespmem:s31+$0x0] =	vst v5  }
0xf6: {  	s23 =	sand.u32 $0xF, s24;
	(v2sf) =	vpush v3, $0xB;
	p0 =	por !p3, !p4;
	v5 =	vld [tilespmem:s22+$0x0]  }
0xf7: {  	s13 =	simm.s32 $0x1;
	s24 =	spop (v2sf);
	p0 =	por !p0, !p0  }
0xf8: {  	s12 =	sshrl.u32 s12, $0x7;
	s25 =	sshra.s32 s24, $0x1F;
	s13 =	simm.s32 @!p0 $0x0  }
0xf9: {  	v6 =	vmov s23;
	s28 =	sshrl.u32 s25, $0x19;
	s26 =	ssub.s32 s12, s13;
	v7 =	vbroadcast v4, $0x7  }
0xfa: {  	vm7 =	veq.s32 v6, v2;
	s12 =	sadd.s32 s28, s24;
	s11 =	sshll.u32 s26, $0x9  }
0xfb: {  	s30 =	sand.u32 $0xFFFFFF80, s12;
	s29 =	sand.u32 $0x70, s15;
	s11 =	sshra.s32 s11, $0x2;
	v5 =	vsel vm7, v7, v5  }
0xfc: {  	p5 =	slt.s32 s24, $0x1;
	p6 =	sne.s32 s24, s30;
	s31 =	sor.u32 s29, s11;
	[tilespmem:s22+$0x0] =	vst v5  }
0xfd: {  	s16 =	sand.u32 $0xF, s15;
	(v2sf) =	vpush v3, $0xC;
	p0 =	por !p5, !p6;
	v5 =	vld [tilespmem:s31+$0x0]  }
0xfe: {  	s13 =	simm.s32 $0x1;
	s15 =	spop (v2sf);
	p0 =	por !p0, !p0  }
0xff: {  	s12 =	sshrl.u32 s12, $0x7;
	s17 =	sshra.s32 s15, $0x1F;
	s13 =	simm.s32 @!p0 $0x0  }
0x100: {  	v6 =	vmov s16;
	s19 =	sshrl.u32 s17, $0x19;
	s18 =	ssub.s32 s12, s13;
	v7 =	vbroadcast v4, $0x8  }
0x101: {  	vm8 =	veq.s32 v6, v2;
	s12 =	sadd.s32 s19, s15;
	s11 =	sshll.u32 s18, $0x9  }
0x102: {  	s21 =	sand.u32 $0xFFFFFF80, s12;
	s20 =	sand.u32 $0x70, s24;
	s11 =	sshra.s32 s11, $0x2;
	v5 =	vsel vm8, v7, v5  }
0x103: {  	p1 =	slt.s32 s15, $0x1;
	p2 =	sne.s32 s15, s21;
	s22 =	sor.u32 s20, s11;
	[tilespmem:s31+$0x0] =	vst v5  }
0x104: {  	s23 =	sand.u32 $0xF, s24;
	(v2sf) =	vpush v3, $0xD;
	p0 =	por !p1, !p2;
	v5 =	vld [tilespmem:s22+$0x0]  }
0x105: {  	s14 =	spop (v2sf);
	s13 =	simm.s32 $0x1;
	p0 =	por !p0, !p0  }
0x106: {  	s12 =	sshrl.u32 s12, $0x7;
	s24 =	sshra.s32 s14, $0x1F;
	s13 =	simm.s32 @!p0 $0x0  }
0x107: {  	v6 =	vmov s23;
	s26 =	sshrl.u32 s24, $0x19;
	s25 =	ssub.s32 s12, s13;
	v7 =	vbroadcast v4, $0x9  }
0x108: {  	vm9 =	veq.s32 v6, v2;
	s12 =	sadd.s32 s26, s14;
	s11 =	sshll.u32 s25, $0x9  }
0x109: {  	s28 =	sand.u32 $0x70, s15;
	s29 =	sand.u32 $0xFFFFFF80, s12;
	s11 =	sshra.s32 s11, $0x2;
	v5 =	vsel vm9, v7, v5  }
0x10a: {  	p3 =	slt.s32 s14, $0x1;
	p4 =	sne.s32 s14, s29;
	s30 =	sor.u32 s28, s11;
	[tilespmem:s22+$0x0] =	vst v5  }
0x10b: {  	(v2sf) =	vpush v3, $0xE;
	s17 =	sand.u32 $0xF, s15;
	p0 =	por !p3, !p4;
	v5 =	vld [tilespmem:s30+$0x0]  }
0x10c: {  	s15 =	simm.s32 $0x1;
	p0 =	por !p0, !p0;
	s31 =	spop (v2sf)  }
0x10d: {  	s12 =	sshrl.u32 s12, $0x7;
	s15 =	simm.s32 @!p0 $0x0;
	s18 =	sshra.s32 s31, $0x1F  }
0x10e: {  	v6 =	vmov s17;
	s12 =	ssub.s32 s12, s15;
	s19 =	sshrl.u32 s18, $0x19;
	v7 =	vbroadcast v4, $0xA  }
0x10f: {  	vm10 =	veq.s32 v6, v2;
	s12 =	sshll.u32 s12, $0x9;
	s13 =	sadd.s32 s19, s31  }
0x110: {  	s20 =	sand.u32 $0x70, s14;
	s12 =	sshra.s32 s12, $0x2;
	s21 =	sand.u32 $0xFFFFFF80, s13;
	v5 =	vsel vm10, v7, v5  }
0x111: {  	p5 =	slt.s32 s31, $0x1;
	p6 =	sne.s32 s31, s21;
	s22 =	sor.u32 s20, s12;
	[tilespmem:s30+$0x0] =	vst v5  }
0x112: {  	s15 =	simm.s32 $0x1;
	(v2sf) =	vpush v3, $0xF;
	p0 =	por !p5, !p6;
	v5 =	vld [tilespmem:s22+$0x0]  }
0x113: {  	s14 =	sand.u32 $0xF, s14;
	s23 =	spop (v2sf);
	p0 =	por !p0, !p0  }
0x114: {  	s24 =	sshra.s32 s23, $0x1F;
	s13 =	sshrl.u32 s13, $0x7;
	s15 =	simm.s32 @!p0 $0x0  }
0x115: {  	v6 =	vbroadcast v4, $0xB;
	v3 =	vmov s14;
	s25 =	sshrl.u32 s24, $0x19;
	s13 =	ssub.s32 s13, s15  }
0x116: {  	vm11 =	veq.s32 v3, v2;
	s14 =	sadd.s32 s25, s23;
	s13 =	sshll.u32 s13, $0x9  }
0x117: {  	s26 =	sand.u32 $0x70, s31;
	s28 =	sand.u32 $0xFFFFFF80, s14;
	s13 =	sshra.s32 s13, $0x2;
	v3 =	vsel vm11, v6, v5  }
0x118: {  	p1 =	slt.s32 s23, $0x1;
	p2 =	sne.s32 s23, s28;
	s29 =	sor.u32 s26, s13;
	[tilespmem:s22+$0x0] =	vst v3  }
0x119: {  	s11 =	sand.u32 $0xF, s31;
	p0 =	por !p1, !p2;
	v3 =	vld [tilespmem:s29+$0x0]  }
0x11a: {  	p0 =	por !p0, !p0;
	s15 =	simm.s32 $0x1;
	s30 =	spop (v2sf)  }
0x11b: {  	s14 =	sshrl.u32 s14, $0x7;
	s15 =	simm.s32 @!p0 $0x0;
	s31 =	sshra.s32 s30, $0x1F  }
0x11c: {  	s15 =	ssub.s32 s14, s15;
	s16 =	sshrl.u32 s31, $0x19;
	v5 =	vmov s11;
	v6 =	vbroadcast v4, $0xC  }
0x11d: {  	s14 =	sadd.s32 s16, s30;
	s11 =	sshll.u32 s15, $0x9;
	vm12 =	veq.s32 v5, v2  }
0x11e: {  	s17 =	sand.u32 $0x70, s23;
	s18 =	sand.u32 $0xFFFFFF80, s14;
	s11 =	sshra.s32 s11, $0x2;
	v3 =	vsel vm12, v6, v3  }
0x11f: {  	p3 =	slt.s32 s30, $0x1;
	p4 =	sne.s32 s30, s18;
	s19 =	sor.u32 s17, s11;
	[tilespmem:s29+$0x0] =	vst v3  }
0x120: {  	s20 =	sand.u32 $0xF, s23;
	p0 =	por !p3, !p4;
	v3 =	vld [tilespmem:s19+$0x0]  }
0x121: {  	s12 =	simm.s32 $0x1;
	s21 =	spop (v2sf);
	p0 =	por !p0, !p0  }
0x122: {  	s14 =	sshrl.u32 s14, $0x7;
	s22 =	sshra.s32 s21, $0x1F;
	s12 =	simm.s32 @!p0 $0x0  }
0x123: {  	v5 =	vmov s20;
	s24 =	sshrl.u32 s22, $0x19;
	s23 =	ssub.s32 s14, s12;
	v6 =	vbroadcast v4, $0xD  }
0x124: {  	vm13 =	veq.s32 v5, v2;
	s12 =	sadd.s32 s24, s21;
	s11 =	sshll.u32 s23, $0x9  }
0x125: {  	s25 =	sand.u32 $0x70, s30;
	s26 =	sand.u32 $0xFFFFFF80, s12;
	s11 =	sshra.s32 s11, $0x2;
	v3 =	vsel vm13, v6, v3  }
0x126: {  	p5 =	slt.s32 s21, $0x1;
	p6 =	sne.s32 s21, s26;
	s28 =	sor.u32 s25, s11;
	[tilespmem:s19+$0x0] =	vst v3  }
0x127: {  	p0 =	por !p5, !p6;
	v3 =	vld [tilespmem:s28+$0x0]  }
0x128: {  	s11 =	simm.s32 $0x1;
	p0 =	por !p0, !p0  }
0x129: {  	s13 =	sand.u32 $0xF, s30;
	s12 =	sshrl.u32 s12, $0x7;
	s11 =	simm.s32 @!p0 $0x0  }
0x12a: {  	v5 =	vmov s13;
	s11 =	ssub.s32 s12, s11;
	v6 =	vbroadcast v4, $0xE  }
0x12b: {  	vm14 =	veq.s32 v5, v2;
	s11 =	sshll.u32 s11, $0x9  }
0x12c: {  	s29 =	sand.u32 $0x70, s21;
	s11 =	sshra.s32 s11, $0x2;
	v3 =	vsel vm14, v6, v3  }
0x12d: {  	s30 =	sor.u32 s29, s11;
	[tilespmem:s28+$0x0] =	vst v3  }
0x12e: {  	v3 =	vld [tilespmem:s30+$0x0];
	_ =	sdelay $0x1  }
0x12f: {  	s31 =	sand.u32 $0xF, s21  }
0x130: {  	v5 =	vmov s31;
	v4 =	vbroadcast v4, $0xF  }
0x131: {  	vm15 =	veq.s32 v5, v2  }
0x132: {  	v3 =	vsel vm15, v4, v3  }
0x133: {  	[tilespmem:s30+$0x0] =	vst v3  }
0x134: {  	[hbm4b:s4+s1] =	stream.linear.scatter [tilespmem:s1], [sflag:$0x1], $0x19000, $0x38;
	[tilespmem:$0x19000] =	vst v63  }
0x135: {  	_ =	swait.ge [sflag:s8], $0x19000  }
0x136: {  	[sflag:s8] =	ssyncset.done $0x0  }
.Ltmp5:
0x137: {  	[sflag:s8] =	ssyncadd.s32 $0xFFFE7000;
	(pc) =	sbr.rel .LBB2_8-.Ltmp5, $4  }
0x138: {  	[tilespmem:s1], [sflag:$0x1] =	stream.linear.gather [hbm4b:s5+s1], $0x19000, $0x38;
	[tilespmem:$0x19000] =	vst v63  }
0x139: {  	_ =	swait.ge [sflag:s8], $0x19000  }
0x13a: {  	[sflag:s8] =	ssyncset.done $0x0  }
0x13b: {  	v11 =	vimm.f32 $-3.000000010e+38;
	s10 =	simm.s32 $0x70;
	v8 =	vimm.f32 $-3.000000010e+38;
	s11 =	simm.s32 $0x40;
	v3 =	vimm.s32 $0x0;
	[sflag:s8] =	ssyncadd.s32 $0xFFFE7000  }
.LBB2_10:
0x13c: {  	s10 =	sadd.s32 $0x80, s10  }
0x13d: {  	p0 =	sne.s32 s10, $0x19070  }
.Ltmp6:
0x13e: {  	_ = 	snop;
	(pc) =	sbr.rel @!p0 .LBB2_11-.Ltmp6, $2  }
0x13f: {  	_ =	sdelay $0x2  }
0x140: {  	s11 =	sadd.s32 $0x80, s11  }
.LBB2_8:
0x141: {  	v13 =	vld [tilespmem:s11+$0xFFFFFFC0]  }
0x142: {  	v12 =	vld [tilespmem:s11+$0xFFFFFFD0]  }
0x143: {  	v10 =	vld [tilespmem:s11+$0xFFFFFFE0]  }
0x144: {  	v9 =	vld [tilespmem:s11+$0xFFFFFFF0]  }
0x145: {  	v7 =	vld [tilespmem:s11+$0x0]  }
0x146: {  	v6 =	vld [tilespmem:s11+$0x10]  }
0x147: {  	v5 =	vld [tilespmem:s11+$0x20];
	v14 =	vmax.f32 v13, v12  }
0x148: {  	v4 =	vld [tilespmem:s11+$0x30];
	v14 =	vmax.f32 v14, v10  }
0x149: {  	v14 =	vmax.f32 v14, v9  }
0x14a: {  	v14 =	vmax.f32 v14, v7  }
0x14b: {  	v14 =	vmax.f32 v14, v6  }
0x14c: {  	v14 =	vmax.f32 v14, v5  }
0x14d: {  	v14 =	vmax.f32 v14, v4  }
0x14e: {  	vm0 =	vgt.f32 v14, v11  }
0x14f: {  	v14 =	vmpcnt.ones.xlane vm0;
	_ =	sdelay $0x1  }
0x150: {  	(v2sf) =	vpush v14, $0x0;
	_ =	sdelay $0xe  }
0x151: {  	s12 =	spop (v2sf)  }
0x152: {  	p0 =	slt.s32 s12, $0x1  }
.Ltmp7:
0x153: {  	_ = 	snop;
	(pc) =	sbr.rel @p0 .LBB2_10-.Ltmp7, $1  }
0x154: {  	_ =	sdelay $0x3  }
0x155: {  	vm0 =	vgt.f32 v13, v11  }
0x156: {  	v14 =	vmpcnt.ones.xlane vm0;
	_ =	sdelay $0x1  }
0x157: {  	(v2sf) =	vpush v14, $0x0;
	_ =	sdelay $0xe  }
0x158: {  	s12 =	spop (v2sf)  }
0x159: {  	p1 =	slt.s32 s12, $0x1  }
0x15a: {  	s12 =	sadd.s32 $0xFFFFFF90, s10;
	v14 =	vlaneseq.u32 @!p1  }
0x15b: {  	v14 =	vor.u32 @!p1 s12, v14  }
0x15c: {  	(xrf1) =	vsort.ascd.msk.f32 @!p1 $0xffff, v13, v14;
	_ =	sdelay $0xd  }
0x15d: {  	v13, v14, _ =	vpop @!p1 (xrf1)  }
0x15e: {  	vm0 =	vge.f32 @!p1 v8, v13  }
0x15f: {  	v13 =	vsel @!p1 vm0, v8, v13;
	v14 =	vsel @!p1 vm0, v3, v14  }
0x160: {  	(xrf1) =	vsort.dscd.msk.f32 @!p1 $0xffff, v13, v14;
	_ =	sdelay $0xd  }
0x161: {  	v13, v14, _ =	vpop @!p1 (xrf1)  }
0x162: {  	v15 =	vbroadcast @!p1 v13, $0xF;
	_ =	sdelay $0x1  }
0x163: {  	v11 =	vpsel p1, v11, v15  }
0x164: {  	vm9 =	vgt.f32 v12, v11  }
0x165: {  	v60 =	vmpcnt.ones.xlane vm9;
	_ =	sdelay $0x1  }
0x166: {  	(v2sf) =	vpush v60, $0x0;
	_ =	sdelay $0xe  }
0x167: {  	s24 =	spop (v2sf)  }
0x168: {  	p0 =	slt.s32 s24, $0x1  }
0x169: {  	s12 =	sadd.s32 $0xFFFFFFA0, s10;
	v15 =	vlaneseq.u32 @!p0  }
0x16a: {  	v15 =	vor.u32 @!p0 s12, v15  }
0x16b: {  	(xrf1) =	vsort.ascd.msk.f32 @!p0 $0xffff, v12, v15;
	_ =	sdelay $0xd  }
0x16c: {  	v8 =	vpsel p1, v8, v13;
	v12, v13, _ =	vpop @!p0 (xrf1)  }
0x16d: {  	v3 =	vpsel p1, v3, v14;
	vm0 =	vge.f32 @!p0 v8, v12  }
0x16e: {  	v12 =	vsel @!p0 vm0, v8, v12;
	v13 =	vsel @!p0 vm0, v3, v13  }
0x16f: {  	(xrf1) =	vsort.dscd.msk.f32 @!p0 $0xffff, v12, v13;
	_ =	sdelay $0xd  }
0x170: {  	v12, v13, _ =	vpop @!p0 (xrf1)  }
0x171: {  	v14 =	vbroadcast @!p0 v12, $0xF;
	_ =	sdelay $0x1  }
0x172: {  	v11 =	vpsel p0, v11, v14  }
0x173: {  	vm10 =	vgt.f32 v10, v11  }
0x174: {  	v61 =	vmpcnt.ones.xlane vm10;
	_ =	sdelay $0x1  }
0x175: {  	(v2sf) =	vpush v61, $0x0;
	_ =	sdelay $0xe  }
0x176: {  	s25 =	spop (v2sf)  }
0x177: {  	p1 =	slt.s32 s25, $0x1  }
0x178: {  	s12 =	sadd.s32 $0xFFFFFFB0, s10;
	v14 =	vlaneseq.u32 @!p1  }
0x179: {  	v14 =	vor.u32 @!p1 s12, v14  }
0x17a: {  	(xrf1) =	vsort.ascd.msk.f32 @!p1 $0xffff, v10, v14;
	_ =	sdelay $0xd  }
0x17b: {  	v8 =	vpsel p0, v8, v12;
	v10, v12, _ =	vpop @!p1 (xrf1)  }
0x17c: {  	v3 =	vpsel p0, v3, v13;
	vm0 =	vge.f32 @!p1 v8, v10  }
0x17d: {  	v10 =	vsel @!p1 vm0, v8, v10;
	v12 =	vsel @!p1 vm0, v3, v12  }
0x17e: {  	(xrf1) =	vsort.dscd.msk.f32 @!p1 $0xffff, v10, v12;
	_ =	sdelay $0xd  }
0x17f: {  	v10, v12, _ =	vpop @!p1 (xrf1)  }
0x180: {  	v13 =	vbroadcast @!p1 v10, $0xF;
	_ =	sdelay $0x1  }
0x181: {  	v11 =	vpsel p1, v11, v13  }
0x182: {  	vm11 =	vgt.f32 v9, v11  }
0x183: {  	v62 =	vmpcnt.ones.xlane vm11;
	_ =	sdelay $0x1  }
0x184: {  	(v2sf) =	vpush v62, $0x0;
	_ =	sdelay $0xe  }
0x185: {  	s26 =	spop (v2sf)  }
0x186: {  	p0 =	slt.s32 s26, $0x1  }
0x187: {  	s12 =	sadd.s32 $0xFFFFFFC0, s10;
	v13 =	vlaneseq.u32 @!p0  }
0x188: {  	v13 =	vor.u32 @!p0 s12, v13  }
0x189: {  	(xrf1) =	vsort.ascd.msk.f32 @!p0 $0xffff, v9, v13;
	_ =	sdelay $0xd  }
0x18a: {  	v8 =	vpsel p1, v8, v10;
	v9, v10, _ =	vpop @!p0 (xrf1)  }
0x18b: {  	v3 =	vpsel p1, v3, v12;
	vm0 =	vge.f32 @!p0 v8, v9  }
0x18c: {  	v9 =	vsel @!p0 vm0, v8, v9;
	v10 =	vsel @!p0 vm0, v3, v10  }
0x18d: {  	(xrf1) =	vsort.dscd.msk.f32 @!p0 $0xffff, v9, v10;
	_ =	sdelay $0xd  }
0x18e: {  	v9, v10, _ =	vpop @!p0 (xrf1)  }
0x18f: {  	v12 =	vbroadcast @!p0 v9, $0xF;
	_ =	sdelay $0x1  }
0x190: {  	v11 =	vpsel p0, v11, v12  }
0x191: {  	vm12 =	vgt.f32 v7, v11  }
0x192: {  	v63 =	vmpcnt.ones.xlane vm12;
	_ =	sdelay $0x1  }
0x193: {  	(v2sf) =	vpush v63, $0x0;
	_ =	sdelay $0xe  }
0x194: {  	s28 =	spop (v2sf)  }
0x195: {  	p1 =	slt.s32 s28, $0x1  }
0x196: {  	s12 =	sadd.s32 $0xFFFFFFD0, s10;
	v12 =	vlaneseq.u32 @!p1  }
0x197: {  	v12 =	vor.u32 @!p1 s12, v12  }
0x198: {  	(xrf1) =	vsort.ascd.msk.f32 @!p1 $0xffff, v7, v12;
	_ =	sdelay $0xd  }
0x199: {  	v7 =	vpsel p0, v8, v9;
	v8, v9, _ =	vpop @!p1 (xrf1)  }
0x19a: {  	v3 =	vpsel p0, v3, v10;
	vm0 =	vge.f32 @!p1 v7, v8  }
0x19b: {  	v8 =	vsel @!p1 vm0, v7, v8;
	v9 =	vsel @!p1 vm0, v3, v9  }
0x19c: {  	(xrf1) =	vsort.dscd.msk.f32 @!p1 $0xffff, v8, v9;
	_ =	sdelay $0xd  }
0x19d: {  	v8, v9, _ =	vpop @!p1 (xrf1)  }
0x19e: {  	v10 =	vbroadcast @!p1 v8, $0xF;
	_ =	sdelay $0x1  }
0x19f: {  	v10 =	vpsel p1, v11, v10  }
0x1a0: {  	vm13 =	vgt.f32 v6, v10  }
0x1a1: {  	v11 =	vmpcnt.ones.xlane vm13;
	_ =	sdelay $0x1  }
0x1a2: {  	(v2sf) =	vpush v11, $0x0;
	_ =	sdelay $0xe  }
0x1a3: {  	s29 =	spop (v2sf)  }
0x1a4: {  	p0 =	slt.s32 s29, $0x1  }
0x1a5: {  	s12 =	sadd.s32 $0xFFFFFFE0, s10;
	v11 =	vlaneseq.u32 @!p0  }
0x1a6: {  	v11 =	vor.u32 @!p0 s12, v11  }
0x1a7: {  	(xrf1) =	vsort.ascd.msk.f32 @!p0 $0xffff, v6, v11;
	_ =	sdelay $0xd  }
0x1a8: {  	v6 =	vpsel p1, v7, v8;
	v7, v8, _ =	vpop @!p0 (xrf1)  }
0x1a9: {  	v3 =	vpsel p1, v3, v9;
	vm0 =	vge.f32 @!p0 v6, v7  }
0x1aa: {  	v7 =	vsel @!p0 vm0, v6, v7;
	v8 =	vsel @!p0 vm0, v3, v8  }
0x1ab: {  	(xrf1) =	vsort.dscd.msk.f32 @!p0 $0xffff, v7, v8;
	_ =	sdelay $0xd  }
0x1ac: {  	v7, v8, _ =	vpop @!p0 (xrf1)  }
0x1ad: {  	v9 =	vbroadcast @!p0 v7, $0xF;
	_ =	sdelay $0x1  }
0x1ae: {  	v9 =	vpsel p0, v10, v9  }
0x1af: {  	vm14 =	vgt.f32 v5, v9  }
0x1b0: {  	v10 =	vmpcnt.ones.xlane vm14;
	_ =	sdelay $0x1  }
0x1b1: {  	(v2sf) =	vpush v10, $0x0;
	_ =	sdelay $0xe  }
0x1b2: {  	s30 =	spop (v2sf)  }
0x1b3: {  	p1 =	slt.s32 s30, $0x1  }
0x1b4: {  	s12 =	sadd.s32 $0xFFFFFFF0, s10;
	v10 =	vlaneseq.u32 @!p1  }
0x1b5: {  	v10 =	vor.u32 @!p1 s12, v10  }
0x1b6: {  	(xrf1) =	vsort.ascd.msk.f32 @!p1 $0xffff, v5, v10;
	_ =	sdelay $0xd  }
0x1b7: {  	v5 =	vpsel p0, v6, v7;
	v6, v7, _ =	vpop @!p1 (xrf1)  }
0x1b8: {  	v3 =	vpsel p0, v3, v8;
	vm0 =	vge.f32 @!p1 v5, v6  }
0x1b9: {  	v6 =	vsel @!p1 vm0, v5, v6;
	v7 =	vsel @!p1 vm0, v3, v7  }
0x1ba: {  	(xrf1) =	vsort.dscd.msk.f32 @!p1 $0xffff, v6, v7;
	_ =	sdelay $0xd  }
0x1bb: {  	v6, v7, _ =	vpop @!p1 (xrf1)  }
0x1bc: {  	v8 =	vbroadcast @!p1 v6, $0xF;
	_ =	sdelay $0x1  }
0x1bd: {  	v9 =	vpsel p1, v9, v8  }
0x1be: {  	vm15 =	vgt.f32 v4, v9  }
0x1bf: {  	v8 =	vmpcnt.ones.xlane vm15;
	_ =	sdelay $0x1  }
0x1c0: {  	(v2sf) =	vpush v8, $0x0;
	_ =	sdelay $0xe  }
0x1c1: {  	s31 =	spop (v2sf)  }
0x1c2: {  	p0 =	slt.s32 s31, $0x1  }
0x1c3: {  	v8 =	vlaneseq.u32 @!p0  }
0x1c4: {  	v8 =	vor.u32 @!p0 s10, v8  }
0x1c5: {  	(xrf1) =	vsort.ascd.msk.f32 @!p0 $0xffff, v4, v8;
	_ =	sdelay $0xd  }
0x1c6: {  	v4 =	vpsel p1, v5, v6;
	v5, v6, _ =	vpop @!p0 (xrf1)  }
0x1c7: {  	v3 =	vpsel p1, v3, v7;
	vm0 =	vge.f32 @!p0 v4, v5  }
0x1c8: {  	v5 =	vsel @!p0 vm0, v4, v5;
	v6 =	vsel @!p0 vm0, v3, v6  }
0x1c9: {  	(xrf1) =	vsort.dscd.msk.f32 @!p0 $0xffff, v5, v6;
	_ =	sdelay $0xc  }
.Ltmp8:
0x1ca: {  	_ = 	snop;
	(pc) =	sbr.rel .LBB2_10-.Ltmp8, $3  }
0x1cb: {  	v5, v6, _ =	vpop @!p0 (xrf1)  }
0x1cc: {  	v7 =	vbroadcast @!p0 v5, $0xF;
	_ =	sdelay $0x1  }
0x1cd: {  	v8 =	vpsel p0, v4, v5;
	v3 =	vpsel p0, v3, v6;
	v11 =	vpsel p0, v9, v7  }
.LBB2_11:
0x1ce: {  	s10 =	simm.s32 $0x0;
	s11 =	simm.s32 $0x200  }
.LBB2_12:
0x1cf: {  	p0 =	sne.s32 s11, $0x63E00;
	[tilespmem:s10+$0x70] =	vst v1  }
0x1d0: {  	[tilespmem:s10+$0x0] =	vst v1  }
0x1d1: {  	[tilespmem:s10+$0x10] =	vst v1  }
.Ltmp9:
0x1d2: {  	[tilespmem:s10+$0x20] =	vst v1;
	(pc) =	sbr.rel @p0 .LBB2_12-.Ltmp9, $4  }
0x1d3: {  	[tilespmem:s10+$0x30] =	vst v1  }
0x1d4: {  	[tilespmem:s10+$0x40] =	vst v1  }
0x1d5: {  	[tilespmem:s10+$0x50] =	vst v1  }
0x1d6: {  	[tilespmem:s10+$0x60] =	vst v1;
	s10 =	sshra.s32 s11, $0x2;
	s11 =	sadd.s32 $0x200, s11  }
0x1d7: {  	v4 =	vmul.f32 v8, v0;
	_ =	sdelay $0x1  }
0x1d8: {  	v5 =	vbroadcast v4, $0x0;
	_ =	sdelay $0x1  }
0x1d9: {  	v4 =	vsub.f32 v4, v5;
	_ =	sdelay $0x1  }
0x1da: {  	v4 =	vmul.f32 $1.442695020e+00, v4;
	_ =	sdelay $0x1  }
0x1db: {  	(erf) = vpow2.f32 v4;
	_ =	sdelay $0x3  }
0x1dc: {  	(v2sf) =	vpush v3, $0x0;
	_ =	sdelay $0x4  }
0x1dd: {  	v4 =	vpop (erf)  }
0x1de: {  	(xrf2) =	vadd.scan.msk.f32 $0xffff, v4  }
0x1df: {  	(v2sf) =	vpush v3, $0x1;
	_ =	sdelay $0x5  }
0x1e0: {  	(v2sf) =	vpush v3, $0x2;
	_ =	sdelay $0x1  }
0x1e1: {  	s11 =	spop (v2sf)  }
0x1e2: {  	s12 =	sshra.s32 s11, $0x1F;
	v34, _, _ =	vpop (xrf2)  }
0x1e3: {  	s12 =	sshrl.u32 s12, $0x19;
	v5 =	vbroadcast v34, $0xF  }
0x1e4: {  	s12 =	sadd.s32 s12, s11  }
0x1e5: {  	s13 =	sand.u32 $0xFFFFFF80, s12;
	(erf) = vrcp.f32 v5  }
0x1e6: {  	[tilespmem:s10+$0x70] =	vst v1;
	p0 =	slt.s32 s11, $0x1;
	p1 =	sne.s32 s11, s13  }
0x1e7: {  	[tilespmem:s10+$0x0] =	vst v1;
	(v2sf) =	vpush v3, $0x3;
	p0 =	por !p0, !p1  }
0x1e8: {  	[tilespmem:s10+$0x10] =	vst v1;
	s14 =	spop (v2sf);
	s13 =	simm.s32 $0x1;
	p0 =	por !p0, !p0  }
0x1e9: {  	[tilespmem:s10+$0x20] =	vst v1;
	s15 =	sshra.s32 s14, $0x1F;
	s12 =	sshrl.u32 s12, $0x7;
	s13 =	simm.s32 @!p0 $0x0  }
0x1ea: {  	[tilespmem:s10+$0x30] =	vst v1;
	s29 =	sshrl.u32 s15, $0x19;
	s12 =	ssub.s32 s12, s13  }
0x1eb: {  	[tilespmem:s10+$0x40] =	vst v1;
	s13 =	sadd.s32 s29, s14;
	s12 =	sshll.u32 s12, $0x9  }
0x1ec: {  	[tilespmem:s10+$0x50] =	vst v1;
	s30 =	sand.u32 $0x70, s11;
	s16 =	sand.u32 $0xFFFFFF80, s13;
	s12 =	sshra.s32 s12, $0x2  }
0x1ed: {  	[tilespmem:s10+$0x60] =	vst v1;
	p1 =	slt.s32 s14, $0x1;
	p2 =	sne.s32 s14, s16;
	s31 =	sor.u32 s30, s12  }
0x1ee: {  	(v2sf) =	vpush v3, $0x4;
	s15 =	spop (v2sf);
	p0 =	por !p1, !p2;
	v6 =	vld [tilespmem:s31+$0x0];
	v5 =	vpop (erf)  }
0x1ef: {  	s17 =	sshra.s32 s15, $0x1F;
	s12 =	simm.s32 $0x1;
	p0 =	por !p0, !p0;
	v4 =	vmul.f32 v5, v4  }
0x1f0: {  	s11 =	sand.u32 $0xF, s11;
	s13 =	sshrl.u32 s13, $0x7;
	s12 =	simm.s32 @!p0 $0x0  }
0x1f1: {  	s19 =	sshrl.u32 s17, $0x19;
	v35 =	vmov s11;
	s18 =	ssub.s32 s13, s12;
	v7 =	vbroadcast v4, $0x0  }
0x1f2: {  	vm0 =	veq.s32 v35, v2;
	s12 =	sadd.s32 s19, s15;
	s11 =	sshll.u32 s18, $0x9  }
0x1f3: {  	s20 =	sand.u32 $0x70, s14;
	s21 =	sand.u32 $0xFFFFFF80, s12;
	s11 =	sshra.s32 s11, $0x2;
	v5 =	vsel vm0, v7, v6  }
0x1f4: {  	p3 =	slt.s32 s15, $0x1;
	p4 =	sne.s32 s15, s21;
	s22 =	sor.u32 s20, s11;
	[tilespmem:s31+$0x0] =	vst v5  }
0x1f5: {  	s23 =	sand.u32 $0xF, s14;
	(v2sf) =	vpush v3, $0x5;
	p0 =	por !p3, !p4;
	v5 =	vld [tilespmem:s22+$0x0]  }
0x1f6: {  	s13 =	simm.s32 $0x1;
	s24 =	spop (v2sf);
	p0 =	por !p0, !p0  }
0x1f7: {  	s12 =	sshrl.u32 s12, $0x7;
	s25 =	sshra.s32 s24, $0x1F;
	s13 =	simm.s32 @!p0 $0x0  }
0x1f8: {  	v36 =	vmov s23;
	s28 =	sshrl.u32 s25, $0x19;
	s26 =	ssub.s32 s12, s13;
	v37 =	vbroadcast v4, $0x1  }
0x1f9: {  	vm13 =	veq.s32 v36, v2;
	s12 =	sadd.s32 s28, s24;
	s11 =	sshll.u32 s26, $0x9  }
0x1fa: {  	s29 =	sand.u32 $0x70, s15;
	s30 =	sand.u32 $0xFFFFFF80, s12;
	s11 =	sshra.s32 s11, $0x2;
	v5 =	vsel vm13, v37, v5  }
0x1fb: {  	p5 =	slt.s32 s24, $0x1;
	p6 =	sne.s32 s24, s30;
	s31 =	sor.u32 s29, s11;
	[tilespmem:s22+$0x0] =	vst v5  }
0x1fc: {  	s16 =	sand.u32 $0xF, s15;
	(v2sf) =	vpush v3, $0x6;
	p0 =	por !p5, !p6;
	v5 =	vld [tilespmem:s31+$0x0]  }
0x1fd: {  	s15 =	spop (v2sf);
	s13 =	simm.s32 $0x1;
	p0 =	por !p0, !p0  }
0x1fe: {  	s17 =	sshra.s32 s15, $0x1F;
	s12 =	sshrl.u32 s12, $0x7;
	s13 =	simm.s32 @!p0 $0x0  }
0x1ff: {  	v38 =	vmov s16;
	s19 =	sshrl.u32 s17, $0x19;
	s18 =	ssub.s32 s12, s13;
	v39 =	vbroadcast v4, $0x2  }
0x200: {  	vm14 =	veq.s32 v38, v2;
	s12 =	sadd.s32 s19, s15;
	s11 =	sshll.u32 s18, $0x9  }
0x201: {  	s20 =	sand.u32 $0x70, s24;
	s21 =	sand.u32 $0xFFFFFF80, s12;
	s11 =	sshra.s32 s11, $0x2;
	v5 =	vsel vm14, v39, v5  }
0x202: {  	p1 =	slt.s32 s15, $0x1;
	p2 =	sne.s32 s15, s21;
	s22 =	sor.u32 s20, s11;
	[tilespmem:s31+$0x0] =	vst v5  }
0x203: {  	s23 =	sand.u32 $0xF, s24;
	(v2sf) =	vpush v3, $0x7;
	p0 =	por !p1, !p2;
	v5 =	vld [tilespmem:s22+$0x0]  }
0x204: {  	s24 =	spop (v2sf);
	s13 =	simm.s32 $0x1;
	p0 =	por !p0, !p0  }
0x205: {  	s25 =	sshra.s32 s24, $0x1F;
	s12 =	sshrl.u32 s12, $0x7;
	s13 =	simm.s32 @!p0 $0x0  }
0x206: {  	v40 =	vmov s23;
	s28 =	sshrl.u32 s25, $0x19;
	v41 =	vbroadcast v4, $0x3;
	s26 =	ssub.s32 s12, s13  }
0x207: {  	vm15 =	veq.s32 v40, v2;
	s12 =	sadd.s32 s28, s24;
	s11 =	sshll.u32 s26, $0x9  }
0x208: {  	s29 =	sand.u32 $0x70, s15;
	s30 =	sand.u32 $0xFFFFFF80, s12;
	s11 =	sshra.s32 s11, $0x2;
	v5 =	vsel vm15, v41, v5  }
0x209: {  	p3 =	slt.s32 s24, $0x1;
	p4 =	sne.s32 s24, s30;
	s31 =	sor.u32 s29, s11;
	[tilespmem:s22+$0x0] =	vst v5  }
0x20a: {  	s16 =	sand.u32 $0xF, s15;
	(v2sf) =	vpush v3, $0x8;
	p0 =	por !p3, !p4;
	v5 =	vld [tilespmem:s31+$0x0]  }
0x20b: {  	s15 =	spop (v2sf);
	s13 =	simm.s32 $0x1;
	p0 =	por !p0, !p0  }
0x20c: {  	s17 =	sshra.s32 s15, $0x1F;
	s12 =	sshrl.u32 s12, $0x7;
	s13 =	simm.s32 @!p0 $0x0  }
0x20d: {  	v42 =	vmov s16;
	v43 =	vbroadcast v4, $0x4;
	s19 =	sshrl.u32 s17, $0x19;
	s18 =	ssub.s32 s12, s13  }
0x20e: {  	vm4 =	veq.s32 v42, v2;
	s12 =	sadd.s32 s19, s15;
	s11 =	sshll.u32 s18, $0x9  }
0x20f: {  	s20 =	sand.u32 $0x70, s24;
	s21 =	sand.u32 $0xFFFFFF80, s12;
	s11 =	sshra.s32 s11, $0x2;
	v5 =	vsel vm4, v43, v5  }
0x210: {  	p5 =	slt.s32 s15, $0x1;
	p6 =	sne.s32 s15, s21;
	s22 =	sor.u32 s20, s11;
	[tilespmem:s31+$0x0] =	vst v5  }
0x211: {  	s23 =	sand.u32 $0xF, s24;
	(v2sf) =	vpush v3, $0x9;
	p0 =	por !p5, !p6;
	v5 =	vld [tilespmem:s22+$0x0]  }
0x212: {  	s24 =	spop (v2sf);
	s13 =	simm.s32 $0x1;
	p0 =	por !p0, !p0  }
0x213: {  	s25 =	sshra.s32 s24, $0x1F;
	s12 =	sshrl.u32 s12, $0x7;
	s13 =	simm.s32 @!p0 $0x0  }
0x214: {  	v44 =	vmov s23;
	v45 =	vbroadcast v4, $0x5;
	s28 =	sshrl.u32 s25, $0x19;
	s26 =	ssub.s32 s12, s13  }
0x215: {  	vm5 =	veq.s32 v44, v2;
	s12 =	sadd.s32 s28, s24;
	s11 =	sshll.u32 s26, $0x9  }
0x216: {  	s29 =	sand.u32 $0x70, s15;
	s30 =	sand.u32 $0xFFFFFF80, s12;
	s11 =	sshra.s32 s11, $0x2;
	v5 =	vsel vm5, v45, v5  }
0x217: {  	p1 =	slt.s32 s24, $0x1;
	p2 =	sne.s32 s24, s30;
	s31 =	sor.u32 s29, s11;
	[tilespmem:s22+$0x0] =	vst v5  }
0x218: {  	s16 =	sand.u32 $0xF, s15;
	(v2sf) =	vpush v3, $0xA;
	p0 =	por !p1, !p2;
	v5 =	vld [tilespmem:s31+$0x0]  }
0x219: {  	s13 =	simm.s32 $0x1;
	s15 =	spop (v2sf);
	p0 =	por !p0, !p0  }
0x21a: {  	s12 =	sshrl.u32 s12, $0x7;
	s17 =	sshra.s32 s15, $0x1F;
	s13 =	simm.s32 @!p0 $0x0  }
0x21b: {  	v47 =	vbroadcast v4, $0x6;
	v46 =	vmov s16;
	s19 =	sshrl.u32 s17, $0x19;
	s18 =	ssub.s32 s12, s13  }
0x21c: {  	vm6 =	veq.s32 v46, v2;
	s12 =	sadd.s32 s19, s15;
	s11 =	sshll.u32 s18, $0x9  }
0x21d: {  	s20 =	sand.u32 $0x70, s24;
	s21 =	sand.u32 $0xFFFFFF80, s12;
	s11 =	sshra.s32 s11, $0x2;
	v5 =	vsel vm6, v47, v5  }
0x21e: {  	p3 =	slt.s32 s15, $0x1;
	p4 =	sne.s32 s15, s21;
	s22 =	sor.u32 s20, s11;
	[tilespmem:s31+$0x0] =	vst v5  }
0x21f: {  	s23 =	sand.u32 $0xF, s24;
	(v2sf) =	vpush v3, $0xB;
	p0 =	por !p3, !p4;
	v5 =	vld [tilespmem:s22+$0x0]  }
0x220: {  	s13 =	simm.s32 $0x1;
	s24 =	spop (v2sf);
	p0 =	por !p0, !p0  }
0x221: {  	s12 =	sshrl.u32 s12, $0x7;
	s25 =	sshra.s32 s24, $0x1F;
	s13 =	simm.s32 @!p0 $0x0  }
0x222: {  	v49 =	vbroadcast v4, $0x7;
	v48 =	vmov s23;
	s28 =	sshrl.u32 s25, $0x19;
	s26 =	ssub.s32 s12, s13  }
0x223: {  	vm7 =	veq.s32 v48, v2;
	s12 =	sadd.s32 s28, s24;
	s11 =	sshll.u32 s26, $0x9  }
0x224: {  	s30 =	sand.u32 $0xFFFFFF80, s12;
	s29 =	sand.u32 $0x70, s15;
	s11 =	sshra.s32 s11, $0x2;
	v5 =	vsel vm7, v49, v5  }
0x225: {  	p5 =	slt.s32 s24, $0x1;
	p6 =	sne.s32 s24, s30;
	s31 =	sor.u32 s29, s11;
	[tilespmem:s22+$0x0] =	vst v5  }
0x226: {  	s16 =	sand.u32 $0xF, s15;
	(v2sf) =	vpush v3, $0xC;
	p0 =	por !p5, !p6;
	v5 =	vld [tilespmem:s31+$0x0]  }
0x227: {  	s13 =	simm.s32 $0x1;
	s15 =	spop (v2sf);
	p0 =	por !p0, !p0  }
0x228: {  	s12 =	sshrl.u32 s12, $0x7;
	s17 =	sshra.s32 s15, $0x1F;
	s13 =	simm.s32 @!p0 $0x0  }
0x229: {  	v51 =	vbroadcast v4, $0x8;
	v50 =	vmov s16;
	s19 =	sshrl.u32 s17, $0x19;
	s18 =	ssub.s32 s12, s13  }
0x22a: {  	vm8 =	veq.s32 v50, v2;
	s12 =	sadd.s32 s19, s15;
	s11 =	sshll.u32 s18, $0x9  }
0x22b: {  	s21 =	sand.u32 $0xFFFFFF80, s12;
	s20 =	sand.u32 $0x70, s24;
	s11 =	sshra.s32 s11, $0x2;
	v5 =	vsel vm8, v51, v5  }
0x22c: {  	p1 =	slt.s32 s15, $0x1;
	p2 =	sne.s32 s15, s21;
	s22 =	sor.u32 s20, s11;
	[tilespmem:s31+$0x0] =	vst v5  }
0x22d: {  	s23 =	sand.u32 $0xF, s24;
	(v2sf) =	vpush v3, $0xD;
	p0 =	por !p1, !p2;
	v5 =	vld [tilespmem:s22+$0x0]  }
0x22e: {  	s14 =	spop (v2sf);
	s13 =	simm.s32 $0x1;
	p0 =	por !p0, !p0  }
0x22f: {  	s12 =	sshrl.u32 s12, $0x7;
	s24 =	sshra.s32 s14, $0x1F;
	s13 =	simm.s32 @!p0 $0x0  }
0x230: {  	v53 =	vbroadcast v4, $0x9;
	v52 =	vmov s23;
	s26 =	sshrl.u32 s24, $0x19;
	s25 =	ssub.s32 s12, s13  }
0x231: {  	vm9 =	veq.s32 v52, v2;
	s12 =	sadd.s32 s26, s14;
	s11 =	sshll.u32 s25, $0x9  }
0x232: {  	s28 =	sand.u32 $0x70, s15;
	s29 =	sand.u32 $0xFFFFFF80, s12;
	s11 =	sshra.s32 s11, $0x2;
	v5 =	vsel vm9, v53, v5  }
0x233: {  	p3 =	slt.s32 s14, $0x1;
	p4 =	sne.s32 s14, s29;
	s30 =	sor.u32 s28, s11;
	[tilespmem:s22+$0x0] =	vst v5  }
0x234: {  	(v2sf) =	vpush v3, $0xE;
	s17 =	sand.u32 $0xF, s15;
	p0 =	por !p3, !p4;
	v5 =	vld [tilespmem:s30+$0x0]  }
0x235: {  	s15 =	simm.s32 $0x1;
	p0 =	por !p0, !p0;
	s31 =	spop (v2sf)  }
0x236: {  	s12 =	sshrl.u32 s12, $0x7;
	s15 =	simm.s32 @!p0 $0x0;
	s18 =	sshra.s32 s31, $0x1F  }
0x237: {  	v55 =	vbroadcast v4, $0xA;
	v54 =	vmov s17;
	s12 =	ssub.s32 s12, s15;
	s19 =	sshrl.u32 s18, $0x19  }
0x238: {  	vm10 =	veq.s32 v54, v2;
	s12 =	sshll.u32 s12, $0x9;
	s13 =	sadd.s32 s19, s31  }
0x239: {  	s20 =	sand.u32 $0x70, s14;
	s12 =	sshra.s32 s12, $0x2;
	s21 =	sand.u32 $0xFFFFFF80, s13;
	v5 =	vsel vm10, v55, v5  }
0x23a: {  	p5 =	slt.s32 s31, $0x1;
	p6 =	sne.s32 s31, s21;
	s22 =	sor.u32 s20, s12;
	[tilespmem:s30+$0x0] =	vst v5  }
0x23b: {  	s15 =	simm.s32 $0x1;
	(v2sf) =	vpush v3, $0xF;
	p0 =	por !p5, !p6;
	v5 =	vld [tilespmem:s22+$0x0]  }
0x23c: {  	s14 =	sand.u32 $0xF, s14;
	s23 =	spop (v2sf);
	p0 =	por !p0, !p0  }
0x23d: {  	s24 =	sshra.s32 s23, $0x1F;
	s13 =	sshrl.u32 s13, $0x7;
	s15 =	simm.s32 @!p0 $0x0  }
0x23e: {  	v56 =	vbroadcast v4, $0xB;
	v3 =	vmov s14;
	s25 =	sshrl.u32 s24, $0x19;
	s13 =	ssub.s32 s13, s15  }
0x23f: {  	vm11 =	veq.s32 v3, v2;
	s14 =	sadd.s32 s25, s23;
	s13 =	sshll.u32 s13, $0x9  }
0x240: {  	s26 =	sand.u32 $0x70, s31;
	s28 =	sand.u32 $0xFFFFFF80, s14;
	s13 =	sshra.s32 s13, $0x2;
	v3 =	vsel vm11, v56, v5  }
0x241: {  	p1 =	slt.s32 s23, $0x1;
	p2 =	sne.s32 s23, s28;
	s29 =	sor.u32 s26, s13;
	[tilespmem:s22+$0x0] =	vst v3  }
0x242: {  	s11 =	sand.u32 $0xF, s31;
	p0 =	por !p1, !p2;
	v3 =	vld [tilespmem:s29+$0x0]  }
0x243: {  	p0 =	por !p0, !p0;
	s15 =	simm.s32 $0x1;
	s30 =	spop (v2sf)  }
0x244: {  	s14 =	sshrl.u32 s14, $0x7;
	s15 =	simm.s32 @!p0 $0x0;
	s31 =	sshra.s32 s30, $0x1F  }
0x245: {  	v58 =	vbroadcast v4, $0xC;
	v57 =	vmov s11;
	s15 =	ssub.s32 s14, s15;
	s16 =	sshrl.u32 s31, $0x19  }
0x246: {  	vm12 =	veq.s32 v57, v2;
	s11 =	sshll.u32 s15, $0x9;
	s14 =	sadd.s32 s16, s30  }
0x247: {  	s17 =	sand.u32 $0x70, s23;
	s11 =	sshra.s32 s11, $0x2;
	s18 =	sand.u32 $0xFFFFFF80, s14;
	v3 =	vsel vm12, v58, v3  }
0x248: {  	s19 =	sor.u32 s17, s11;
	p3 =	slt.s32 s30, $0x1;
	p4 =	sne.s32 s30, s18;
	[tilespmem:s29+$0x0] =	vst v3  }
0x249: {  	s20 =	sand.u32 $0xF, s23;
	p0 =	por !p3, !p4;
	v3 =	vld [tilespmem:s19+$0x0]  }
0x24a: {  	s12 =	simm.s32 $0x1;
	s21 =	spop (v2sf);
	p0 =	por !p0, !p0  }
0x24b: {  	s14 =	sshrl.u32 s14, $0x7;
	s22 =	sshra.s32 s21, $0x1F;
	s12 =	simm.s32 @!p0 $0x0  }
0x24c: {  	v60 =	vbroadcast v4, $0xD;
	v59 =	vmov s20;
	s24 =	sshrl.u32 s22, $0x19;
	s23 =	ssub.s32 s14, s12  }
0x24d: {  	vm13 =	veq.s32 v59, v2;
	s12 =	sadd.s32 s24, s21;
	s11 =	sshll.u32 s23, $0x9  }
0x24e: {  	s25 =	sand.u32 $0x70, s30;
	s26 =	sand.u32 $0xFFFFFF80, s12;
	s11 =	sshra.s32 s11, $0x2;
	v3 =	vsel vm13, v60, v3  }
0x24f: {  	p5 =	slt.s32 s21, $0x1;
	p6 =	sne.s32 s21, s26;
	s28 =	sor.u32 s25, s11;
	[tilespmem:s19+$0x0] =	vst v3  }
0x250: {  	p0 =	por !p5, !p6;
	v3 =	vld [tilespmem:s28+$0x0]  }
0x251: {  	s11 =	simm.s32 $0x1;
	p0 =	por !p0, !p0  }
0x252: {  	s13 =	sand.u32 $0xF, s30;
	s12 =	sshrl.u32 s12, $0x7;
	s11 =	simm.s32 @!p0 $0x0  }
0x253: {  	v62 =	vbroadcast v4, $0xE;
	v61 =	vmov s13;
	s11 =	ssub.s32 s12, s11  }
0x254: {  	vm14 =	veq.s32 v61, v2;
	s11 =	sshll.u32 s11, $0x9  }
0x255: {  	s29 =	sand.u32 $0x70, s21;
	s11 =	sshra.s32 s11, $0x2;
	v3 =	vsel vm14, v62, v3  }
0x256: {  	s30 =	sor.u32 s29, s11;
	[tilespmem:s28+$0x0] =	vst v3  }
0x257: {  	v3 =	vld [tilespmem:s30+$0x0];
	_ =	sdelay $0x1  }
0x258: {  	s31 =	sand.u32 $0xF, s21  }
0x259: {  	v4 =	vbroadcast v4, $0xF;
	v63 =	vmov s31  }
0x25a: {  	s9 =	sadd.s32 $0x1, s9;
	vm15 =	veq.s32 v63, v2  }
0x25b: {  	p0 =	sne.s32 s9, s7;
	v3 =	vsel vm15, v4, v3  }
.Ltmp10:
0x25c: {  	[tilespmem:s30+$0x0] =	vst v3;
	(pc) =	sbr.rel @p0 .LBB2_1-.Ltmp10, $4  }
0x25d: {  	[hbm4b:s6+s1] =	stream.linear.scatter [tilespmem:s1], [sflag:$0x1], $0x19000, $0x38;
	[tilespmem:$0x19000] =	vst v63  }
0x25e: {  	_ =	swait.ge [sflag:s8], $0x19000  }
0x25f: {  	[sflag:s8] =	ssyncset.done $0x0  }
0x260: {  	[sflag:s8] =	ssyncadd.s32 $0xFFFE7000  }
0x261: {  	_ =	sfence.sel $0x180000  }
0x262: {  	[bflag:$0x0] =	sbarrier.arrive $0xFFFF  }
0x263: {  	p0 =	sne.s32 s2, $0x0;
	_ =	strace $0x90000047  }
0x264: {  	s0 =	sadd.s32 @!p0 $0x100000, s0;
	[bflag:$0x2] =	sbarrier.arrive $0xFFFF  }
0x265: {  	[sflag:s0] =	ssyncadd.tile.s32 @!p0 $0x1;
	_ =	shalt  }
.Lfunc_end2:
_tile_overlayer_lowered:
.L_overlay_start_2:
0x266: {  	(tag) =	ssettag $0x2  }
0x267: {  	s0 =	rddreg [dreg:$0x0];
	s2 =	stileid.u32  }
0x268: {  	s1 =	rddreg [dreg:$0x1];
	p0 =	sne.s32 s2, $0x0  }
0x269: {  	s3 =	rddreg [dreg:$0x2];
	[bflag:$0x3] =	sbarrier.arrive $0xFFFF;
	s2 =	simm.s32 @!p0 $0x1C01  }
0x26a: {  	[timem:s3], [sflag:s2] =	dma.local @!p0 [hbm:s0], s1  }
0x26b: {  	s0 =	simm.s32 @!p0 $0x1  }
0x26c: {  	_ =	swait.ge @!p0 [sflag:s0], s1  }
0x26d: {  	s1 =	ssub.s32 @!p0 $0x0, s1;
	[sflag:s0] =	ssyncset.done @!p0 $0x0  }
0x26e: {  	[sflag:s0] =	ssyncadd.s32 @!p0 s1  }
0x26f: {  	[bflag:$0x3] =	sbarrier.arrive $0xFFFF  }
0x270: {  	_ =	shalt  }

</sc_bundles>
